<compile_context>
chip_gen: v7x
topology: tpu7x:2x2x1
jax: 0.10.2.dev20260603
libtpu: 0.0.44.dev20260713+nightly
codegen_flags: <defaults>
</compile_context>

<pallas_src>
import functools

import jax
import jax.numpy as jnp
from jax import lax
from jax.experimental import pallas as pl
from jax.experimental.pallas import tpu as pltpu
from jax.experimental.pallas import tpu_sc as plsc

N = 10000
E = 320000
D_IN = 128
D_H = 256

NC = 2
NS = 16
L = 16

NW = NC * NS
K = 128
TOT_CH = 2560
CHT = TOT_CH // NW
CPT = TOT_CH // NS
SG = 40
E_PAD = TOT_CH * K
DUMP = N
N_PAD = 10240
NR = N_PAD // 128
RPT = N_PAD // NS


def _sc_mesh():
    return plsc.VectorSubcoreMesh(
        core_axis_name="c", subcore_axis_name="s", num_cores=NC, num_subcores=NS)


def _zero_hist2(hist2_v):
    zeros = jnp.zeros((L,), jnp.float32)

    def zero_body(i, _):
        hist2_v[i // 8, pl.ds(pl.multiple_of((i % 8) * L, L), L)] = zeros
        return 0
    lax.fori_loop(0, NR * 8, zero_body, 0)


def _fill_iota80(idx80_v):
    def iota_body(i, _):
        idx80_v[0, pl.ds(pl.multiple_of(i * L, L), L)] = (
            lax.iota(jnp.int32, L) + i * L)
        return 0
    lax.fori_loop(0, NR // L, iota_body, 0)


def _reduce_and_emit(hist2_v, idx80_v, acc2_sh, out_hbm, c, s):
    pltpu.sync_copy(hist2_v, acc2_sh.at[idx80_v.at[0]], add=True)
    plsc.subcore_barrier()

    @pl.when(s < 5)
    def _():
        r0 = pl.multiple_of(s * 16, 8)
        pltpu.sync_copy(acc2_sh.at[pl.ds(r0, 16)], out_hbm.at[c, pl.ds(r0, 16)])


def _sc_deg_body(dst_hbm, out_hbm, dst2_v, hist2_v, idx80_v, acc2_sh):
    c = lax.axis_index("c")
    s = lax.axis_index("s")
    w = c * NS + s
    pltpu.sync_copy(dst_hbm.at[pl.ds(pl.multiple_of(w * CHT, 8), CHT)], dst2_v)

    _zero_hist2(hist2_v)
    _fill_iota80(idx80_v)
    ones = jnp.ones((L,), jnp.float32)

    @pl.when(s == 0)
    def _():
        pltpu.sync_copy(hist2_v, acc2_sh)
    plsc.subcore_barrier()

    def hist_body(i, _):
        idx = dst2_v[i // 8, pl.ds(pl.multiple_of((i % 8) * L, L), L)]
        plsc.addupdate_scatter(
            hist2_v, [lax.shift_right_logical(idx, 7), idx & 127], ones)
        return 0
    lax.fori_loop(0, CHT * 8, hist_body, 0)

    _reduce_and_emit(hist2_v, idx80_v, acc2_sh, out_hbm, c, s)


def _sc_aggscalar_body(src_hbm, dst_hbm, t_hbm, out_hbm,
                       src2_v, dst2_v, t2_v, hist2_v, idx80_v, acc2_sh):
    c = lax.axis_index("c")
    s = lax.axis_index("s")
    w = c * NS + s
    pltpu.sync_copy(src_hbm.at[pl.ds(pl.multiple_of(w * CHT, 8), CHT)], src2_v)
    pltpu.sync_copy(dst_hbm.at[pl.ds(pl.multiple_of(w * CHT, 8), CHT)], dst2_v)
    pltpu.sync_copy(t_hbm, t2_v)

    _zero_hist2(hist2_v)
    _fill_iota80(idx80_v)

    @pl.when(s == 0)
    def _():
        pltpu.sync_copy(hist2_v, acc2_sh)
    plsc.subcore_barrier()

    def body(i, _):
        sl = pl.ds(pl.multiple_of((i % 8) * L, L), L)
        si = src2_v[i // 8, sl]
        di = dst2_v[i // 8, sl]
        vals = plsc.load_gather(
            t2_v, [lax.shift_right_logical(si, 7), si & 127])
        plsc.addupdate_scatter(
            hist2_v, [lax.shift_right_logical(di, 7), di & 127], vals)
        return 0
    lax.fori_loop(0, CHT * 8, body, 0)

    _reduce_and_emit(hist2_v, idx80_v, acc2_sh, out_hbm, c, s)


def _agg_zero(rows0_v, acc_sh, s):
    with jax.named_scope("agg_zero"):
        zeros = jnp.zeros((L,), jnp.float32)

        def zero_body(i, _):
            rows0_v[i // 8, pl.ds(pl.multiple_of((i % 8) * L, L), L)] = zeros
            return 0
        lax.fori_loop(0, K * 8, zero_body, 0)

        row0 = pl.multiple_of(s * RPT, 8)

        def zacc_body(i, _):
            pltpu.sync_copy(rows0_v, acc_sh.at[pl.ds(row0 + i * K, K)])
            return 0
        lax.fori_loop(0, RPT // K, zacc_body, 0)
        plsc.subcore_barrier()
    return row0


def _agg_pipe(src_hbm, dst_hbm, y_hbm, src_v, dst_v, rows, acc_sh,
              gsem, ssem, base, cpt):
    def g_start(b, ch):
        pltpu.async_copy(y_hbm.at[src_v.at[ch]], rows[b], gsem[b])

    def g_wait(b):
        pltpu.make_async_copy(y_hbm.at[src_v.at[0]], rows[b], gsem[b]).wait()

    def s_start(b, ch):
        pltpu.async_copy(rows[b], acc_sh.at[dst_v.at[ch]], ssem[b], add=True)

    def s_wait(b):
        pltpu.make_async_copy(rows[b], acc_sh.at[dst_v.at[0]], ssem[b]).wait()

    for part in range(cpt // SG):
        off = pl.multiple_of(base + part * SG, 8)
        pltpu.sync_copy(src_hbm.at[pl.ds(off, SG)], src_v)
        pltpu.sync_copy(dst_hbm.at[pl.ds(off, SG)], dst_v)

        g_start(0, 0)

        def pair_body(g, _):
            ch = g * 2
            g_wait(0)

            @pl.when(g > 0)
            def _():
                s_wait(1)
            g_start(1, ch + 1)
            s_start(0, ch)

            g_wait(1)
            s_wait(0)

            @pl.when(g < SG // 2 - 1)
            def _():
                g_start(0, ch + 2)
            s_start(1, ch + 1)
            return 0
        lax.fori_loop(0, SG // 2, pair_body, 0)
        s_wait(1)


def _sc_agg128_body(src_hbm, dst_hbm, y_hbm, out_hbm, src_v, dst_v,
                    rows0_v, rows1_v, acc_sh, g0, g1, s0, s1):
    c = lax.axis_index("c")
    s = lax.axis_index("s")
    row0 = _agg_zero(rows0_v, acc_sh, s)

    with jax.named_scope("agg_pipe"):
        base = (c * NS + s) * CHT
        _agg_pipe(src_hbm, dst_hbm, y_hbm, src_v, dst_v,
                  (rows0_v, rows1_v), acc_sh, (g0, g1), (s0, s1), base, CHT)

    with jax.named_scope("agg_out"):
        plsc.subcore_barrier()
        pltpu.sync_copy(acc_sh.at[pl.ds(row0, RPT)],
                        out_hbm.at[c, pl.ds(row0, RPT)])


def _sc_agg_dual_body(src_hbm, dst_hbm, ya_hbm, yb_hbm, out_hbm, src_v, dst_v,
                      rows0_v, rows1_v, acc_sh, g0, g1, s0, s1):
    c = lax.axis_index("c")
    s = lax.axis_index("s")
    row0 = _agg_zero(rows0_v, acc_sh, s)

    with jax.named_scope("agg_pipe"):
        base = s * CPT

        @pl.when(c == 0)
        def _():
            _agg_pipe(src_hbm, dst_hbm, ya_hbm, src_v, dst_v,
                      (rows0_v, rows1_v), acc_sh, (g0, g1), (s0, s1),
                      base, CPT)

        @pl.when(c == 1)
        def _():
            _agg_pipe(src_hbm, dst_hbm, yb_hbm, src_v, dst_v,
                      (rows0_v, rows1_v), acc_sh, (g0, g1), (s0, s1),
                      base, CPT)

    with jax.named_scope("agg_out"):
        plsc.subcore_barrier()
        pltpu.sync_copy(acc_sh.at[pl.ds(row0, RPT)],
                        out_hbm.at[c, pl.ds(row0, RPT)])


@functools.cache
def _sc_kernels():
    mesh = _sc_mesh()
    cparams = pltpu.CompilerParams(needs_layout_passes=False)
    sc_deg = pl.kernel(
        _sc_deg_body,
        compiler_params=cparams,
        out_type=jax.ShapeDtypeStruct((NC, NR, 128), jnp.float32),
        mesh=mesh,
        scratch_types=[
            pltpu.VMEM((CHT, K), jnp.int32),
            pltpu.VMEM((NR, 128), jnp.float32),
            pltpu.VMEM((1, NR), jnp.int32),
            pltpu.VMEM_SHARED((NR, 128), jnp.float32),
        ])
    sc_agg128 = pl.kernel(
        _sc_agg128_body,
        compiler_params=cparams,
        out_type=jax.ShapeDtypeStruct((NC, N_PAD, 128), jnp.float32),
        mesh=mesh,
        scratch_types=[
            pltpu.VMEM((SG, K), jnp.int32),
            pltpu.VMEM((SG, K), jnp.int32),
            pltpu.VMEM((K, 128), jnp.float32),
            pltpu.VMEM((K, 128), jnp.float32),
            pltpu.VMEM_SHARED((N_PAD, 128), jnp.float32),
            pltpu.SemaphoreType.DMA,
            pltpu.SemaphoreType.DMA,
            pltpu.SemaphoreType.DMA,
            pltpu.SemaphoreType.DMA,
        ])
    sc_agg_dual = pl.kernel(
        _sc_agg_dual_body,
        compiler_params=cparams,
        out_type=jax.ShapeDtypeStruct((NC, N_PAD, 128), jnp.float32),
        mesh=mesh,
        scratch_types=[
            pltpu.VMEM((SG, K), jnp.int32),
            pltpu.VMEM((SG, K), jnp.int32),
            pltpu.VMEM((K, 128), jnp.float32),
            pltpu.VMEM((K, 128), jnp.float32),
            pltpu.VMEM_SHARED((N_PAD, 128), jnp.float32),
            pltpu.SemaphoreType.DMA,
            pltpu.SemaphoreType.DMA,
            pltpu.SemaphoreType.DMA,
            pltpu.SemaphoreType.DMA,
        ])
    sc_aggscalar = pl.kernel(
        _sc_aggscalar_body,
        compiler_params=cparams,
        out_type=jax.ShapeDtypeStruct((NC, NR, 128), jnp.float32),
        mesh=mesh,
        scratch_types=[
            pltpu.VMEM((CHT, K), jnp.int32),
            pltpu.VMEM((CHT, K), jnp.int32),
            pltpu.VMEM((NR, 128), jnp.float32),
            pltpu.VMEM((NR, 128), jnp.float32),
            pltpu.VMEM((1, NR), jnp.int32),
            pltpu.VMEM_SHARED((NR, 128), jnp.float32),
        ])
    return sc_deg, sc_agg128, sc_agg_dual, sc_aggscalar


_R = 1000


def _tc_prep_body(degt_ref, x_ref, y0_ref, dinvb_ref):
    deg = degt_ref[:, 0:1] + degt_ref[:, 1:2] + 1.0
    dinv = lax.rsqrt(deg)
    y0_ref[...] = x_ref[...] * dinv
    dinvb_ref[...] = jnp.broadcast_to(dinv, (_R, 128))


def _tc_l1_body(a0_ref, a1_ref, y0_ref, dinvb_ref, w1_ref, b1_ref,
                y1a_ref, y1b_ref):
    d = dinvb_ref[...]
    z = d * (a0_ref[...] + a1_ref[...] + y0_ref[...])
    h = jnp.dot(z, w1_ref[...], preferred_element_type=jnp.float32) + b1_ref[...]
    h = jnp.maximum(h, 0.0)
    y1a_ref[...] = d * h[:, :128]
    y1b_ref[...] = d * h[:, 128:]


def _tc_l2_body(aa_ref, ab_ref, y1a_ref, y1b_ref,
                dinvb_ref, w2_ref, b2_ref, w3t_ref, t_ref):
    d = dinvb_ref[...]
    za = d * (aa_ref[...] + y1a_ref[...])
    zb = d * (ab_ref[...] + y1b_ref[...])
    h2 = (jnp.dot(za, w2_ref[:128, :], preferred_element_type=jnp.float32)
          + jnp.dot(zb, w2_ref[128:, :], preferred_element_type=jnp.float32)
          + b2_ref[...])
    h2 = jnp.maximum(h2, 0.0)
    t_ref[...] = d * jnp.dot(h2, w3t_ref[...], preferred_element_type=jnp.float32)


def _tc_fin_body(degs_ref, q_ref, trow_ref, b3_ref, out_ref):
    deg = degs_ref[0:1, :] + degs_ref[1:2, :] + 1.0
    dinv = lax.rsqrt(deg)
    qs = q_ref[0:1, :] + q_ref[1:2, :]
    u = dinv * (qs + trow_ref[...]) + b3_ref[0, 0]
    out_ref[...] = 1.0 / (1.0 + jnp.exp(-u))


def _row_spec(cols):
    return pl.BlockSpec((_R, cols), lambda i: (i, 0))


def kernel(x, edge_index, W1, b1, W2, b2, W3, b3):
    src = edge_index[0]
    dst = edge_index[1]
    pad = E_PAD - E
    pad_ar = jnp.arange(pad, dtype=jnp.int32)
    src_pad = pad_ar % N
    dst_pad = N + pad_ar % (N_PAD - N)
    src_p = jnp.concatenate([src, src_pad]).reshape(TOT_CH, K)
    dst_p = jnp.concatenate([dst, dst_pad]).reshape(TOT_CH, K)

    _sc_deg, _sc_agg128, _sc_agg_dual, _sc_aggscalar = _sc_kernels()

    degp = _sc_deg(dst_p).reshape(NC, N_PAD)
    degt = degp[:, :N].T

    grid = (N // _R,)
    y0, dinvb = pl.pallas_call(
        _tc_prep_body,
        grid=grid,
        in_specs=[pl.BlockSpec((_R, NC), lambda i: (i, 0)), _row_spec(128)],
        out_specs=[_row_spec(128), _row_spec(128)],
        out_shape=[jax.ShapeDtypeStruct((N, 128), jnp.float32),
                   jax.ShapeDtypeStruct((N, 128), jnp.float32)],
    )(degt, x)

    ag0 = _sc_agg128(src_p, dst_p, y0)

    b1r = b1.reshape(1, D_H)
    y1a, y1b = pl.pallas_call(
        _tc_l1_body,
        grid=grid,
        in_specs=[_row_spec(128), _row_spec(128), _row_spec(128), _row_spec(128),
                  pl.BlockSpec((D_IN, D_H), lambda i: (0, 0)),
                  pl.BlockSpec((1, D_H), lambda i: (0, 0))],
        out_specs=[_row_spec(128), _row_spec(128)],
        out_shape=[jax.ShapeDtypeStruct((N, 128), jnp.float32),
                   jax.ShapeDtypeStruct((N, 128), jnp.float32)],
    )(ag0[0, :N], ag0[1, :N], y0, dinvb, W1, b1r)

    ag1 = _sc_agg_dual(src_p, dst_p, y1a, y1b)

    b2r = b2.reshape(1, D_H)
    w3t = jnp.tile(W3, (1, 128))
    t_b = pl.pallas_call(
        _tc_l2_body,
        grid=grid,
        in_specs=[_row_spec(128), _row_spec(128), _row_spec(128), _row_spec(128),
                  _row_spec(128),
                  pl.BlockSpec((D_H, D_H), lambda i: (0, 0)),
                  pl.BlockSpec((1, D_H), lambda i: (0, 0)),
                  pl.BlockSpec((D_H, 128), lambda i: (0, 0))],
        out_specs=_row_spec(128),
        out_shape=jax.ShapeDtypeStruct((N, 128), jnp.float32),
    )(ag1[0, :N], ag1[1, :N], y1a, y1b,
      dinvb, W2, b2r, w3t)

    t_flat = t_b[:, 0]
    t_pad = jnp.concatenate(
        [t_flat, jnp.zeros((N_PAD - N,), jnp.float32)]).reshape(NR, 128)
    qp = _sc_aggscalar(src_p, dst_p, t_pad).reshape(NC, N_PAD)

    out_row = pl.pallas_call(
        _tc_fin_body,
        grid=(1,),
        in_specs=[pl.BlockSpec((NC, N), lambda i: (0, 0)),
                  pl.BlockSpec((NC, N), lambda i: (0, 0)),
                  pl.BlockSpec((1, N), lambda i: (0, 0)),
                  pl.BlockSpec((1, 1), lambda i: (0, 0))],
        out_specs=pl.BlockSpec((1, N), lambda i: (0, 0)),
        out_shape=jax.ShapeDtypeStruct((1, N), jnp.float32),
    )(degp[:, :N], qp[:, :N], t_flat.reshape(1, N), b3.reshape(1, 1))

    return out_row.reshape(N, 1)

# --- scband reference (transcript-rebuilt; emitter-appended) ---
"""Pipeline reference for scband-mycelium-gnn-5634997092422 (READ-ONLY COPY).

The authoritative reference and input builder live on the scoring server;
editing this copy changes nothing except your own understanding.
"""

import jax, jax.numpy as jnp
import numpy as np

N = 10000
E = 320000
D_IN = 128
D_H = 256
D_OUT = 1


def _glorot(key, shape):
    fan_in, fan_out = shape[0], shape[1]
    limit = np.sqrt(6.0 / (fan_in + fan_out))
    return jax.random.uniform(key, shape, dtype=jnp.float32, minval=-limit, maxval=limit)


def setup_inputs(seed: int = 0) -> dict:
    key = jax.random.key(seed)
    ks = jax.random.split(key, 8)
    x = jax.random.normal(ks[0], (N, D_IN), dtype=jnp.float32)
    edge_index = jax.random.randint(ks[1], (2, E), 0, N, dtype=jnp.int32)
    W1 = _glorot(ks[2], (D_IN, D_H))
    b1 = jnp.zeros((D_H,), dtype=jnp.float32)
    W2 = _glorot(ks[3], (D_H, D_H))
    b2 = jnp.zeros((D_H,), dtype=jnp.float32)
    W3 = _glorot(ks[4], (D_H, D_OUT))
    b3 = jnp.zeros((D_OUT,), dtype=jnp.float32)
    return {"x": x, "edge_index": edge_index, "W1": W1, "b1": b1, "W2": W2, "b2": b2, "W3": W3, "b3": b3}


def _gcn_conv(x, src, dst, norm, W, b, num_nodes):
    # GCNConv: h = D^{-1/2} (A + I) D^{-1/2} X W + b
    h = x @ W
    msg = h[src] * norm[:, None]
    out = jnp.zeros((num_nodes, W.shape[1]), dtype=h.dtype).at[dst].add(msg)
    return out + b


def _build_norm(edge_index, num_nodes):
    # add self-loops and compute symmetric normalization coefficients
    sl = jnp.arange(num_nodes, dtype=edge_index.dtype)
    src = jnp.concatenate([edge_index[0], sl])
    dst = jnp.concatenate([edge_index[1], sl])
    deg = jnp.zeros((num_nodes,), dtype=jnp.float32).at[dst].add(1.0)
    dinv = jnp.where(deg > 0, deg ** -0.5, 0.0)
    norm = dinv[src] * dinv[dst]
    return src, dst, norm


def reference(x, edge_index, W1, b1, W2, b2, W3, b3):
    num_nodes = x.shape[0]
    src, dst, norm = _build_norm(edge_index, num_nodes)
    h = jax.nn.relu(_gcn_conv(x, src, dst, norm, W1, b1, num_nodes))
    # dropout is identity in eval mode
    h = jax.nn.relu(_gcn_conv(h, src, dst, norm, W2, b2, num_nodes))
    out = jax.nn.sigmoid(_gcn_conv(h, src, dst, norm, W3, b3, num_nodes))
    return out

if __name__ == "__main__":
    import jax
    _d = setup_inputs()
    print(jax.jit(kernel)(*tuple(_d.values())))

</pallas_src>

<mosaic_0001>
#map = affine_map<(d0, d1) -> (0, 0)>
#map1 = affine_map<(d0, d1) -> (0, 0, 0)>
module attributes {stable_mosaic.version = 14 : i64} {
  func.func @_sc_agg128_body(%arg0: i32, %arg1: i32, %arg2: memref<2560x128xi32, #tpu.memory_space<hbm>>, %arg3: memref<2560x128xi32, #tpu.memory_space<hbm>>, %arg4: memref<10000x128xf32, #tpu.memory_space<hbm>>, %arg5: memref<2x10240x128xf32, #tpu.memory_space<hbm>>, %arg6: memref<40x128xi32, #tpu.memory_space<vmem>>, %arg7: memref<40x128xi32, #tpu.memory_space<vmem>>, %arg8: memref<128x128xf32, #tpu.memory_space<vmem>>, %arg9: memref<128x128xf32, #tpu.memory_space<vmem>>, %arg10: memref<10240x128xf32, #tpu.memory_space<vmem_shared>>, %arg11: memref<!tpu.dma_semaphore, #tpu.memory_space<semaphore_mem>>, %arg12: memref<!tpu.dma_semaphore, #tpu.memory_space<semaphore_mem>>, %arg13: memref<!tpu.dma_semaphore, #tpu.memory_space<semaphore_mem>>, %arg14: memref<!tpu.dma_semaphore, #tpu.memory_space<semaphore_mem>>) attributes {dimension_semantics = [#tpu.dimension_semantics<core_parallel>, #tpu.dimension_semantics<subcore_parallel>], iteration_bounds = array<i64: 2, 16>, scalar_prefetch = 0 : i64, scratch_operands = 9 : i64, tpu.core_type = #tpu.core_type<sc_vector_subcore>, window_params = [{transform_indices = #map}, {transform_indices = #map}, {transform_indices = #map}, {transform_indices = #map1}]} {
    %broadcast_in_dim3A = arith.constant 0.000000e+00 : f32
    "tpu.trace_start"() <{level = 10 : i32, message = "agg_zero"}> : () -> ()
    %broadcast_in_dim3A_0 = vector.broadcast %broadcast_in_dim3A : f32 to vector<16xf32>
    %scan3A = arith.constant 0 : i32
    %scan3A_1 = arith.constant 0 : i32
    %scan3A_2 = arith.constant 1024 : i32
    %scan3A_3 = arith.addi %scan3A_1, %scan3A_2 : i32
    %scan3A_4 = arith.constant 1 : i32
    %scan3A_5 = scf.for %scan3A_66 = %scan3A_1 to %scan3A_3 step %scan3A_4 iter_args(%scan3A_67 = %scan3A) -> (i32)  : i32 {
      %jit3A = arith.constant 8 : i32
      %div3A = arith.divsi %scan3A_66, %jit3A : i32
      %sign3A = arith.constant 0 : i32
      %sign3A_68 = arith.cmpi sgt, %scan3A_66, %sign3A : i32
      %sign3A_69 = arith.extui %sign3A_68 : i1 to i32
      %sign3A_70 = arith.constant 0 : i32
      %sign3A_71 = arith.cmpi slt, %scan3A_66, %sign3A_70 : i32
      %sign3A_72 = arith.extui %sign3A_71 : i1 to i32
      %sign3A_73 = arith.subi %sign3A_69, %sign3A_72 : i32
      %sign3A_74 = arith.constant 0 : i32
      %sign3A_75 = arith.cmpi sgt, %jit3A, %sign3A_74 : i32
      %sign3A_76 = arith.extui %sign3A_75 : i1 to i32
      %sign3A_77 = arith.constant 0 : i32
      %sign3A_78 = arith.cmpi slt, %jit3A, %sign3A_77 : i32
      %sign3A_79 = arith.extui %sign3A_78 : i1 to i32
      %sign3A_80 = arith.subi %sign3A_76, %sign3A_79 : i32
      %ne3A = arith.cmpi ne, %sign3A_73, %sign3A_80 : i32
      %rem3A = arith.remsi %scan3A_66, %jit3A : i32
      %ne3A_81 = arith.constant 0 : i32
      %ne3A_82 = arith.cmpi ne, %rem3A, %ne3A_81 : i32
      %and3A = arith.andi %ne3A, %ne3A_82 : i1
      %sub3A = arith.constant 1 : i32
      %sub3A_83 = arith.subi %div3A, %sub3A : i32
      %select_n3A = arith.select %and3A, %sub3A_83, %div3A : i32
      %jit3A_84 = arith.constant 8 : i32
      %eq3A = arith.constant 0 : i32
      %eq3A_85 = arith.cmpi eq, %jit3A_84, %eq3A : i32
      %jit3A_86 = arith.constant 1 : i32
      %select_n3A_87 = arith.select %eq3A_85, %jit3A_86, %jit3A_84 : i32
      %rem3A_88 = arith.remsi %scan3A_66, %select_n3A_87 : i32
      %ne3A_89 = arith.constant 0 : i32
      %ne3A_90 = arith.cmpi ne, %rem3A_88, %ne3A_89 : i32
      %lt3A = arith.constant 0 : i32
      %lt3A_91 = arith.cmpi slt, %rem3A_88, %lt3A : i32
      %lt3A_92 = arith.constant 0 : i32
      %lt3A_93 = arith.cmpi slt, %select_n3A_87, %lt3A_92 : i32
      %ne3A_94 = arith.xori %lt3A_91, %lt3A_93 : i1
      %and3A_95 = arith.andi %ne3A_94, %ne3A_90 : i1
      %add3A_96 = arith.addi %rem3A_88, %select_n3A_87 : i32
      %select_n3A_97 = arith.select %and3A_95, %add3A_96, %rem3A_88 : i32
      %mul3A_98 = arith.constant 16 : i32
      %mul3A_99 = arith.muli %select_n3A_97, %mul3A_98 : i32
      %multiple_of3A_100 = tpu.assume_multiple %mul3A_99, 16 : i32
      %swap3A = arith.index_cast %select_n3A : i32 to index
      %swap3A_101 = arith.index_cast %multiple_of3A_100 : i32 to index
      %swap3A_102 = tpu.vector_load %arg8[%swap3A, %swap3A_101] {strides = array<i32>} : memref<128x128xf32, #tpu.memory_space<vmem>>, vector<16xf32>,
      tpu.vector_store %arg8[%swap3A, %swap3A_101], %broadcast_in_dim3A_0 {strides = array<i32>} : memref<128x128xf32, #tpu.memory_space<vmem>>, vector<16xf32>,
      %scan3A_103 = arith.constant 0 : i32
      scf.yield %scan3A_103 : i32
    }
    %scan3A_6 = arith.constant 1024 : i32
    %mul3A = arith.constant 640 : i32
    %mul3A_7 = arith.muli %arg1, %mul3A : i32
    %multiple_of3A = tpu.assume_multiple %mul3A_7, 8 : i32
    %scan3A_8 = arith.constant 0 : i32
    %scan3A_9 = arith.constant 0 : i32
    %scan3A_10 = arith.constant 5 : i32
    %scan3A_11 = arith.addi %scan3A_9, %scan3A_10 : i32
    %scan3A_12 = arith.constant 1 : i32
    %scan3A_13 = scf.for %scan3A_66 = %scan3A_9 to %scan3A_11 step %scan3A_12 iter_args(%scan3A_67 = %scan3A_8) -> (i32)  : i32 {
      %mul3A_68 = arith.constant 128 : i32
      %mul3A_69 = arith.muli %scan3A_66, %mul3A_68 : i32
      %add3A_70 = arith.addi %multiple_of3A, %mul3A_69 : i32
      "tpu.region"() ({
        %run_scoped3A = tpu.sem_alloc : memref<!tpu.dma_semaphore, #tpu.memory_space<semaphore_mem>>
        %dma_start3A_72 = arith.constant 0 : i32
        %dma_start3A_73 = tpu.memref_slice %arg10[%add3A_70, %dma_start3A_72] : memref<10240x128xf32, #tpu.memory_space<vmem_shared>> -> memref<128x128xf32, #tpu.memory_space<vmem_shared>>
        %dma_start3A_74 = arith.constant 0 : i32
        %dma_start3A_75 = tpu.memref_slice %arg10[%add3A_70, %dma_start3A_74] : memref<10240x128xf32, #tpu.memory_space<vmem_shared>> -> memref<128x128xf32, #tpu.memory_space<vmem_shared>>
        tpu.enqueue_dma source(%arg8 : memref<128x128xf32, #tpu.memory_space<vmem>>) target(%dma_start3A_75 : memref<128x128xf32, #tpu.memory_space<vmem_shared>>) target_semaphore(%run_scoped3A : memref<!tpu.dma_semaphore, #tpu.memory_space<semaphore_mem>>)
        %dma_wait3A_76 = arith.constant 0 : i32
        %dma_wait3A_77 = tpu.memref_slice %arg10[%add3A_70, %dma_wait3A_76] : memref<10240x128xf32, #tpu.memory_space<vmem_shared>> -> memref<128x128xf32, #tpu.memory_space<vmem_shared>>
        %dma_wait3A_78 = arith.constant 0 : i32
        %dma_wait3A_79 = tpu.memref_slice %arg10[%add3A_70, %dma_wait3A_78] : memref<10240x128xf32, #tpu.memory_space<vmem_shared>> -> memref<128x128xf32, #tpu.memory_space<vmem_shared>>
        tpu.wait_dma2 semaphore(%run_scoped3A : memref<!tpu.dma_semaphore, #tpu.memory_space<semaphore_mem>>) src(%arg8 : memref<128x128xf32, #tpu.memory_space<vmem>>) dst(%dma_wait3A_79 : memref<128x128xf32, #tpu.memory_space<vmem_shared>>)
        tpu.yield
      }) : () -> ()
      %scan3A_71 = arith.constant 0 : i32
      scf.yield %scan3A_71 : i32
    }
    %scan3A_14 = arith.constant 5 : i32
    %barrier3A = arith.constant 0 : index
    tpu.barrier barrier_id(%barrier3A)
    "tpu.trace_stop"() : () -> ()
    "tpu.trace_start"() <{level = 10 : i32, message = "agg_pipe"}> : () -> ()
    %mul3A_15 = arith.constant 16 : i32
    %mul3A_16 = arith.muli %arg0, %mul3A_15 : i32
    %add3A = arith.addi %mul3A_16, %arg1 : i32
    %mul3A_17 = arith.constant 80 : i32
    %mul3A_18 = arith.muli %add3A, %mul3A_17 : i32
    %add3A_19 = arith.constant 0 : i32
    %add3A_20 = arith.addi %mul3A_18, %add3A_19 : i32
    %multiple_of3A_21 = tpu.assume_multiple %add3A_20, 8 : i32
    "tpu.region"() ({
      %run_scoped3A = tpu.sem_alloc : memref<!tpu.dma_semaphore, #tpu.memory_space<semaphore_mem>>
      %dma_start3A_66 = arith.constant 0 : i32
      %dma_start3A_67 = tpu.memref_slice %arg2[%multiple_of3A_21, %dma_start3A_66] : memref<2560x128xi32, #tpu.memory_space<hbm>> -> memref<40x128xi32, #tpu.memory_space<hbm>>
      %dma_start3A_68 = arith.constant 0 : i32
      %dma_start3A_69 = tpu.memref_slice %arg2[%multiple_of3A_21, %dma_start3A_68] : memref<2560x128xi32, #tpu.memory_space<hbm>> -> memref<40x128xi32, #tpu.memory_space<hbm>>
      tpu.enqueue_dma source(%dma_start3A_69 : memref<40x128xi32, #tpu.memory_space<hbm>>) target(%arg6 : memref<40x128xi32, #tpu.memory_space<vmem>>) target_semaphore(%run_scoped3A : memref<!tpu.dma_semaphore, #tpu.memory_space<semaphore_mem>>)
      %dma_wait3A_70 = arith.constant 0 : i32
      %dma_wait3A_71 = tpu.memref_slice %arg2[%multiple_of3A_21, %dma_wait3A_70] : memref<2560x128xi32, #tpu.memory_space<hbm>> -> memref<40x128xi32, #tpu.memory_space<hbm>>
      %dma_wait3A_72 = arith.constant 0 : i32
      %dma_wait3A_73 = tpu.memref_slice %arg2[%multiple_of3A_21, %dma_wait3A_72] : memref<2560x128xi32, #tpu.memory_space<hbm>> -> memref<40x128xi32, #tpu.memory_space<hbm>>
      tpu.wait_dma2 semaphore(%run_scoped3A : memref<!tpu.dma_semaphore, #tpu.memory_space<semaphore_mem>>) src(%dma_wait3A_73 : memref<40x128xi32, #tpu.memory_space<hbm>>) dst(%arg6 : memref<40x128xi32, #tpu.memory_space<vmem>>)
      tpu.yield
    }) : () -> ()
    "tpu.region"() ({
      %run_scoped3A = tpu.sem_alloc : memref<!tpu.dma_semaphore, #tpu.memory_space<semaphore_mem>>
      %dma_start3A_66 = arith.constant 0 : i32
      %dma_start3A_67 = tpu.memref_slice %arg3[%multiple_of3A_21, %dma_start3A_66] : memref<2560x128xi32, #tpu.memory_space<hbm>> -> memref<40x128xi32, #tpu.memory_space<hbm>>
      %dma_start3A_68 = arith.constant 0 : i32
      %dma_start3A_69 = tpu.memref_slice %arg3[%multiple_of3A_21, %dma_start3A_68] : memref<2560x128xi32, #tpu.memory_space<hbm>> -> memref<40x128xi32, #tpu.memory_space<hbm>>
      tpu.enqueue_dma source(%dma_start3A_69 : memref<40x128xi32, #tpu.memory_space<hbm>>) target(%arg7 : memref<40x128xi32, #tpu.memory_space<vmem>>) target_semaphore(%run_scoped3A : memref<!tpu.dma_semaphore, #tpu.memory_space<semaphore_mem>>)
      %dma_wait3A_70 = arith.constant 0 : i32
      %dma_wait3A_71 = tpu.memref_slice %arg3[%multiple_of3A_21, %dma_wait3A_70] : memref<2560x128xi32, #tpu.memory_space<hbm>> -> memref<40x128xi32, #tpu.memory_space<hbm>>
      %dma_wait3A_72 = arith.constant 0 : i32
      %dma_wait3A_73 = tpu.memref_slice %arg3[%multiple_of3A_21, %dma_wait3A_72] : memref<2560x128xi32, #tpu.memory_space<hbm>> -> memref<40x128xi32, #tpu.memory_space<hbm>>
      tpu.wait_dma2 semaphore(%run_scoped3A : memref<!tpu.dma_semaphore, #tpu.memory_space<semaphore_mem>>) src(%dma_wait3A_73 : memref<40x128xi32, #tpu.memory_space<hbm>>) dst(%arg7 : memref<40x128xi32, #tpu.memory_space<vmem>>)
      tpu.yield
    }) : () -> ()
    %dma_start3A = arith.constant 0 : i32
    %dma_start3A_22 = arith.constant 0 : i32
    %dma_start3A_23 = tpu.memref_slice %arg6[%dma_start3A, %dma_start3A_22] : memref<40x128xi32, #tpu.memory_space<vmem>> -> memref<1x128xi32, #tpu.memory_space<vmem>>
    %dma_start3A_24 = tpu.memref_squeeze %dma_start3A_23 : memref<1x128xi32, #tpu.memory_space<vmem>> -> memref<128xi32, #tpu.memory_space<vmem>>
    %dma_start3A_25 = arith.constant 0 : i32
    %dma_start3A_26 = arith.constant 0 : i32
    %dma_start3A_27 = tpu.memref_slice %arg4[%dma_start3A_25, %dma_start3A_26] : memref<10000x128xf32, #tpu.memory_space<hbm>> -> memref<10000x128xf32, #tpu.memory_space<hbm>>
    tpu.enqueue_indirect_dma source(%dma_start3A_27 : memref<10000x128xf32, #tpu.memory_space<hbm>>) target(%arg8 : memref<128x128xf32, #tpu.memory_space<vmem>>) offsets(%dma_start3A_24 : memref<128xi32, #tpu.memory_space<vmem>>) semaphore(%arg11 : memref<!tpu.dma_semaphore, #tpu.memory_space<semaphore_mem>>)
    %scan3A_28 = arith.constant 0 : i32
    %scan3A_29 = arith.constant 0 : i32
    %scan3A_30 = arith.constant 20 : i32
    %scan3A_31 = arith.addi %scan3A_29, %scan3A_30 : i32
    %scan3A_32 = arith.constant 1 : i32
    %scan3A_33 = scf.for %scan3A_66 = %scan3A_29 to %scan3A_31 step %scan3A_32 iter_args(%scan3A_67 = %scan3A_28) -> (i32)  : i32 {
      %mul3A_68 = arith.constant 2 : i32
      %mul3A_69 = arith.muli %scan3A_66, %mul3A_68 : i32
      %dma_wait3A_70 = arith.constant 0 : i32
      %dma_wait3A_71 = arith.constant 0 : i32
      %dma_wait3A_72 = tpu.memref_slice %arg6[%dma_wait3A_70, %dma_wait3A_71] : memref<40x128xi32, #tpu.memory_space<vmem>> -> memref<1x128xi32, #tpu.memory_space<vmem>>
      %dma_wait3A_73 = tpu.memref_squeeze %dma_wait3A_72 : memref<1x128xi32, #tpu.memory_space<vmem>> -> memref<128xi32, #tpu.memory_space<vmem>>
      %dma_wait3A_74 = arith.constant 0 : i32
      %dma_wait3A_75 = arith.constant 0 : i32
      %dma_wait3A_76 = tpu.memref_slice %arg4[%dma_wait3A_74, %dma_wait3A_75] : memref<10000x128xf32, #tpu.memory_space<hbm>> -> memref<10000x128xf32, #tpu.memory_space<hbm>>
      tpu.wait_indirect_dma semaphore(%arg11 : memref<!tpu.dma_semaphore, #tpu.memory_space<semaphore_mem>>) src(%dma_wait3A_76 : memref<10000x128xf32, #tpu.memory_space<hbm>>) dst(%arg8 : memref<128x128xf32, #tpu.memory_space<vmem>>)
      %gt3A = arith.constant 0 : i32
      %gt3A_77 = arith.cmpi sgt, %scan3A_66, %gt3A : i32
      %convert_element_type3A = arith.extui %gt3A_77 : i1 to i32
      %cond3A = arith.constant 0 : i32
      %cond3A_78 = arith.cmpi ne, %convert_element_type3A, %cond3A : i32
      scf.if %cond3A_78 {
        %dma_wait3A_120 = arith.constant 0 : i32
        %dma_wait3A_121 = arith.constant 0 : i32
        %dma_wait3A_122 = tpu.memref_slice %arg7[%dma_wait3A_120, %dma_wait3A_121] : memref<40x128xi32, #tpu.memory_space<vmem>> -> memref<1x128xi32, #tpu.memory_space<vmem>>
        %dma_wait3A_123 = tpu.memref_squeeze %dma_wait3A_122 : memref<1x128xi32, #tpu.memory_space<vmem>> -> memref<128xi32, #tpu.memory_space<vmem>>
        %dma_wait3A_124 = arith.constant 0 : i32
        %dma_wait3A_125 = arith.constant 0 : i32
        %dma_wait3A_126 = tpu.memref_slice %arg10[%dma_wait3A_124, %dma_wait3A_125] : memref<10240x128xf32, #tpu.memory_space<vmem_shared>> -> memref<10240x128xf32, #tpu.memory_space<vmem_shared>>
        tpu.wait_indirect_dma semaphore(%arg14 : memref<!tpu.dma_semaphore, #tpu.memory_space<semaphore_mem>>) src(%arg9 : memref<128x128xf32, #tpu.memory_space<vmem>>) dst(%dma_wait3A_126 : memref<10240x128xf32, #tpu.memory_space<vmem_shared>>)
      } else {
      }
      %add3A_79 = arith.constant 1 : i32
      %add3A_80 = arith.addi %mul3A_69, %add3A_79 : i32
      %dma_start3A_81 = arith.constant 0 : i32
      %dma_start3A_82 = tpu.memref_slice %arg6[%add3A_80, %dma_start3A_81] : memref<40x128xi32, #tpu.memory_space<vmem>> -> memref<1x128xi32, #tpu.memory_space<vmem>>
      %dma_start3A_83 = tpu.memref_squeeze %dma_start3A_82 : memref<1x128xi32, #tpu.memory_space<vmem>> -> memref<128xi32, #tpu.memory_space<vmem>>
      %dma_start3A_84 = arith.constant 0 : i32
      %dma_start3A_85 = arith.constant 0 : i32
      %dma_start3A_86 = tpu.memref_slice %arg4[%dma_start3A_84, %dma_start3A_85] : memref<10000x128xf32, #tpu.memory_space<hbm>> -> memref<10000x128xf32, #tpu.memory_space<hbm>>
      tpu.enqueue_indirect_dma source(%dma_start3A_86 : memref<10000x128xf32, #tpu.memory_space<hbm>>) target(%arg9 : memref<128x128xf32, #tpu.memory_space<vmem>>) offsets(%dma_start3A_83 : memref<128xi32, #tpu.memory_space<vmem>>) semaphore(%arg12 : memref<!tpu.dma_semaphore, #tpu.memory_space<semaphore_mem>>)
      %dma_start3A_87 = arith.constant 0 : i32
      %dma_start3A_88 = tpu.memref_slice %arg7[%mul3A_69, %dma_start3A_87] : memref<40x128xi32, #tpu.memory_space<vmem>> -> memref<1x128xi32, #tpu.memory_space<vmem>>
      %dma_start3A_89 = tpu.memref_squeeze %dma_start3A_88 : memref<1x128xi32, #tpu.memory_space<vmem>> -> memref<128xi32, #tpu.memory_space<vmem>>
      %dma_start3A_90 = arith.constant 0 : i32
      %dma_start3A_91 = arith.constant 0 : i32
      %dma_start3A_92 = tpu.memref_slice %arg10[%dma_start3A_90, %dma_start3A_91] : memref<10240x128xf32, #tpu.memory_space<vmem_shared>> -> memref<10240x128xf32, #tpu.memory_space<vmem_shared>>
      tpu.enqueue_indirect_dma source(%arg8 : memref<128x128xf32, #tpu.memory_space<vmem>>) target(%dma_start3A_92 : memref<10240x128xf32, #tpu.memory_space<vmem_shared>>) offsets(%dma_start3A_89 : memref<128xi32, #tpu.memory_space<vmem>>) semaphore(%arg13 : memref<!tpu.dma_semaphore, #tpu.memory_space<semaphore_mem>>) {add = true}
      %dma_wait3A_93 = arith.constant 0 : i32
      %dma_wait3A_94 = arith.constant 0 : i32
      %dma_wait3A_95 = tpu.memref_slice %arg6[%dma_wait3A_93, %dma_wait3A_94] : memref<40x128xi32, #tpu.memory_space<vmem>> -> memref<1x128xi32, #tpu.memory_space<vmem>>
      %dma_wait3A_96 = tpu.memref_squeeze %dma_wait3A_95 : memref<1x128xi32, #tpu.memory_space<vmem>> -> memref<128xi32, #tpu.memory_space<vmem>>
      %dma_wait3A_97 = arith.constant 0 : i32
      %dma_wait3A_98 = arith.constant 0 : i32
      %dma_wait3A_99 = tpu.memref_slice %arg4[%dma_wait3A_97, %dma_wait3A_98] : memref<10000x128xf32, #tpu.memory_space<hbm>> -> memref<10000x128xf32, #tpu.memory_space<hbm>>
      tpu.wait_indirect_dma semaphore(%arg12 : memref<!tpu.dma_semaphore, #tpu.memory_space<semaphore_mem>>) src(%dma_wait3A_99 : memref<10000x128xf32, #tpu.memory_space<hbm>>) dst(%arg9 : memref<128x128xf32, #tpu.memory_space<vmem>>)
      %dma_wait3A_100 = arith.constant 0 : i32
      %dma_wait3A_101 = arith.constant 0 : i32
      %dma_wait3A_102 = tpu.memref_slice %arg7[%dma_wait3A_100, %dma_wait3A_101] : memref<40x128xi32, #tpu.memory_space<vmem>> -> memref<1x128xi32, #tpu.memory_space<vmem>>
      %dma_wait3A_103 = tpu.memref_squeeze %dma_wait3A_102 : memref<1x128xi32, #tpu.memory_space<vmem>> -> memref<128xi32, #tpu.memory_space<vmem>>
      %dma_wait3A_104 = arith.constant 0 : i32
      %dma_wait3A_105 = arith.constant 0 : i32
      %dma_wait3A_106 = tpu.memref_slice %arg10[%dma_wait3A_104, %dma_wait3A_105] : memref<10240x128xf32, #tpu.memory_space<vmem_shared>> -> memref<10240x128xf32, #tpu.memory_space<vmem_shared>>
      tpu.wait_indirect_dma semaphore(%arg13 : memref<!tpu.dma_semaphore, #tpu.memory_space<semaphore_mem>>) src(%arg8 : memref<128x128xf32, #tpu.memory_space<vmem>>) dst(%dma_wait3A_106 : memref<10240x128xf32, #tpu.memory_space<vmem_shared>>)
      %lt3A = arith.constant 19 : i32
      %lt3A_107 = arith.cmpi slt, %scan3A_66, %lt3A : i32
      %convert_element_type3A_108 = arith.extui %lt3A_107 : i1 to i32
      %cond3A_109 = arith.constant 0 : i32
      %cond3A_110 = arith.cmpi ne, %convert_element_type3A_108, %cond3A_109 : i32
      scf.if %cond3A_110 {
        %add3A_120 = arith.constant 2 : i32
        %add3A_121 = arith.addi %mul3A_69, %add3A_120 : i32
        %dma_start3A_122 = arith.constant 0 : i32
        %dma_start3A_123 = tpu.memref_slice %arg6[%add3A_121, %dma_start3A_122] : memref<40x128xi32, #tpu.memory_space<vmem>> -> memref<1x128xi32, #tpu.memory_space<vmem>>
        %dma_start3A_124 = tpu.memref_squeeze %dma_start3A_123 : memref<1x128xi32, #tpu.memory_space<vmem>> -> memref<128xi32, #tpu.memory_space<vmem>>
        %dma_start3A_125 = arith.constant 0 : i32
        %dma_start3A_126 = arith.constant 0 : i32
        %dma_start3A_127 = tpu.memref_slice %arg4[%dma_start3A_125, %dma_start3A_126] : memref<10000x128xf32, #tpu.memory_space<hbm>> -> memref<10000x128xf32, #tpu.memory_space<hbm>>
        tpu.enqueue_indirect_dma source(%dma_start3A_127 : memref<10000x128xf32, #tpu.memory_space<hbm>>) target(%arg8 : memref<128x128xf32, #tpu.memory_space<vmem>>) offsets(%dma_start3A_124 : memref<128xi32, #tpu.memory_space<vmem>>) semaphore(%arg11 : memref<!tpu.dma_semaphore, #tpu.memory_space<semaphore_mem>>)
      } else {
      }
      %add3A_111 = arith.constant 1 : i32
      %add3A_112 = arith.addi %mul3A_69, %add3A_111 : i32
      %dma_start3A_113 = arith.constant 0 : i32
      %dma_start3A_114 = tpu.memref_slice %arg7[%add3A_112, %dma_start3A_113] : memref<40x128xi32, #tpu.memory_space<vmem>> -> memref<1x128xi32, #tpu.memory_space<vmem>>
      %dma_start3A_115 = tpu.memref_squeeze %dma_start3A_114 : memref<1x128xi32, #tpu.memory_space<vmem>> -> memref<128xi32, #tpu.memory_space<vmem>>
      %dma_start3A_116 = arith.constant 0 : i32
      %dma_start3A_117 = arith.constant 0 : i32
      %dma_start3A_118 = tpu.memref_slice %arg10[%dma_start3A_116, %dma_start3A_117] : memref<10240x128xf32, #tpu.memory_space<vmem_shared>> -> memref<10240x128xf32, #tpu.memory_space<vmem_shared>>
      tpu.enqueue_indirect_dma source(%arg9 : memref<128x128xf32, #tpu.memory_space<vmem>>) target(%dma_start3A_118 : memref<10240x128xf32, #tpu.memory_space<vmem_shared>>) offsets(%dma_start3A_115 : memref<128xi32, #tpu.memory_space<vmem>>) semaphore(%arg14 : memref<!tpu.dma_semaphore, #tpu.memory_space<semaphore_mem>>) {add = true}
      %scan3A_119 = arith.constant 0 : i32
      scf.yield %scan3A_119 : i32
    }
    %scan3A_34 = arith.constant 20 : i32
    %dma_wait3A = arith.constant 0 : i32
    %dma_wait3A_35 = arith.constant 0 : i32
    %dma_wait3A_36 = tpu.memref_slice %arg7[%dma_wait3A, %dma_wait3A_35] : memref<40x128xi32, #tpu.memory_space<vmem>> -> memref<1x128xi32, #tpu.memory_space<vmem>>
    %dma_wait3A_37 = tpu.memref_squeeze %dma_wait3A_36 : memref<1x128xi32, #tpu.memory_space<vmem>> -> memref<128xi32, #tpu.memory_space<vmem>>
    %dma_wait3A_38 = arith.constant 0 : i32
    %dma_wait3A_39 = arith.constant 0 : i32
    %dma_wait3A_40 = tpu.memref_slice %arg10[%dma_wait3A_38, %dma_wait3A_39] : memref<10240x128xf32, #tpu.memory_space<vmem_shared>> -> memref<10240x128xf32, #tpu.memory_space<vmem_shared>>
    tpu.wait_indirect_dma semaphore(%arg14 : memref<!tpu.dma_semaphore, #tpu.memory_space<semaphore_mem>>) src(%arg9 : memref<128x128xf32, #tpu.memory_space<vmem>>) dst(%dma_wait3A_40 : memref<10240x128xf32, #tpu.memory_space<vmem_shared>>)
    %add3A_41 = arith.constant 40 : i32
    %add3A_42 = arith.addi %mul3A_18, %add3A_41 : i32
    %multiple_of3A_43 = tpu.assume_multiple %add3A_42, 8 : i32
    "tpu.region"() ({
      %run_scoped3A = tpu.sem_alloc : memref<!tpu.dma_semaphore, #tpu.memory_space<semaphore_mem>>
      %dma_start3A_66 = arith.constant 0 : i32
      %dma_start3A_67 = tpu.memref_slice %arg2[%multiple_of3A_43, %dma_start3A_66] : memref<2560x128xi32, #tpu.memory_space<hbm>> -> memref<40x128xi32, #tpu.memory_space<hbm>>
      %dma_start3A_68 = arith.constant 0 : i32
      %dma_start3A_69 = tpu.memref_slice %arg2[%multiple_of3A_43, %dma_start3A_68] : memref<2560x128xi32, #tpu.memory_space<hbm>> -> memref<40x128xi32, #tpu.memory_space<hbm>>
      tpu.enqueue_dma source(%dma_start3A_69 : memref<40x128xi32, #tpu.memory_space<hbm>>) target(%arg6 : memref<40x128xi32, #tpu.memory_space<vmem>>) target_semaphore(%run_scoped3A : memref<!tpu.dma_semaphore, #tpu.memory_space<semaphore_mem>>)
      %dma_wait3A_70 = arith.constant 0 : i32
      %dma_wait3A_71 = tpu.memref_slice %arg2[%multiple_of3A_43, %dma_wait3A_70] : memref<2560x128xi32, #tpu.memory_space<hbm>> -> memref<40x128xi32, #tpu.memory_space<hbm>>
      %dma_wait3A_72 = arith.constant 0 : i32
      %dma_wait3A_73 = tpu.memref_slice %arg2[%multiple_of3A_43, %dma_wait3A_72] : memref<2560x128xi32, #tpu.memory_space<hbm>> -> memref<40x128xi32, #tpu.memory_space<hbm>>
      tpu.wait_dma2 semaphore(%run_scoped3A : memref<!tpu.dma_semaphore, #tpu.memory_space<semaphore_mem>>) src(%dma_wait3A_73 : memref<40x128xi32, #tpu.memory_space<hbm>>) dst(%arg6 : memref<40x128xi32, #tpu.memory_space<vmem>>)
      tpu.yield
    }) : () -> ()
    "tpu.region"() ({
      %run_scoped3A = tpu.sem_alloc : memref<!tpu.dma_semaphore, #tpu.memory_space<semaphore_mem>>
      %dma_start3A_66 = arith.constant 0 : i32
      %dma_start3A_67 = tpu.memref_slice %arg3[%multiple_of3A_43, %dma_start3A_66] : memref<2560x128xi32, #tpu.memory_space<hbm>> -> memref<40x128xi32, #tpu.memory_space<hbm>>
      %dma_start3A_68 = arith.constant 0 : i32
      %dma_start3A_69 = tpu.memref_slice %arg3[%multiple_of3A_43, %dma_start3A_68] : memref<2560x128xi32, #tpu.memory_space<hbm>> -> memref<40x128xi32, #tpu.memory_space<hbm>>
      tpu.enqueue_dma source(%dma_start3A_69 : memref<40x128xi32, #tpu.memory_space<hbm>>) target(%arg7 : memref<40x128xi32, #tpu.memory_space<vmem>>) target_semaphore(%run_scoped3A : memref<!tpu.dma_semaphore, #tpu.memory_space<semaphore_mem>>)
      %dma_wait3A_70 = arith.constant 0 : i32
      %dma_wait3A_71 = tpu.memref_slice %arg3[%multiple_of3A_43, %dma_wait3A_70] : memref<2560x128xi32, #tpu.memory_space<hbm>> -> memref<40x128xi32, #tpu.memory_space<hbm>>
      %dma_wait3A_72 = arith.constant 0 : i32
      %dma_wait3A_73 = tpu.memref_slice %arg3[%multiple_of3A_43, %dma_wait3A_72] : memref<2560x128xi32, #tpu.memory_space<hbm>> -> memref<40x128xi32, #tpu.memory_space<hbm>>
      tpu.wait_dma2 semaphore(%run_scoped3A : memref<!tpu.dma_semaphore, #tpu.memory_space<semaphore_mem>>) src(%dma_wait3A_73 : memref<40x128xi32, #tpu.memory_space<hbm>>) dst(%arg7 : memref<40x128xi32, #tpu.memory_space<vmem>>)
      tpu.yield
    }) : () -> ()
    %dma_start3A_44 = arith.constant 0 : i32
    %dma_start3A_45 = arith.constant 0 : i32
    %dma_start3A_46 = tpu.memref_slice %arg6[%dma_start3A_44, %dma_start3A_45] : memref<40x128xi32, #tpu.memory_space<vmem>> -> memref<1x128xi32, #tpu.memory_space<vmem>>
    %dma_start3A_47 = tpu.memref_squeeze %dma_start3A_46 : memref<1x128xi32, #tpu.memory_space<vmem>> -> memref<128xi32, #tpu.memory_space<vmem>>
    %dma_start3A_48 = arith.constant 0 : i32
    %dma_start3A_49 = arith.constant 0 : i32
    %dma_start3A_50 = tpu.memref_slice %arg4[%dma_start3A_48, %dma_start3A_49] : memref<10000x128xf32, #tpu.memory_space<hbm>> -> memref<10000x128xf32, #tpu.memory_space<hbm>>
    tpu.enqueue_indirect_dma source(%dma_start3A_50 : memref<10000x128xf32, #tpu.memory_space<hbm>>) target(%arg8 : memref<128x128xf32, #tpu.memory_space<vmem>>) offsets(%dma_start3A_47 : memref<128xi32, #tpu.memory_space<vmem>>) semaphore(%arg11 : memref<!tpu.dma_semaphore, #tpu.memory_space<semaphore_mem>>)
    %scan3A_51 = arith.constant 0 : i32
    %scan3A_52 = arith.constant 0 : i32
    %scan3A_53 = arith.constant 20 : i32
    %scan3A_54 = arith.addi %scan3A_52, %scan3A_53 : i32
    %scan3A_55 = arith.constant 1 : i32
    %scan3A_56 = scf.for %scan3A_66 = %scan3A_52 to %scan3A_54 step %scan3A_55 iter_args(%scan3A_67 = %scan3A_51) -> (i32)  : i32 {
      %mul3A_68 = arith.constant 2 : i32
      %mul3A_69 = arith.muli %scan3A_66, %mul3A_68 : i32
      %dma_wait3A_70 = arith.constant 0 : i32
      %dma_wait3A_71 = arith.constant 0 : i32
      %dma_wait3A_72 = tpu.memref_slice %arg6[%dma_wait3A_70, %dma_wait3A_71] : memref<40x128xi32, #tpu.memory_space<vmem>> -> memref<1x128xi32, #tpu.memory_space<vmem>>
      %dma_wait3A_73 = tpu.memref_squeeze %dma_wait3A_72 : memref<1x128xi32, #tpu.memory_space<vmem>> -> memref<128xi32, #tpu.memory_space<vmem>>
      %dma_wait3A_74 = arith.constant 0 : i32
      %dma_wait3A_75 = arith.constant 0 : i32
      %dma_wait3A_76 = tpu.memref_slice %arg4[%dma_wait3A_74, %dma_wait3A_75] : memref<10000x128xf32, #tpu.memory_space<hbm>> -> memref<10000x128xf32, #tpu.memory_space<hbm>>
      tpu.wait_indirect_dma semaphore(%arg11 : memref<!tpu.dma_semaphore, #tpu.memory_space<semaphore_mem>>) src(%dma_wait3A_76 : memref<10000x128xf32, #tpu.memory_space<hbm>>) dst(%arg8 : memref<128x128xf32, #tpu.memory_space<vmem>>)
      %gt3A = arith.constant 0 : i32
      %gt3A_77 = arith.cmpi sgt, %scan3A_66, %gt3A : i32
      %convert_element_type3A = arith.extui %gt3A_77 : i1 to i32
      %cond3A = arith.constant 0 : i32
      %cond3A_78 = arith.cmpi ne, %convert_element_type3A, %cond3A : i32
      scf.if %cond3A_78 {
        %dma_wait3A_120 = arith.constant 0 : i32
        %dma_wait3A_121 = arith.constant 0 : i32
        %dma_wait3A_122 = tpu.memref_slice %arg7[%dma_wait3A_120, %dma_wait3A_121] : memref<40x128xi32, #tpu.memory_space<vmem>> -> memref<1x128xi32, #tpu.memory_space<vmem>>
        %dma_wait3A_123 = tpu.memref_squeeze %dma_wait3A_122 : memref<1x128xi32, #tpu.memory_space<vmem>> -> memref<128xi32, #tpu.memory_space<vmem>>
        %dma_wait3A_124 = arith.constant 0 : i32
        %dma_wait3A_125 = arith.constant 0 : i32
        %dma_wait3A_126 = tpu.memref_slice %arg10[%dma_wait3A_124, %dma_wait3A_125] : memref<10240x128xf32, #tpu.memory_space<vmem_shared>> -> memref<10240x128xf32, #tpu.memory_space<vmem_shared>>
        tpu.wait_indirect_dma semaphore(%arg14 : memref<!tpu.dma_semaphore, #tpu.memory_space<semaphore_mem>>) src(%arg9 : memref<128x128xf32, #tpu.memory_space<vmem>>) dst(%dma_wait3A_126 : memref<10240x128xf32, #tpu.memory_space<vmem_shared>>)
      } else {
      }
      %add3A_79 = arith.constant 1 : i32
      %add3A_80 = arith.addi %mul3A_69, %add3A_79 : i32
      %dma_start3A_81 = arith.constant 0 : i32
      %dma_start3A_82 = tpu.memref_slice %arg6[%add3A_80, %dma_start3A_81] : memref<40x128xi32, #tpu.memory_space<vmem>> -> memref<1x128xi32, #tpu.memory_space<vmem>>
      %dma_start3A_83 = tpu.memref_squeeze %dma_start3A_82 : memref<1x128xi32, #tpu.memory_space<vmem>> -> memref<128xi32, #tpu.memory_space<vmem>>
      %dma_start3A_84 = arith.constant 0 : i32
      %dma_start3A_85 = arith.constant 0 : i32
      %dma_start3A_86 = tpu.memref_slice %arg4[%dma_start3A_84, %dma_start3A_85] : memref<10000x128xf32, #tpu.memory_space<hbm>> -> memref<10000x128xf32, #tpu.memory_space<hbm>>
      tpu.enqueue_indirect_dma source(%dma_start3A_86 : memref<10000x128xf32, #tpu.memory_space<hbm>>) target(%arg9 : memref<128x128xf32, #tpu.memory_space<vmem>>) offsets(%dma_start3A_83 : memref<128xi32, #tpu.memory_space<vmem>>) semaphore(%arg12 : memref<!tpu.dma_semaphore, #tpu.memory_space<semaphore_mem>>)
      %dma_start3A_87 = arith.constant 0 : i32
      %dma_start3A_88 = tpu.memref_slice %arg7[%mul3A_69, %dma_start3A_87] : memref<40x128xi32, #tpu.memory_space<vmem>> -> memref<1x128xi32, #tpu.memory_space<vmem>>
      %dma_start3A_89 = tpu.memref_squeeze %dma_start3A_88 : memref<1x128xi32, #tpu.memory_space<vmem>> -> memref<128xi32, #tpu.memory_space<vmem>>
      %dma_start3A_90 = arith.constant 0 : i32
      %dma_start3A_91 = arith.constant 0 : i32
      %dma_start3A_92 = tpu.memref_slice %arg10[%dma_start3A_90, %dma_start3A_91] : memref<10240x128xf32, #tpu.memory_space<vmem_shared>> -> memref<10240x128xf32, #tpu.memory_space<vmem_shared>>
      tpu.enqueue_indirect_dma source(%arg8 : memref<128x128xf32, #tpu.memory_space<vmem>>) target(%dma_start3A_92 : memref<10240x128xf32, #tpu.memory_space<vmem_shared>>) offsets(%dma_start3A_89 : memref<128xi32, #tpu.memory_space<vmem>>) semaphore(%arg13 : memref<!tpu.dma_semaphore, #tpu.memory_space<semaphore_mem>>) {add = true}
      %dma_wait3A_93 = arith.constant 0 : i32
      %dma_wait3A_94 = arith.constant 0 : i32
      %dma_wait3A_95 = tpu.memref_slice %arg6[%dma_wait3A_93, %dma_wait3A_94] : memref<40x128xi32, #tpu.memory_space<vmem>> -> memref<1x128xi32, #tpu.memory_space<vmem>>
      %dma_wait3A_96 = tpu.memref_squeeze %dma_wait3A_95 : memref<1x128xi32, #tpu.memory_space<vmem>> -> memref<128xi32, #tpu.memory_space<vmem>>
      %dma_wait3A_97 = arith.constant 0 : i32
      %dma_wait3A_98 = arith.constant 0 : i32
      %dma_wait3A_99 = tpu.memref_slice %arg4[%dma_wait3A_97, %dma_wait3A_98] : memref<10000x128xf32, #tpu.memory_space<hbm>> -> memref<10000x128xf32, #tpu.memory_space<hbm>>
      tpu.wait_indirect_dma semaphore(%arg12 : memref<!tpu.dma_semaphore, #tpu.memory_space<semaphore_mem>>) src(%dma_wait3A_99 : memref<10000x128xf32, #tpu.memory_space<hbm>>) dst(%arg9 : memref<128x128xf32, #tpu.memory_space<vmem>>)
      %dma_wait3A_100 = arith.constant 0 : i32
      %dma_wait3A_101 = arith.constant 0 : i32
      %dma_wait3A_102 = tpu.memref_slice %arg7[%dma_wait3A_100, %dma_wait3A_101] : memref<40x128xi32, #tpu.memory_space<vmem>> -> memref<1x128xi32, #tpu.memory_space<vmem>>
      %dma_wait3A_103 = tpu.memref_squeeze %dma_wait3A_102 : memref<1x128xi32, #tpu.memory_space<vmem>> -> memref<128xi32, #tpu.memory_space<vmem>>
      %dma_wait3A_104 = arith.constant 0 : i32
      %dma_wait3A_105 = arith.constant 0 : i32
      %dma_wait3A_106 = tpu.memref_slice %arg10[%dma_wait3A_104, %dma_wait3A_105] : memref<10240x128xf32, #tpu.memory_space<vmem_shared>> -> memref<10240x128xf32, #tpu.memory_space<vmem_shared>>
      tpu.wait_indirect_dma semaphore(%arg13 : memref<!tpu.dma_semaphore, #tpu.memory_space<semaphore_mem>>) src(%arg8 : memref<128x128xf32, #tpu.memory_space<vmem>>) dst(%dma_wait3A_106 : memref<10240x128xf32, #tpu.memory_space<vmem_shared>>)
      %lt3A = arith.constant 19 : i32
      %lt3A_107 = arith.cmpi slt, %scan3A_66, %lt3A : i32
      %convert_element_type3A_108 = arith.extui %lt3A_107 : i1 to i32
      %cond3A_109 = arith.constant 0 : i32
      %cond3A_110 = arith.cmpi ne, %convert_element_type3A_108, %cond3A_109 : i32
      scf.if %cond3A_110 {
        %add3A_120 = arith.constant 2 : i32
        %add3A_121 = arith.addi %mul3A_69, %add3A_120 : i32
        %dma_start3A_122 = arith.constant 0 : i32
        %dma_start3A_123 = tpu.memref_slice %arg6[%add3A_121, %dma_start3A_122] : memref<40x128xi32, #tpu.memory_space<vmem>> -> memref<1x128xi32, #tpu.memory_space<vmem>>
        %dma_start3A_124 = tpu.memref_squeeze %dma_start3A_123 : memref<1x128xi32, #tpu.memory_space<vmem>> -> memref<128xi32, #tpu.memory_space<vmem>>
        %dma_start3A_125 = arith.constant 0 : i32
        %dma_start3A_126 = arith.constant 0 : i32
        %dma_start3A_127 = tpu.memref_slice %arg4[%dma_start3A_125, %dma_start3A_126] : memref<10000x128xf32, #tpu.memory_space<hbm>> -> memref<10000x128xf32, #tpu.memory_space<hbm>>
        tpu.enqueue_indirect_dma source(%dma_start3A_127 : memref<10000x128xf32, #tpu.memory_space<hbm>>) target(%arg8 : memref<128x128xf32, #tpu.memory_space<vmem>>) offsets(%dma_start3A_124 : memref<128xi32, #tpu.memory_space<vmem>>) semaphore(%arg11 : memref<!tpu.dma_semaphore, #tpu.memory_space<semaphore_mem>>)
      } else {
      }
      %add3A_111 = arith.constant 1 : i32
      %add3A_112 = arith.addi %mul3A_69, %add3A_111 : i32
      %dma_start3A_113 = arith.constant 0 : i32
      %dma_start3A_114 = tpu.memref_slice %arg7[%add3A_112, %dma_start3A_113] : memref<40x128xi32, #tpu.memory_space<vmem>> -> memref<1x128xi32, #tpu.memory_space<vmem>>
      %dma_start3A_115 = tpu.memref_squeeze %dma_start3A_114 : memref<1x128xi32, #tpu.memory_space<vmem>> -> memref<128xi32, #tpu.memory_space<vmem>>
      %dma_start3A_116 = arith.constant 0 : i32
      %dma_start3A_117 = arith.constant 0 : i32
      %dma_start3A_118 = tpu.memref_slice %arg10[%dma_start3A_116, %dma_start3A_117] : memref<10240x128xf32, #tpu.memory_space<vmem_shared>> -> memref<10240x128xf32, #tpu.memory_space<vmem_shared>>
      tpu.enqueue_indirect_dma source(%arg9 : memref<128x128xf32, #tpu.memory_space<vmem>>) target(%dma_start3A_118 : memref<10240x128xf32, #tpu.memory_space<vmem_shared>>) offsets(%dma_start3A_115 : memref<128xi32, #tpu.memory_space<vmem>>) semaphore(%arg14 : memref<!tpu.dma_semaphore, #tpu.memory_space<semaphore_mem>>) {add = true}
      %scan3A_119 = arith.constant 0 : i32
      scf.yield %scan3A_119 : i32
    }
    %scan3A_57 = arith.constant 20 : i32
    %dma_wait3A_58 = arith.constant 0 : i32
    %dma_wait3A_59 = arith.constant 0 : i32
    %dma_wait3A_60 = tpu.memref_slice %arg7[%dma_wait3A_58, %dma_wait3A_59] : memref<40x128xi32, #tpu.memory_space<vmem>> -> memref<1x128xi32, #tpu.memory_space<vmem>>
    %dma_wait3A_61 = tpu.memref_squeeze %dma_wait3A_60 : memref<1x128xi32, #tpu.memory_space<vmem>> -> memref<128xi32, #tpu.memory_space<vmem>>
    %dma_wait3A_62 = arith.constant 0 : i32
    %dma_wait3A_63 = arith.constant 0 : i32
    %dma_wait3A_64 = tpu.memref_slice %arg10[%dma_wait3A_62, %dma_wait3A_63] : memref<10240x128xf32, #tpu.memory_space<vmem_shared>> -> memref<10240x128xf32, #tpu.memory_space<vmem_shared>>
    tpu.wait_indirect_dma semaphore(%arg14 : memref<!tpu.dma_semaphore, #tpu.memory_space<semaphore_mem>>) src(%arg9 : memref<128x128xf32, #tpu.memory_space<vmem>>) dst(%dma_wait3A_64 : memref<10240x128xf32, #tpu.memory_space<vmem_shared>>)
    "tpu.trace_stop"() : () -> ()
    "tpu.trace_start"() <{level = 10 : i32, message = "agg_out"}> : () -> ()
    %barrier3A_65 = arith.constant 0 : index
    tpu.barrier barrier_id(%barrier3A_65)
    "tpu.region"() ({
      %run_scoped3A = tpu.sem_alloc : memref<!tpu.dma_semaphore, #tpu.memory_space<semaphore_mem>>
      %dma_start3A_66 = arith.constant 0 : i32
      %dma_start3A_67 = tpu.memref_slice %arg5[%arg0, %multiple_of3A, %dma_start3A_66] : memref<2x10240x128xf32, #tpu.memory_space<hbm>> -> memref<1x640x128xf32, #tpu.memory_space<hbm>>
      %dma_start3A_68 = tpu.memref_squeeze %dma_start3A_67 : memref<1x640x128xf32, #tpu.memory_space<hbm>> -> memref<640x128xf32, #tpu.memory_space<hbm>>
      %dma_start3A_69 = arith.constant 0 : i32
      %dma_start3A_70 = tpu.memref_slice %arg10[%multiple_of3A, %dma_start3A_69] : memref<10240x128xf32, #tpu.memory_space<vmem_shared>> -> memref<640x128xf32, #tpu.memory_space<vmem_shared>>
      tpu.enqueue_dma source(%dma_start3A_70 : memref<640x128xf32, #tpu.memory_space<vmem_shared>>) target(%dma_start3A_68 : memref<640x128xf32, #tpu.memory_space<hbm>>) target_semaphore(%run_scoped3A : memref<!tpu.dma_semaphore, #tpu.memory_space<semaphore_mem>>)
      %dma_wait3A_71 = arith.constant 0 : i32
      %dma_wait3A_72 = tpu.memref_slice %arg5[%arg0, %multiple_of3A, %dma_wait3A_71] : memref<2x10240x128xf32, #tpu.memory_space<hbm>> -> memref<1x640x128xf32, #tpu.memory_space<hbm>>
      %dma_wait3A_73 = tpu.memref_squeeze %dma_wait3A_72 : memref<1x640x128xf32, #tpu.memory_space<hbm>> -> memref<640x128xf32, #tpu.memory_space<hbm>>
      %dma_wait3A_74 = arith.constant 0 : i32
      %dma_wait3A_75 = tpu.memref_slice %arg10[%multiple_of3A, %dma_wait3A_74] : memref<10240x128xf32, #tpu.memory_space<vmem_shared>> -> memref<640x128xf32, #tpu.memory_space<vmem_shared>>
      tpu.wait_dma2 semaphore(%run_scoped3A : memref<!tpu.dma_semaphore, #tpu.memory_space<semaphore_mem>>) src(%dma_wait3A_75 : memref<640x128xf32, #tpu.memory_space<vmem_shared>>) dst(%dma_wait3A_73 : memref<640x128xf32, #tpu.memory_space<hbm>>)
      tpu.yield
    }) : () -> ()
    "tpu.trace_stop"() : () -> ()
    return
  }
}

#map = affine_map<(d0, d1) -> (0, 0)>
#map1 = affine_map<(d0, d1) -> (0, 0, 0)>
module attributes {stable_mosaic.version = 14 : i64} {
  func.func @_sc_agg_dual_body(%arg0: i32, %arg1: i32, %arg2: memref<2560x128xi32, #tpu.memory_space<hbm>>, %arg3: memref<2560x128xi32, #tpu.memory_space<hbm>>, %arg4: memref<10000x128xf32, #tpu.memory_space<hbm>>, %arg5: memref<10000x128xf32, #tpu.memory_space<hbm>>, %arg6: memref<2x10240x128xf32, #tpu.memory_space<hbm>>, %arg7: memref<40x128xi32, #tpu.memory_space<vmem>>, %arg8: memref<40x128xi32, #tpu.memory_space<vmem>>, %arg9: memref<128x128xf32, #tpu.memory_space<vmem>>, %arg10: memref<128x128xf32, #tpu.memory_space<vmem>>, %arg11: memref<10240x128xf32, #tpu.memory_space<vmem_shared>>, %arg12: memref<!tpu.dma_semaphore, #tpu.memory_space<semaphore_mem>>, %arg13: memref<!tpu.dma_semaphore, #tpu.memory_space<semaphore_mem>>, %arg14: memref<!tpu.dma_semaphore, #tpu.memory_space<semaphore_mem>>, %arg15: memref<!tpu.dma_semaphore, #tpu.memory_space<semaphore_mem>>) attributes {dimension_semantics = [#tpu.dimension_semantics<core_parallel>, #tpu.dimension_semantics<subcore_parallel>], iteration_bounds = array<i64: 2, 16>, scalar_prefetch = 0 : i64, scratch_operands = 9 : i64, tpu.core_type = #tpu.core_type<sc_vector_subcore>, window_params = [{transform_indices = #map}, {transform_indices = #map}, {transform_indices = #map}, {transform_indices = #map}, {transform_indices = #map1}]} {
    %broadcast_in_dim3A = arith.constant 0.000000e+00 : f32
    "tpu.trace_start"() <{level = 10 : i32, message = "agg_zero"}> : () -> ()
    %broadcast_in_dim3A_0 = vector.broadcast %broadcast_in_dim3A : f32 to vector<16xf32>
    %scan3A = arith.constant 0 : i32
    %scan3A_1 = arith.constant 0 : i32
    %scan3A_2 = arith.constant 1024 : i32
    %scan3A_3 = arith.addi %scan3A_1, %scan3A_2 : i32
    %scan3A_4 = arith.constant 1 : i32
    %scan3A_5 = scf.for %scan3A_25 = %scan3A_1 to %scan3A_3 step %scan3A_4 iter_args(%scan3A_26 = %scan3A) -> (i32)  : i32 {
      %jit3A = arith.constant 8 : i32
      %div3A = arith.divsi %scan3A_25, %jit3A : i32
      %sign3A = arith.constant 0 : i32
      %sign3A_27 = arith.cmpi sgt, %scan3A_25, %sign3A : i32
      %sign3A_28 = arith.extui %sign3A_27 : i1 to i32
      %sign3A_29 = arith.constant 0 : i32
      %sign3A_30 = arith.cmpi slt, %scan3A_25, %sign3A_29 : i32
      %sign3A_31 = arith.extui %sign3A_30 : i1 to i32
      %sign3A_32 = arith.subi %sign3A_28, %sign3A_31 : i32
      %sign3A_33 = arith.constant 0 : i32
      %sign3A_34 = arith.cmpi sgt, %jit3A, %sign3A_33 : i32
      %sign3A_35 = arith.extui %sign3A_34 : i1 to i32
      %sign3A_36 = arith.constant 0 : i32
      %sign3A_37 = arith.cmpi slt, %jit3A, %sign3A_36 : i32
      %sign3A_38 = arith.extui %sign3A_37 : i1 to i32
      %sign3A_39 = arith.subi %sign3A_35, %sign3A_38 : i32
      %ne3A = arith.cmpi ne, %sign3A_32, %sign3A_39 : i32
      %rem3A = arith.remsi %scan3A_25, %jit3A : i32
      %ne3A_40 = arith.constant 0 : i32
      %ne3A_41 = arith.cmpi ne, %rem3A, %ne3A_40 : i32
      %and3A = arith.andi %ne3A, %ne3A_41 : i1
      %sub3A = arith.constant 1 : i32
      %sub3A_42 = arith.subi %div3A, %sub3A : i32
      %select_n3A = arith.select %and3A, %sub3A_42, %div3A : i32
      %jit3A_43 = arith.constant 8 : i32
      %eq3A_44 = arith.constant 0 : i32
      %eq3A_45 = arith.cmpi eq, %jit3A_43, %eq3A_44 : i32
      %jit3A_46 = arith.constant 1 : i32
      %select_n3A_47 = arith.select %eq3A_45, %jit3A_46, %jit3A_43 : i32
      %rem3A_48 = arith.remsi %scan3A_25, %select_n3A_47 : i32
      %ne3A_49 = arith.constant 0 : i32
      %ne3A_50 = arith.cmpi ne, %rem3A_48, %ne3A_49 : i32
      %lt3A = arith.constant 0 : i32
      %lt3A_51 = arith.cmpi slt, %rem3A_48, %lt3A : i32
      %lt3A_52 = arith.constant 0 : i32
      %lt3A_53 = arith.cmpi slt, %select_n3A_47, %lt3A_52 : i32
      %ne3A_54 = arith.xori %lt3A_51, %lt3A_53 : i1
      %and3A_55 = arith.andi %ne3A_54, %ne3A_50 : i1
      %add3A = arith.addi %rem3A_48, %select_n3A_47 : i32
      %select_n3A_56 = arith.select %and3A_55, %add3A, %rem3A_48 : i32
      %mul3A_57 = arith.constant 16 : i32
      %mul3A_58 = arith.muli %select_n3A_56, %mul3A_57 : i32
      %multiple_of3A_59 = tpu.assume_multiple %mul3A_58, 16 : i32
      %swap3A = arith.index_cast %select_n3A : i32 to index
      %swap3A_60 = arith.index_cast %multiple_of3A_59 : i32 to index
      %swap3A_61 = tpu.vector_load %arg9[%swap3A, %swap3A_60] {strides = array<i32>} : memref<128x128xf32, #tpu.memory_space<vmem>>, vector<16xf32>,
      tpu.vector_store %arg9[%swap3A, %swap3A_60], %broadcast_in_dim3A_0 {strides = array<i32>} : memref<128x128xf32, #tpu.memory_space<vmem>>, vector<16xf32>,
      %scan3A_62 = arith.constant 0 : i32
      scf.yield %scan3A_62 : i32
    }
    %scan3A_6 = arith.constant 1024 : i32
    %mul3A = arith.constant 640 : i32
    %mul3A_7 = arith.muli %arg1, %mul3A : i32
    %multiple_of3A = tpu.assume_multiple %mul3A_7, 8 : i32
    %scan3A_8 = arith.constant 0 : i32
    %scan3A_9 = arith.constant 0 : i32
    %scan3A_10 = arith.constant 5 : i32
    %scan3A_11 = arith.addi %scan3A_9, %scan3A_10 : i32
    %scan3A_12 = arith.constant 1 : i32
    %scan3A_13 = scf.for %scan3A_25 = %scan3A_9 to %scan3A_11 step %scan3A_12 iter_args(%scan3A_26 = %scan3A_8) -> (i32)  : i32 {
      %mul3A_27 = arith.constant 128 : i32
      %mul3A_28 = arith.muli %scan3A_25, %mul3A_27 : i32
      %add3A = arith.addi %multiple_of3A, %mul3A_28 : i32
      "tpu.region"() ({
        %run_scoped3A = tpu.sem_alloc : memref<!tpu.dma_semaphore, #tpu.memory_space<semaphore_mem>>
        %dma_start3A = arith.constant 0 : i32
        %dma_start3A_30 = tpu.memref_slice %arg11[%add3A, %dma_start3A] : memref<10240x128xf32, #tpu.memory_space<vmem_shared>> -> memref<128x128xf32, #tpu.memory_space<vmem_shared>>
        %dma_start3A_31 = arith.constant 0 : i32
        %dma_start3A_32 = tpu.memref_slice %arg11[%add3A, %dma_start3A_31] : memref<10240x128xf32, #tpu.memory_space<vmem_shared>> -> memref<128x128xf32, #tpu.memory_space<vmem_shared>>
        tpu.enqueue_dma source(%arg9 : memref<128x128xf32, #tpu.memory_space<vmem>>) target(%dma_start3A_32 : memref<128x128xf32, #tpu.memory_space<vmem_shared>>) target_semaphore(%run_scoped3A : memref<!tpu.dma_semaphore, #tpu.memory_space<semaphore_mem>>)
        %dma_wait3A = arith.constant 0 : i32
        %dma_wait3A_33 = tpu.memref_slice %arg11[%add3A, %dma_wait3A] : memref<10240x128xf32, #tpu.memory_space<vmem_shared>> -> memref<128x128xf32, #tpu.memory_space<vmem_shared>>
        %dma_wait3A_34 = arith.constant 0 : i32
        %dma_wait3A_35 = tpu.memref_slice %arg11[%add3A, %dma_wait3A_34] : memref<10240x128xf32, #tpu.memory_space<vmem_shared>> -> memref<128x128xf32, #tpu.memory_space<vmem_shared>>
        tpu.wait_dma2 semaphore(%run_scoped3A : memref<!tpu.dma_semaphore, #tpu.memory_space<semaphore_mem>>) src(%arg9 : memref<128x128xf32, #tpu.memory_space<vmem>>) dst(%dma_wait3A_35 : memref<128x128xf32, #tpu.memory_space<vmem_shared>>)
        tpu.yield
      }) : () -> ()
      %scan3A_29 = arith.constant 0 : i32
      scf.yield %scan3A_29 : i32
    }
    %scan3A_14 = arith.constant 5 : i32
    %barrier3A = arith.constant 0 : index
    tpu.barrier barrier_id(%barrier3A)
    "tpu.trace_stop"() : () -> ()
    "tpu.trace_start"() <{level = 10 : i32, message = "agg_pipe"}> : () -> ()
    %mul3A_15 = arith.constant 160 : i32
    %mul3A_16 = arith.muli %arg1, %mul3A_15 : i32
    %eq3A = arith.constant 0 : i32
    %eq3A_17 = arith.cmpi eq, %arg0, %eq3A : i32
    %convert_element_type3A = arith.extui %eq3A_17 : i1 to i32
    %cond3A = arith.constant 0 : i32
    %cond3A_18 = arith.cmpi ne, %convert_element_type3A, %cond3A : i32
    scf.if %cond3A_18 {
      %add3A = arith.constant 0 : i32
      %add3A_25 = arith.addi %mul3A_16, %add3A : i32
      %multiple_of3A_26 = tpu.assume_multiple %add3A_25, 8 : i32
      "tpu.region"() ({
        %run_scoped3A = tpu.sem_alloc : memref<!tpu.dma_semaphore, #tpu.memory_space<semaphore_mem>>
        %dma_start3A_118 = arith.constant 0 : i32
        %dma_start3A_119 = tpu.memref_slice %arg2[%multiple_of3A_26, %dma_start3A_118] : memref<2560x128xi32, #tpu.memory_space<hbm>> -> memref<40x128xi32, #tpu.memory_space<hbm>>
        %dma_start3A_120 = arith.constant 0 : i32
        %dma_start3A_121 = tpu.memref_slice %arg2[%multiple_of3A_26, %dma_start3A_120] : memref<2560x128xi32, #tpu.memory_space<hbm>> -> memref<40x128xi32, #tpu.memory_space<hbm>>
        tpu.enqueue_dma source(%dma_start3A_121 : memref<40x128xi32, #tpu.memory_space<hbm>>) target(%arg7 : memref<40x128xi32, #tpu.memory_space<vmem>>) target_semaphore(%run_scoped3A : memref<!tpu.dma_semaphore, #tpu.memory_space<semaphore_mem>>)
        %dma_wait3A_122 = arith.constant 0 : i32
        %dma_wait3A_123 = tpu.memref_slice %arg2[%multiple_of3A_26, %dma_wait3A_122] : memref<2560x128xi32, #tpu.memory_space<hbm>> -> memref<40x128xi32, #tpu.memory_space<hbm>>
        %dma_wait3A_124 = arith.constant 0 : i32
        %dma_wait3A_125 = tpu.memref_slice %arg2[%multiple_of3A_26, %dma_wait3A_124] : memref<2560x128xi32, #tpu.memory_space<hbm>> -> memref<40x128xi32, #tpu.memory_space<hbm>>
        tpu.wait_dma2 semaphore(%run_scoped3A : memref<!tpu.dma_semaphore, #tpu.memory_space<semaphore_mem>>) src(%dma_wait3A_125 : memref<40x128xi32, #tpu.memory_space<hbm>>) dst(%arg7 : memref<40x128xi32, #tpu.memory_space<vmem>>)
        tpu.yield
      }) : () -> ()
      "tpu.region"() ({
        %run_scoped3A = tpu.sem_alloc : memref<!tpu.dma_semaphore, #tpu.memory_space<semaphore_mem>>
        %dma_start3A_118 = arith.constant 0 : i32
        %dma_start3A_119 = tpu.memref_slice %arg3[%multiple_of3A_26, %dma_start3A_118] : memref<2560x128xi32, #tpu.memory_space<hbm>> -> memref<40x128xi32, #tpu.memory_space<hbm>>
        %dma_start3A_120 = arith.constant 0 : i32
        %dma_start3A_121 = tpu.memref_slice %arg3[%multiple_of3A_26, %dma_start3A_120] : memref<2560x128xi32, #tpu.memory_space<hbm>> -> memref<40x128xi32, #tpu.memory_space<hbm>>
        tpu.enqueue_dma source(%dma_start3A_121 : memref<40x128xi32, #tpu.memory_space<hbm>>) target(%arg8 : memref<40x128xi32, #tpu.memory_space<vmem>>) target_semaphore(%run_scoped3A : memref<!tpu.dma_semaphore, #tpu.memory_space<semaphore_mem>>)
        %dma_wait3A_122 = arith.constant 0 : i32
        %dma_wait3A_123 = tpu.memref_slice %arg3[%multiple_of3A_26, %dma_wait3A_122] : memref<2560x128xi32, #tpu.memory_space<hbm>> -> memref<40x128xi32, #tpu.memory_space<hbm>>
        %dma_wait3A_124 = arith.constant 0 : i32
        %dma_wait3A_125 = tpu.memref_slice %arg3[%multiple_of3A_26, %dma_wait3A_124] : memref<2560x128xi32, #tpu.memory_space<hbm>> -> memref<40x128xi32, #tpu.memory_space<hbm>>
        tpu.wait_dma2 semaphore(%run_scoped3A : memref<!tpu.dma_semaphore, #tpu.memory_space<semaphore_mem>>) src(%dma_wait3A_125 : memref<40x128xi32, #tpu.memory_space<hbm>>) dst(%arg8 : memref<40x128xi32, #tpu.memory_space<vmem>>)
        tpu.yield
      }) : () -> ()
      %dma_start3A = arith.constant 0 : i32
      %dma_start3A_27 = arith.constant 0 : i32
      %dma_start3A_28 = tpu.memref_slice %arg7[%dma_start3A, %dma_start3A_27] : memref<40x128xi32, #tpu.memory_space<vmem>> -> memref<1x128xi32, #tpu.memory_space<vmem>>
      %dma_start3A_29 = tpu.memref_squeeze %dma_start3A_28 : memref<1x128xi32, #tpu.memory_space<vmem>> -> memref<128xi32, #tpu.memory_space<vmem>>
      %dma_start3A_30 = arith.constant 0 : i32
      %dma_start3A_31 = arith.constant 0 : i32
      %dma_start3A_32 = tpu.memref_slice %arg4[%dma_start3A_30, %dma_start3A_31] : memref<10000x128xf32, #tpu.memory_space<hbm>> -> memref<10000x128xf32, #tpu.memory_space<hbm>>
      tpu.enqueue_indirect_dma source(%dma_start3A_32 : memref<10000x128xf32, #tpu.memory_space<hbm>>) target(%arg9 : memref<128x128xf32, #tpu.memory_space<vmem>>) offsets(%dma_start3A_29 : memref<128xi32, #tpu.memory_space<vmem>>) semaphore(%arg12 : memref<!tpu.dma_semaphore, #tpu.memory_space<semaphore_mem>>)
      %scan3A_33 = arith.constant 0 : i32
      %scan3A_34 = arith.constant 0 : i32
      %scan3A_35 = arith.constant 20 : i32
      %scan3A_36 = arith.addi %scan3A_34, %scan3A_35 : i32
      %scan3A_37 = arith.constant 1 : i32
      %scan3A_38 = scf.for %scan3A_118 = %scan3A_34 to %scan3A_36 step %scan3A_37 iter_args(%scan3A_119 = %scan3A_33) -> (i32)  : i32 {
        %mul3A_120 = arith.constant 2 : i32
        %mul3A_121 = arith.muli %scan3A_118, %mul3A_120 : i32
        %dma_wait3A_122 = arith.constant 0 : i32
        %dma_wait3A_123 = arith.constant 0 : i32
        %dma_wait3A_124 = tpu.memref_slice %arg7[%dma_wait3A_122, %dma_wait3A_123] : memref<40x128xi32, #tpu.memory_space<vmem>> -> memref<1x128xi32, #tpu.memory_space<vmem>>
        %dma_wait3A_125 = tpu.memref_squeeze %dma_wait3A_124 : memref<1x128xi32, #tpu.memory_space<vmem>> -> memref<128xi32, #tpu.memory_space<vmem>>
        %dma_wait3A_126 = arith.constant 0 : i32
        %dma_wait3A_127 = arith.constant 0 : i32
        %dma_wait3A_128 = tpu.memref_slice %arg4[%dma_wait3A_126, %dma_wait3A_127] : memref<10000x128xf32, #tpu.memory_space<hbm>> -> memref<10000x128xf32, #tpu.memory_space<hbm>>
        tpu.wait_indirect_dma semaphore(%arg12 : memref<!tpu.dma_semaphore, #tpu.memory_space<semaphore_mem>>) src(%dma_wait3A_128 : memref<10000x128xf32, #tpu.memory_space<hbm>>) dst(%arg9 : memref<128x128xf32, #tpu.memory_space<vmem>>)
        %gt3A = arith.constant 0 : i32
        %gt3A_129 = arith.cmpi sgt, %scan3A_118, %gt3A : i32
        %convert_element_type3A_130 = arith.extui %gt3A_129 : i1 to i32
        %cond3A_131 = arith.constant 0 : i32
        %cond3A_132 = arith.cmpi ne, %convert_element_type3A_130, %cond3A_131 : i32
        scf.if %cond3A_132 {
          %dma_wait3A_174 = arith.constant 0 : i32
          %dma_wait3A_175 = arith.constant 0 : i32
          %dma_wait3A_176 = tpu.memref_slice %arg8[%dma_wait3A_174, %dma_wait3A_175] : memref<40x128xi32, #tpu.memory_space<vmem>> -> memref<1x128xi32, #tpu.memory_space<vmem>>
          %dma_wait3A_177 = tpu.memref_squeeze %dma_wait3A_176 : memref<1x128xi32, #tpu.memory_space<vmem>> -> memref<128xi32, #tpu.memory_space<vmem>>
          %dma_wait3A_178 = arith.constant 0 : i32
          %dma_wait3A_179 = arith.constant 0 : i32
          %dma_wait3A_180 = tpu.memref_slice %arg11[%dma_wait3A_178, %dma_wait3A_179] : memref<10240x128xf32, #tpu.memory_space<vmem_shared>> -> memref<10240x128xf32, #tpu.memory_space<vmem_shared>>
          tpu.wait_indirect_dma semaphore(%arg15 : memref<!tpu.dma_semaphore, #tpu.memory_space<semaphore_mem>>) src(%arg10 : memref<128x128xf32, #tpu.memory_space<vmem>>) dst(%dma_wait3A_180 : memref<10240x128xf32, #tpu.memory_space<vmem_shared>>)
        } else {
        }
        %add3A_133 = arith.constant 1 : i32
        %add3A_134 = arith.addi %mul3A_121, %add3A_133 : i32
        %dma_start3A_135 = arith.constant 0 : i32
        %dma_start3A_136 = tpu.memref_slice %arg7[%add3A_134, %dma_start3A_135] : memref<40x128xi32, #tpu.memory_space<vmem>> -> memref<1x128xi32, #tpu.memory_space<vmem>>
        %dma_start3A_137 = tpu.memref_squeeze %dma_start3A_136 : memref<1x128xi32, #tpu.memory_space<vmem>> -> memref<128xi32, #tpu.memory_space<vmem>>
        %dma_start3A_138 = arith.constant 0 : i32
        %dma_start3A_139 = arith.constant 0 : i32
        %dma_start3A_140 = tpu.memref_slice %arg4[%dma_start3A_138, %dma_start3A_139] : memref<10000x128xf32, #tpu.memory_space<hbm>> -> memref<10000x128xf32, #tpu.memory_space<hbm>>
        tpu.enqueue_indirect_dma source(%dma_start3A_140 : memref<10000x128xf32, #tpu.memory_space<hbm>>) target(%arg10 : memref<128x128xf32, #tpu.memory_space<vmem>>) offsets(%dma_start3A_137 : memref<128xi32, #tpu.memory_space<vmem>>) semaphore(%arg13 : memref<!tpu.dma_semaphore, #tpu.memory_space<semaphore_mem>>)
        %dma_start3A_141 = arith.constant 0 : i32
        %dma_start3A_142 = tpu.memref_slice %arg8[%mul3A_121, %dma_start3A_141] : memref<40x128xi32, #tpu.memory_space<vmem>> -> memref<1x128xi32, #tpu.memory_space<vmem>>
        %dma_start3A_143 = tpu.memref_squeeze %dma_start3A_142 : memref<1x128xi32, #tpu.memory_space<vmem>> -> memref<128xi32, #tpu.memory_space<vmem>>
        %dma_start3A_144 = arith.constant 0 : i32
        %dma_start3A_145 = arith.constant 0 : i32
        %dma_start3A_146 = tpu.memref_slice %arg11[%dma_start3A_144, %dma_start3A_145] : memref<10240x128xf32, #tpu.memory_space<vmem_shared>> -> memref<10240x128xf32, #tpu.memory_space<vmem_shared>>
        tpu.enqueue_indirect_dma source(%arg9 : memref<128x128xf32, #tpu.memory_space<vmem>>) target(%dma_start3A_146 : memref<10240x128xf32, #tpu.memory_space<vmem_shared>>) offsets(%dma_start3A_143 : memref<128xi32, #tpu.memory_space<vmem>>) semaphore(%arg14 : memref<!tpu.dma_semaphore, #tpu.memory_space<semaphore_mem>>) {add = true}
        %dma_wait3A_147 = arith.constant 0 : i32
        %dma_wait3A_148 = arith.constant 0 : i32
        %dma_wait3A_149 = tpu.memref_slice %arg7[%dma_wait3A_147, %dma_wait3A_148] : memref<40x128xi32, #tpu.memory_space<vmem>> -> memref<1x128xi32, #tpu.memory_space<vmem>>
        %dma_wait3A_150 = tpu.memref_squeeze %dma_wait3A_149 : memref<1x128xi32, #tpu.memory_space<vmem>> -> memref<128xi32, #tpu.memory_space<vmem>>
        %dma_wait3A_151 = arith.constant 0 : i32
        %dma_wait3A_152 = arith.constant 0 : i32
        %dma_wait3A_153 = tpu.memref_slice %arg4[%dma_wait3A_151, %dma_wait3A_152] : memref<10000x128xf32, #tpu.memory_space<hbm>> -> memref<10000x128xf32, #tpu.memory_space<hbm>>
        tpu.wait_indirect_dma semaphore(%arg13 : memref<!tpu.dma_semaphore, #tpu.memory_space<semaphore_mem>>) src(%dma_wait3A_153 : memref<10000x128xf32, #tpu.memory_space<hbm>>) dst(%arg10 : memref<128x128xf32, #tpu.memory_space<vmem>>)
        %dma_wait3A_154 = arith.constant 0 : i32
        %dma_wait3A_155 = arith.constant 0 : i32
        %dma_wait3A_156 = tpu.memref_slice %arg8[%dma_wait3A_154, %dma_wait3A_155] : memref<40x128xi32, #tpu.memory_space<vmem>> -> memref<1x128xi32, #tpu.memory_space<vmem>>
        %dma_wait3A_157 = tpu.memref_squeeze %dma_wait3A_156 : memref<1x128xi32, #tpu.memory_space<vmem>> -> memref<128xi32, #tpu.memory_space<vmem>>
        %dma_wait3A_158 = arith.constant 0 : i32
        %dma_wait3A_159 = arith.constant 0 : i32
        %dma_wait3A_160 = tpu.memref_slice %arg11[%dma_wait3A_158, %dma_wait3A_159] : memref<10240x128xf32, #tpu.memory_space<vmem_shared>> -> memref<10240x128xf32, #tpu.memory_space<vmem_shared>>
        tpu.wait_indirect_dma semaphore(%arg14 : memref<!tpu.dma_semaphore, #tpu.memory_space<semaphore_mem>>) src(%arg9 : memref<128x128xf32, #tpu.memory_space<vmem>>) dst(%dma_wait3A_160 : memref<10240x128xf32, #tpu.memory_space<vmem_shared>>)
        %lt3A = arith.constant 19 : i32
        %lt3A_161 = arith.cmpi slt, %scan3A_118, %lt3A : i32
        %convert_element_type3A_162 = arith.extui %lt3A_161 : i1 to i32
        %cond3A_163 = arith.constant 0 : i32
        %cond3A_164 = arith.cmpi ne, %convert_element_type3A_162, %cond3A_163 : i32
        scf.if %cond3A_164 {
          %add3A_174 = arith.constant 2 : i32
          %add3A_175 = arith.addi %mul3A_121, %add3A_174 : i32
          %dma_start3A_176 = arith.constant 0 : i32
          %dma_start3A_177 = tpu.memref_slice %arg7[%add3A_175, %dma_start3A_176] : memref<40x128xi32, #tpu.memory_space<vmem>> -> memref<1x128xi32, #tpu.memory_space<vmem>>
          %dma_start3A_178 = tpu.memref_squeeze %dma_start3A_177 : memref<1x128xi32, #tpu.memory_space<vmem>> -> memref<128xi32, #tpu.memory_space<vmem>>
          %dma_start3A_179 = arith.constant 0 : i32
          %dma_start3A_180 = arith.constant 0 : i32
          %dma_start3A_181 = tpu.memref_slice %arg4[%dma_start3A_179, %dma_start3A_180] : memref<10000x128xf32, #tpu.memory_space<hbm>> -> memref<10000x128xf32, #tpu.memory_space<hbm>>
          tpu.enqueue_indirect_dma source(%dma_start3A_181 : memref<10000x128xf32, #tpu.memory_space<hbm>>) target(%arg9 : memref<128x128xf32, #tpu.memory_space<vmem>>) offsets(%dma_start3A_178 : memref<128xi32, #tpu.memory_space<vmem>>) semaphore(%arg12 : memref<!tpu.dma_semaphore, #tpu.memory_space<semaphore_mem>>)
        } else {
        }
        %add3A_165 = arith.constant 1 : i32
        %add3A_166 = arith.addi %mul3A_121, %add3A_165 : i32
        %dma_start3A_167 = arith.constant 0 : i32
        %dma_start3A_168 = tpu.memref_slice %arg8[%add3A_166, %dma_start3A_167] : memref<40x128xi32, #tpu.memory_space<vmem>> -> memref<1x128xi32, #tpu.memory_space<vmem>>
        %dma_start3A_169 = tpu.memref_squeeze %dma_start3A_168 : memref<1x128xi32, #tpu.memory_space<vmem>> -> memref<128xi32, #tpu.memory_space<vmem>>
        %dma_start3A_170 = arith.constant 0 : i32
        %dma_start3A_171 = arith.constant 0 : i32
        %dma_start3A_172 = tpu.memref_slice %arg11[%dma_start3A_170, %dma_start3A_171] : memref<10240x128xf32, #tpu.memory_space<vmem_shared>> -> memref<10240x128xf32, #tpu.memory_space<vmem_shared>>
        tpu.enqueue_indirect_dma source(%arg10 : memref<128x128xf32, #tpu.memory_space<vmem>>) target(%dma_start3A_172 : memref<10240x128xf32, #tpu.memory_space<vmem_shared>>) offsets(%dma_start3A_169 : memref<128xi32, #tpu.memory_space<vmem>>) semaphore(%arg15 : memref<!tpu.dma_semaphore, #tpu.memory_space<semaphore_mem>>) {add = true}
        %scan3A_173 = arith.constant 0 : i32
        scf.yield %scan3A_173 : i32
      }
      %scan3A_39 = arith.constant 20 : i32
      %dma_wait3A = arith.constant 0 : i32
      %dma_wait3A_40 = arith.constant 0 : i32
      %dma_wait3A_41 = tpu.memref_slice %arg8[%dma_wait3A, %dma_wait3A_40] : memref<40x128xi32, #tpu.memory_space<vmem>> -> memref<1x128xi32, #tpu.memory_space<vmem>>
      %dma_wait3A_42 = tpu.memref_squeeze %dma_wait3A_41 : memref<1x128xi32, #tpu.memory_space<vmem>> -> memref<128xi32, #tpu.memory_space<vmem>>
      %dma_wait3A_43 = arith.constant 0 : i32
      %dma_wait3A_44 = arith.constant 0 : i32
      %dma_wait3A_45 = tpu.memref_slice %arg11[%dma_wait3A_43, %dma_wait3A_44] : memref<10240x128xf32, #tpu.memory_space<vmem_shared>> -> memref<10240x128xf32, #tpu.memory_space<vmem_shared>>
      tpu.wait_indirect_dma semaphore(%arg15 : memref<!tpu.dma_semaphore, #tpu.memory_space<semaphore_mem>>) src(%arg10 : memref<128x128xf32, #tpu.memory_space<vmem>>) dst(%dma_wait3A_45 : memref<10240x128xf32, #tpu.memory_space<vmem_shared>>)
      %add3A_46 = arith.constant 40 : i32
      %add3A_47 = arith.addi %mul3A_16, %add3A_46 : i32
      %multiple_of3A_48 = tpu.assume_multiple %add3A_47, 8 : i32
      "tpu.region"() ({
        %run_scoped3A = tpu.sem_alloc : memref<!tpu.dma_semaphore, #tpu.memory_space<semaphore_mem>>
        %dma_start3A_118 = arith.constant 0 : i32
        %dma_start3A_119 = tpu.memref_slice %arg2[%multiple_of3A_48, %dma_start3A_118] : memref<2560x128xi32, #tpu.memory_space<hbm>> -> memref<40x128xi32, #tpu.memory_space<hbm>>
        %dma_start3A_120 = arith.constant 0 : i32
        %dma_start3A_121 = tpu.memref_slice %arg2[%multiple_of3A_48, %dma_start3A_120] : memref<2560x128xi32, #tpu.memory_space<hbm>> -> memref<40x128xi32, #tpu.memory_space<hbm>>
        tpu.enqueue_dma source(%dma_start3A_121 : memref<40x128xi32, #tpu.memory_space<hbm>>) target(%arg7 : memref<40x128xi32, #tpu.memory_space<vmem>>) target_semaphore(%run_scoped3A : memref<!tpu.dma_semaphore, #tpu.memory_space<semaphore_mem>>)
        %dma_wait3A_122 = arith.constant 0 : i32
        %dma_wait3A_123 = tpu.memref_slice %arg2[%multiple_of3A_48, %dma_wait3A_122] : memref<2560x128xi32, #tpu.memory_space<hbm>> -> memref<40x128xi32, #tpu.memory_space<hbm>>
        %dma_wait3A_124 = arith.constant 0 : i32
        %dma_wait3A_125 = tpu.memref_slice %arg2[%multiple_of3A_48, %dma_wait3A_124] : memref<2560x128xi32, #tpu.memory_space<hbm>> -> memref<40x128xi32, #tpu.memory_space<hbm>>
        tpu.wait_dma2 semaphore(%run_scoped3A : memref<!tpu.dma_semaphore, #tpu.memory_space<semaphore_mem>>) src(%dma_wait3A_125 : memref<40x128xi32, #tpu.memory_space<hbm>>) dst(%arg7 : memref<40x128xi32, #tpu.memory_space<vmem>>)
        tpu.yield
      }) : () -> ()
      "tpu.region"() ({
        %run_scoped3A = tpu.sem_alloc : memref<!tpu.dma_semaphore, #tpu.memory_space<semaphore_mem>>
        %dma_start3A_118 = arith.constant 0 : i32
        %dma_start3A_119 = tpu.memref_slice %arg3[%multiple_of3A_48, %dma_start3A_118] : memref<2560x128xi32, #tpu.memory_space<hbm>> -> memref<40x128xi32, #tpu.memory_space<hbm>>
        %dma_start3A_120 = arith.constant 0 : i32
        %dma_start3A_121 = tpu.memref_slice %arg3[%multiple_of3A_48, %dma_start3A_120] : memref<2560x128xi32, #tpu.memory_space<hbm>> -> memref<40x128xi32, #tpu.memory_space<hbm>>
        tpu.enqueue_dma source(%dma_start3A_121 : memref<40x128xi32, #tpu.memory_space<hbm>>) target(%arg8 : memref<40x128xi32, #tpu.memory_space<vmem>>) target_semaphore(%run_scoped3A : memref<!tpu.dma_semaphore, #tpu.memory_space<semaphore_mem>>)
        %dma_wait3A_122 = arith.constant 0 : i32
        %dma_wait3A_123 = tpu.memref_slice %arg3[%multiple_of3A_48, %dma_wait3A_122] : memref<2560x128xi32, #tpu.memory_space<hbm>> -> memref<40x128xi32, #tpu.memory_space<hbm>>
        %dma_wait3A_124 = arith.constant 0 : i32
        %dma_wait3A_125 = tpu.memref_slice %arg3[%multiple_of3A_48, %dma_wait3A_124] : memref<2560x128xi32, #tpu.memory_space<hbm>> -> memref<40x128xi32, #tpu.memory_space<hbm>>
        tpu.wait_dma2 semaphore(%run_scoped3A : memref<!tpu.dma_semaphore, #tpu.memory_space<semaphore_mem>>) src(%dma_wait3A_125 : memref<40x128xi32, #tpu.memory_space<hbm>>) dst(%arg8 : memref<40x128xi32, #tpu.memory_space<vmem>>)
        tpu.yield
      }) : () -> ()
      %dma_start3A_49 = arith.constant 0 : i32
      %dma_start3A_50 = arith.constant 0 : i32
      %dma_start3A_51 = tpu.memref_slice %arg7[%dma_start3A_49, %dma_start3A_50] : memref<40x128xi32, #tpu.memory_space<vmem>> -> memref<1x128xi32, #tpu.memory_space<vmem>>
      %dma_start3A_52 = tpu.memref_squeeze %dma_start3A_51 : memref<1x128xi32, #tpu.memory_space<vmem>> -> memref<128xi32, #tpu.memory_space<vmem>>
      %dma_start3A_53 = arith.constant 0 : i32
      %dma_start3A_54 = arith.constant 0 : i32
      %dma_start3A_55 = tpu.memref_slice %arg4[%dma_start3A_53, %dma_start3A_54] : memref<10000x128xf32, #tpu.memory_space<hbm>> -> memref<10000x128xf32, #tpu.memory_space<hbm>>
      tpu.enqueue_indirect_dma source(%dma_start3A_55 : memref<10000x128xf32, #tpu.memory_space<hbm>>) target(%arg9 : memref<128x128xf32, #tpu.memory_space<vmem>>) offsets(%dma_start3A_52 : memref<128xi32, #tpu.memory_space<vmem>>) semaphore(%arg12 : memref<!tpu.dma_semaphore, #tpu.memory_space<semaphore_mem>>)
      %scan3A_56 = arith.constant 0 : i32
      %scan3A_57 = arith.constant 0 : i32
      %scan3A_58 = arith.constant 20 : i32
      %scan3A_59 = arith.addi %scan3A_57, %scan3A_58 : i32
      %scan3A_60 = arith.constant 1 : i32
      %scan3A_61 = scf.for %scan3A_118 = %scan3A_57 to %scan3A_59 step %scan3A_60 iter_args(%scan3A_119 = %scan3A_56) -> (i32)  : i32 {
        %mul3A_120 = arith.constant 2 : i32
        %mul3A_121 = arith.muli %scan3A_118, %mul3A_120 : i32
        %dma_wait3A_122 = arith.constant 0 : i32
        %dma_wait3A_123 = arith.constant 0 : i32
        %dma_wait3A_124 = tpu.memref_slice %arg7[%dma_wait3A_122, %dma_wait3A_123] : memref<40x128xi32, #tpu.memory_space<vmem>> -> memref<1x128xi32, #tpu.memory_space<vmem>>
        %dma_wait3A_125 = tpu.memref_squeeze %dma_wait3A_124 : memref<1x128xi32, #tpu.memory_space<vmem>> -> memref<128xi32, #tpu.memory_space<vmem>>
        %dma_wait3A_126 = arith.constant 0 : i32
        %dma_wait3A_127 = arith.constant 0 : i32
        %dma_wait3A_128 = tpu.memref_slice %arg4[%dma_wait3A_126, %dma_wait3A_127] : memref<10000x128xf32, #tpu.memory_space<hbm>> -> memref<10000x128xf32, #tpu.memory_space<hbm>>
        tpu.wait_indirect_dma semaphore(%arg12 : memref<!tpu.dma_semaphore, #tpu.memory_space<semaphore_mem>>) src(%dma_wait3A_128 : memref<10000x128xf32, #tpu.memory_space<hbm>>) dst(%arg9 : memref<128x128xf32, #tpu.memory_space<vmem>>)
        %gt3A = arith.constant 0 : i32
        %gt3A_129 = arith.cmpi sgt, %scan3A_118, %gt3A : i32
        %convert_element_type3A_130 = arith.extui %gt3A_129 : i1 to i32
        %cond3A_131 = arith.constant 0 : i32
        %cond3A_132 = arith.cmpi ne, %convert_element_type3A_130, %cond3A_131 : i32
        scf.if %cond3A_132 {
          %dma_wait3A_174 = arith.constant 0 : i32
          %dma_wait3A_175 = arith.constant 0 : i32
          %dma_wait3A_176 = tpu.memref_slice %arg8[%dma_wait3A_174, %dma_wait3A_175] : memref<40x128xi32, #tpu.memory_space<vmem>> -> memref<1x128xi32, #tpu.memory_space<vmem>>
          %dma_wait3A_177 = tpu.memref_squeeze %dma_wait3A_176 : memref<1x128xi32, #tpu.memory_space<vmem>> -> memref<128xi32, #tpu.memory_space<vmem>>
          %dma_wait3A_178 = arith.constant 0 : i32
          %dma_wait3A_179 = arith.constant 0 : i32
          %dma_wait3A_180 = tpu.memref_slice %arg11[%dma_wait3A_178, %dma_wait3A_179] : memref<10240x128xf32, #tpu.memory_space<vmem_shared>> -> memref<10240x128xf32, #tpu.memory_space<vmem_shared>>
          tpu.wait_indirect_dma semaphore(%arg15 : memref<!tpu.dma_semaphore, #tpu.memory_space<semaphore_mem>>) src(%arg10 : memref<128x128xf32, #tpu.memory_space<vmem>>) dst(%dma_wait3A_180 : memref<10240x128xf32, #tpu.memory_space<vmem_shared>>)
        } else {
        }
        %add3A_133 = arith.constant 1 : i32
        %add3A_134 = arith.addi %mul3A_121, %add3A_133 : i32
        %dma_start3A_135 = arith.constant 0 : i32
        %dma_start3A_136 = tpu.memref_slice %arg7[%add3A_134, %dma_start3A_135] : memref<40x128xi32, #tpu.memory_space<vmem>> -> memref<1x128xi32, #tpu.memory_space<vmem>>
        %dma_start3A_137 = tpu.memref_squeeze %dma_start3A_136 : memref<1x128xi32, #tpu.memory_space<vmem>> -> memref<128xi32, #tpu.memory_space<vmem>>
        %dma_start3A_138 = arith.constant 0 : i32
        %dma_start3A_139 = arith.constant 0 : i32
        %dma_start3A_140 = tpu.memref_slice %arg4[%dma_start3A_138, %dma_start3A_139] : memref<10000x128xf32, #tpu.memory_space<hbm>> -> memref<10000x128xf32, #tpu.memory_space<hbm>>
        tpu.enqueue_indirect_dma source(%dma_start3A_140 : memref<10000x128xf32, #tpu.memory_space<hbm>>) target(%arg10 : memref<128x128xf32, #tpu.memory_space<vmem>>) offsets(%dma_start3A_137 : memref<128xi32, #tpu.memory_space<vmem>>) semaphore(%arg13 : memref<!tpu.dma_semaphore, #tpu.memory_space<semaphore_mem>>)
        %dma_start3A_141 = arith.constant 0 : i32
        %dma_start3A_142 = tpu.memref_slice %arg8[%mul3A_121, %dma_start3A_141] : memref<40x128xi32, #tpu.memory_space<vmem>> -> memref<1x128xi32, #tpu.memory_space<vmem>>
        %dma_start3A_143 = tpu.memref_squeeze %dma_start3A_142 : memref<1x128xi32, #tpu.memory_space<vmem>> -> memref<128xi32, #tpu.memory_space<vmem>>
        %dma_start3A_144 = arith.constant 0 : i32
        %dma_start3A_145 = arith.constant 0 : i32
        %dma_start3A_146 = tpu.memref_slice %arg11[%dma_start3A_144, %dma_start3A_145] : memref<10240x128xf32, #tpu.memory_space<vmem_shared>> -> memref<10240x128xf32, #tpu.memory_space<vmem_shared>>
        tpu.enqueue_indirect_dma source(%arg9 : memref<128x128xf32, #tpu.memory_space<vmem>>) target(%dma_start3A_146 : memref<10240x128xf32, #tpu.memory_space<vmem_shared>>) offsets(%dma_start3A_143 : memref<128xi32, #tpu.memory_space<vmem>>) semaphore(%arg14 : memref<!tpu.dma_semaphore, #tpu.memory_space<semaphore_mem>>) {add = true}
        %dma_wait3A_147 = arith.constant 0 : i32
        %dma_wait3A_148 = arith.constant 0 : i32
        %dma_wait3A_149 = tpu.memref_slice %arg7[%dma_wait3A_147, %dma_wait3A_148] : memref<40x128xi32, #tpu.memory_space<vmem>> -> memref<1x128xi32, #tpu.memory_space<vmem>>
        %dma_wait3A_150 = tpu.memref_squeeze %dma_wait3A_149 : memref<1x128xi32, #tpu.memory_space<vmem>> -> memref<128xi32, #tpu.memory_space<vmem>>
        %dma_wait3A_151 = arith.constant 0 : i32
        %dma_wait3A_152 = arith.constant 0 : i32
        %dma_wait3A_153 = tpu.memref_slice %arg4[%dma_wait3A_151, %dma_wait3A_152] : memref<10000x128xf32, #tpu.memory_space<hbm>> -> memref<10000x128xf32, #tpu.memory_space<hbm>>
        tpu.wait_indirect_dma semaphore(%arg13 : memref<!tpu.dma_semaphore, #tpu.memory_space<semaphore_mem>>) src(%dma_wait3A_153 : memref<10000x128xf32, #tpu.memory_space<hbm>>) dst(%arg10 : memref<128x128xf32, #tpu.memory_space<vmem>>)
        %dma_wait3A_154 = arith.constant 0 : i32
        %dma_wait3A_155 = arith.constant 0 : i32
        %dma_wait3A_156 = tpu.memref_slice %arg8[%dma_wait3A_154, %dma_wait3A_155] : memref<40x128xi32, #tpu.memory_space<vmem>> -> memref<1x128xi32, #tpu.memory_space<vmem>>
        %dma_wait3A_157 = tpu.memref_squeeze %dma_wait3A_156 : memref<1x128xi32, #tpu.memory_space<vmem>> -> memref<128xi32, #tpu.memory_space<vmem>>
        %dma_wait3A_158 = arith.constant 0 : i32
        %dma_wait3A_159 = arith.constant 0 : i32
        %dma_wait3A_160 = tpu.memref_slice %arg11[%dma_wait3A_158, %dma_wait3A_159] : memref<10240x128xf32, #tpu.memory_space<vmem_shared>> -> memref<10240x128xf32, #tpu.memory_space<vmem_shared>>
        tpu.wait_indirect_dma semaphore(%arg14 : memref<!tpu.dma_semaphore, #tpu.memory_space<semaphore_mem>>) src(%arg9 : memref<128x128xf32, #tpu.memory_space<vmem>>) dst(%dma_wait3A_160 : memref<10240x128xf32, #tpu.memory_space<vmem_shared>>)
        %lt3A = arith.constant 19 : i32
        %lt3A_161 = arith.cmpi slt, %scan3A_118, %lt3A : i32
        %convert_element_type3A_162 = arith.extui %lt3A_161 : i1 to i32
        %cond3A_163 = arith.constant 0 : i32
        %cond3A_164 = arith.cmpi ne, %convert_element_type3A_162, %cond3A_163 : i32
        scf.if %cond3A_164 {
          %add3A_174 = arith.constant 2 : i32
          %add3A_175 = arith.addi %mul3A_121, %add3A_174 : i32
          %dma_start3A_176 = arith.constant 0 : i32
          %dma_start3A_177 = tpu.memref_slice %arg7[%add3A_175, %dma_start3A_176] : memref<40x128xi32, #tpu.memory_space<vmem>> -> memref<1x128xi32, #tpu.memory_space<vmem>>
          %dma_start3A_178 = tpu.memref_squeeze %dma_start3A_177 : memref<1x128xi32, #tpu.memory_space<vmem>> -> memref<128xi32, #tpu.memory_space<vmem>>
          %dma_start3A_179 = arith.constant 0 : i32
          %dma_start3A_180 = arith.constant 0 : i32
          %dma_start3A_181 = tpu.memref_slice %arg4[%dma_start3A_179, %dma_start3A_180] : memref<10000x128xf32, #tpu.memory_space<hbm>> -> memref<10000x128xf32, #tpu.memory_space<hbm>>
          tpu.enqueue_indirect_dma source(%dma_start3A_181 : memref<10000x128xf32, #tpu.memory_space<hbm>>) target(%arg9 : memref<128x128xf32, #tpu.memory_space<vmem>>) offsets(%dma_start3A_178 : memref<128xi32, #tpu.memory_space<vmem>>) semaphore(%arg12 : memref<!tpu.dma_semaphore, #tpu.memory_space<semaphore_mem>>)
        } else {
        }
        %add3A_165 = arith.constant 1 : i32
        %add3A_166 = arith.addi %mul3A_121, %add3A_165 : i32
        %dma_start3A_167 = arith.constant 0 : i32
        %dma_start3A_168 = tpu.memref_slice %arg8[%add3A_166, %dma_start3A_167] : memref<40x128xi32, #tpu.memory_space<vmem>> -> memref<1x128xi32, #tpu.memory_space<vmem>>
        %dma_start3A_169 = tpu.memref_squeeze %dma_start3A_168 : memref<1x128xi32, #tpu.memory_space<vmem>> -> memref<128xi32, #tpu.memory_space<vmem>>
        %dma_start3A_170 = arith.constant 0 : i32
        %dma_start3A_171 = arith.constant 0 : i32
        %dma_start3A_172 = tpu.memref_slice %arg11[%dma_start3A_170, %dma_start3A_171] : memref<10240x128xf32, #tpu.memory_space<vmem_shared>> -> memref<10240x128xf32, #tpu.memory_space<vmem_shared>>
        tpu.enqueue_indirect_dma source(%arg10 : memref<128x128xf32, #tpu.memory_space<vmem>>) target(%dma_start3A_172 : memref<10240x128xf32, #tpu.memory_space<vmem_shared>>) offsets(%dma_start3A_169 : memref<128xi32, #tpu.memory_space<vmem>>) semaphore(%arg15 : memref<!tpu.dma_semaphore, #tpu.memory_space<semaphore_mem>>) {add = true}
        %scan3A_173 = arith.constant 0 : i32
        scf.yield %scan3A_173 : i32
      }
      %scan3A_62 = arith.constant 20 : i32
      %dma_wait3A_63 = arith.constant 0 : i32
      %dma_wait3A_64 = arith.constant 0 : i32
      %dma_wait3A_65 = tpu.memref_slice %arg8[%dma_wait3A_63, %dma_wait3A_64] : memref<40x128xi32, #tpu.memory_space<vmem>> -> memref<1x128xi32, #tpu.memory_space<vmem>>
      %dma_wait3A_66 = tpu.memref_squeeze %dma_wait3A_65 : memref<1x128xi32, #tpu.memory_space<vmem>> -> memref<128xi32, #tpu.memory_space<vmem>>
      %dma_wait3A_67 = arith.constant 0 : i32
      %dma_wait3A_68 = arith.constant 0 : i32
      %dma_wait3A_69 = tpu.memref_slice %arg11[%dma_wait3A_67, %dma_wait3A_68] : memref<10240x128xf32, #tpu.memory_space<vmem_shared>> -> memref<10240x128xf32, #tpu.memory_space<vmem_shared>>
      tpu.wait_indirect_dma semaphore(%arg15 : memref<!tpu.dma_semaphore, #tpu.memory_space<semaphore_mem>>) src(%arg10 : memref<128x128xf32, #tpu.memory_space<vmem>>) dst(%dma_wait3A_69 : memref<10240x128xf32, #tpu.memory_space<vmem_shared>>)
      %add3A_70 = arith.constant 80 : i32
      %add3A_71 = arith.addi %mul3A_16, %add3A_70 : i32
      %multiple_of3A_72 = tpu.assume_multiple %add3A_71, 8 : i32
      "tpu.region"() ({
        %run_scoped3A = tpu.sem_alloc : memref<!tpu.dma_semaphore, #tpu.memory_space<semaphore_mem>>
        %dma_start3A_118 = arith.constant 0 : i32
        %dma_start3A_119 = tpu.memref_slice %arg2[%multiple_of3A_72, %dma_start3A_118] : memref<2560x128xi32, #tpu.memory_space<hbm>> -> memref<40x128xi32, #tpu.memory_space<hbm>>
        %dma_start3A_120 = arith.constant 0 : i32
        %dma_start3A_121 = tpu.memref_slice %arg2[%multiple_of3A_72, %dma_start3A_120] : memref<2560x128xi32, #tpu.memory_space<hbm>> -> memref<40x128xi32, #tpu.memory_space<hbm>>
        tpu.enqueue_dma source(%dma_start3A_121 : memref<40x128xi32, #tpu.memory_space<hbm>>) target(%arg7 : memref<40x128xi32, #tpu.memory_space<vmem>>) target_semaphore(%run_scoped3A : memref<!tpu.dma_semaphore, #tpu.memory_space<semaphore_mem>>)
        %dma_wait3A_122 = arith.constant 0 : i32
        %dma_wait3A_123 = tpu.memref_slice %arg2[%multiple_of3A_72, %dma_wait3A_122] : memref<2560x128xi32, #tpu.memory_space<hbm>> -> memref<40x128xi32, #tpu.memory_space<hbm>>
        %dma_wait3A_124 = arith.constant 0 : i32
        %dma_wait3A_125 = tpu.memref_slice %arg2[%multiple_of3A_72, %dma_wait3A_124] : memref<2560x128xi32, #tpu.memory_space<hbm>> -> memref<40x128xi32, #tpu.memory_space<hbm>>
        tpu.wait_dma2 semaphore(%run_scoped3A : memref<!tpu.dma_semaphore, #tpu.memory_space<semaphore_mem>>) src(%dma_wait3A_125 : memref<40x128xi32, #tpu.memory_space<hbm>>) dst(%arg7 : memref<40x128xi32, #tpu.memory_space<vmem>>)
        tpu.yield
      }) : () -> ()
      "tpu.region"() ({
        %run_scoped3A = tpu.sem_alloc : memref<!tpu.dma_semaphore, #tpu.memory_space<semaphore_mem>>
        %dma_start3A_118 = arith.constant 0 : i32
        %dma_start3A_119 = tpu.memref_slice %arg3[%multiple_of3A_72, %dma_start3A_118] : memref<2560x128xi32, #tpu.memory_space<hbm>> -> memref<40x128xi32, #tpu.memory_space<hbm>>
        %dma_start3A_120 = arith.constant 0 : i32
        %dma_start3A_121 = tpu.memref_slice %arg3[%multiple_of3A_72, %dma_start3A_120] : memref<2560x128xi32, #tpu.memory_space<hbm>> -> memref<40x128xi32, #tpu.memory_space<hbm>>
        tpu.enqueue_dma source(%dma_start3A_121 : memref<40x128xi32, #tpu.memory_space<hbm>>) target(%arg8 : memref<40x128xi32, #tpu.memory_space<vmem>>) target_semaphore(%run_scoped3A : memref<!tpu.dma_semaphore, #tpu.memory_space<semaphore_mem>>)
        %dma_wait3A_122 = arith.constant 0 : i32
        %dma_wait3A_123 = tpu.memref_slice %arg3[%multiple_of3A_72, %dma_wait3A_122] : memref<2560x128xi32, #tpu.memory_space<hbm>> -> memref<40x128xi32, #tpu.memory_space<hbm>>
        %dma_wait3A_124 = arith.constant 0 : i32
        %dma_wait3A_125 = tpu.memref_slice %arg3[%multiple_of3A_72, %dma_wait3A_124] : memref<2560x128xi32, #tpu.memory_space<hbm>> -> memref<40x128xi32, #tpu.memory_space<hbm>>
        tpu.wait_dma2 semaphore(%run_scoped3A : memref<!tpu.dma_semaphore, #tpu.memory_space<semaphore_mem>>) src(%dma_wait3A_125 : memref<40x128xi32, #tpu.memory_space<hbm>>) dst(%arg8 : memref<40x128xi32, #tpu.memory_space<vmem>>)
        tpu.yield
      }) : () -> ()
      %dma_start3A_73 = arith.constant 0 : i32
      %dma_start3A_74 = arith.constant 0 : i32
      %dma_start3A_75 = tpu.memref_slice %arg7[%dma_start3A_73, %dma_start3A_74] : memref<40x128xi32, #tpu.memory_space<vmem>> -> memref<1x128xi32, #tpu.memory_space<vmem>>
      %dma_start3A_76 = tpu.memref_squeeze %dma_start3A_75 : memref<1x128xi32, #tpu.memory_space<vmem>> -> memref<128xi32, #tpu.memory_space<vmem>>
      %dma_start3A_77 = arith.constant 0 : i32
      %dma_start3A_78 = arith.constant 0 : i32
      %dma_start3A_79 = tpu.memref_slice %arg4[%dma_start3A_77, %dma_start3A_78] : memref<10000x128xf32, #tpu.memory_space<hbm>> -> memref<10000x128xf32, #tpu.memory_space<hbm>>
      tpu.enqueue_indirect_dma source(%dma_start3A_79 : memref<10000x128xf32, #tpu.memory_space<hbm>>) target(%arg9 : memref<128x128xf32, #tpu.memory_space<vmem>>) offsets(%dma_start3A_76 : memref<128xi32, #tpu.memory_space<vmem>>) semaphore(%arg12 : memref<!tpu.dma_semaphore, #tpu.memory_space<semaphore_mem>>)
      %scan3A_80 = arith.constant 0 : i32
      %scan3A_81 = arith.constant 0 : i32
      %scan3A_82 = arith.constant 20 : i32
      %scan3A_83 = arith.addi %scan3A_81, %scan3A_82 : i32
      %scan3A_84 = arith.constant 1 : i32
      %scan3A_85 = scf.for %scan3A_118 = %scan3A_81 to %scan3A_83 step %scan3A_84 iter_args(%scan3A_119 = %scan3A_80) -> (i32)  : i32 {
        %mul3A_120 = arith.constant 2 : i32
        %mul3A_121 = arith.muli %scan3A_118, %mul3A_120 : i32
        %dma_wait3A_122 = arith.constant 0 : i32
        %dma_wait3A_123 = arith.constant 0 : i32
        %dma_wait3A_124 = tpu.memref_slice %arg7[%dma_wait3A_122, %dma_wait3A_123] : memref<40x128xi32, #tpu.memory_space<vmem>> -> memref<1x128xi32, #tpu.memory_space<vmem>>
        %dma_wait3A_125 = tpu.memref_squeeze %dma_wait3A_124 : memref<1x128xi32, #tpu.memory_space<vmem>> -> memref<128xi32, #tpu.memory_space<vmem>>
        %dma_wait3A_126 = arith.constant 0 : i32
        %dma_wait3A_127 = arith.constant 0 : i32
        %dma_wait3A_128 = tpu.memref_slice %arg4[%dma_wait3A_126, %dma_wait3A_127] : memref<10000x128xf32, #tpu.memory_space<hbm>> -> memref<10000x128xf32, #tpu.memory_space<hbm>>
        tpu.wait_indirect_dma semaphore(%arg12 : memref<!tpu.dma_semaphore, #tpu.memory_space<semaphore_mem>>) src(%dma_wait3A_128 : memref<10000x128xf32, #tpu.memory_space<hbm>>) dst(%arg9 : memref<128x128xf32, #tpu.memory_space<vmem>>)
        %gt3A = arith.constant 0 : i32
        %gt3A_129 = arith.cmpi sgt, %scan3A_118, %gt3A : i32
        %convert_element_type3A_130 = arith.extui %gt3A_129 : i1 to i32
        %cond3A_131 = arith.constant 0 : i32
        %cond3A_132 = arith.cmpi ne, %convert_element_type3A_130, %cond3A_131 : i32
        scf.if %cond3A_132 {
          %dma_wait3A_174 = arith.constant 0 : i32
          %dma_wait3A_175 = arith.constant 0 : i32
          %dma_wait3A_176 = tpu.memref_slice %arg8[%dma_wait3A_174, %dma_wait3A_175] : memref<40x128xi32, #tpu.memory_space<vmem>> -> memref<1x128xi32, #tpu.memory_space<vmem>>
          %dma_wait3A_177 = tpu.memref_squeeze %dma_wait3A_176 : memref<1x128xi32, #tpu.memory_space<vmem>> -> memref<128xi32, #tpu.memory_space<vmem>>
          %dma_wait3A_178 = arith.constant 0 : i32
          %dma_wait3A_179 = arith.constant 0 : i32
          %dma_wait3A_180 = tpu.memref_slice %arg11[%dma_wait3A_178, %dma_wait3A_179] : memref<10240x128xf32, #tpu.memory_space<vmem_shared>> -> memref<10240x128xf32, #tpu.memory_space<vmem_shared>>
          tpu.wait_indirect_dma semaphore(%arg15 : memref<!tpu.dma_semaphore, #tpu.memory_space<semaphore_mem>>) src(%arg10 : memref<128x128xf32, #tpu.memory_space<vmem>>) dst(%dma_wait3A_180 : memref<10240x128xf32, #tpu.memory_space<vmem_shared>>)
        } else {
        }
        %add3A_133 = arith.constant 1 : i32
        %add3A_134 = arith.addi %mul3A_121, %add3A_133 : i32
        %dma_start3A_135 = arith.constant 0 : i32
        %dma_start3A_136 = tpu.memref_slice %arg7[%add3A_134, %dma_start3A_135] : memref<40x128xi32, #tpu.memory_space<vmem>> -> memref<1x128xi32, #tpu.memory_space<vmem>>
        %dma_start3A_137 = tpu.memref_squeeze %dma_start3A_136 : memref<1x128xi32, #tpu.memory_space<vmem>> -> memref<128xi32, #tpu.memory_space<vmem>>
        %dma_start3A_138 = arith.constant 0 : i32
        %dma_start3A_139 = arith.constant 0 : i32
        %dma_start3A_140 = tpu.memref_slice %arg4[%dma_start3A_138, %dma_start3A_139] : memref<10000x128xf32, #tpu.memory_space<hbm>> -> memref<10000x128xf32, #tpu.memory_space<hbm>>
        tpu.enqueue_indirect_dma source(%dma_start3A_140 : memref<10000x128xf32, #tpu.memory_space<hbm>>) target(%arg10 : memref<128x128xf32, #tpu.memory_space<vmem>>) offsets(%dma_start3A_137 : memref<128xi32, #tpu.memory_space<vmem>>) semaphore(%arg13 : memref<!tpu.dma_semaphore, #tpu.memory_space<semaphore_mem>>)
        %dma_start3A_141 = arith.constant 0 : i32
        %dma_start3A_142 = tpu.memref_slice %arg8[%mul3A_121, %dma_start3A_141] : memref<40x128xi32, #tpu.memory_space<vmem>> -> memref<1x128xi32, #tpu.memory_space<vmem>>
        %dma_start3A_143 = tpu.memref_squeeze %dma_start3A_142 : memref<1x128xi32, #tpu.memory_space<vmem>> -> memref<128xi32, #tpu.memory_space<vmem>>
        %dma_start3A_144 = arith.constant 0 : i32
        %dma_start3A_145 = arith.constant 0 : i32
        %dma_start3A_146 = tpu.memref_slice %arg11[%dma_start3A_144, %dma_start3A_145] : memref<10240x128xf32, #tpu.memory_space<vmem_shared>> -> memref<10240x128xf32, #tpu.memory_space<vmem_shared>>
        tpu.enqueue_indirect_dma source(%arg9 : memref<128x128xf32, #tpu.memory_space<vmem>>) target(%dma_start3A_146 : memref<10240x128xf32, #tpu.memory_space<vmem_shared>>) offsets(%dma_start3A_143 : memref<128xi32, #tpu.memory_space<vmem>>) semaphore(%arg14 : memref<!tpu.dma_semaphore, #tpu.memory_space<semaphore_mem>>) {add = true}
        %dma_wait3A_147 = arith.constant 0 : i32
        %dma_wait3A_148 = arith.constant 0 : i32
        %dma_wait3A_149 = tpu.memref_slice %arg7[%dma_wait3A_147, %dma_wait3A_148] : memref<40x128xi32, #tpu.memory_space<vmem>> -> memref<1x128xi32, #tpu.memory_space<vmem>>
        %dma_wait3A_150 = tpu.memref_squeeze %dma_wait3A_149 : memref<1x128xi32, #tpu.memory_space<vmem>> -> memref<128xi32, #tpu.memory_space<vmem>>
        %dma_wait3A_151 = arith.constant 0 : i32
        %dma_wait3A_152 = arith.constant 0 : i32
        %dma_wait3A_153 = tpu.memref_slice %arg4[%dma_wait3A_151, %dma_wait3A_152] : memref<10000x128xf32, #tpu.memory_space<hbm>> -> memref<10000x128xf32, #tpu.memory_space<hbm>>
        tpu.wait_indirect_dma semaphore(%arg13 : memref<!tpu.dma_semaphore, #tpu.memory_space<semaphore_mem>>) src(%dma_wait3A_153 : memref<10000x128xf32, #tpu.memory_space<hbm>>) dst(%arg10 : memref<128x128xf32, #tpu.memory_space<vmem>>)
        %dma_wait3A_154 = arith.constant 0 : i32
        %dma_wait3A_155 = arith.constant 0 : i32
        %dma_wait3A_156 = tpu.memref_slice %arg8[%dma_wait3A_154, %dma_wait3A_155] : memref<40x128xi32, #tpu.memory_space<vmem>> -> memref<1x128xi32, #tpu.memory_space<vmem>>
        %dma_wait3A_157 = tpu.memref_squeeze %dma_wait3A_156 : memref<1x128xi32, #tpu.memory_space<vmem>> -> memref<128xi32, #tpu.memory_space<vmem>>
        %dma_wait3A_158 = arith.constant 0 : i32
        %dma_wait3A_159 = arith.constant 0 : i32
        %dma_wait3A_160 = tpu.memref_slice %arg11[%dma_wait3A_158, %dma_wait3A_159] : memref<10240x128xf32, #tpu.memory_space<vmem_shared>> -> memref<10240x128xf32, #tpu.memory_space<vmem_shared>>
        tpu.wait_indirect_dma semaphore(%arg14 : memref<!tpu.dma_semaphore, #tpu.memory_space<semaphore_mem>>) src(%arg9 : memref<128x128xf32, #tpu.memory_space<vmem>>) dst(%dma_wait3A_160 : memref<10240x128xf32, #tpu.memory_space<vmem_shared>>)
        %lt3A = arith.constant 19 : i32
        %lt3A_161 = arith.cmpi slt, %scan3A_118, %lt3A : i32
        %convert_element_type3A_162 = arith.extui %lt3A_161 : i1 to i32
        %cond3A_163 = arith.constant 0 : i32
        %cond3A_164 = arith.cmpi ne, %convert_element_type3A_162, %cond3A_163 : i32
        scf.if %cond3A_164 {
          %add3A_174 = arith.constant 2 : i32
          %add3A_175 = arith.addi %mul3A_121, %add3A_174 : i32
          %dma_start3A_176 = arith.constant 0 : i32
          %dma_start3A_177 = tpu.memref_slice %arg7[%add3A_175, %dma_start3A_176] : memref<40x128xi32, #tpu.memory_space<vmem>> -> memref<1x128xi32, #tpu.memory_space<vmem>>
          %dma_start3A_178 = tpu.memref_squeeze %dma_start3A_177 : memref<1x128xi32, #tpu.memory_space<vmem>> -> memref<128xi32, #tpu.memory_space<vmem>>
          %dma_start3A_179 = arith.constant 0 : i32
          %dma_start3A_180 = arith.constant 0 : i32
          %dma_start3A_181 = tpu.memref_slice %arg4[%dma_start3A_179, %dma_start3A_180] : memref<10000x128xf32, #tpu.memory_space<hbm>> -> memref<10000x128xf32, #tpu.memory_space<hbm>>
          tpu.enqueue_indirect_dma source(%dma_start3A_181 : memref<10000x128xf32, #tpu.memory_space<hbm>>) target(%arg9 : memref<128x128xf32, #tpu.memory_space<vmem>>) offsets(%dma_start3A_178 : memref<128xi32, #tpu.memory_space<vmem>>) semaphore(%arg12 : memref<!tpu.dma_semaphore, #tpu.memory_space<semaphore_mem>>)
        } else {
        }
        %add3A_165 = arith.constant 1 : i32
        %add3A_166 = arith.addi %mul3A_121, %add3A_165 : i32
        %dma_start3A_167 = arith.constant 0 : i32
        %dma_start3A_168 = tpu.memref_slice %arg8[%add3A_166, %dma_start3A_167] : memref<40x128xi32, #tpu.memory_space<vmem>> -> memref<1x128xi32, #tpu.memory_space<vmem>>
        %dma_start3A_169 = tpu.memref_squeeze %dma_start3A_168 : memref<1x128xi32, #tpu.memory_space<vmem>> -> memref<128xi32, #tpu.memory_space<vmem>>
        %dma_start3A_170 = arith.constant 0 : i32
        %dma_start3A_171 = arith.constant 0 : i32
        %dma_start3A_172 = tpu.memref_slice %arg11[%dma_start3A_170, %dma_start3A_171] : memref<10240x128xf32, #tpu.memory_space<vmem_shared>> -> memref<10240x128xf32, #tpu.memory_space<vmem_shared>>
        tpu.enqueue_indirect_dma source(%arg10 : memref<128x128xf32, #tpu.memory_space<vmem>>) target(%dma_start3A_172 : memref<10240x128xf32, #tpu.memory_space<vmem_shared>>) offsets(%dma_start3A_169 : memref<128xi32, #tpu.memory_space<vmem>>) semaphore(%arg15 : memref<!tpu.dma_semaphore, #tpu.memory_space<semaphore_mem>>) {add = true}
        %scan3A_173 = arith.constant 0 : i32
        scf.yield %scan3A_173 : i32
      }
      %scan3A_86 = arith.constant 20 : i32
      %dma_wait3A_87 = arith.constant 0 : i32
      %dma_wait3A_88 = arith.constant 0 : i32
      %dma_wait3A_89 = tpu.memref_slice %arg8[%dma_wait3A_87, %dma_wait3A_88] : memref<40x128xi32, #tpu.memory_space<vmem>> -> memref<1x128xi32, #tpu.memory_space<vmem>>
      %dma_wait3A_90 = tpu.memref_squeeze %dma_wait3A_89 : memref<1x128xi32, #tpu.memory_space<vmem>> -> memref<128xi32, #tpu.memory_space<vmem>>
      %dma_wait3A_91 = arith.constant 0 : i32
      %dma_wait3A_92 = arith.constant 0 : i32
      %dma_wait3A_93 = tpu.memref_slice %arg11[%dma_wait3A_91, %dma_wait3A_92] : memref<10240x128xf32, #tpu.memory_space<vmem_shared>> -> memref<10240x128xf32, #tpu.memory_space<vmem_shared>>
      tpu.wait_indirect_dma semaphore(%arg15 : memref<!tpu.dma_semaphore, #tpu.memory_space<semaphore_mem>>) src(%arg10 : memref<128x128xf32, #tpu.memory_space<vmem>>) dst(%dma_wait3A_93 : memref<10240x128xf32, #tpu.memory_space<vmem_shared>>)
      %add3A_94 = arith.constant 120 : i32
      %add3A_95 = arith.addi %mul3A_16, %add3A_94 : i32
      %multiple_of3A_96 = tpu.assume_multiple %add3A_95, 8 : i32
      "tpu.region"() ({
        %run_scoped3A = tpu.sem_alloc : memref<!tpu.dma_semaphore, #tpu.memory_space<semaphore_mem>>
        %dma_start3A_118 = arith.constant 0 : i32
        %dma_start3A_119 = tpu.memref_slice %arg2[%multiple_of3A_96, %dma_start3A_118] : memref<2560x128xi32, #tpu.memory_space<hbm>> -> memref<40x128xi32, #tpu.memory_space<hbm>>
        %dma_start3A_120 = arith.constant 0 : i32
        %dma_start3A_121 = tpu.memref_slice %arg2[%multiple_of3A_96, %dma_start3A_120] : memref<2560x128xi32, #tpu.memory_space<hbm>> -> memref<40x128xi32, #tpu.memory_space<hbm>>
        tpu.enqueue_dma source(%dma_start3A_121 : memref<40x128xi32, #tpu.memory_space<hbm>>) target(%arg7 : memref<40x128xi32, #tpu.memory_space<vmem>>) target_semaphore(%run_scoped3A : memref<!tpu.dma_semaphore, #tpu.memory_space<semaphore_mem>>)
        %dma_wait3A_122 = arith.constant 0 : i32
        %dma_wait3A_123 = tpu.memref_slice %arg2[%multiple_of3A_96, %dma_wait3A_122] : memref<2560x128xi32, #tpu.memory_space<hbm>> -> memref<40x128xi32, #tpu.memory_space<hbm>>
        %dma_wait3A_124 = arith.constant 0 : i32
        %dma_wait3A_125 = tpu.memref_slice %arg2[%multiple_of3A_96, %dma_wait3A_124] : memref<2560x128xi32, #tpu.memory_space<hbm>> -> memref<40x128xi32, #tpu.memory_space<hbm>>
        tpu.wait_dma2 semaphore(%run_scoped3A : memref<!tpu.dma_semaphore, #tpu.memory_space<semaphore_mem>>) src(%dma_wait3A_125 : memref<40x128xi32, #tpu.memory_space<hbm>>) dst(%arg7 : memref<40x128xi32, #tpu.memory_space<vmem>>)
        tpu.yield
      }) : () -> ()
      "tpu.region"() ({
        %run_scoped3A = tpu.sem_alloc : memref<!tpu.dma_semaphore, #tpu.memory_space<semaphore_mem>>
        %dma_start3A_118 = arith.constant 0 : i32
        %dma_start3A_119 = tpu.memref_slice %arg3[%multiple_of3A_96, %dma_start3A_118] : memref<2560x128xi32, #tpu.memory_space<hbm>> -> memref<40x128xi32, #tpu.memory_space<hbm>>
        %dma_start3A_120 = arith.constant 0 : i32
        %dma_start3A_121 = tpu.memref_slice %arg3[%multiple_of3A_96, %dma_start3A_120] : memref<2560x128xi32, #tpu.memory_space<hbm>> -> memref<40x128xi32, #tpu.memory_space<hbm>>
        tpu.enqueue_dma source(%dma_start3A_121 : memref<40x128xi32, #tpu.memory_space<hbm>>) target(%arg8 : memref<40x128xi32, #tpu.memory_space<vmem>>) target_semaphore(%run_scoped3A : memref<!tpu.dma_semaphore, #tpu.memory_space<semaphore_mem>>)
        %dma_wait3A_122 = arith.constant 0 : i32
        %dma_wait3A_123 = tpu.memref_slice %arg3[%multiple_of3A_96, %dma_wait3A_122] : memref<2560x128xi32, #tpu.memory_space<hbm>> -> memref<40x128xi32, #tpu.memory_space<hbm>>
        %dma_wait3A_124 = arith.constant 0 : i32
        %dma_wait3A_125 = tpu.memref_slice %arg3[%multiple_of3A_96, %dma_wait3A_124] : memref<2560x128xi32, #tpu.memory_space<hbm>> -> memref<40x128xi32, #tpu.memory_space<hbm>>
        tpu.wait_dma2 semaphore(%run_scoped3A : memref<!tpu.dma_semaphore, #tpu.memory_space<semaphore_mem>>) src(%dma_wait3A_125 : memref<40x128xi32, #tpu.memory_space<hbm>>) dst(%arg8 : memref<40x128xi32, #tpu.memory_space<vmem>>)
        tpu.yield
      }) : () -> ()
      %dma_start3A_97 = arith.constant 0 : i32
      %dma_start3A_98 = arith.constant 0 : i32
      %dma_start3A_99 = tpu.memref_slice %arg7[%dma_start3A_97, %dma_start3A_98] : memref<40x128xi32, #tpu.memory_space<vmem>> -> memref<1x128xi32, #tpu.memory_space<vmem>>
      %dma_start3A_100 = tpu.memref_squeeze %dma_start3A_99 : memref<1x128xi32, #tpu.memory_space<vmem>> -> memref<128xi32, #tpu.memory_space<vmem>>
      %dma_start3A_101 = arith.constant 0 : i32
      %dma_start3A_102 = arith.constant 0 : i32
      %dma_start3A_103 = tpu.memref_slice %arg4[%dma_start3A_101, %dma_start3A_102] : memref<10000x128xf32, #tpu.memory_space<hbm>> -> memref<10000x128xf32, #tpu.memory_space<hbm>>
      tpu.enqueue_indirect_dma source(%dma_start3A_103 : memref<10000x128xf32, #tpu.memory_space<hbm>>) target(%arg9 : memref<128x128xf32, #tpu.memory_space<vmem>>) offsets(%dma_start3A_100 : memref<128xi32, #tpu.memory_space<vmem>>) semaphore(%arg12 : memref<!tpu.dma_semaphore, #tpu.memory_space<semaphore_mem>>)
      %scan3A_104 = arith.constant 0 : i32
      %scan3A_105 = arith.constant 0 : i32
      %scan3A_106 = arith.constant 20 : i32
      %scan3A_107 = arith.addi %scan3A_105, %scan3A_106 : i32
      %scan3A_108 = arith.constant 1 : i32
      %scan3A_109 = scf.for %scan3A_118 = %scan3A_105 to %scan3A_107 step %scan3A_108 iter_args(%scan3A_119 = %scan3A_104) -> (i32)  : i32 {
        %mul3A_120 = arith.constant 2 : i32
        %mul3A_121 = arith.muli %scan3A_118, %mul3A_120 : i32
        %dma_wait3A_122 = arith.constant 0 : i32
        %dma_wait3A_123 = arith.constant 0 : i32
        %dma_wait3A_124 = tpu.memref_slice %arg7[%dma_wait3A_122, %dma_wait3A_123] : memref<40x128xi32, #tpu.memory_space<vmem>> -> memref<1x128xi32, #tpu.memory_space<vmem>>
        %dma_wait3A_125 = tpu.memref_squeeze %dma_wait3A_124 : memref<1x128xi32, #tpu.memory_space<vmem>> -> memref<128xi32, #tpu.memory_space<vmem>>
        %dma_wait3A_126 = arith.constant 0 : i32
        %dma_wait3A_127 = arith.constant 0 : i32
        %dma_wait3A_128 = tpu.memref_slice %arg4[%dma_wait3A_126, %dma_wait3A_127] : memref<10000x128xf32, #tpu.memory_space<hbm>> -> memref<10000x128xf32, #tpu.memory_space<hbm>>
        tpu.wait_indirect_dma semaphore(%arg12 : memref<!tpu.dma_semaphore, #tpu.memory_space<semaphore_mem>>) src(%dma_wait3A_128 : memref<10000x128xf32, #tpu.memory_space<hbm>>) dst(%arg9 : memref<128x128xf32, #tpu.memory_space<vmem>>)
        %gt3A = arith.constant 0 : i32
        %gt3A_129 = arith.cmpi sgt, %scan3A_118, %gt3A : i32
        %convert_element_type3A_130 = arith.extui %gt3A_129 : i1 to i32
        %cond3A_131 = arith.constant 0 : i32
        %cond3A_132 = arith.cmpi ne, %convert_element_type3A_130, %cond3A_131 : i32
        scf.if %cond3A_132 {
          %dma_wait3A_174 = arith.constant 0 : i32
          %dma_wait3A_175 = arith.constant 0 : i32
          %dma_wait3A_176 = tpu.memref_slice %arg8[%dma_wait3A_174, %dma_wait3A_175] : memref<40x128xi32, #tpu.memory_space<vmem>> -> memref<1x128xi32, #tpu.memory_space<vmem>>
          %dma_wait3A_177 = tpu.memref_squeeze %dma_wait3A_176 : memref<1x128xi32, #tpu.memory_space<vmem>> -> memref<128xi32, #tpu.memory_space<vmem>>
          %dma_wait3A_178 = arith.constant 0 : i32
          %dma_wait3A_179 = arith.constant 0 : i32
          %dma_wait3A_180 = tpu.memref_slice %arg11[%dma_wait3A_178, %dma_wait3A_179] : memref<10240x128xf32, #tpu.memory_space<vmem_shared>> -> memref<10240x128xf32, #tpu.memory_space<vmem_shared>>
          tpu.wait_indirect_dma semaphore(%arg15 : memref<!tpu.dma_semaphore, #tpu.memory_space<semaphore_mem>>) src(%arg10 : memref<128x128xf32, #tpu.memory_space<vmem>>) dst(%dma_wait3A_180 : memref<10240x128xf32, #tpu.memory_space<vmem_shared>>)
        } else {
        }
        %add3A_133 = arith.constant 1 : i32
        %add3A_134 = arith.addi %mul3A_121, %add3A_133 : i32
        %dma_start3A_135 = arith.constant 0 : i32
        %dma_start3A_136 = tpu.memref_slice %arg7[%add3A_134, %dma_start3A_135] : memref<40x128xi32, #tpu.memory_space<vmem>> -> memref<1x128xi32, #tpu.memory_space<vmem>>
        %dma_start3A_137 = tpu.memref_squeeze %dma_start3A_136 : memref<1x128xi32, #tpu.memory_space<vmem>> -> memref<128xi32, #tpu.memory_space<vmem>>
        %dma_start3A_138 = arith.constant 0 : i32
        %dma_start3A_139 = arith.constant 0 : i32
        %dma_start3A_140 = tpu.memref_slice %arg4[%dma_start3A_138, %dma_start3A_139] : memref<10000x128xf32, #tpu.memory_space<hbm>> -> memref<10000x128xf32, #tpu.memory_space<hbm>>
        tpu.enqueue_indirect_dma source(%dma_start3A_140 : memref<10000x128xf32, #tpu.memory_space<hbm>>) target(%arg10 : memref<128x128xf32, #tpu.memory_space<vmem>>) offsets(%dma_start3A_137 : memref<128xi32, #tpu.memory_space<vmem>>) semaphore(%arg13 : memref<!tpu.dma_semaphore, #tpu.memory_space<semaphore_mem>>)
        %dma_start3A_141 = arith.constant 0 : i32
        %dma_start3A_142 = tpu.memref_slice %arg8[%mul3A_121, %dma_start3A_141] : memref<40x128xi32, #tpu.memory_space<vmem>> -> memref<1x128xi32, #tpu.memory_space<vmem>>
        %dma_start3A_143 = tpu.memref_squeeze %dma_start3A_142 : memref<1x128xi32, #tpu.memory_space<vmem>> -> memref<128xi32, #tpu.memory_space<vmem>>
        %dma_start3A_144 = arith.constant 0 : i32
        %dma_start3A_145 = arith.constant 0 : i32
        %dma_start3A_146 = tpu.memref_slice %arg11[%dma_start3A_144, %dma_start3A_145] : memref<10240x128xf32, #tpu.memory_space<vmem_shared>> -> memref<10240x128xf32, #tpu.memory_space<vmem_shared>>
        tpu.enqueue_indirect_dma source(%arg9 : memref<128x128xf32, #tpu.memory_space<vmem>>) target(%dma_start3A_146 : memref<10240x128xf32, #tpu.memory_space<vmem_shared>>) offsets(%dma_start3A_143 : memref<128xi32, #tpu.memory_space<vmem>>) semaphore(%arg14 : memref<!tpu.dma_semaphore, #tpu.memory_space<semaphore_mem>>) {add = true}
        %dma_wait3A_147 = arith.constant 0 : i32
        %dma_wait3A_148 = arith.constant 0 : i32
        %dma_wait3A_149 = tpu.memref_slice %arg7[%dma_wait3A_147, %dma_wait3A_148] : memref<40x128xi32, #tpu.memory_space<vmem>> -> memref<1x128xi32, #tpu.memory_space<vmem>>
        %dma_wait3A_150 = tpu.memref_squeeze %dma_wait3A_149 : memref<1x128xi32, #tpu.memory_space<vmem>> -> memref<128xi32, #tpu.memory_space<vmem>>
        %dma_wait3A_151 = arith.constant 0 : i32
        %dma_wait3A_152 = arith.constant 0 : i32
        %dma_wait3A_153 = tpu.memref_slice %arg4[%dma_wait3A_151, %dma_wait3A_152] : memref<10000x128xf32, #tpu.memory_space<hbm>> -> memref<10000x128xf32, #tpu.memory_space<hbm>>
        tpu.wait_indirect_dma semaphore(%arg13 : memref<!tpu.dma_semaphore, #tpu.memory_space<semaphore_mem>>) src(%dma_wait3A_153 : memref<10000x128xf32, #tpu.memory_space<hbm>>) dst(%arg10 : memref<128x128xf32, #tpu.memory_space<vmem>>)
        %dma_wait3A_154 = arith.constant 0 : i32
        %dma_wait3A_155 = arith.constant 0 : i32
        %dma_wait3A_156 = tpu.memref_slice %arg8[%dma_wait3A_154, %dma_wait3A_155] : memref<40x128xi32, #tpu.memory_space<vmem>> -> memref<1x128xi32, #tpu.memory_space<vmem>>
        %dma_wait3A_157 = tpu.memref_squeeze %dma_wait3A_156 : memref<1x128xi32, #tpu.memory_space<vmem>> -> memref<128xi32, #tpu.memory_space<vmem>>
        %dma_wait3A_158 = arith.constant 0 : i32
        %dma_wait3A_159 = arith.constant 0 : i32
        %dma_wait3A_160 = tpu.memref_slice %arg11[%dma_wait3A_158, %dma_wait3A_159] : memref<10240x128xf32, #tpu.memory_space<vmem_shared>> -> memref<10240x128xf32, #tpu.memory_space<vmem_shared>>
        tpu.wait_indirect_dma semaphore(%arg14 : memref<!tpu.dma_semaphore, #tpu.memory_space<semaphore_mem>>) src(%arg9 : memref<128x128xf32, #tpu.memory_space<vmem>>) dst(%dma_wait3A_160 : memref<10240x128xf32, #tpu.memory_space<vmem_shared>>)
        %lt3A = arith.constant 19 : i32
        %lt3A_161 = arith.cmpi slt, %scan3A_118, %lt3A : i32
        %convert_element_type3A_162 = arith.extui %lt3A_161 : i1 to i32
        %cond3A_163 = arith.constant 0 : i32
        %cond3A_164 = arith.cmpi ne, %convert_element_type3A_162, %cond3A_163 : i32
        scf.if %cond3A_164 {
          %add3A_174 = arith.constant 2 : i32
          %add3A_175 = arith.addi %mul3A_121, %add3A_174 : i32
          %dma_start3A_176 = arith.constant 0 : i32
          %dma_start3A_177 = tpu.memref_slice %arg7[%add3A_175, %dma_start3A_176] : memref<40x128xi32, #tpu.memory_space<vmem>> -> memref<1x128xi32, #tpu.memory_space<vmem>>
          %dma_start3A_178 = tpu.memref_squeeze %dma_start3A_177 : memref<1x128xi32, #tpu.memory_space<vmem>> -> memref<128xi32, #tpu.memory_space<vmem>>
          %dma_start3A_179 = arith.constant 0 : i32
          %dma_start3A_180 = arith.constant 0 : i32
          %dma_start3A_181 = tpu.memref_slice %arg4[%dma_start3A_179, %dma_start3A_180] : memref<10000x128xf32, #tpu.memory_space<hbm>> -> memref<10000x128xf32, #tpu.memory_space<hbm>>
          tpu.enqueue_indirect_dma source(%dma_start3A_181 : memref<10000x128xf32, #tpu.memory_space<hbm>>) target(%arg9 : memref<128x128xf32, #tpu.memory_space<vmem>>) offsets(%dma_start3A_178 : memref<128xi32, #tpu.memory_space<vmem>>) semaphore(%arg12 : memref<!tpu.dma_semaphore, #tpu.memory_space<semaphore_mem>>)
        } else {
        }
        %add3A_165 = arith.constant 1 : i32
        %add3A_166 = arith.addi %mul3A_121, %add3A_165 : i32
        %dma_start3A_167 = arith.constant 0 : i32
        %dma_start3A_168 = tpu.memref_slice %arg8[%add3A_166, %dma_start3A_167] : memref<40x128xi32, #tpu.memory_space<vmem>> -> memref<1x128xi32, #tpu.memory_space<vmem>>
        %dma_start3A_169 = tpu.memref_squeeze %dma_start3A_168 : memref<1x128xi32, #tpu.memory_space<vmem>> -> memref<128xi32, #tpu.memory_space<vmem>>
        %dma_start3A_170 = arith.constant 0 : i32
        %dma_start3A_171 = arith.constant 0 : i32
        %dma_start3A_172 = tpu.memref_slice %arg11[%dma_start3A_170, %dma_start3A_171] : memref<10240x128xf32, #tpu.memory_space<vmem_shared>> -> memref<10240x128xf32, #tpu.memory_space<vmem_shared>>
        tpu.enqueue_indirect_dma source(%arg10 : memref<128x128xf32, #tpu.memory_space<vmem>>) target(%dma_start3A_172 : memref<10240x128xf32, #tpu.memory_space<vmem_shared>>) offsets(%dma_start3A_169 : memref<128xi32, #tpu.memory_space<vmem>>) semaphore(%arg15 : memref<!tpu.dma_semaphore, #tpu.memory_space<semaphore_mem>>) {add = true}
        %scan3A_173 = arith.constant 0 : i32
        scf.yield %scan3A_173 : i32
      }
      %scan3A_110 = arith.constant 20 : i32
      %dma_wait3A_111 = arith.constant 0 : i32
      %dma_wait3A_112 = arith.constant 0 : i32
      %dma_wait3A_113 = tpu.memref_slice %arg8[%dma_wait3A_111, %dma_wait3A_112] : memref<40x128xi32, #tpu.memory_space<vmem>> -> memref<1x128xi32, #tpu.memory_space<vmem>>
      %dma_wait3A_114 = tpu.memref_squeeze %dma_wait3A_113 : memref<1x128xi32, #tpu.memory_space<vmem>> -> memref<128xi32, #tpu.memory_space<vmem>>
      %dma_wait3A_115 = arith.constant 0 : i32
      %dma_wait3A_116 = arith.constant 0 : i32
      %dma_wait3A_117 = tpu.memref_slice %arg11[%dma_wait3A_115, %dma_wait3A_116] : memref<10240x128xf32, #tpu.memory_space<vmem_shared>> -> memref<10240x128xf32, #tpu.memory_space<vmem_shared>>
      tpu.wait_indirect_dma semaphore(%arg15 : memref<!tpu.dma_semaphore, #tpu.memory_space<semaphore_mem>>) src(%arg10 : memref<128x128xf32, #tpu.memory_space<vmem>>) dst(%dma_wait3A_117 : memref<10240x128xf32, #tpu.memory_space<vmem_shared>>)
    } else {
    }
    %eq3A_19 = arith.constant 1 : i32
    %eq3A_20 = arith.cmpi eq, %arg0, %eq3A_19 : i32
    %convert_element_type3A_21 = arith.extui %eq3A_20 : i1 to i32
    %cond3A_22 = arith.constant 0 : i32
    %cond3A_23 = arith.cmpi ne, %convert_element_type3A_21, %cond3A_22 : i32
    scf.if %cond3A_23 {
      %add3A = arith.constant 0 : i32
      %add3A_25 = arith.addi %mul3A_16, %add3A : i32
      %multiple_of3A_26 = tpu.assume_multiple %add3A_25, 8 : i32
      "tpu.region"() ({
        %run_scoped3A = tpu.sem_alloc : memref<!tpu.dma_semaphore, #tpu.memory_space<semaphore_mem>>
        %dma_start3A_118 = arith.constant 0 : i32
        %dma_start3A_119 = tpu.memref_slice %arg2[%multiple_of3A_26, %dma_start3A_118] : memref<2560x128xi32, #tpu.memory_space<hbm>> -> memref<40x128xi32, #tpu.memory_space<hbm>>
        %dma_start3A_120 = arith.constant 0 : i32
        %dma_start3A_121 = tpu.memref_slice %arg2[%multiple_of3A_26, %dma_start3A_120] : memref<2560x128xi32, #tpu.memory_space<hbm>> -> memref<40x128xi32, #tpu.memory_space<hbm>>
        tpu.enqueue_dma source(%dma_start3A_121 : memref<40x128xi32, #tpu.memory_space<hbm>>) target(%arg7 : memref<40x128xi32, #tpu.memory_space<vmem>>) target_semaphore(%run_scoped3A : memref<!tpu.dma_semaphore, #tpu.memory_space<semaphore_mem>>)
        %dma_wait3A_122 = arith.constant 0 : i32
        %dma_wait3A_123 = tpu.memref_slice %arg2[%multiple_of3A_26, %dma_wait3A_122] : memref<2560x128xi32, #tpu.memory_space<hbm>> -> memref<40x128xi32, #tpu.memory_space<hbm>>
        %dma_wait3A_124 = arith.constant 0 : i32
        %dma_wait3A_125 = tpu.memref_slice %arg2[%multiple_of3A_26, %dma_wait3A_124] : memref<2560x128xi32, #tpu.memory_space<hbm>> -> memref<40x128xi32, #tpu.memory_space<hbm>>
        tpu.wait_dma2 semaphore(%run_scoped3A : memref<!tpu.dma_semaphore, #tpu.memory_space<semaphore_mem>>) src(%dma_wait3A_125 : memref<40x128xi32, #tpu.memory_space<hbm>>) dst(%arg7 : memref<40x128xi32, #tpu.memory_space<vmem>>)
        tpu.yield
      }) : () -> ()
      "tpu.region"() ({
        %run_scoped3A = tpu.sem_alloc : memref<!tpu.dma_semaphore, #tpu.memory_space<semaphore_mem>>
        %dma_start3A_118 = arith.constant 0 : i32
        %dma_start3A_119 = tpu.memref_slice %arg3[%multiple_of3A_26, %dma_start3A_118] : memref<2560x128xi32, #tpu.memory_space<hbm>> -> memref<40x128xi32, #tpu.memory_space<hbm>>
        %dma_start3A_120 = arith.constant 0 : i32
        %dma_start3A_121 = tpu.memref_slice %arg3[%multiple_of3A_26, %dma_start3A_120] : memref<2560x128xi32, #tpu.memory_space<hbm>> -> memref<40x128xi32, #tpu.memory_space<hbm>>
        tpu.enqueue_dma source(%dma_start3A_121 : memref<40x128xi32, #tpu.memory_space<hbm>>) target(%arg8 : memref<40x128xi32, #tpu.memory_space<vmem>>) target_semaphore(%run_scoped3A : memref<!tpu.dma_semaphore, #tpu.memory_space<semaphore_mem>>)
        %dma_wait3A_122 = arith.constant 0 : i32
        %dma_wait3A_123 = tpu.memref_slice %arg3[%multiple_of3A_26, %dma_wait3A_122] : memref<2560x128xi32, #tpu.memory_space<hbm>> -> memref<40x128xi32, #tpu.memory_space<hbm>>
        %dma_wait3A_124 = arith.constant 0 : i32
        %dma_wait3A_125 = tpu.memref_slice %arg3[%multiple_of3A_26, %dma_wait3A_124] : memref<2560x128xi32, #tpu.memory_space<hbm>> -> memref<40x128xi32, #tpu.memory_space<hbm>>
        tpu.wait_dma2 semaphore(%run_scoped3A : memref<!tpu.dma_semaphore, #tpu.memory_space<semaphore_mem>>) src(%dma_wait3A_125 : memref<40x128xi32, #tpu.memory_space<hbm>>) dst(%arg8 : memref<40x128xi32, #tpu.memory_space<vmem>>)
        tpu.yield
      }) : () -> ()
      %dma_start3A = arith.constant 0 : i32
      %dma_start3A_27 = arith.constant 0 : i32
      %dma_start3A_28 = tpu.memref_slice %arg7[%dma_start3A, %dma_start3A_27] : memref<40x128xi32, #tpu.memory_space<vmem>> -> memref<1x128xi32, #tpu.memory_space<vmem>>
      %dma_start3A_29 = tpu.memref_squeeze %dma_start3A_28 : memref<1x128xi32, #tpu.memory_space<vmem>> -> memref<128xi32, #tpu.memory_space<vmem>>
      %dma_start3A_30 = arith.constant 0 : i32
      %dma_start3A_31 = arith.constant 0 : i32
      %dma_start3A_32 = tpu.memref_slice %arg5[%dma_start3A_30, %dma_start3A_31] : memref<10000x128xf32, #tpu.memory_space<hbm>> -> memref<10000x128xf32, #tpu.memory_space<hbm>>
      tpu.enqueue_indirect_dma source(%dma_start3A_32 : memref<10000x128xf32, #tpu.memory_space<hbm>>) target(%arg9 : memref<128x128xf32, #tpu.memory_space<vmem>>) offsets(%dma_start3A_29 : memref<128xi32, #tpu.memory_space<vmem>>) semaphore(%arg12 : memref<!tpu.dma_semaphore, #tpu.memory_space<semaphore_mem>>)
      %scan3A_33 = arith.constant 0 : i32
      %scan3A_34 = arith.constant 0 : i32
      %scan3A_35 = arith.constant 20 : i32
      %scan3A_36 = arith.addi %scan3A_34, %scan3A_35 : i32
      %scan3A_37 = arith.constant 1 : i32
      %scan3A_38 = scf.for %scan3A_118 = %scan3A_34 to %scan3A_36 step %scan3A_37 iter_args(%scan3A_119 = %scan3A_33) -> (i32)  : i32 {
        %mul3A_120 = arith.constant 2 : i32
        %mul3A_121 = arith.muli %scan3A_118, %mul3A_120 : i32
        %dma_wait3A_122 = arith.constant 0 : i32
        %dma_wait3A_123 = arith.constant 0 : i32
        %dma_wait3A_124 = tpu.memref_slice %arg7[%dma_wait3A_122, %dma_wait3A_123] : memref<40x128xi32, #tpu.memory_space<vmem>> -> memref<1x128xi32, #tpu.memory_space<vmem>>
        %dma_wait3A_125 = tpu.memref_squeeze %dma_wait3A_124 : memref<1x128xi32, #tpu.memory_space<vmem>> -> memref<128xi32, #tpu.memory_space<vmem>>
        %dma_wait3A_126 = arith.constant 0 : i32
        %dma_wait3A_127 = arith.constant 0 : i32
        %dma_wait3A_128 = tpu.memref_slice %arg5[%dma_wait3A_126, %dma_wait3A_127] : memref<10000x128xf32, #tpu.memory_space<hbm>> -> memref<10000x128xf32, #tpu.memory_space<hbm>>
        tpu.wait_indirect_dma semaphore(%arg12 : memref<!tpu.dma_semaphore, #tpu.memory_space<semaphore_mem>>) src(%dma_wait3A_128 : memref<10000x128xf32, #tpu.memory_space<hbm>>) dst(%arg9 : memref<128x128xf32, #tpu.memory_space<vmem>>)
        %gt3A = arith.constant 0 : i32
        %gt3A_129 = arith.cmpi sgt, %scan3A_118, %gt3A : i32
        %convert_element_type3A_130 = arith.extui %gt3A_129 : i1 to i32
        %cond3A_131 = arith.constant 0 : i32
        %cond3A_132 = arith.cmpi ne, %convert_element_type3A_130, %cond3A_131 : i32
        scf.if %cond3A_132 {
          %dma_wait3A_174 = arith.constant 0 : i32
          %dma_wait3A_175 = arith.constant 0 : i32
          %dma_wait3A_176 = tpu.memref_slice %arg8[%dma_wait3A_174, %dma_wait3A_175] : memref<40x128xi32, #tpu.memory_space<vmem>> -> memref<1x128xi32, #tpu.memory_space<vmem>>
          %dma_wait3A_177 = tpu.memref_squeeze %dma_wait3A_176 : memref<1x128xi32, #tpu.memory_space<vmem>> -> memref<128xi32, #tpu.memory_space<vmem>>
          %dma_wait3A_178 = arith.constant 0 : i32
          %dma_wait3A_179 = arith.constant 0 : i32
          %dma_wait3A_180 = tpu.memref_slice %arg11[%dma_wait3A_178, %dma_wait3A_179] : memref<10240x128xf32, #tpu.memory_space<vmem_shared>> -> memref<10240x128xf32, #tpu.memory_space<vmem_shared>>
          tpu.wait_indirect_dma semaphore(%arg15 : memref<!tpu.dma_semaphore, #tpu.memory_space<semaphore_mem>>) src(%arg10 : memref<128x128xf32, #tpu.memory_space<vmem>>) dst(%dma_wait3A_180 : memref<10240x128xf32, #tpu.memory_space<vmem_shared>>)
        } else {
        }
        %add3A_133 = arith.constant 1 : i32
        %add3A_134 = arith.addi %mul3A_121, %add3A_133 : i32
        %dma_start3A_135 = arith.constant 0 : i32
        %dma_start3A_136 = tpu.memref_slice %arg7[%add3A_134, %dma_start3A_135] : memref<40x128xi32, #tpu.memory_space<vmem>> -> memref<1x128xi32, #tpu.memory_space<vmem>>
        %dma_start3A_137 = tpu.memref_squeeze %dma_start3A_136 : memref<1x128xi32, #tpu.memory_space<vmem>> -> memref<128xi32, #tpu.memory_space<vmem>>
        %dma_start3A_138 = arith.constant 0 : i32
        %dma_start3A_139 = arith.constant 0 : i32
        %dma_start3A_140 = tpu.memref_slice %arg5[%dma_start3A_138, %dma_start3A_139] : memref<10000x128xf32, #tpu.memory_space<hbm>> -> memref<10000x128xf32, #tpu.memory_space<hbm>>
        tpu.enqueue_indirect_dma source(%dma_start3A_140 : memref<10000x128xf32, #tpu.memory_space<hbm>>) target(%arg10 : memref<128x128xf32, #tpu.memory_space<vmem>>) offsets(%dma_start3A_137 : memref<128xi32, #tpu.memory_space<vmem>>) semaphore(%arg13 : memref<!tpu.dma_semaphore, #tpu.memory_space<semaphore_mem>>)
        %dma_start3A_141 = arith.constant 0 : i32
        %dma_start3A_142 = tpu.memref_slice %arg8[%mul3A_121, %dma_start3A_141] : memref<40x128xi32, #tpu.memory_space<vmem>> -> memref<1x128xi32, #tpu.memory_space<vmem>>
        %dma_start3A_143 = tpu.memref_squeeze %dma_start3A_142 : memref<1x128xi32, #tpu.memory_space<vmem>> -> memref<128xi32, #tpu.memory_space<vmem>>
        %dma_start3A_144 = arith.constant 0 : i32
        %dma_start3A_145 = arith.constant 0 : i32
        %dma_start3A_146 = tpu.memref_slice %arg11[%dma_start3A_144, %dma_start3A_145] : memref<10240x128xf32, #tpu.memory_space<vmem_shared>> -> memref<10240x128xf32, #tpu.memory_space<vmem_shared>>
        tpu.enqueue_indirect_dma source(%arg9 : memref<128x128xf32, #tpu.memory_space<vmem>>) target(%dma_start3A_146 : memref<10240x128xf32, #tpu.memory_space<vmem_shared>>) offsets(%dma_start3A_143 : memref<128xi32, #tpu.memory_space<vmem>>) semaphore(%arg14 : memref<!tpu.dma_semaphore, #tpu.memory_space<semaphore_mem>>) {add = true}
        %dma_wait3A_147 = arith.constant 0 : i32
        %dma_wait3A_148 = arith.constant 0 : i32
        %dma_wait3A_149 = tpu.memref_slice %arg7[%dma_wait3A_147, %dma_wait3A_148] : memref<40x128xi32, #tpu.memory_space<vmem>> -> memref<1x128xi32, #tpu.memory_space<vmem>>
        %dma_wait3A_150 = tpu.memref_squeeze %dma_wait3A_149 : memref<1x128xi32, #tpu.memory_space<vmem>> -> memref<128xi32, #tpu.memory_space<vmem>>
        %dma_wait3A_151 = arith.constant 0 : i32
        %dma_wait3A_152 = arith.constant 0 : i32
        %dma_wait3A_153 = tpu.memref_slice %arg5[%dma_wait3A_151, %dma_wait3A_152] : memref<10000x128xf32, #tpu.memory_space<hbm>> -> memref<10000x128xf32, #tpu.memory_space<hbm>>
        tpu.wait_indirect_dma semaphore(%arg13 : memref<!tpu.dma_semaphore, #tpu.memory_space<semaphore_mem>>) src(%dma_wait3A_153 : memref<10000x128xf32, #tpu.memory_space<hbm>>) dst(%arg10 : memref<128x128xf32, #tpu.memory_space<vmem>>)
        %dma_wait3A_154 = arith.constant 0 : i32
        %dma_wait3A_155 = arith.constant 0 : i32
        %dma_wait3A_156 = tpu.memref_slice %arg8[%dma_wait3A_154, %dma_wait3A_155] : memref<40x128xi32, #tpu.memory_space<vmem>> -> memref<1x128xi32, #tpu.memory_space<vmem>>
        %dma_wait3A_157 = tpu.memref_squeeze %dma_wait3A_156 : memref<1x128xi32, #tpu.memory_space<vmem>> -> memref<128xi32, #tpu.memory_space<vmem>>
        %dma_wait3A_158 = arith.constant 0 : i32
        %dma_wait3A_159 = arith.constant 0 : i32
        %dma_wait3A_160 = tpu.memref_slice %arg11[%dma_wait3A_158, %dma_wait3A_159] : memref<10240x128xf32, #tpu.memory_space<vmem_shared>> -> memref<10240x128xf32, #tpu.memory_space<vmem_shared>>
        tpu.wait_indirect_dma semaphore(%arg14 : memref<!tpu.dma_semaphore, #tpu.memory_space<semaphore_mem>>) src(%arg9 : memref<128x128xf32, #tpu.memory_space<vmem>>) dst(%dma_wait3A_160 : memref<10240x128xf32, #tpu.memory_space<vmem_shared>>)
        %lt3A = arith.constant 19 : i32
        %lt3A_161 = arith.cmpi slt, %scan3A_118, %lt3A : i32
        %convert_element_type3A_162 = arith.extui %lt3A_161 : i1 to i32
        %cond3A_163 = arith.constant 0 : i32
        %cond3A_164 = arith.cmpi ne, %convert_element_type3A_162, %cond3A_163 : i32
        scf.if %cond3A_164 {
          %add3A_174 = arith.constant 2 : i32
          %add3A_175 = arith.addi %mul3A_121, %add3A_174 : i32
          %dma_start3A_176 = arith.constant 0 : i32
          %dma_start3A_177 = tpu.memref_slice %arg7[%add3A_175, %dma_start3A_176] : memref<40x128xi32, #tpu.memory_space<vmem>> -> memref<1x128xi32, #tpu.memory_space<vmem>>
          %dma_start3A_178 = tpu.memref_squeeze %dma_start3A_177 : memref<1x128xi32, #tpu.memory_space<vmem>> -> memref<128xi32, #tpu.memory_space<vmem>>
          %dma_start3A_179 = arith.constant 0 : i32
          %dma_start3A_180 = arith.constant 0 : i32
          %dma_start3A_181 = tpu.memref_slice %arg5[%dma_start3A_179, %dma_start3A_180] : memref<10000x128xf32, #tpu.memory_space<hbm>> -> memref<10000x128xf32, #tpu.memory_space<hbm>>
          tpu.enqueue_indirect_dma source(%dma_start3A_181 : memref<10000x128xf32, #tpu.memory_space<hbm>>) target(%arg9 : memref<128x128xf32, #tpu.memory_space<vmem>>) offsets(%dma_start3A_178 : memref<128xi32, #tpu.memory_space<vmem>>) semaphore(%arg12 : memref<!tpu.dma_semaphore, #tpu.memory_space<semaphore_mem>>)
        } else {
        }
        %add3A_165 = arith.constant 1 : i32
        %add3A_166 = arith.addi %mul3A_121, %add3A_165 : i32
        %dma_start3A_167 = arith.constant 0 : i32
        %dma_start3A_168 = tpu.memref_slice %arg8[%add3A_166, %dma_start3A_167] : memref<40x128xi32, #tpu.memory_space<vmem>> -> memref<1x128xi32, #tpu.memory_space<vmem>>
        %dma_start3A_169 = tpu.memref_squeeze %dma_start3A_168 : memref<1x128xi32, #tpu.memory_space<vmem>> -> memref<128xi32, #tpu.memory_space<vmem>>
        %dma_start3A_170 = arith.constant 0 : i32
        %dma_start3A_171 = arith.constant 0 : i32
        %dma_start3A_172 = tpu.memref_slice %arg11[%dma_start3A_170, %dma_start3A_171] : memref<10240x128xf32, #tpu.memory_space<vmem_shared>> -> memref<10240x128xf32, #tpu.memory_space<vmem_shared>>
        tpu.enqueue_indirect_dma source(%arg10 : memref<128x128xf32, #tpu.memory_space<vmem>>) target(%dma_start3A_172 : memref<10240x128xf32, #tpu.memory_space<vmem_shared>>) offsets(%dma_start3A_169 : memref<128xi32, #tpu.memory_space<vmem>>) semaphore(%arg15 : memref<!tpu.dma_semaphore, #tpu.memory_space<semaphore_mem>>) {add = true}
        %scan3A_173 = arith.constant 0 : i32
        scf.yield %scan3A_173 : i32
      }
      %scan3A_39 = arith.constant 20 : i32
      %dma_wait3A = arith.constant 0 : i32
      %dma_wait3A_40 = arith.constant 0 : i32
      %dma_wait3A_41 = tpu.memref_slice %arg8[%dma_wait3A, %dma_wait3A_40] : memref<40x128xi32, #tpu.memory_space<vmem>> -> memref<1x128xi32, #tpu.memory_space<vmem>>
      %dma_wait3A_42 = tpu.memref_squeeze %dma_wait3A_41 : memref<1x128xi32, #tpu.memory_space<vmem>> -> memref<128xi32, #tpu.memory_space<vmem>>
      %dma_wait3A_43 = arith.constant 0 : i32
      %dma_wait3A_44 = arith.constant 0 : i32
      %dma_wait3A_45 = tpu.memref_slice %arg11[%dma_wait3A_43, %dma_wait3A_44] : memref<10240x128xf32, #tpu.memory_space<vmem_shared>> -> memref<10240x128xf32, #tpu.memory_space<vmem_shared>>
      tpu.wait_indirect_dma semaphore(%arg15 : memref<!tpu.dma_semaphore, #tpu.memory_space<semaphore_mem>>) src(%arg10 : memref<128x128xf32, #tpu.memory_space<vmem>>) dst(%dma_wait3A_45 : memref<10240x128xf32, #tpu.memory_space<vmem_shared>>)
      %add3A_46 = arith.constant 40 : i32
      %add3A_47 = arith.addi %mul3A_16, %add3A_46 : i32
      %multiple_of3A_48 = tpu.assume_multiple %add3A_47, 8 : i32
      "tpu.region"() ({
        %run_scoped3A = tpu.sem_alloc : memref<!tpu.dma_semaphore, #tpu.memory_space<semaphore_mem>>
        %dma_start3A_118 = arith.constant 0 : i32
        %dma_start3A_119 = tpu.memref_slice %arg2[%multiple_of3A_48, %dma_start3A_118] : memref<2560x128xi32, #tpu.memory_space<hbm>> -> memref<40x128xi32, #tpu.memory_space<hbm>>
        %dma_start3A_120 = arith.constant 0 : i32
        %dma_start3A_121 = tpu.memref_slice %arg2[%multiple_of3A_48, %dma_start3A_120] : memref<2560x128xi32, #tpu.memory_space<hbm>> -> memref<40x128xi32, #tpu.memory_space<hbm>>
        tpu.enqueue_dma source(%dma_start3A_121 : memref<40x128xi32, #tpu.memory_space<hbm>>) target(%arg7 : memref<40x128xi32, #tpu.memory_space<vmem>>) target_semaphore(%run_scoped3A : memref<!tpu.dma_semaphore, #tpu.memory_space<semaphore_mem>>)
        %dma_wait3A_122 = arith.constant 0 : i32
        %dma_wait3A_123 = tpu.memref_slice %arg2[%multiple_of3A_48, %dma_wait3A_122] : memref<2560x128xi32, #tpu.memory_space<hbm>> -> memref<40x128xi32, #tpu.memory_space<hbm>>
        %dma_wait3A_124 = arith.constant 0 : i32
        %dma_wait3A_125 = tpu.memref_slice %arg2[%multiple_of3A_48, %dma_wait3A_124] : memref<2560x128xi32, #tpu.memory_space<hbm>> -> memref<40x128xi32, #tpu.memory_space<hbm>>
        tpu.wait_dma2 semaphore(%run_scoped3A : memref<!tpu.dma_semaphore, #tpu.memory_space<semaphore_mem>>) src(%dma_wait3A_125 : memref<40x128xi32, #tpu.memory_space<hbm>>) dst(%arg7 : memref<40x128xi32, #tpu.memory_space<vmem>>)
        tpu.yield
      }) : () -> ()
      "tpu.region"() ({
        %run_scoped3A = tpu.sem_alloc : memref<!tpu.dma_semaphore, #tpu.memory_space<semaphore_mem>>
        %dma_start3A_118 = arith.constant 0 : i32
        %dma_start3A_119 = tpu.memref_slice %arg3[%multiple_of3A_48, %dma_start3A_118] : memref<2560x128xi32, #tpu.memory_space<hbm>> -> memref<40x128xi32, #tpu.memory_space<hbm>>
        %dma_start3A_120 = arith.constant 0 : i32
        %dma_start3A_121 = tpu.memref_slice %arg3[%multiple_of3A_48, %dma_start3A_120] : memref<2560x128xi32, #tpu.memory_space<hbm>> -> memref<40x128xi32, #tpu.memory_space<hbm>>
        tpu.enqueue_dma source(%dma_start3A_121 : memref<40x128xi32, #tpu.memory_space<hbm>>) target(%arg8 : memref<40x128xi32, #tpu.memory_space<vmem>>) target_semaphore(%run_scoped3A : memref<!tpu.dma_semaphore, #tpu.memory_space<semaphore_mem>>)
        %dma_wait3A_122 = arith.constant 0 : i32
        %dma_wait3A_123 = tpu.memref_slice %arg3[%multiple_of3A_48, %dma_wait3A_122] : memref<2560x128xi32, #tpu.memory_space<hbm>> -> memref<40x128xi32, #tpu.memory_space<hbm>>
        %dma_wait3A_124 = arith.constant 0 : i32
        %dma_wait3A_125 = tpu.memref_slice %arg3[%multiple_of3A_48, %dma_wait3A_124] : memref<2560x128xi32, #tpu.memory_space<hbm>> -> memref<40x128xi32, #tpu.memory_space<hbm>>
        tpu.wait_dma2 semaphore(%run_scoped3A : memref<!tpu.dma_semaphore, #tpu.memory_space<semaphore_mem>>) src(%dma_wait3A_125 : memref<40x128xi32, #tpu.memory_space<hbm>>) dst(%arg8 : memref<40x128xi32, #tpu.memory_space<vmem>>)
        tpu.yield
      }) : () -> ()
      %dma_start3A_49 = arith.constant 0 : i32
      %dma_start3A_50 = arith.constant 0 : i32
      %dma_start3A_51 = tpu.memref_slice %arg7[%dma_start3A_49, %dma_start3A_50] : memref<40x128xi32, #tpu.memory_space<vmem>> -> memref<1x128xi32, #tpu.memory_space<vmem>>
      %dma_start3A_52 = tpu.memref_squeeze %dma_start3A_51 : memref<1x128xi32, #tpu.memory_space<vmem>> -> memref<128xi32, #tpu.memory_space<vmem>>
      %dma_start3A_53 = arith.constant 0 : i32
      %dma_start3A_54 = arith.constant 0 : i32
      %dma_start3A_55 = tpu.memref_slice %arg5[%dma_start3A_53, %dma_start3A_54] : memref<10000x128xf32, #tpu.memory_space<hbm>> -> memref<10000x128xf32, #tpu.memory_space<hbm>>
      tpu.enqueue_indirect_dma source(%dma_start3A_55 : memref<10000x128xf32, #tpu.memory_space<hbm>>) target(%arg9 : memref<128x128xf32, #tpu.memory_space<vmem>>) offsets(%dma_start3A_52 : memref<128xi32, #tpu.memory_space<vmem>>) semaphore(%arg12 : memref<!tpu.dma_semaphore, #tpu.memory_space<semaphore_mem>>)
      %scan3A_56 = arith.constant 0 : i32
      %scan3A_57 = arith.constant 0 : i32
      %scan3A_58 = arith.constant 20 : i32
      %scan3A_59 = arith.addi %scan3A_57, %scan3A_58 : i32
      %scan3A_60 = arith.constant 1 : i32
      %scan3A_61 = scf.for %scan3A_118 = %scan3A_57 to %scan3A_59 step %scan3A_60 iter_args(%scan3A_119 = %scan3A_56) -> (i32)  : i32 {
        %mul3A_120 = arith.constant 2 : i32
        %mul3A_121 = arith.muli %scan3A_118, %mul3A_120 : i32
        %dma_wait3A_122 = arith.constant 0 : i32
        %dma_wait3A_123 = arith.constant 0 : i32
        %dma_wait3A_124 = tpu.memref_slice %arg7[%dma_wait3A_122, %dma_wait3A_123] : memref<40x128xi32, #tpu.memory_space<vmem>> -> memref<1x128xi32, #tpu.memory_space<vmem>>
        %dma_wait3A_125 = tpu.memref_squeeze %dma_wait3A_124 : memref<1x128xi32, #tpu.memory_space<vmem>> -> memref<128xi32, #tpu.memory_space<vmem>>
        %dma_wait3A_126 = arith.constant 0 : i32
        %dma_wait3A_127 = arith.constant 0 : i32
        %dma_wait3A_128 = tpu.memref_slice %arg5[%dma_wait3A_126, %dma_wait3A_127] : memref<10000x128xf32, #tpu.memory_space<hbm>> -> memref<10000x128xf32, #tpu.memory_space<hbm>>
        tpu.wait_indirect_dma semaphore(%arg12 : memref<!tpu.dma_semaphore, #tpu.memory_space<semaphore_mem>>) src(%dma_wait3A_128 : memref<10000x128xf32, #tpu.memory_space<hbm>>) dst(%arg9 : memref<128x128xf32, #tpu.memory_space<vmem>>)
        %gt3A = arith.constant 0 : i32
        %gt3A_129 = arith.cmpi sgt, %scan3A_118, %gt3A : i32
        %convert_element_type3A_130 = arith.extui %gt3A_129 : i1 to i32
        %cond3A_131 = arith.constant 0 : i32
        %cond3A_132 = arith.cmpi ne, %convert_element_type3A_130, %cond3A_131 : i32
        scf.if %cond3A_132 {
          %dma_wait3A_174 = arith.constant 0 : i32
          %dma_wait3A_175 = arith.constant 0 : i32
          %dma_wait3A_176 = tpu.memref_slice %arg8[%dma_wait3A_174, %dma_wait3A_175] : memref<40x128xi32, #tpu.memory_space<vmem>> -> memref<1x128xi32, #tpu.memory_space<vmem>>
          %dma_wait3A_177 = tpu.memref_squeeze %dma_wait3A_176 : memref<1x128xi32, #tpu.memory_space<vmem>> -> memref<128xi32, #tpu.memory_space<vmem>>
          %dma_wait3A_178 = arith.constant 0 : i32
          %dma_wait3A_179 = arith.constant 0 : i32
          %dma_wait3A_180 = tpu.memref_slice %arg11[%dma_wait3A_178, %dma_wait3A_179] : memref<10240x128xf32, #tpu.memory_space<vmem_shared>> -> memref<10240x128xf32, #tpu.memory_space<vmem_shared>>
          tpu.wait_indirect_dma semaphore(%arg15 : memref<!tpu.dma_semaphore, #tpu.memory_space<semaphore_mem>>) src(%arg10 : memref<128x128xf32, #tpu.memory_space<vmem>>) dst(%dma_wait3A_180 : memref<10240x128xf32, #tpu.memory_space<vmem_shared>>)
        } else {
        }
        %add3A_133 = arith.constant 1 : i32
        %add3A_134 = arith.addi %mul3A_121, %add3A_133 : i32
        %dma_start3A_135 = arith.constant 0 : i32
        %dma_start3A_136 = tpu.memref_slice %arg7[%add3A_134, %dma_start3A_135] : memref<40x128xi32, #tpu.memory_space<vmem>> -> memref<1x128xi32, #tpu.memory_space<vmem>>
        %dma_start3A_137 = tpu.memref_squeeze %dma_start3A_136 : memref<1x128xi32, #tpu.memory_space<vmem>> -> memref<128xi32, #tpu.memory_space<vmem>>
        %dma_start3A_138 = arith.constant 0 : i32
        %dma_start3A_139 = arith.constant 0 : i32
        %dma_start3A_140 = tpu.memref_slice %arg5[%dma_start3A_138, %dma_start3A_139] : memref<10000x128xf32, #tpu.memory_space<hbm>> -> memref<10000x128xf32, #tpu.memory_space<hbm>>
        tpu.enqueue_indirect_dma source(%dma_start3A_140 : memref<10000x128xf32, #tpu.memory_space<hbm>>) target(%arg10 : memref<128x128xf32, #tpu.memory_space<vmem>>) offsets(%dma_start3A_137 : memref<128xi32, #tpu.memory_space<vmem>>) semaphore(%arg13 : memref<!tpu.dma_semaphore, #tpu.memory_space<semaphore_mem>>)
        %dma_start3A_141 = arith.constant 0 : i32
        %dma_start3A_142 = tpu.memref_slice %arg8[%mul3A_121, %dma_start3A_141] : memref<40x128xi32, #tpu.memory_space<vmem>> -> memref<1x128xi32, #tpu.memory_space<vmem>>
        %dma_start3A_143 = tpu.memref_squeeze %dma_start3A_142 : memref<1x128xi32, #tpu.memory_space<vmem>> -> memref<128xi32, #tpu.memory_space<vmem>>
        %dma_start3A_144 = arith.constant 0 : i32
        %dma_start3A_145 = arith.constant 0 : i32
        %dma_start3A_146 = tpu.memref_slice %arg11[%dma_start3A_144, %dma_start3A_145] : memref<10240x128xf32, #tpu.memory_space<vmem_shared>> -> memref<10240x128xf32, #tpu.memory_space<vmem_shared>>
        tpu.enqueue_indirect_dma source(%arg9 : memref<128x128xf32, #tpu.memory_space<vmem>>) target(%dma_start3A_146 : memref<10240x128xf32, #tpu.memory_space<vmem_shared>>) offsets(%dma_start3A_143 : memref<128xi32, #tpu.memory_space<vmem>>) semaphore(%arg14 : memref<!tpu.dma_semaphore, #tpu.memory_space<semaphore_mem>>) {add = true}
        %dma_wait3A_147 = arith.constant 0 : i32
        %dma_wait3A_148 = arith.constant 0 : i32
        %dma_wait3A_149 = tpu.memref_slice %arg7[%dma_wait3A_147, %dma_wait3A_148] : memref<40x128xi32, #tpu.memory_space<vmem>> -> memref<1x128xi32, #tpu.memory_space<vmem>>
        %dma_wait3A_150 = tpu.memref_squeeze %dma_wait3A_149 : memref<1x128xi32, #tpu.memory_space<vmem>> -> memref<128xi32, #tpu.memory_space<vmem>>
        %dma_wait3A_151 = arith.constant 0 : i32
        %dma_wait3A_152 = arith.constant 0 : i32
        %dma_wait3A_153 = tpu.memref_slice %arg5[%dma_wait3A_151, %dma_wait3A_152] : memref<10000x128xf32, #tpu.memory_space<hbm>> -> memref<10000x128xf32, #tpu.memory_space<hbm>>
        tpu.wait_indirect_dma semaphore(%arg13 : memref<!tpu.dma_semaphore, #tpu.memory_space<semaphore_mem>>) src(%dma_wait3A_153 : memref<10000x128xf32, #tpu.memory_space<hbm>>) dst(%arg10 : memref<128x128xf32, #tpu.memory_space<vmem>>)
        %dma_wait3A_154 = arith.constant 0 : i32
        %dma_wait3A_155 = arith.constant 0 : i32
        %dma_wait3A_156 = tpu.memref_slice %arg8[%dma_wait3A_154, %dma_wait3A_155] : memref<40x128xi32, #tpu.memory_space<vmem>> -> memref<1x128xi32, #tpu.memory_space<vmem>>
        %dma_wait3A_157 = tpu.memref_squeeze %dma_wait3A_156 : memref<1x128xi32, #tpu.memory_space<vmem>> -> memref<128xi32, #tpu.memory_space<vmem>>
        %dma_wait3A_158 = arith.constant 0 : i32
        %dma_wait3A_159 = arith.constant 0 : i32
        %dma_wait3A_160 = tpu.memref_slice %arg11[%dma_wait3A_158, %dma_wait3A_159] : memref<10240x128xf32, #tpu.memory_space<vmem_shared>> -> memref<10240x128xf32, #tpu.memory_space<vmem_shared>>
        tpu.wait_indirect_dma semaphore(%arg14 : memref<!tpu.dma_semaphore, #tpu.memory_space<semaphore_mem>>) src(%arg9 : memref<128x128xf32, #tpu.memory_space<vmem>>) dst(%dma_wait3A_160 : memref<10240x128xf32, #tpu.memory_space<vmem_shared>>)
        %lt3A = arith.constant 19 : i32
        %lt3A_161 = arith.cmpi slt, %scan3A_118, %lt3A : i32
        %convert_element_type3A_162 = arith.extui %lt3A_161 : i1 to i32
        %cond3A_163 = arith.constant 0 : i32
        %cond3A_164 = arith.cmpi ne, %convert_element_type3A_162, %cond3A_163 : i32
        scf.if %cond3A_164 {
          %add3A_174 = arith.constant 2 : i32
          %add3A_175 = arith.addi %mul3A_121, %add3A_174 : i32
          %dma_start3A_176 = arith.constant 0 : i32
          %dma_start3A_177 = tpu.memref_slice %arg7[%add3A_175, %dma_start3A_176] : memref<40x128xi32, #tpu.memory_space<vmem>> -> memref<1x128xi32, #tpu.memory_space<vmem>>
          %dma_start3A_178 = tpu.memref_squeeze %dma_start3A_177 : memref<1x128xi32, #tpu.memory_space<vmem>> -> memref<128xi32, #tpu.memory_space<vmem>>
          %dma_start3A_179 = arith.constant 0 : i32
          %dma_start3A_180 = arith.constant 0 : i32
          %dma_start3A_181 = tpu.memref_slice %arg5[%dma_start3A_179, %dma_start3A_180] : memref<10000x128xf32, #tpu.memory_space<hbm>> -> memref<10000x128xf32, #tpu.memory_space<hbm>>
          tpu.enqueue_indirect_dma source(%dma_start3A_181 : memref<10000x128xf32, #tpu.memory_space<hbm>>) target(%arg9 : memref<128x128xf32, #tpu.memory_space<vmem>>) offsets(%dma_start3A_178 : memref<128xi32, #tpu.memory_space<vmem>>) semaphore(%arg12 : memref<!tpu.dma_semaphore, #tpu.memory_space<semaphore_mem>>)
        } else {
        }
        %add3A_165 = arith.constant 1 : i32
        %add3A_166 = arith.addi %mul3A_121, %add3A_165 : i32
        %dma_start3A_167 = arith.constant 0 : i32
        %dma_start3A_168 = tpu.memref_slice %arg8[%add3A_166, %dma_start3A_167] : memref<40x128xi32, #tpu.memory_space<vmem>> -> memref<1x128xi32, #tpu.memory_space<vmem>>
        %dma_start3A_169 = tpu.memref_squeeze %dma_start3A_168 : memref<1x128xi32, #tpu.memory_space<vmem>> -> memref<128xi32, #tpu.memory_space<vmem>>
        %dma_start3A_170 = arith.constant 0 : i32
        %dma_start3A_171 = arith.constant 0 : i32
        %dma_start3A_172 = tpu.memref_slice %arg11[%dma_start3A_170, %dma_start3A_171] : memref<10240x128xf32, #tpu.memory_space<vmem_shared>> -> memref<10240x128xf32, #tpu.memory_space<vmem_shared>>
        tpu.enqueue_indirect_dma source(%arg10 : memref<128x128xf32, #tpu.memory_space<vmem>>) target(%dma_start3A_172 : memref<10240x128xf32, #tpu.memory_space<vmem_shared>>) offsets(%dma_start3A_169 : memref<128xi32, #tpu.memory_space<vmem>>) semaphore(%arg15 : memref<!tpu.dma_semaphore, #tpu.memory_space<semaphore_mem>>) {add = true}
        %scan3A_173 = arith.constant 0 : i32
        scf.yield %scan3A_173 : i32
      }
      %scan3A_62 = arith.constant 20 : i32
      %dma_wait3A_63 = arith.constant 0 : i32
      %dma_wait3A_64 = arith.constant 0 : i32
      %dma_wait3A_65 = tpu.memref_slice %arg8[%dma_wait3A_63, %dma_wait3A_64] : memref<40x128xi32, #tpu.memory_space<vmem>> -> memref<1x128xi32, #tpu.memory_space<vmem>>
      %dma_wait3A_66 = tpu.memref_squeeze %dma_wait3A_65 : memref<1x128xi32, #tpu.memory_space<vmem>> -> memref<128xi32, #tpu.memory_space<vmem>>
      %dma_wait3A_67 = arith.constant 0 : i32
      %dma_wait3A_68 = arith.constant 0 : i32
      %dma_wait3A_69 = tpu.memref_slice %arg11[%dma_wait3A_67, %dma_wait3A_68] : memref<10240x128xf32, #tpu.memory_space<vmem_shared>> -> memref<10240x128xf32, #tpu.memory_space<vmem_shared>>
      tpu.wait_indirect_dma semaphore(%arg15 : memref<!tpu.dma_semaphore, #tpu.memory_space<semaphore_mem>>) src(%arg10 : memref<128x128xf32, #tpu.memory_space<vmem>>) dst(%dma_wait3A_69 : memref<10240x128xf32, #tpu.memory_space<vmem_shared>>)
      %add3A_70 = arith.constant 80 : i32
      %add3A_71 = arith.addi %mul3A_16, %add3A_70 : i32
      %multiple_of3A_72 = tpu.assume_multiple %add3A_71, 8 : i32
      "tpu.region"() ({
        %run_scoped3A = tpu.sem_alloc : memref<!tpu.dma_semaphore, #tpu.memory_space<semaphore_mem>>
        %dma_start3A_118 = arith.constant 0 : i32
        %dma_start3A_119 = tpu.memref_slice %arg2[%multiple_of3A_72, %dma_start3A_118] : memref<2560x128xi32, #tpu.memory_space<hbm>> -> memref<40x128xi32, #tpu.memory_space<hbm>>
        %dma_start3A_120 = arith.constant 0 : i32
        %dma_start3A_121 = tpu.memref_slice %arg2[%multiple_of3A_72, %dma_start3A_120] : memref<2560x128xi32, #tpu.memory_space<hbm>> -> memref<40x128xi32, #tpu.memory_space<hbm>>
        tpu.enqueue_dma source(%dma_start3A_121 : memref<40x128xi32, #tpu.memory_space<hbm>>) target(%arg7 : memref<40x128xi32, #tpu.memory_space<vmem>>) target_semaphore(%run_scoped3A : memref<!tpu.dma_semaphore, #tpu.memory_space<semaphore_mem>>)
        %dma_wait3A_122 = arith.constant 0 : i32
        %dma_wait3A_123 = tpu.memref_slice %arg2[%multiple_of3A_72, %dma_wait3A_122] : memref<2560x128xi32, #tpu.memory_space<hbm>> -> memref<40x128xi32, #tpu.memory_space<hbm>>
        %dma_wait3A_124 = arith.constant 0 : i32
        %dma_wait3A_125 = tpu.memref_slice %arg2[%multiple_of3A_72, %dma_wait3A_124] : memref<2560x128xi32, #tpu.memory_space<hbm>> -> memref<40x128xi32, #tpu.memory_space<hbm>>
        tpu.wait_dma2 semaphore(%run_scoped3A : memref<!tpu.dma_semaphore, #tpu.memory_space<semaphore_mem>>) src(%dma_wait3A_125 : memref<40x128xi32, #tpu.memory_space<hbm>>) dst(%arg7 : memref<40x128xi32, #tpu.memory_space<vmem>>)
        tpu.yield
      }) : () -> ()
      "tpu.region"() ({
        %run_scoped3A = tpu.sem_alloc : memref<!tpu.dma_semaphore, #tpu.memory_space<semaphore_mem>>
        %dma_start3A_118 = arith.constant 0 : i32
        %dma_start3A_119 = tpu.memref_slice %arg3[%multiple_of3A_72, %dma_start3A_118] : memref<2560x128xi32, #tpu.memory_space<hbm>> -> memref<40x128xi32, #tpu.memory_space<hbm>>
        %dma_start3A_120 = arith.constant 0 : i32
        %dma_start3A_121 = tpu.memref_slice %arg3[%multiple_of3A_72, %dma_start3A_120] : memref<2560x128xi32, #tpu.memory_space<hbm>> -> memref<40x128xi32, #tpu.memory_space<hbm>>
        tpu.enqueue_dma source(%dma_start3A_121 : memref<40x128xi32, #tpu.memory_space<hbm>>) target(%arg8 : memref<40x128xi32, #tpu.memory_space<vmem>>) target_semaphore(%run_scoped3A : memref<!tpu.dma_semaphore, #tpu.memory_space<semaphore_mem>>)
        %dma_wait3A_122 = arith.constant 0 : i32
        %dma_wait3A_123 = tpu.memref_slice %arg3[%multiple_of3A_72, %dma_wait3A_122] : memref<2560x128xi32, #tpu.memory_space<hbm>> -> memref<40x128xi32, #tpu.memory_space<hbm>>
        %dma_wait3A_124 = arith.constant 0 : i32
        %dma_wait3A_125 = tpu.memref_slice %arg3[%multiple_of3A_72, %dma_wait3A_124] : memref<2560x128xi32, #tpu.memory_space<hbm>> -> memref<40x128xi32, #tpu.memory_space<hbm>>
        tpu.wait_dma2 semaphore(%run_scoped3A : memref<!tpu.dma_semaphore, #tpu.memory_space<semaphore_mem>>) src(%dma_wait3A_125 : memref<40x128xi32, #tpu.memory_space<hbm>>) dst(%arg8 : memref<40x128xi32, #tpu.memory_space<vmem>>)
        tpu.yield
      }) : () -> ()
      %dma_start3A_73 = arith.constant 0 : i32
      %dma_start3A_74 = arith.constant 0 : i32
      %dma_start3A_75 = tpu.memref_slice %arg7[%dma_start3A_73, %dma_start3A_74] : memref<40x128xi32, #tpu.memory_space<vmem>> -> memref<1x128xi32, #tpu.memory_space<vmem>>
      %dma_start3A_76 = tpu.memref_squeeze %dma_start3A_75 : memref<1x128xi32, #tpu.memory_space<vmem>> -> memref<128xi32, #tpu.memory_space<vmem>>
      %dma_start3A_77 = arith.constant 0 : i32
      %dma_start3A_78 = arith.constant 0 : i32
      %dma_start3A_79 = tpu.memref_slice %arg5[%dma_start3A_77, %dma_start3A_78] : memref<10000x128xf32, #tpu.memory_space<hbm>> -> memref<10000x128xf32, #tpu.memory_space<hbm>>
      tpu.enqueue_indirect_dma source(%dma_start3A_79 : memref<10000x128xf32, #tpu.memory_space<hbm>>) target(%arg9 : memref<128x128xf32, #tpu.memory_space<vmem>>) offsets(%dma_start3A_76 : memref<128xi32, #tpu.memory_space<vmem>>) semaphore(%arg12 : memref<!tpu.dma_semaphore, #tpu.memory_space<semaphore_mem>>)
      %scan3A_80 = arith.constant 0 : i32
      %scan3A_81 = arith.constant 0 : i32
      %scan3A_82 = arith.constant 20 : i32
      %scan3A_83 = arith.addi %scan3A_81, %scan3A_82 : i32
      %scan3A_84 = arith.constant 1 : i32
      %scan3A_85 = scf.for %scan3A_118 = %scan3A_81 to %scan3A_83 step %scan3A_84 iter_args(%scan3A_119 = %scan3A_80) -> (i32)  : i32 {
        %mul3A_120 = arith.constant 2 : i32
        %mul3A_121 = arith.muli %scan3A_118, %mul3A_120 : i32
        %dma_wait3A_122 = arith.constant 0 : i32
        %dma_wait3A_123 = arith.constant 0 : i32
        %dma_wait3A_124 = tpu.memref_slice %arg7[%dma_wait3A_122, %dma_wait3A_123] : memref<40x128xi32, #tpu.memory_space<vmem>> -> memref<1x128xi32, #tpu.memory_space<vmem>>
        %dma_wait3A_125 = tpu.memref_squeeze %dma_wait3A_124 : memref<1x128xi32, #tpu.memory_space<vmem>> -> memref<128xi32, #tpu.memory_space<vmem>>
        %dma_wait3A_126 = arith.constant 0 : i32
        %dma_wait3A_127 = arith.constant 0 : i32
        %dma_wait3A_128 = tpu.memref_slice %arg5[%dma_wait3A_126, %dma_wait3A_127] : memref<10000x128xf32, #tpu.memory_space<hbm>> -> memref<10000x128xf32, #tpu.memory_space<hbm>>
        tpu.wait_indirect_dma semaphore(%arg12 : memref<!tpu.dma_semaphore, #tpu.memory_space<semaphore_mem>>) src(%dma_wait3A_128 : memref<10000x128xf32, #tpu.memory_space<hbm>>) dst(%arg9 : memref<128x128xf32, #tpu.memory_space<vmem>>)
        %gt3A = arith.constant 0 : i32
        %gt3A_129 = arith.cmpi sgt, %scan3A_118, %gt3A : i32
        %convert_element_type3A_130 = arith.extui %gt3A_129 : i1 to i32
        %cond3A_131 = arith.constant 0 : i32
        %cond3A_132 = arith.cmpi ne, %convert_element_type3A_130, %cond3A_131 : i32
        scf.if %cond3A_132 {
          %dma_wait3A_174 = arith.constant 0 : i32
          %dma_wait3A_175 = arith.constant 0 : i32
          %dma_wait3A_176 = tpu.memref_slice %arg8[%dma_wait3A_174, %dma_wait3A_175] : memref<40x128xi32, #tpu.memory_space<vmem>> -> memref<1x128xi32, #tpu.memory_space<vmem>>
          %dma_wait3A_177 = tpu.memref_squeeze %dma_wait3A_176 : memref<1x128xi32, #tpu.memory_space<vmem>> -> memref<128xi32, #tpu.memory_space<vmem>>
          %dma_wait3A_178 = arith.constant 0 : i32
          %dma_wait3A_179 = arith.constant 0 : i32
          %dma_wait3A_180 = tpu.memref_slice %arg11[%dma_wait3A_178, %dma_wait3A_179] : memref<10240x128xf32, #tpu.memory_space<vmem_shared>> -> memref<10240x128xf32, #tpu.memory_space<vmem_shared>>
          tpu.wait_indirect_dma semaphore(%arg15 : memref<!tpu.dma_semaphore, #tpu.memory_space<semaphore_mem>>) src(%arg10 : memref<128x128xf32, #tpu.memory_space<vmem>>) dst(%dma_wait3A_180 : memref<10240x128xf32, #tpu.memory_space<vmem_shared>>)
        } else {
        }
        %add3A_133 = arith.constant 1 : i32
        %add3A_134 = arith.addi %mul3A_121, %add3A_133 : i32
        %dma_start3A_135 = arith.constant 0 : i32
        %dma_start3A_136 = tpu.memref_slice %arg7[%add3A_134, %dma_start3A_135] : memref<40x128xi32, #tpu.memory_space<vmem>> -> memref<1x128xi32, #tpu.memory_space<vmem>>
        %dma_start3A_137 = tpu.memref_squeeze %dma_start3A_136 : memref<1x128xi32, #tpu.memory_space<vmem>> -> memref<128xi32, #tpu.memory_space<vmem>>
        %dma_start3A_138 = arith.constant 0 : i32
        %dma_start3A_139 = arith.constant 0 : i32
        %dma_start3A_140 = tpu.memref_slice %arg5[%dma_start3A_138, %dma_start3A_139] : memref<10000x128xf32, #tpu.memory_space<hbm>> -> memref<10000x128xf32, #tpu.memory_space<hbm>>
        tpu.enqueue_indirect_dma source(%dma_start3A_140 : memref<10000x128xf32, #tpu.memory_space<hbm>>) target(%arg10 : memref<128x128xf32, #tpu.memory_space<vmem>>) offsets(%dma_start3A_137 : memref<128xi32, #tpu.memory_space<vmem>>) semaphore(%arg13 : memref<!tpu.dma_semaphore, #tpu.memory_space<semaphore_mem>>)
        %dma_start3A_141 = arith.constant 0 : i32
        %dma_start3A_142 = tpu.memref_slice %arg8[%mul3A_121, %dma_start3A_141] : memref<40x128xi32, #tpu.memory_space<vmem>> -> memref<1x128xi32, #tpu.memory_space<vmem>>
        %dma_start3A_143 = tpu.memref_squeeze %dma_start3A_142 : memref<1x128xi32, #tpu.memory_space<vmem>> -> memref<128xi32, #tpu.memory_space<vmem>>
        %dma_start3A_144 = arith.constant 0 : i32
        %dma_start3A_145 = arith.constant 0 : i32
        %dma_start3A_146 = tpu.memref_slice %arg11[%dma_start3A_144, %dma_start3A_145] : memref<10240x128xf32, #tpu.memory_space<vmem_shared>> -> memref<10240x128xf32, #tpu.memory_space<vmem_shared>>
        tpu.enqueue_indirect_dma source(%arg9 : memref<128x128xf32, #tpu.memory_space<vmem>>) target(%dma_start3A_146 : memref<10240x128xf32, #tpu.memory_space<vmem_shared>>) offsets(%dma_start3A_143 : memref<128xi32, #tpu.memory_space<vmem>>) semaphore(%arg14 : memref<!tpu.dma_semaphore, #tpu.memory_space<semaphore_mem>>) {add = true}
        %dma_wait3A_147 = arith.constant 0 : i32
        %dma_wait3A_148 = arith.constant 0 : i32
        %dma_wait3A_149 = tpu.memref_slice %arg7[%dma_wait3A_147, %dma_wait3A_148] : memref<40x128xi32, #tpu.memory_space<vmem>> -> memref<1x128xi32, #tpu.memory_space<vmem>>
        %dma_wait3A_150 = tpu.memref_squeeze %dma_wait3A_149 : memref<1x128xi32, #tpu.memory_space<vmem>> -> memref<128xi32, #tpu.memory_space<vmem>>
        %dma_wait3A_151 = arith.constant 0 : i32
        %dma_wait3A_152 = arith.constant 0 : i32
        %dma_wait3A_153 = tpu.memref_slice %arg5[%dma_wait3A_151, %dma_wait3A_152] : memref<10000x128xf32, #tpu.memory_space<hbm>> -> memref<10000x128xf32, #tpu.memory_space<hbm>>
        tpu.wait_indirect_dma semaphore(%arg13 : memref<!tpu.dma_semaphore, #tpu.memory_space<semaphore_mem>>) src(%dma_wait3A_153 : memref<10000x128xf32, #tpu.memory_space<hbm>>) dst(%arg10 : memref<128x128xf32, #tpu.memory_space<vmem>>)
        %dma_wait3A_154 = arith.constant 0 : i32
        %dma_wait3A_155 = arith.constant 0 : i32
        %dma_wait3A_156 = tpu.memref_slice %arg8[%dma_wait3A_154, %dma_wait3A_155] : memref<40x128xi32, #tpu.memory_space<vmem>> -> memref<1x128xi32, #tpu.memory_space<vmem>>
        %dma_wait3A_157 = tpu.memref_squeeze %dma_wait3A_156 : memref<1x128xi32, #tpu.memory_space<vmem>> -> memref<128xi32, #tpu.memory_space<vmem>>
        %dma_wait3A_158 = arith.constant 0 : i32
        %dma_wait3A_159 = arith.constant 0 : i32
        %dma_wait3A_160 = tpu.memref_slice %arg11[%dma_wait3A_158, %dma_wait3A_159] : memref<10240x128xf32, #tpu.memory_space<vmem_shared>> -> memref<10240x128xf32, #tpu.memory_space<vmem_shared>>
        tpu.wait_indirect_dma semaphore(%arg14 : memref<!tpu.dma_semaphore, #tpu.memory_space<semaphore_mem>>) src(%arg9 : memref<128x128xf32, #tpu.memory_space<vmem>>) dst(%dma_wait3A_160 : memref<10240x128xf32, #tpu.memory_space<vmem_shared>>)
        %lt3A = arith.constant 19 : i32
        %lt3A_161 = arith.cmpi slt, %scan3A_118, %lt3A : i32
        %convert_element_type3A_162 = arith.extui %lt3A_161 : i1 to i32
        %cond3A_163 = arith.constant 0 : i32
        %cond3A_164 = arith.cmpi ne, %convert_element_type3A_162, %cond3A_163 : i32
        scf.if %cond3A_164 {
          %add3A_174 = arith.constant 2 : i32
          %add3A_175 = arith.addi %mul3A_121, %add3A_174 : i32
          %dma_start3A_176 = arith.constant 0 : i32
          %dma_start3A_177 = tpu.memref_slice %arg7[%add3A_175, %dma_start3A_176] : memref<40x128xi32, #tpu.memory_space<vmem>> -> memref<1x128xi32, #tpu.memory_space<vmem>>
          %dma_start3A_178 = tpu.memref_squeeze %dma_start3A_177 : memref<1x128xi32, #tpu.memory_space<vmem>> -> memref<128xi32, #tpu.memory_space<vmem>>
          %dma_start3A_179 = arith.constant 0 : i32
          %dma_start3A_180 = arith.constant 0 : i32
          %dma_start3A_181 = tpu.memref_slice %arg5[%dma_start3A_179, %dma_start3A_180] : memref<10000x128xf32, #tpu.memory_space<hbm>> -> memref<10000x128xf32, #tpu.memory_space<hbm>>
          tpu.enqueue_indirect_dma source(%dma_start3A_181 : memref<10000x128xf32, #tpu.memory_space<hbm>>) target(%arg9 : memref<128x128xf32, #tpu.memory_space<vmem>>) offsets(%dma_start3A_178 : memref<128xi32, #tpu.memory_space<vmem>>) semaphore(%arg12 : memref<!tpu.dma_semaphore, #tpu.memory_space<semaphore_mem>>)
        } else {
        }
        %add3A_165 = arith.constant 1 : i32
        %add3A_166 = arith.addi %mul3A_121, %add3A_165 : i32
        %dma_start3A_167 = arith.constant 0 : i32
        %dma_start3A_168 = tpu.memref_slice %arg8[%add3A_166, %dma_start3A_167] : memref<40x128xi32, #tpu.memory_space<vmem>> -> memref<1x128xi32, #tpu.memory_space<vmem>>
        %dma_start3A_169 = tpu.memref_squeeze %dma_start3A_168 : memref<1x128xi32, #tpu.memory_space<vmem>> -> memref<128xi32, #tpu.memory_space<vmem>>
        %dma_start3A_170 = arith.constant 0 : i32
        %dma_start3A_171 = arith.constant 0 : i32
        %dma_start3A_172 = tpu.memref_slice %arg11[%dma_start3A_170, %dma_start3A_171] : memref<10240x128xf32, #tpu.memory_space<vmem_shared>> -> memref<10240x128xf32, #tpu.memory_space<vmem_shared>>
        tpu.enqueue_indirect_dma source(%arg10 : memref<128x128xf32, #tpu.memory_space<vmem>>) target(%dma_start3A_172 : memref<10240x128xf32, #tpu.memory_space<vmem_shared>>) offsets(%dma_start3A_169 : memref<128xi32, #tpu.memory_space<vmem>>) semaphore(%arg15 : memref<!tpu.dma_semaphore, #tpu.memory_space<semaphore_mem>>) {add = true}
        %scan3A_173 = arith.constant 0 : i32
        scf.yield %scan3A_173 : i32
      }
      %scan3A_86 = arith.constant 20 : i32
      %dma_wait3A_87 = arith.constant 0 : i32
      %dma_wait3A_88 = arith.constant 0 : i32
      %dma_wait3A_89 = tpu.memref_slice %arg8[%dma_wait3A_87, %dma_wait3A_88] : memref<40x128xi32, #tpu.memory_space<vmem>> -> memref<1x128xi32, #tpu.memory_space<vmem>>
      %dma_wait3A_90 = tpu.memref_squeeze %dma_wait3A_89 : memref<1x128xi32, #tpu.memory_space<vmem>> -> memref<128xi32, #tpu.memory_space<vmem>>
      %dma_wait3A_91 = arith.constant 0 : i32
      %dma_wait3A_92 = arith.constant 0 : i32
      %dma_wait3A_93 = tpu.memref_slice %arg11[%dma_wait3A_91, %dma_wait3A_92] : memref<10240x128xf32, #tpu.memory_space<vmem_shared>> -> memref<10240x128xf32, #tpu.memory_space<vmem_shared>>
      tpu.wait_indirect_dma semaphore(%arg15 : memref<!tpu.dma_semaphore, #tpu.memory_space<semaphore_mem>>) src(%arg10 : memref<128x128xf32, #tpu.memory_space<vmem>>) dst(%dma_wait3A_93 : memref<10240x128xf32, #tpu.memory_space<vmem_shared>>)
      %add3A_94 = arith.constant 120 : i32
      %add3A_95 = arith.addi %mul3A_16, %add3A_94 : i32
      %multiple_of3A_96 = tpu.assume_multiple %add3A_95, 8 : i32
      "tpu.region"() ({
        %run_scoped3A = tpu.sem_alloc : memref<!tpu.dma_semaphore, #tpu.memory_space<semaphore_mem>>
        %dma_start3A_118 = arith.constant 0 : i32
        %dma_start3A_119 = tpu.memref_slice %arg2[%multiple_of3A_96, %dma_start3A_118] : memref<2560x128xi32, #tpu.memory_space<hbm>> -> memref<40x128xi32, #tpu.memory_space<hbm>>
        %dma_start3A_120 = arith.constant 0 : i32
        %dma_start3A_121 = tpu.memref_slice %arg2[%multiple_of3A_96, %dma_start3A_120] : memref<2560x128xi32, #tpu.memory_space<hbm>> -> memref<40x128xi32, #tpu.memory_space<hbm>>
        tpu.enqueue_dma source(%dma_start3A_121 : memref<40x128xi32, #tpu.memory_space<hbm>>) target(%arg7 : memref<40x128xi32, #tpu.memory_space<vmem>>) target_semaphore(%run_scoped3A : memref<!tpu.dma_semaphore, #tpu.memory_space<semaphore_mem>>)
        %dma_wait3A_122 = arith.constant 0 : i32
        %dma_wait3A_123 = tpu.memref_slice %arg2[%multiple_of3A_96, %dma_wait3A_122] : memref<2560x128xi32, #tpu.memory_space<hbm>> -> memref<40x128xi32, #tpu.memory_space<hbm>>
        %dma_wait3A_124 = arith.constant 0 : i32
        %dma_wait3A_125 = tpu.memref_slice %arg2[%multiple_of3A_96, %dma_wait3A_124] : memref<2560x128xi32, #tpu.memory_space<hbm>> -> memref<40x128xi32, #tpu.memory_space<hbm>>
        tpu.wait_dma2 semaphore(%run_scoped3A : memref<!tpu.dma_semaphore, #tpu.memory_space<semaphore_mem>>) src(%dma_wait3A_125 : memref<40x128xi32, #tpu.memory_space<hbm>>) dst(%arg7 : memref<40x128xi32, #tpu.memory_space<vmem>>)
        tpu.yield
      }) : () -> ()
      "tpu.region"() ({
        %run_scoped3A = tpu.sem_alloc : memref<!tpu.dma_semaphore, #tpu.memory_space<semaphore_mem>>
        %dma_start3A_118 = arith.constant 0 : i32
        %dma_start3A_119 = tpu.memref_slice %arg3[%multiple_of3A_96, %dma_start3A_118] : memref<2560x128xi32, #tpu.memory_space<hbm>> -> memref<40x128xi32, #tpu.memory_space<hbm>>
        %dma_start3A_120 = arith.constant 0 : i32
        %dma_start3A_121 = tpu.memref_slice %arg3[%multiple_of3A_96, %dma_start3A_120] : memref<2560x128xi32, #tpu.memory_space<hbm>> -> memref<40x128xi32, #tpu.memory_space<hbm>>
        tpu.enqueue_dma source(%dma_start3A_121 : memref<40x128xi32, #tpu.memory_space<hbm>>) target(%arg8 : memref<40x128xi32, #tpu.memory_space<vmem>>) target_semaphore(%run_scoped3A : memref<!tpu.dma_semaphore, #tpu.memory_space<semaphore_mem>>)
        %dma_wait3A_122 = arith.constant 0 : i32
        %dma_wait3A_123 = tpu.memref_slice %arg3[%multiple_of3A_96, %dma_wait3A_122] : memref<2560x128xi32, #tpu.memory_space<hbm>> -> memref<40x128xi32, #tpu.memory_space<hbm>>
        %dma_wait3A_124 = arith.constant 0 : i32
        %dma_wait3A_125 = tpu.memref_slice %arg3[%multiple_of3A_96, %dma_wait3A_124] : memref<2560x128xi32, #tpu.memory_space<hbm>> -> memref<40x128xi32, #tpu.memory_space<hbm>>
        tpu.wait_dma2 semaphore(%run_scoped3A : memref<!tpu.dma_semaphore, #tpu.memory_space<semaphore_mem>>) src(%dma_wait3A_125 : memref<40x128xi32, #tpu.memory_space<hbm>>) dst(%arg8 : memref<40x128xi32, #tpu.memory_space<vmem>>)
        tpu.yield
      }) : () -> ()
      %dma_start3A_97 = arith.constant 0 : i32
      %dma_start3A_98 = arith.constant 0 : i32
      %dma_start3A_99 = tpu.memref_slice %arg7[%dma_start3A_97, %dma_start3A_98] : memref<40x128xi32, #tpu.memory_space<vmem>> -> memref<1x128xi32, #tpu.memory_space<vmem>>
      %dma_start3A_100 = tpu.memref_squeeze %dma_start3A_99 : memref<1x128xi32, #tpu.memory_space<vmem>> -> memref<128xi32, #tpu.memory_space<vmem>>
      %dma_start3A_101 = arith.constant 0 : i32
      %dma_start3A_102 = arith.constant 0 : i32
      %dma_start3A_103 = tpu.memref_slice %arg5[%dma_start3A_101, %dma_start3A_102] : memref<10000x128xf32, #tpu.memory_space<hbm>> -> memref<10000x128xf32, #tpu.memory_space<hbm>>
      tpu.enqueue_indirect_dma source(%dma_start3A_103 : memref<10000x128xf32, #tpu.memory_space<hbm>>) target(%arg9 : memref<128x128xf32, #tpu.memory_space<vmem>>) offsets(%dma_start3A_100 : memref<128xi32, #tpu.memory_space<vmem>>) semaphore(%arg12 : memref<!tpu.dma_semaphore, #tpu.memory_space<semaphore_mem>>)
      %scan3A_104 = arith.constant 0 : i32
      %scan3A_105 = arith.constant 0 : i32
      %scan3A_106 = arith.constant 20 : i32
      %scan3A_107 = arith.addi %scan3A_105, %scan3A_106 : i32
      %scan3A_108 = arith.constant 1 : i32
      %scan3A_109 = scf.for %scan3A_118 = %scan3A_105 to %scan3A_107 step %scan3A_108 iter_args(%scan3A_119 = %scan3A_104) -> (i32)  : i32 {
        %mul3A_120 = arith.constant 2 : i32
        %mul3A_121 = arith.muli %scan3A_118, %mul3A_120 : i32
        %dma_wait3A_122 = arith.constant 0 : i32
        %dma_wait3A_123 = arith.constant 0 : i32
        %dma_wait3A_124 = tpu.memref_slice %arg7[%dma_wait3A_122, %dma_wait3A_123] : memref<40x128xi32, #tpu.memory_space<vmem>> -> memref<1x128xi32, #tpu.memory_space<vmem>>
        %dma_wait3A_125 = tpu.memref_squeeze %dma_wait3A_124 : memref<1x128xi32, #tpu.memory_space<vmem>> -> memref<128xi32, #tpu.memory_space<vmem>>
        %dma_wait3A_126 = arith.constant 0 : i32
        %dma_wait3A_127 = arith.constant 0 : i32
        %dma_wait3A_128 = tpu.memref_slice %arg5[%dma_wait3A_126, %dma_wait3A_127] : memref<10000x128xf32, #tpu.memory_space<hbm>> -> memref<10000x128xf32, #tpu.memory_space<hbm>>
        tpu.wait_indirect_dma semaphore(%arg12 : memref<!tpu.dma_semaphore, #tpu.memory_space<semaphore_mem>>) src(%dma_wait3A_128 : memref<10000x128xf32, #tpu.memory_space<hbm>>) dst(%arg9 : memref<128x128xf32, #tpu.memory_space<vmem>>)
        %gt3A = arith.constant 0 : i32
        %gt3A_129 = arith.cmpi sgt, %scan3A_118, %gt3A : i32
        %convert_element_type3A_130 = arith.extui %gt3A_129 : i1 to i32
        %cond3A_131 = arith.constant 0 : i32
        %cond3A_132 = arith.cmpi ne, %convert_element_type3A_130, %cond3A_131 : i32
        scf.if %cond3A_132 {
          %dma_wait3A_174 = arith.constant 0 : i32
          %dma_wait3A_175 = arith.constant 0 : i32
          %dma_wait3A_176 = tpu.memref_slice %arg8[%dma_wait3A_174, %dma_wait3A_175] : memref<40x128xi32, #tpu.memory_space<vmem>> -> memref<1x128xi32, #tpu.memory_space<vmem>>
          %dma_wait3A_177 = tpu.memref_squeeze %dma_wait3A_176 : memref<1x128xi32, #tpu.memory_space<vmem>> -> memref<128xi32, #tpu.memory_space<vmem>>
          %dma_wait3A_178 = arith.constant 0 : i32
          %dma_wait3A_179 = arith.constant 0 : i32
          %dma_wait3A_180 = tpu.memref_slice %arg11[%dma_wait3A_178, %dma_wait3A_179] : memref<10240x128xf32, #tpu.memory_space<vmem_shared>> -> memref<10240x128xf32, #tpu.memory_space<vmem_shared>>
          tpu.wait_indirect_dma semaphore(%arg15 : memref<!tpu.dma_semaphore, #tpu.memory_space<semaphore_mem>>) src(%arg10 : memref<128x128xf32, #tpu.memory_space<vmem>>) dst(%dma_wait3A_180 : memref<10240x128xf32, #tpu.memory_space<vmem_shared>>)
        } else {
        }
        %add3A_133 = arith.constant 1 : i32
        %add3A_134 = arith.addi %mul3A_121, %add3A_133 : i32
        %dma_start3A_135 = arith.constant 0 : i32
        %dma_start3A_136 = tpu.memref_slice %arg7[%add3A_134, %dma_start3A_135] : memref<40x128xi32, #tpu.memory_space<vmem>> -> memref<1x128xi32, #tpu.memory_space<vmem>>
        %dma_start3A_137 = tpu.memref_squeeze %dma_start3A_136 : memref<1x128xi32, #tpu.memory_space<vmem>> -> memref<128xi32, #tpu.memory_space<vmem>>
        %dma_start3A_138 = arith.constant 0 : i32
        %dma_start3A_139 = arith.constant 0 : i32
        %dma_start3A_140 = tpu.memref_slice %arg5[%dma_start3A_138, %dma_start3A_139] : memref<10000x128xf32, #tpu.memory_space<hbm>> -> memref<10000x128xf32, #tpu.memory_space<hbm>>
        tpu.enqueue_indirect_dma source(%dma_start3A_140 : memref<10000x128xf32, #tpu.memory_space<hbm>>) target(%arg10 : memref<128x128xf32, #tpu.memory_space<vmem>>) offsets(%dma_start3A_137 : memref<128xi32, #tpu.memory_space<vmem>>) semaphore(%arg13 : memref<!tpu.dma_semaphore, #tpu.memory_space<semaphore_mem>>)
        %dma_start3A_141 = arith.constant 0 : i32
        %dma_start3A_142 = tpu.memref_slice %arg8[%mul3A_121, %dma_start3A_141] : memref<40x128xi32, #tpu.memory_space<vmem>> -> memref<1x128xi32, #tpu.memory_space<vmem>>
        %dma_start3A_143 = tpu.memref_squeeze %dma_start3A_142 : memref<1x128xi32, #tpu.memory_space<vmem>> -> memref<128xi32, #tpu.memory_space<vmem>>
        %dma_start3A_144 = arith.constant 0 : i32
        %dma_start3A_145 = arith.constant 0 : i32
        %dma_start3A_146 = tpu.memref_slice %arg11[%dma_start3A_144, %dma_start3A_145] : memref<10240x128xf32, #tpu.memory_space<vmem_shared>> -> memref<10240x128xf32, #tpu.memory_space<vmem_shared>>
        tpu.enqueue_indirect_dma source(%arg9 : memref<128x128xf32, #tpu.memory_space<vmem>>) target(%dma_start3A_146 : memref<10240x128xf32, #tpu.memory_space<vmem_shared>>) offsets(%dma_start3A_143 : memref<128xi32, #tpu.memory_space<vmem>>) semaphore(%arg14 : memref<!tpu.dma_semaphore, #tpu.memory_space<semaphore_mem>>) {add = true}
        %dma_wait3A_147 = arith.constant 0 : i32
        %dma_wait3A_148 = arith.constant 0 : i32
        %dma_wait3A_149 = tpu.memref_slice %arg7[%dma_wait3A_147, %dma_wait3A_148] : memref<40x128xi32, #tpu.memory_space<vmem>> -> memref<1x128xi32, #tpu.memory_space<vmem>>
        %dma_wait3A_150 = tpu.memref_squeeze %dma_wait3A_149 : memref<1x128xi32, #tpu.memory_space<vmem>> -> memref<128xi32, #tpu.memory_space<vmem>>
        %dma_wait3A_151 = arith.constant 0 : i32
        %dma_wait3A_152 = arith.constant 0 : i32
        %dma_wait3A_153 = tpu.memref_slice %arg5[%dma_wait3A_151, %dma_wait3A_152] : memref<10000x128xf32, #tpu.memory_space<hbm>> -> memref<10000x128xf32, #tpu.memory_space<hbm>>
        tpu.wait_indirect_dma semaphore(%arg13 : memref<!tpu.dma_semaphore, #tpu.memory_space<semaphore_mem>>) src(%dma_wait3A_153 : memref<10000x128xf32, #tpu.memory_space<hbm>>) dst(%arg10 : memref<128x128xf32, #tpu.memory_space<vmem>>)
        %dma_wait3A_154 = arith.constant 0 : i32
        %dma_wait3A_155 = arith.constant 0 : i32
        %dma_wait3A_156 = tpu.memref_slice %arg8[%dma_wait3A_154, %dma_wait3A_155] : memref<40x128xi32, #tpu.memory_space<vmem>> -> memref<1x128xi32, #tpu.memory_space<vmem>>
        %dma_wait3A_157 = tpu.memref_squeeze %dma_wait3A_156 : memref<1x128xi32, #tpu.memory_space<vmem>> -> memref<128xi32, #tpu.memory_space<vmem>>
        %dma_wait3A_158 = arith.constant 0 : i32
        %dma_wait3A_159 = arith.constant 0 : i32
        %dma_wait3A_160 = tpu.memref_slice %arg11[%dma_wait3A_158, %dma_wait3A_159] : memref<10240x128xf32, #tpu.memory_space<vmem_shared>> -> memref<10240x128xf32, #tpu.memory_space<vmem_shared>>
        tpu.wait_indirect_dma semaphore(%arg14 : memref<!tpu.dma_semaphore, #tpu.memory_space<semaphore_mem>>) src(%arg9 : memref<128x128xf32, #tpu.memory_space<vmem>>) dst(%dma_wait3A_160 : memref<10240x128xf32, #tpu.memory_space<vmem_shared>>)
        %lt3A = arith.constant 19 : i32
        %lt3A_161 = arith.cmpi slt, %scan3A_118, %lt3A : i32
        %convert_element_type3A_162 = arith.extui %lt3A_161 : i1 to i32
        %cond3A_163 = arith.constant 0 : i32
        %cond3A_164 = arith.cmpi ne, %convert_element_type3A_162, %cond3A_163 : i32
        scf.if %cond3A_164 {
          %add3A_174 = arith.constant 2 : i32
          %add3A_175 = arith.addi %mul3A_121, %add3A_174 : i32
          %dma_start3A_176 = arith.constant 0 : i32
          %dma_start3A_177 = tpu.memref_slice %arg7[%add3A_175, %dma_start3A_176] : memref<40x128xi32, #tpu.memory_space<vmem>> -> memref<1x128xi32, #tpu.memory_space<vmem>>
          %dma_start3A_178 = tpu.memref_squeeze %dma_start3A_177 : memref<1x128xi32, #tpu.memory_space<vmem>> -> memref<128xi32, #tpu.memory_space<vmem>>
          %dma_start3A_179 = arith.constant 0 : i32
          %dma_start3A_180 = arith.constant 0 : i32
          %dma_start3A_181 = tpu.memref_slice %arg5[%dma_start3A_179, %dma_start3A_180] : memref<10000x128xf32, #tpu.memory_space<hbm>> -> memref<10000x128xf32, #tpu.memory_space<hbm>>
          tpu.enqueue_indirect_dma source(%dma_start3A_181 : memref<10000x128xf32, #tpu.memory_space<hbm>>) target(%arg9 : memref<128x128xf32, #tpu.memory_space<vmem>>) offsets(%dma_start3A_178 : memref<128xi32, #tpu.memory_space<vmem>>) semaphore(%arg12 : memref<!tpu.dma_semaphore, #tpu.memory_space<semaphore_mem>>)
        } else {
        }
        %add3A_165 = arith.constant 1 : i32
        %add3A_166 = arith.addi %mul3A_121, %add3A_165 : i32
        %dma_start3A_167 = arith.constant 0 : i32
        %dma_start3A_168 = tpu.memref_slice %arg8[%add3A_166, %dma_start3A_167] : memref<40x128xi32, #tpu.memory_space<vmem>> -> memref<1x128xi32, #tpu.memory_space<vmem>>
        %dma_start3A_169 = tpu.memref_squeeze %dma_start3A_168 : memref<1x128xi32, #tpu.memory_space<vmem>> -> memref<128xi32, #tpu.memory_space<vmem>>
        %dma_start3A_170 = arith.constant 0 : i32
        %dma_start3A_171 = arith.constant 0 : i32
        %dma_start3A_172 = tpu.memref_slice %arg11[%dma_start3A_170, %dma_start3A_171] : memref<10240x128xf32, #tpu.memory_space<vmem_shared>> -> memref<10240x128xf32, #tpu.memory_space<vmem_shared>>
        tpu.enqueue_indirect_dma source(%arg10 : memref<128x128xf32, #tpu.memory_space<vmem>>) target(%dma_start3A_172 : memref<10240x128xf32, #tpu.memory_space<vmem_shared>>) offsets(%dma_start3A_169 : memref<128xi32, #tpu.memory_space<vmem>>) semaphore(%arg15 : memref<!tpu.dma_semaphore, #tpu.memory_space<semaphore_mem>>) {add = true}
        %scan3A_173 = arith.constant 0 : i32
        scf.yield %scan3A_173 : i32
      }
      %scan3A_110 = arith.constant 20 : i32
      %dma_wait3A_111 = arith.constant 0 : i32
      %dma_wait3A_112 = arith.constant 0 : i32
      %dma_wait3A_113 = tpu.memref_slice %arg8[%dma_wait3A_111, %dma_wait3A_112] : memref<40x128xi32, #tpu.memory_space<vmem>> -> memref<1x128xi32, #tpu.memory_space<vmem>>
      %dma_wait3A_114 = tpu.memref_squeeze %dma_wait3A_113 : memref<1x128xi32, #tpu.memory_space<vmem>> -> memref<128xi32, #tpu.memory_space<vmem>>
      %dma_wait3A_115 = arith.constant 0 : i32
      %dma_wait3A_116 = arith.constant 0 : i32
      %dma_wait3A_117 = tpu.memref_slice %arg11[%dma_wait3A_115, %dma_wait3A_116] : memref<10240x128xf32, #tpu.memory_space<vmem_shared>> -> memref<10240x128xf32, #tpu.memory_space<vmem_shared>>
      tpu.wait_indirect_dma semaphore(%arg15 : memref<!tpu.dma_semaphore, #tpu.memory_space<semaphore_mem>>) src(%arg10 : memref<128x128xf32, #tpu.memory_space<vmem>>) dst(%dma_wait3A_117 : memref<10240x128xf32, #tpu.memory_space<vmem_shared>>)
    } else {
    }
    "tpu.trace_stop"() : () -> ()
    "tpu.trace_start"() <{level = 10 : i32, message = "agg_out"}> : () -> ()
    %barrier3A_24 = arith.constant 0 : index
    tpu.barrier barrier_id(%barrier3A_24)
    "tpu.region"() ({
      %run_scoped3A = tpu.sem_alloc : memref<!tpu.dma_semaphore, #tpu.memory_space<semaphore_mem>>
      %dma_start3A = arith.constant 0 : i32
      %dma_start3A_25 = tpu.memref_slice %arg6[%arg0, %multiple_of3A, %dma_start3A] : memref<2x10240x128xf32, #tpu.memory_space<hbm>> -> memref<1x640x128xf32, #tpu.memory_space<hbm>>
      %dma_start3A_26 = tpu.memref_squeeze %dma_start3A_25 : memref<1x640x128xf32, #tpu.memory_space<hbm>> -> memref<640x128xf32, #tpu.memory_space<hbm>>
      %dma_start3A_27 = arith.constant 0 : i32
      %dma_start3A_28 = tpu.memref_slice %arg11[%multiple_of3A, %dma_start3A_27] : memref<10240x128xf32, #tpu.memory_space<vmem_shared>> -> memref<640x128xf32, #tpu.memory_space<vmem_shared>>
      tpu.enqueue_dma source(%dma_start3A_28 : memref<640x128xf32, #tpu.memory_space<vmem_shared>>) target(%dma_start3A_26 : memref<640x128xf32, #tpu.memory_space<hbm>>) target_semaphore(%run_scoped3A : memref<!tpu.dma_semaphore, #tpu.memory_space<semaphore_mem>>)
      %dma_wait3A = arith.constant 0 : i32
      %dma_wait3A_29 = tpu.memref_slice %arg6[%arg0, %multiple_of3A, %dma_wait3A] : memref<2x10240x128xf32, #tpu.memory_space<hbm>> -> memref<1x640x128xf32, #tpu.memory_space<hbm>>
      %dma_wait3A_30 = tpu.memref_squeeze %dma_wait3A_29 : memref<1x640x128xf32, #tpu.memory_space<hbm>> -> memref<640x128xf32, #tpu.memory_space<hbm>>
      %dma_wait3A_31 = arith.constant 0 : i32
      %dma_wait3A_32 = tpu.memref_slice %arg11[%multiple_of3A, %dma_wait3A_31] : memref<10240x128xf32, #tpu.memory_space<vmem_shared>> -> memref<640x128xf32, #tpu.memory_space<vmem_shared>>
      tpu.wait_dma2 semaphore(%run_scoped3A : memref<!tpu.dma_semaphore, #tpu.memory_space<semaphore_mem>>) src(%dma_wait3A_32 : memref<640x128xf32, #tpu.memory_space<vmem_shared>>) dst(%dma_wait3A_30 : memref<640x128xf32, #tpu.memory_space<hbm>>)
      tpu.yield
    }) : () -> ()
    "tpu.trace_stop"() : () -> ()
    return
  }
}

#map = affine_map<(d0, d1) -> (0, 0)>
#map1 = affine_map<(d0, d1) -> (0, 0, 0)>
module attributes {stable_mosaic.version = 14 : i64} {
  func.func @_sc_deg_body(%arg0: i32, %arg1: i32, %arg2: memref<2560x128xi32, #tpu.memory_space<hbm>>, %arg3: memref<2x80x128xf32, #tpu.memory_space<hbm>>, %arg4: memref<80x128xi32, #tpu.memory_space<vmem>>, %arg5: memref<80x128xf32, #tpu.memory_space<vmem>>, %arg6: memref<1x80xi32, #tpu.memory_space<vmem>>, %arg7: memref<80x128xf32, #tpu.memory_space<vmem_shared>>) attributes {dimension_semantics = [#tpu.dimension_semantics<core_parallel>, #tpu.dimension_semantics<subcore_parallel>], iteration_bounds = array<i64: 2, 16>, scalar_prefetch = 0 : i64, scratch_operands = 4 : i64, tpu.core_type = #tpu.core_type<sc_vector_subcore>, window_params = [{transform_indices = #map}, {transform_indices = #map1}]} {
    %mul3A = arith.constant 16 : i32
    %mul3A_0 = arith.muli %arg0, %mul3A : i32
    %add3A = arith.addi %mul3A_0, %arg1 : i32
    %mul3A_1 = arith.constant 80 : i32
    %mul3A_2 = arith.muli %add3A, %mul3A_1 : i32
    %multiple_of3A = tpu.assume_multiple %mul3A_2, 8 : i32
    "tpu.region"() ({
      %run_scoped3A_33 = tpu.sem_alloc : memref<!tpu.dma_semaphore, #tpu.memory_space<semaphore_mem>>
      %dma_start3A = arith.constant 0 : i32
      %dma_start3A_34 = tpu.memref_slice %arg2[%multiple_of3A, %dma_start3A] : memref<2560x128xi32, #tpu.memory_space<hbm>> -> memref<80x128xi32, #tpu.memory_space<hbm>>
      %dma_start3A_35 = arith.constant 0 : i32
      %dma_start3A_36 = tpu.memref_slice %arg2[%multiple_of3A, %dma_start3A_35] : memref<2560x128xi32, #tpu.memory_space<hbm>> -> memref<80x128xi32, #tpu.memory_space<hbm>>
      tpu.enqueue_dma source(%dma_start3A_36 : memref<80x128xi32, #tpu.memory_space<hbm>>) target(%arg4 : memref<80x128xi32, #tpu.memory_space<vmem>>) target_semaphore(%run_scoped3A_33 : memref<!tpu.dma_semaphore, #tpu.memory_space<semaphore_mem>>)
      %dma_wait3A = arith.constant 0 : i32
      %dma_wait3A_37 = tpu.memref_slice %arg2[%multiple_of3A, %dma_wait3A] : memref<2560x128xi32, #tpu.memory_space<hbm>> -> memref<80x128xi32, #tpu.memory_space<hbm>>
      %dma_wait3A_38 = arith.constant 0 : i32
      %dma_wait3A_39 = tpu.memref_slice %arg2[%multiple_of3A, %dma_wait3A_38] : memref<2560x128xi32, #tpu.memory_space<hbm>> -> memref<80x128xi32, #tpu.memory_space<hbm>>
      tpu.wait_dma2 semaphore(%run_scoped3A_33 : memref<!tpu.dma_semaphore, #tpu.memory_space<semaphore_mem>>) src(%dma_wait3A_39 : memref<80x128xi32, #tpu.memory_space<hbm>>) dst(%arg4 : memref<80x128xi32, #tpu.memory_space<vmem>>)
      tpu.yield
    }) : () -> ()
    %broadcast_in_dim3A = arith.constant 0.000000e+00 : f32
    %broadcast_in_dim3A_3 = vector.broadcast %broadcast_in_dim3A : f32 to vector<16xf32>
    %scan3A = arith.constant 0 : i32
    %scan3A_4 = arith.constant 0 : i32
    %scan3A_5 = arith.constant 640 : i32
    %scan3A_6 = arith.addi %scan3A_4, %scan3A_5 : i32
    %scan3A_7 = arith.constant 1 : i32
    %scan3A_8 = scf.for %scan3A_33 = %scan3A_4 to %scan3A_6 step %scan3A_7 iter_args(%scan3A_34 = %scan3A) -> (i32)  : i32 {
      %jit3A = arith.constant 8 : i32
      %div3A = arith.divsi %scan3A_33, %jit3A : i32
      %sign3A = arith.constant 0 : i32
      %sign3A_35 = arith.cmpi sgt, %scan3A_33, %sign3A : i32
      %sign3A_36 = arith.extui %sign3A_35 : i1 to i32
      %sign3A_37 = arith.constant 0 : i32
      %sign3A_38 = arith.cmpi slt, %scan3A_33, %sign3A_37 : i32
      %sign3A_39 = arith.extui %sign3A_38 : i1 to i32
      %sign3A_40 = arith.subi %sign3A_36, %sign3A_39 : i32
      %sign3A_41 = arith.constant 0 : i32
      %sign3A_42 = arith.cmpi sgt, %jit3A, %sign3A_41 : i32
      %sign3A_43 = arith.extui %sign3A_42 : i1 to i32
      %sign3A_44 = arith.constant 0 : i32
      %sign3A_45 = arith.cmpi slt, %jit3A, %sign3A_44 : i32
      %sign3A_46 = arith.extui %sign3A_45 : i1 to i32
      %sign3A_47 = arith.subi %sign3A_43, %sign3A_46 : i32
      %ne3A = arith.cmpi ne, %sign3A_40, %sign3A_47 : i32
      %rem3A = arith.remsi %scan3A_33, %jit3A : i32
      %ne3A_48 = arith.constant 0 : i32
      %ne3A_49 = arith.cmpi ne, %rem3A, %ne3A_48 : i32
      %and3A = arith.andi %ne3A, %ne3A_49 : i1
      %sub3A = arith.constant 1 : i32
      %sub3A_50 = arith.subi %div3A, %sub3A : i32
      %select_n3A = arith.select %and3A, %sub3A_50, %div3A : i32
      %jit3A_51 = arith.constant 8 : i32
      %eq3A_52 = arith.constant 0 : i32
      %eq3A_53 = arith.cmpi eq, %jit3A_51, %eq3A_52 : i32
      %jit3A_54 = arith.constant 1 : i32
      %select_n3A_55 = arith.select %eq3A_53, %jit3A_54, %jit3A_51 : i32
      %rem3A_56 = arith.remsi %scan3A_33, %select_n3A_55 : i32
      %ne3A_57 = arith.constant 0 : i32
      %ne3A_58 = arith.cmpi ne, %rem3A_56, %ne3A_57 : i32
      %lt3A_59 = arith.constant 0 : i32
      %lt3A_60 = arith.cmpi slt, %rem3A_56, %lt3A_59 : i32
      %lt3A_61 = arith.constant 0 : i32
      %lt3A_62 = arith.cmpi slt, %select_n3A_55, %lt3A_61 : i32
      %ne3A_63 = arith.xori %lt3A_60, %lt3A_62 : i1
      %and3A_64 = arith.andi %ne3A_63, %ne3A_58 : i1
      %add3A_65 = arith.addi %rem3A_56, %select_n3A_55 : i32
      %select_n3A_66 = arith.select %and3A_64, %add3A_65, %rem3A_56 : i32
      %mul3A_67 = arith.constant 16 : i32
      %mul3A_68 = arith.muli %select_n3A_66, %mul3A_67 : i32
      %multiple_of3A_69 = tpu.assume_multiple %mul3A_68, 16 : i32
      %swap3A = arith.index_cast %select_n3A : i32 to index
      %swap3A_70 = arith.index_cast %multiple_of3A_69 : i32 to index
      %swap3A_71 = tpu.vector_load %arg5[%swap3A, %swap3A_70] {strides = array<i32>} : memref<80x128xf32, #tpu.memory_space<vmem>>, vector<16xf32>,
      tpu.vector_store %arg5[%swap3A, %swap3A_70], %broadcast_in_dim3A_3 {strides = array<i32>} : memref<80x128xf32, #tpu.memory_space<vmem>>, vector<16xf32>,
      %scan3A_72 = arith.constant 0 : i32
      scf.yield %scan3A_72 : i32
    }
    %scan3A_9 = arith.constant 640 : i32
    %scan3A_10 = arith.constant 0 : i32
    %scan3A_11 = arith.constant 0 : i32
    %scan3A_12 = arith.constant 5 : i32
    %scan3A_13 = arith.addi %scan3A_11, %scan3A_12 : i32
    %scan3A_14 = arith.constant 1 : i32
    %scan3A_15 = scf.for %scan3A_33 = %scan3A_11 to %scan3A_13 step %scan3A_14 iter_args(%scan3A_34 = %scan3A_10) -> (i32)  : i32 {
      %iota3A = tpu.iota {dimensions = array<i32: 0>} : vector<16xi32>
      %mul3A_35 = arith.constant 16 : i32
      %mul3A_36 = arith.muli %scan3A_33, %mul3A_35 : i32
      %add3A_37 = vector.broadcast %mul3A_36 : i32 to vector<16xi32>
      %add3A_38 = arith.addi %iota3A, %add3A_37 : vector<16xi32>
      %mul3A_39 = arith.constant 16 : i32
      %mul3A_40 = arith.muli %scan3A_33, %mul3A_39 : i32
      %multiple_of3A_41 = tpu.assume_multiple %mul3A_40, 16 : i32
      %swap3A = arith.constant 0 : i32
      %swap3A_42 = arith.index_cast %swap3A : i32 to index
      %swap3A_43 = arith.index_cast %multiple_of3A_41 : i32 to index
      %swap3A_44 = tpu.vector_load %arg6[%swap3A_42, %swap3A_43] {strides = array<i32>} : memref<1x80xi32, #tpu.memory_space<vmem>>, vector<16xi32>,
      tpu.vector_store %arg6[%swap3A_42, %swap3A_43], %add3A_38 {strides = array<i32>} : memref<1x80xi32, #tpu.memory_space<vmem>>, vector<16xi32>,
      %scan3A_45 = arith.constant 0 : i32
      scf.yield %scan3A_45 : i32
    }
    %scan3A_16 = arith.constant 5 : i32
    %broadcast_in_dim3A_17 = arith.constant 1.000000e+00 : f32
    %broadcast_in_dim3A_18 = vector.broadcast %broadcast_in_dim3A_17 : f32 to vector<16xf32>
    %eq3A = arith.constant 0 : i32
    %eq3A_19 = arith.cmpi eq, %arg1, %eq3A : i32
    %convert_element_type3A = arith.extui %eq3A_19 : i1 to i32
    %cond3A = arith.constant 0 : i32
    %cond3A_20 = arith.cmpi ne, %convert_element_type3A, %cond3A : i32
    scf.if %cond3A_20 {
      "tpu.region"() ({
        %run_scoped3A_33 = tpu.sem_alloc : memref<!tpu.dma_semaphore, #tpu.memory_space<semaphore_mem>>
        tpu.enqueue_dma source(%arg5 : memref<80x128xf32, #tpu.memory_space<vmem>>) target(%arg7 : memref<80x128xf32, #tpu.memory_space<vmem_shared>>) target_semaphore(%run_scoped3A_33 : memref<!tpu.dma_semaphore, #tpu.memory_space<semaphore_mem>>)
        tpu.wait_dma2 semaphore(%run_scoped3A_33 : memref<!tpu.dma_semaphore, #tpu.memory_space<semaphore_mem>>) src(%arg5 : memref<80x128xf32, #tpu.memory_space<vmem>>) dst(%arg7 : memref<80x128xf32, #tpu.memory_space<vmem_shared>>)
        tpu.yield
      }) : () -> ()
    } else {
    }
    %barrier3A = arith.constant 0 : index
    tpu.barrier barrier_id(%barrier3A)
    %scan3A_21 = arith.constant 0 : i32
    %scan3A_22 = arith.constant 0 : i32
    %scan3A_23 = arith.constant 640 : i32
    %scan3A_24 = arith.addi %scan3A_22, %scan3A_23 : i32
    %scan3A_25 = arith.constant 1 : i32
    %scan3A_26 = scf.for %scan3A_33 = %scan3A_22 to %scan3A_24 step %scan3A_25 iter_args(%scan3A_34 = %scan3A_21) -> (i32)  : i32 {
      %jit3A = arith.constant 8 : i32
      %div3A = arith.divsi %scan3A_33, %jit3A : i32
      %sign3A = arith.constant 0 : i32
      %sign3A_35 = arith.cmpi sgt, %scan3A_33, %sign3A : i32
      %sign3A_36 = arith.extui %sign3A_35 : i1 to i32
      %sign3A_37 = arith.constant 0 : i32
      %sign3A_38 = arith.cmpi slt, %scan3A_33, %sign3A_37 : i32
      %sign3A_39 = arith.extui %sign3A_38 : i1 to i32
      %sign3A_40 = arith.subi %sign3A_36, %sign3A_39 : i32
      %sign3A_41 = arith.constant 0 : i32
      %sign3A_42 = arith.cmpi sgt, %jit3A, %sign3A_41 : i32
      %sign3A_43 = arith.extui %sign3A_42 : i1 to i32
      %sign3A_44 = arith.constant 0 : i32
      %sign3A_45 = arith.cmpi slt, %jit3A, %sign3A_44 : i32
      %sign3A_46 = arith.extui %sign3A_45 : i1 to i32
      %sign3A_47 = arith.subi %sign3A_43, %sign3A_46 : i32
      %ne3A = arith.cmpi ne, %sign3A_40, %sign3A_47 : i32
      %rem3A = arith.remsi %scan3A_33, %jit3A : i32
      %ne3A_48 = arith.constant 0 : i32
      %ne3A_49 = arith.cmpi ne, %rem3A, %ne3A_48 : i32
      %and3A = arith.andi %ne3A, %ne3A_49 : i1
      %sub3A = arith.constant 1 : i32
      %sub3A_50 = arith.subi %div3A, %sub3A : i32
      %select_n3A = arith.select %and3A, %sub3A_50, %div3A : i32
      %jit3A_51 = arith.constant 8 : i32
      %eq3A_52 = arith.constant 0 : i32
      %eq3A_53 = arith.cmpi eq, %jit3A_51, %eq3A_52 : i32
      %jit3A_54 = arith.constant 1 : i32
      %select_n3A_55 = arith.select %eq3A_53, %jit3A_54, %jit3A_51 : i32
      %rem3A_56 = arith.remsi %scan3A_33, %select_n3A_55 : i32
      %ne3A_57 = arith.constant 0 : i32
      %ne3A_58 = arith.cmpi ne, %rem3A_56, %ne3A_57 : i32
      %lt3A_59 = arith.constant 0 : i32
      %lt3A_60 = arith.cmpi slt, %rem3A_56, %lt3A_59 : i32
      %lt3A_61 = arith.constant 0 : i32
      %lt3A_62 = arith.cmpi slt, %select_n3A_55, %lt3A_61 : i32
      %ne3A_63 = arith.xori %lt3A_60, %lt3A_62 : i1
      %and3A_64 = arith.andi %ne3A_63, %ne3A_58 : i1
      %add3A_65 = arith.addi %rem3A_56, %select_n3A_55 : i32
      %select_n3A_66 = arith.select %and3A_64, %add3A_65, %rem3A_56 : i32
      %mul3A_67 = arith.constant 16 : i32
      %mul3A_68 = arith.muli %select_n3A_66, %mul3A_67 : i32
      %multiple_of3A_69 = tpu.assume_multiple %mul3A_68, 16 : i32
      %get3A = arith.index_cast %select_n3A : i32 to index
      %get3A_70 = arith.index_cast %multiple_of3A_69 : i32 to index
      %get3A_71 = tpu.vector_load %arg4[%get3A, %get3A_70] {strides = array<i32>} : memref<80x128xi32, #tpu.memory_space<vmem>>, vector<16xi32>,
      %shift_right_logical3A = arith.constant 7 : i32
      %shift_right_logical3A_72 = vector.broadcast %shift_right_logical3A : i32 to vector<16xi32>
      %shift_right_logical3A_73 = arith.shrui %get3A_71, %shift_right_logical3A_72 : vector<16xi32>
      %and3A_74 = arith.constant 127 : i32
      %and3A_75 = vector.broadcast %and3A_74 : i32 to vector<16xi32>
      %and3A_76 = arith.andi %get3A_71, %and3A_75 : vector<16xi32>
      tpu.vector_store_idx %arg5[%shift_right_logical3A_73, %and3A_76], %broadcast_in_dim3A_18 {add = true} : memref<80x128xf32, #tpu.memory_space<vmem>>[vector<16xi32>, vector<16xi32>], vector<16xf32>,
      %scan3A_77 = arith.constant 0 : i32
      scf.yield %scan3A_77 : i32
    }
    %scan3A_27 = arith.constant 640 : i32
    %run_scoped3A = arith.constant 0 : i32
    "tpu.region"() ({
      %run_scoped3A_33 = tpu.sem_alloc : memref<!tpu.dma_semaphore, #tpu.memory_space<semaphore_mem>>
      %dma_start3A = arith.constant 0 : i32
      %dma_start3A_34 = tpu.memref_slice %arg6[%run_scoped3A, %dma_start3A] : memref<1x80xi32, #tpu.memory_space<vmem>> -> memref<1x80xi32, #tpu.memory_space<vmem>>
      %dma_start3A_35 = tpu.memref_squeeze %dma_start3A_34 : memref<1x80xi32, #tpu.memory_space<vmem>> -> memref<80xi32, #tpu.memory_space<vmem>>
      %dma_start3A_36 = arith.constant 0 : i32
      %dma_start3A_37 = arith.constant 0 : i32
      %dma_start3A_38 = tpu.memref_slice %arg7[%dma_start3A_36, %dma_start3A_37] : memref<80x128xf32, #tpu.memory_space<vmem_shared>> -> memref<80x128xf32, #tpu.memory_space<vmem_shared>>
      tpu.enqueue_indirect_dma source(%arg5 : memref<80x128xf32, #tpu.memory_space<vmem>>) target(%dma_start3A_38 : memref<80x128xf32, #tpu.memory_space<vmem_shared>>) offsets(%dma_start3A_35 : memref<80xi32, #tpu.memory_space<vmem>>) semaphore(%run_scoped3A_33 : memref<!tpu.dma_semaphore, #tpu.memory_space<semaphore_mem>>) {add = true}
      %dma_wait3A = arith.constant 0 : i32
      %dma_wait3A_39 = tpu.memref_slice %arg6[%run_scoped3A, %dma_wait3A] : memref<1x80xi32, #tpu.memory_space<vmem>> -> memref<1x80xi32, #tpu.memory_space<vmem>>
      %dma_wait3A_40 = tpu.memref_squeeze %dma_wait3A_39 : memref<1x80xi32, #tpu.memory_space<vmem>> -> memref<80xi32, #tpu.memory_space<vmem>>
      %dma_wait3A_41 = arith.constant 0 : i32
      %dma_wait3A_42 = arith.constant 0 : i32
      %dma_wait3A_43 = tpu.memref_slice %arg7[%dma_wait3A_41, %dma_wait3A_42] : memref<80x128xf32, #tpu.memory_space<vmem_shared>> -> memref<80x128xf32, #tpu.memory_space<vmem_shared>>
      tpu.wait_indirect_dma semaphore(%run_scoped3A_33 : memref<!tpu.dma_semaphore, #tpu.memory_space<semaphore_mem>>) src(%arg5 : memref<80x128xf32, #tpu.memory_space<vmem>>) dst(%dma_wait3A_43 : memref<80x128xf32, #tpu.memory_space<vmem_shared>>)
      tpu.yield
    }) : () -> ()
    %barrier3A_28 = arith.constant 0 : index
    tpu.barrier barrier_id(%barrier3A_28)
    %lt3A = arith.constant 5 : i32
    %lt3A_29 = arith.cmpi slt, %arg1, %lt3A : i32
    %convert_element_type3A_30 = arith.extui %lt3A_29 : i1 to i32
    %cond3A_31 = arith.constant 0 : i32
    %cond3A_32 = arith.cmpi ne, %convert_element_type3A_30, %cond3A_31 : i32
    scf.if %cond3A_32 {
      %mul3A_33 = arith.constant 16 : i32
      %mul3A_34 = arith.muli %arg1, %mul3A_33 : i32
      %multiple_of3A_35 = tpu.assume_multiple %mul3A_34, 8 : i32
      "tpu.region"() ({
        %run_scoped3A_36 = tpu.sem_alloc : memref<!tpu.dma_semaphore, #tpu.memory_space<semaphore_mem>>
        %dma_start3A = arith.constant 0 : i32
        %dma_start3A_37 = tpu.memref_slice %arg3[%arg0, %multiple_of3A_35, %dma_start3A] : memref<2x80x128xf32, #tpu.memory_space<hbm>> -> memref<1x16x128xf32, #tpu.memory_space<hbm>>
        %dma_start3A_38 = tpu.memref_squeeze %dma_start3A_37 : memref<1x16x128xf32, #tpu.memory_space<hbm>> -> memref<16x128xf32, #tpu.memory_space<hbm>>
        %dma_start3A_39 = arith.constant 0 : i32
        %dma_start3A_40 = tpu.memref_slice %arg7[%multiple_of3A_35, %dma_start3A_39] : memref<80x128xf32, #tpu.memory_space<vmem_shared>> -> memref<16x128xf32, #tpu.memory_space<vmem_shared>>
        tpu.enqueue_dma source(%dma_start3A_40 : memref<16x128xf32, #tpu.memory_space<vmem_shared>>) target(%dma_start3A_38 : memref<16x128xf32, #tpu.memory_space<hbm>>) target_semaphore(%run_scoped3A_36 : memref<!tpu.dma_semaphore, #tpu.memory_space<semaphore_mem>>)
        %dma_wait3A = arith.constant 0 : i32
        %dma_wait3A_41 = tpu.memref_slice %arg3[%arg0, %multiple_of3A_35, %dma_wait3A] : memref<2x80x128xf32, #tpu.memory_space<hbm>> -> memref<1x16x128xf32, #tpu.memory_space<hbm>>
        %dma_wait3A_42 = tpu.memref_squeeze %dma_wait3A_41 : memref<1x16x128xf32, #tpu.memory_space<hbm>> -> memref<16x128xf32, #tpu.memory_space<hbm>>
        %dma_wait3A_43 = arith.constant 0 : i32
        %dma_wait3A_44 = tpu.memref_slice %arg7[%multiple_of3A_35, %dma_wait3A_43] : memref<80x128xf32, #tpu.memory_space<vmem_shared>> -> memref<16x128xf32, #tpu.memory_space<vmem_shared>>
        tpu.wait_dma2 semaphore(%run_scoped3A_36 : memref<!tpu.dma_semaphore, #tpu.memory_space<semaphore_mem>>) src(%dma_wait3A_44 : memref<16x128xf32, #tpu.memory_space<vmem_shared>>) dst(%dma_wait3A_42 : memref<16x128xf32, #tpu.memory_space<hbm>>)
        tpu.yield
      }) : () -> ()
    } else {
    }
    return
  }
}

#map = affine_map<(d0, d1) -> (0, 0)>
#map1 = affine_map<(d0, d1) -> (0, 0, 0)>
module attributes {stable_mosaic.version = 14 : i64} {
  func.func @_sc_aggscalar_body(%arg0: i32, %arg1: i32, %arg2: memref<2560x128xi32, #tpu.memory_space<hbm>>, %arg3: memref<2560x128xi32, #tpu.memory_space<hbm>>, %arg4: memref<80x128xf32, #tpu.memory_space<hbm>>, %arg5: memref<2x80x128xf32, #tpu.memory_space<hbm>>, %arg6: memref<80x128xi32, #tpu.memory_space<vmem>>, %arg7: memref<80x128xi32, #tpu.memory_space<vmem>>, %arg8: memref<80x128xf32, #tpu.memory_space<vmem>>, %arg9: memref<80x128xf32, #tpu.memory_space<vmem>>, %arg10: memref<1x80xi32, #tpu.memory_space<vmem>>, %arg11: memref<80x128xf32, #tpu.memory_space<vmem_shared>>) attributes {dimension_semantics = [#tpu.dimension_semantics<core_parallel>, #tpu.dimension_semantics<subcore_parallel>], iteration_bounds = array<i64: 2, 16>, scalar_prefetch = 0 : i64, scratch_operands = 6 : i64, tpu.core_type = #tpu.core_type<sc_vector_subcore>, window_params = [{transform_indices = #map}, {transform_indices = #map}, {transform_indices = #map}, {transform_indices = #map1}]} {
    %mul3A = arith.constant 16 : i32
    %mul3A_0 = arith.muli %arg0, %mul3A : i32
    %add3A = arith.addi %mul3A_0, %arg1 : i32
    %mul3A_1 = arith.constant 80 : i32
    %mul3A_2 = arith.muli %add3A, %mul3A_1 : i32
    %multiple_of3A = tpu.assume_multiple %mul3A_2, 8 : i32
    "tpu.region"() ({
      %run_scoped3A_34 = tpu.sem_alloc : memref<!tpu.dma_semaphore, #tpu.memory_space<semaphore_mem>>
      %dma_start3A = arith.constant 0 : i32
      %dma_start3A_35 = tpu.memref_slice %arg2[%multiple_of3A, %dma_start3A] : memref<2560x128xi32, #tpu.memory_space<hbm>> -> memref<80x128xi32, #tpu.memory_space<hbm>>
      %dma_start3A_36 = arith.constant 0 : i32
      %dma_start3A_37 = tpu.memref_slice %arg2[%multiple_of3A, %dma_start3A_36] : memref<2560x128xi32, #tpu.memory_space<hbm>> -> memref<80x128xi32, #tpu.memory_space<hbm>>
      tpu.enqueue_dma source(%dma_start3A_37 : memref<80x128xi32, #tpu.memory_space<hbm>>) target(%arg6 : memref<80x128xi32, #tpu.memory_space<vmem>>) target_semaphore(%run_scoped3A_34 : memref<!tpu.dma_semaphore, #tpu.memory_space<semaphore_mem>>)
      %dma_wait3A = arith.constant 0 : i32
      %dma_wait3A_38 = tpu.memref_slice %arg2[%multiple_of3A, %dma_wait3A] : memref<2560x128xi32, #tpu.memory_space<hbm>> -> memref<80x128xi32, #tpu.memory_space<hbm>>
      %dma_wait3A_39 = arith.constant 0 : i32
      %dma_wait3A_40 = tpu.memref_slice %arg2[%multiple_of3A, %dma_wait3A_39] : memref<2560x128xi32, #tpu.memory_space<hbm>> -> memref<80x128xi32, #tpu.memory_space<hbm>>
      tpu.wait_dma2 semaphore(%run_scoped3A_34 : memref<!tpu.dma_semaphore, #tpu.memory_space<semaphore_mem>>) src(%dma_wait3A_40 : memref<80x128xi32, #tpu.memory_space<hbm>>) dst(%arg6 : memref<80x128xi32, #tpu.memory_space<vmem>>)
      tpu.yield
    }) : () -> ()
    %mul3A_3 = arith.constant 80 : i32
    %mul3A_4 = arith.muli %add3A, %mul3A_3 : i32
    %multiple_of3A_5 = tpu.assume_multiple %mul3A_4, 8 : i32
    "tpu.region"() ({
      %run_scoped3A_34 = tpu.sem_alloc : memref<!tpu.dma_semaphore, #tpu.memory_space<semaphore_mem>>
      %dma_start3A = arith.constant 0 : i32
      %dma_start3A_35 = tpu.memref_slice %arg3[%multiple_of3A_5, %dma_start3A] : memref<2560x128xi32, #tpu.memory_space<hbm>> -> memref<80x128xi32, #tpu.memory_space<hbm>>
      %dma_start3A_36 = arith.constant 0 : i32
      %dma_start3A_37 = tpu.memref_slice %arg3[%multiple_of3A_5, %dma_start3A_36] : memref<2560x128xi32, #tpu.memory_space<hbm>> -> memref<80x128xi32, #tpu.memory_space<hbm>>
      tpu.enqueue_dma source(%dma_start3A_37 : memref<80x128xi32, #tpu.memory_space<hbm>>) target(%arg7 : memref<80x128xi32, #tpu.memory_space<vmem>>) target_semaphore(%run_scoped3A_34 : memref<!tpu.dma_semaphore, #tpu.memory_space<semaphore_mem>>)
      %dma_wait3A = arith.constant 0 : i32
      %dma_wait3A_38 = tpu.memref_slice %arg3[%multiple_of3A_5, %dma_wait3A] : memref<2560x128xi32, #tpu.memory_space<hbm>> -> memref<80x128xi32, #tpu.memory_space<hbm>>
      %dma_wait3A_39 = arith.constant 0 : i32
      %dma_wait3A_40 = tpu.memref_slice %arg3[%multiple_of3A_5, %dma_wait3A_39] : memref<2560x128xi32, #tpu.memory_space<hbm>> -> memref<80x128xi32, #tpu.memory_space<hbm>>
      tpu.wait_dma2 semaphore(%run_scoped3A_34 : memref<!tpu.dma_semaphore, #tpu.memory_space<semaphore_mem>>) src(%dma_wait3A_40 : memref<80x128xi32, #tpu.memory_space<hbm>>) dst(%arg7 : memref<80x128xi32, #tpu.memory_space<vmem>>)
      tpu.yield
    }) : () -> ()
    "tpu.region"() ({
      %run_scoped3A_34 = tpu.sem_alloc : memref<!tpu.dma_semaphore, #tpu.memory_space<semaphore_mem>>
      tpu.enqueue_dma source(%arg4 : memref<80x128xf32, #tpu.memory_space<hbm>>) target(%arg8 : memref<80x128xf32, #tpu.memory_space<vmem>>) target_semaphore(%run_scoped3A_34 : memref<!tpu.dma_semaphore, #tpu.memory_space<semaphore_mem>>)
      tpu.wait_dma2 semaphore(%run_scoped3A_34 : memref<!tpu.dma_semaphore, #tpu.memory_space<semaphore_mem>>) src(%arg4 : memref<80x128xf32, #tpu.memory_space<hbm>>) dst(%arg8 : memref<80x128xf32, #tpu.memory_space<vmem>>)
      tpu.yield
    }) : () -> ()
    %broadcast_in_dim3A = arith.constant 0.000000e+00 : f32
    %broadcast_in_dim3A_6 = vector.broadcast %broadcast_in_dim3A : f32 to vector<16xf32>
    %scan3A = arith.constant 0 : i32
    %scan3A_7 = arith.constant 0 : i32
    %scan3A_8 = arith.constant 640 : i32
    %scan3A_9 = arith.addi %scan3A_7, %scan3A_8 : i32
    %scan3A_10 = arith.constant 1 : i32
    %scan3A_11 = scf.for %scan3A_34 = %scan3A_7 to %scan3A_9 step %scan3A_10 iter_args(%scan3A_35 = %scan3A) -> (i32)  : i32 {
      %jit3A = arith.constant 8 : i32
      %div3A = arith.divsi %scan3A_34, %jit3A : i32
      %sign3A = arith.constant 0 : i32
      %sign3A_36 = arith.cmpi sgt, %scan3A_34, %sign3A : i32
      %sign3A_37 = arith.extui %sign3A_36 : i1 to i32
      %sign3A_38 = arith.constant 0 : i32
      %sign3A_39 = arith.cmpi slt, %scan3A_34, %sign3A_38 : i32
      %sign3A_40 = arith.extui %sign3A_39 : i1 to i32
      %sign3A_41 = arith.subi %sign3A_37, %sign3A_40 : i32
      %sign3A_42 = arith.constant 0 : i32
      %sign3A_43 = arith.cmpi sgt, %jit3A, %sign3A_42 : i32
      %sign3A_44 = arith.extui %sign3A_43 : i1 to i32
      %sign3A_45 = arith.constant 0 : i32
      %sign3A_46 = arith.cmpi slt, %jit3A, %sign3A_45 : i32
      %sign3A_47 = arith.extui %sign3A_46 : i1 to i32
      %sign3A_48 = arith.subi %sign3A_44, %sign3A_47 : i32
      %ne3A = arith.cmpi ne, %sign3A_41, %sign3A_48 : i32
      %rem3A = arith.remsi %scan3A_34, %jit3A : i32
      %ne3A_49 = arith.constant 0 : i32
      %ne3A_50 = arith.cmpi ne, %rem3A, %ne3A_49 : i32
      %and3A = arith.andi %ne3A, %ne3A_50 : i1
      %sub3A = arith.constant 1 : i32
      %sub3A_51 = arith.subi %div3A, %sub3A : i32
      %select_n3A = arith.select %and3A, %sub3A_51, %div3A : i32
      %jit3A_52 = arith.constant 8 : i32
      %eq3A_53 = arith.constant 0 : i32
      %eq3A_54 = arith.cmpi eq, %jit3A_52, %eq3A_53 : i32
      %jit3A_55 = arith.constant 1 : i32
      %select_n3A_56 = arith.select %eq3A_54, %jit3A_55, %jit3A_52 : i32
      %rem3A_57 = arith.remsi %scan3A_34, %select_n3A_56 : i32
      %ne3A_58 = arith.constant 0 : i32
      %ne3A_59 = arith.cmpi ne, %rem3A_57, %ne3A_58 : i32
      %lt3A_60 = arith.constant 0 : i32
      %lt3A_61 = arith.cmpi slt, %rem3A_57, %lt3A_60 : i32
      %lt3A_62 = arith.constant 0 : i32
      %lt3A_63 = arith.cmpi slt, %select_n3A_56, %lt3A_62 : i32
      %ne3A_64 = arith.xori %lt3A_61, %lt3A_63 : i1
      %and3A_65 = arith.andi %ne3A_64, %ne3A_59 : i1
      %add3A_66 = arith.addi %rem3A_57, %select_n3A_56 : i32
      %select_n3A_67 = arith.select %and3A_65, %add3A_66, %rem3A_57 : i32
      %mul3A_68 = arith.constant 16 : i32
      %mul3A_69 = arith.muli %select_n3A_67, %mul3A_68 : i32
      %multiple_of3A_70 = tpu.assume_multiple %mul3A_69, 16 : i32
      %swap3A = arith.index_cast %select_n3A : i32 to index
      %swap3A_71 = arith.index_cast %multiple_of3A_70 : i32 to index
      %swap3A_72 = tpu.vector_load %arg9[%swap3A, %swap3A_71] {strides = array<i32>} : memref<80x128xf32, #tpu.memory_space<vmem>>, vector<16xf32>,
      tpu.vector_store %arg9[%swap3A, %swap3A_71], %broadcast_in_dim3A_6 {strides = array<i32>} : memref<80x128xf32, #tpu.memory_space<vmem>>, vector<16xf32>,
      %scan3A_73 = arith.constant 0 : i32
      scf.yield %scan3A_73 : i32
    }
    %scan3A_12 = arith.constant 640 : i32
    %scan3A_13 = arith.constant 0 : i32
    %scan3A_14 = arith.constant 0 : i32
    %scan3A_15 = arith.constant 5 : i32
    %scan3A_16 = arith.addi %scan3A_14, %scan3A_15 : i32
    %scan3A_17 = arith.constant 1 : i32
    %scan3A_18 = scf.for %scan3A_34 = %scan3A_14 to %scan3A_16 step %scan3A_17 iter_args(%scan3A_35 = %scan3A_13) -> (i32)  : i32 {
      %iota3A = tpu.iota {dimensions = array<i32: 0>} : vector<16xi32>
      %mul3A_36 = arith.constant 16 : i32
      %mul3A_37 = arith.muli %scan3A_34, %mul3A_36 : i32
      %add3A_38 = vector.broadcast %mul3A_37 : i32 to vector<16xi32>
      %add3A_39 = arith.addi %iota3A, %add3A_38 : vector<16xi32>
      %mul3A_40 = arith.constant 16 : i32
      %mul3A_41 = arith.muli %scan3A_34, %mul3A_40 : i32
      %multiple_of3A_42 = tpu.assume_multiple %mul3A_41, 16 : i32
      %swap3A = arith.constant 0 : i32
      %swap3A_43 = arith.index_cast %swap3A : i32 to index
      %swap3A_44 = arith.index_cast %multiple_of3A_42 : i32 to index
      %swap3A_45 = tpu.vector_load %arg10[%swap3A_43, %swap3A_44] {strides = array<i32>} : memref<1x80xi32, #tpu.memory_space<vmem>>, vector<16xi32>,
      tpu.vector_store %arg10[%swap3A_43, %swap3A_44], %add3A_39 {strides = array<i32>} : memref<1x80xi32, #tpu.memory_space<vmem>>, vector<16xi32>,
      %scan3A_46 = arith.constant 0 : i32
      scf.yield %scan3A_46 : i32
    }
    %scan3A_19 = arith.constant 5 : i32
    %eq3A = arith.constant 0 : i32
    %eq3A_20 = arith.cmpi eq, %arg1, %eq3A : i32
    %convert_element_type3A = arith.extui %eq3A_20 : i1 to i32
    %cond3A = arith.constant 0 : i32
    %cond3A_21 = arith.cmpi ne, %convert_element_type3A, %cond3A : i32
    scf.if %cond3A_21 {
      "tpu.region"() ({
        %run_scoped3A_34 = tpu.sem_alloc : memref<!tpu.dma_semaphore, #tpu.memory_space<semaphore_mem>>
        tpu.enqueue_dma source(%arg9 : memref<80x128xf32, #tpu.memory_space<vmem>>) target(%arg11 : memref<80x128xf32, #tpu.memory_space<vmem_shared>>) target_semaphore(%run_scoped3A_34 : memref<!tpu.dma_semaphore, #tpu.memory_space<semaphore_mem>>)
        tpu.wait_dma2 semaphore(%run_scoped3A_34 : memref<!tpu.dma_semaphore, #tpu.memory_space<semaphore_mem>>) src(%arg9 : memref<80x128xf32, #tpu.memory_space<vmem>>) dst(%arg11 : memref<80x128xf32, #tpu.memory_space<vmem_shared>>)
        tpu.yield
      }) : () -> ()
    } else {
    }
    %barrier3A = arith.constant 0 : index
    tpu.barrier barrier_id(%barrier3A)
    %scan3A_22 = arith.constant 0 : i32
    %scan3A_23 = arith.constant 0 : i32
    %scan3A_24 = arith.constant 640 : i32
    %scan3A_25 = arith.addi %scan3A_23, %scan3A_24 : i32
    %scan3A_26 = arith.constant 1 : i32
    %scan3A_27 = scf.for %scan3A_34 = %scan3A_23 to %scan3A_25 step %scan3A_26 iter_args(%scan3A_35 = %scan3A_22) -> (i32)  : i32 {
      %jit3A = arith.constant 8 : i32
      %eq3A_36 = arith.constant 0 : i32
      %eq3A_37 = arith.cmpi eq, %jit3A, %eq3A_36 : i32
      %jit3A_38 = arith.constant 1 : i32
      %select_n3A = arith.select %eq3A_37, %jit3A_38, %jit3A : i32
      %rem3A = arith.remsi %scan3A_34, %select_n3A : i32
      %ne3A = arith.constant 0 : i32
      %ne3A_39 = arith.cmpi ne, %rem3A, %ne3A : i32
      %lt3A_40 = arith.constant 0 : i32
      %lt3A_41 = arith.cmpi slt, %rem3A, %lt3A_40 : i32
      %lt3A_42 = arith.constant 0 : i32
      %lt3A_43 = arith.cmpi slt, %select_n3A, %lt3A_42 : i32
      %ne3A_44 = arith.xori %lt3A_41, %lt3A_43 : i1
      %and3A = arith.andi %ne3A_44, %ne3A_39 : i1
      %add3A_45 = arith.addi %rem3A, %select_n3A : i32
      %select_n3A_46 = arith.select %and3A, %add3A_45, %rem3A : i32
      %mul3A_47 = arith.constant 16 : i32
      %mul3A_48 = arith.muli %select_n3A_46, %mul3A_47 : i32
      %multiple_of3A_49 = tpu.assume_multiple %mul3A_48, 16 : i32
      %jit3A_50 = arith.constant 8 : i32
      %div3A = arith.divsi %scan3A_34, %jit3A_50 : i32
      %sign3A = arith.constant 0 : i32
      %sign3A_51 = arith.cmpi sgt, %scan3A_34, %sign3A : i32
      %sign3A_52 = arith.extui %sign3A_51 : i1 to i32
      %sign3A_53 = arith.constant 0 : i32
      %sign3A_54 = arith.cmpi slt, %scan3A_34, %sign3A_53 : i32
      %sign3A_55 = arith.extui %sign3A_54 : i1 to i32
      %sign3A_56 = arith.subi %sign3A_52, %sign3A_55 : i32
      %sign3A_57 = arith.constant 0 : i32
      %sign3A_58 = arith.cmpi sgt, %jit3A_50, %sign3A_57 : i32
      %sign3A_59 = arith.extui %sign3A_58 : i1 to i32
      %sign3A_60 = arith.constant 0 : i32
      %sign3A_61 = arith.cmpi slt, %jit3A_50, %sign3A_60 : i32
      %sign3A_62 = arith.extui %sign3A_61 : i1 to i32
      %sign3A_63 = arith.subi %sign3A_59, %sign3A_62 : i32
      %ne3A_64 = arith.cmpi ne, %sign3A_56, %sign3A_63 : i32
      %rem3A_65 = arith.remsi %scan3A_34, %jit3A_50 : i32
      %ne3A_66 = arith.constant 0 : i32
      %ne3A_67 = arith.cmpi ne, %rem3A_65, %ne3A_66 : i32
      %and3A_68 = arith.andi %ne3A_64, %ne3A_67 : i1
      %sub3A = arith.constant 1 : i32
      %sub3A_69 = arith.subi %div3A, %sub3A : i32
      %select_n3A_70 = arith.select %and3A_68, %sub3A_69, %div3A : i32
      %get3A = arith.index_cast %select_n3A_70 : i32 to index
      %get3A_71 = arith.index_cast %multiple_of3A_49 : i32 to index
      %get3A_72 = tpu.vector_load %arg6[%get3A, %get3A_71] {strides = array<i32>} : memref<80x128xi32, #tpu.memory_space<vmem>>, vector<16xi32>,
      %jit3A_73 = arith.constant 8 : i32
      %div3A_74 = arith.divsi %scan3A_34, %jit3A_73 : i32
      %sign3A_75 = arith.constant 0 : i32
      %sign3A_76 = arith.cmpi sgt, %scan3A_34, %sign3A_75 : i32
      %sign3A_77 = arith.extui %sign3A_76 : i1 to i32
      %sign3A_78 = arith.constant 0 : i32
      %sign3A_79 = arith.cmpi slt, %scan3A_34, %sign3A_78 : i32
      %sign3A_80 = arith.extui %sign3A_79 : i1 to i32
      %sign3A_81 = arith.subi %sign3A_77, %sign3A_80 : i32
      %sign3A_82 = arith.constant 0 : i32
      %sign3A_83 = arith.cmpi sgt, %jit3A_73, %sign3A_82 : i32
      %sign3A_84 = arith.extui %sign3A_83 : i1 to i32
      %sign3A_85 = arith.constant 0 : i32
      %sign3A_86 = arith.cmpi slt, %jit3A_73, %sign3A_85 : i32
      %sign3A_87 = arith.extui %sign3A_86 : i1 to i32
      %sign3A_88 = arith.subi %sign3A_84, %sign3A_87 : i32
      %ne3A_89 = arith.cmpi ne, %sign3A_81, %sign3A_88 : i32
      %rem3A_90 = arith.remsi %scan3A_34, %jit3A_73 : i32
      %ne3A_91 = arith.constant 0 : i32
      %ne3A_92 = arith.cmpi ne, %rem3A_90, %ne3A_91 : i32
      %and3A_93 = arith.andi %ne3A_89, %ne3A_92 : i1
      %sub3A_94 = arith.constant 1 : i32
      %sub3A_95 = arith.subi %div3A_74, %sub3A_94 : i32
      %select_n3A_96 = arith.select %and3A_93, %sub3A_95, %div3A_74 : i32
      %get3A_97 = arith.index_cast %select_n3A_96 : i32 to index
      %get3A_98 = arith.index_cast %multiple_of3A_49 : i32 to index
      %get3A_99 = tpu.vector_load %arg7[%get3A_97, %get3A_98] {strides = array<i32>} : memref<80x128xi32, #tpu.memory_space<vmem>>, vector<16xi32>,
      %shift_right_logical3A = arith.constant 7 : i32
      %shift_right_logical3A_100 = vector.broadcast %shift_right_logical3A : i32 to vector<16xi32>
      %shift_right_logical3A_101 = arith.shrui %get3A_72, %shift_right_logical3A_100 : vector<16xi32>
      %and3A_102 = arith.constant 127 : i32
      %and3A_103 = vector.broadcast %and3A_102 : i32 to vector<16xi32>
      %and3A_104 = arith.andi %get3A_72, %and3A_103 : vector<16xi32>
      %gather3A = tpu.vector_load_idx %arg8[%shift_right_logical3A_101, %and3A_104] : memref<80x128xf32, #tpu.memory_space<vmem>>[vector<16xi32>, vector<16xi32>], vector<16xf32>,
      %shift_right_logical3A_105 = arith.constant 7 : i32
      %shift_right_logical3A_106 = vector.broadcast %shift_right_logical3A_105 : i32 to vector<16xi32>
      %shift_right_logical3A_107 = arith.shrui %get3A_99, %shift_right_logical3A_106 : vector<16xi32>
      %and3A_108 = arith.constant 127 : i32
      %and3A_109 = vector.broadcast %and3A_108 : i32 to vector<16xi32>
      %and3A_110 = arith.andi %get3A_99, %and3A_109 : vector<16xi32>
      tpu.vector_store_idx %arg9[%shift_right_logical3A_107, %and3A_110], %gather3A {add = true} : memref<80x128xf32, #tpu.memory_space<vmem>>[vector<16xi32>, vector<16xi32>], vector<16xf32>,
      %scan3A_111 = arith.constant 0 : i32
      scf.yield %scan3A_111 : i32
    }
    %scan3A_28 = arith.constant 640 : i32
    %run_scoped3A = arith.constant 0 : i32
    "tpu.region"() ({
      %run_scoped3A_34 = tpu.sem_alloc : memref<!tpu.dma_semaphore, #tpu.memory_space<semaphore_mem>>
      %dma_start3A = arith.constant 0 : i32
      %dma_start3A_35 = tpu.memref_slice %arg10[%run_scoped3A, %dma_start3A] : memref<1x80xi32, #tpu.memory_space<vmem>> -> memref<1x80xi32, #tpu.memory_space<vmem>>
      %dma_start3A_36 = tpu.memref_squeeze %dma_start3A_35 : memref<1x80xi32, #tpu.memory_space<vmem>> -> memref<80xi32, #tpu.memory_space<vmem>>
      %dma_start3A_37 = arith.constant 0 : i32
      %dma_start3A_38 = arith.constant 0 : i32
      %dma_start3A_39 = tpu.memref_slice %arg11[%dma_start3A_37, %dma_start3A_38] : memref<80x128xf32, #tpu.memory_space<vmem_shared>> -> memref<80x128xf32, #tpu.memory_space<vmem_shared>>
      tpu.enqueue_indirect_dma source(%arg9 : memref<80x128xf32, #tpu.memory_space<vmem>>) target(%dma_start3A_39 : memref<80x128xf32, #tpu.memory_space<vmem_shared>>) offsets(%dma_start3A_36 : memref<80xi32, #tpu.memory_space<vmem>>) semaphore(%run_scoped3A_34 : memref<!tpu.dma_semaphore, #tpu.memory_space<semaphore_mem>>) {add = true}
      %dma_wait3A = arith.constant 0 : i32
      %dma_wait3A_40 = tpu.memref_slice %arg10[%run_scoped3A, %dma_wait3A] : memref<1x80xi32, #tpu.memory_space<vmem>> -> memref<1x80xi32, #tpu.memory_space<vmem>>
      %dma_wait3A_41 = tpu.memref_squeeze %dma_wait3A_40 : memref<1x80xi32, #tpu.memory_space<vmem>> -> memref<80xi32, #tpu.memory_space<vmem>>
      %dma_wait3A_42 = arith.constant 0 : i32
      %dma_wait3A_43 = arith.constant 0 : i32
      %dma_wait3A_44 = tpu.memref_slice %arg11[%dma_wait3A_42, %dma_wait3A_43] : memref<80x128xf32, #tpu.memory_space<vmem_shared>> -> memref<80x128xf32, #tpu.memory_space<vmem_shared>>
      tpu.wait_indirect_dma semaphore(%run_scoped3A_34 : memref<!tpu.dma_semaphore, #tpu.memory_space<semaphore_mem>>) src(%arg9 : memref<80x128xf32, #tpu.memory_space<vmem>>) dst(%dma_wait3A_44 : memref<80x128xf32, #tpu.memory_space<vmem_shared>>)
      tpu.yield
    }) : () -> ()
    %barrier3A_29 = arith.constant 0 : index
    tpu.barrier barrier_id(%barrier3A_29)
    %lt3A = arith.constant 5 : i32
    %lt3A_30 = arith.cmpi slt, %arg1, %lt3A : i32
    %convert_element_type3A_31 = arith.extui %lt3A_30 : i1 to i32
    %cond3A_32 = arith.constant 0 : i32
    %cond3A_33 = arith.cmpi ne, %convert_element_type3A_31, %cond3A_32 : i32
    scf.if %cond3A_33 {
      %mul3A_34 = arith.constant 16 : i32
      %mul3A_35 = arith.muli %arg1, %mul3A_34 : i32
      %multiple_of3A_36 = tpu.assume_multiple %mul3A_35, 8 : i32
      "tpu.region"() ({
        %run_scoped3A_37 = tpu.sem_alloc : memref<!tpu.dma_semaphore, #tpu.memory_space<semaphore_mem>>
        %dma_start3A = arith.constant 0 : i32
        %dma_start3A_38 = tpu.memref_slice %arg5[%arg0, %multiple_of3A_36, %dma_start3A] : memref<2x80x128xf32, #tpu.memory_space<hbm>> -> memref<1x16x128xf32, #tpu.memory_space<hbm>>
        %dma_start3A_39 = tpu.memref_squeeze %dma_start3A_38 : memref<1x16x128xf32, #tpu.memory_space<hbm>> -> memref<16x128xf32, #tpu.memory_space<hbm>>
        %dma_start3A_40 = arith.constant 0 : i32
        %dma_start3A_41 = tpu.memref_slice %arg11[%multiple_of3A_36, %dma_start3A_40] : memref<80x128xf32, #tpu.memory_space<vmem_shared>> -> memref<16x128xf32, #tpu.memory_space<vmem_shared>>
        tpu.enqueue_dma source(%dma_start3A_41 : memref<16x128xf32, #tpu.memory_space<vmem_shared>>) target(%dma_start3A_39 : memref<16x128xf32, #tpu.memory_space<hbm>>) target_semaphore(%run_scoped3A_37 : memref<!tpu.dma_semaphore, #tpu.memory_space<semaphore_mem>>)
        %dma_wait3A = arith.constant 0 : i32
        %dma_wait3A_42 = tpu.memref_slice %arg5[%arg0, %multiple_of3A_36, %dma_wait3A] : memref<2x80x128xf32, #tpu.memory_space<hbm>> -> memref<1x16x128xf32, #tpu.memory_space<hbm>>
        %dma_wait3A_43 = tpu.memref_squeeze %dma_wait3A_42 : memref<1x16x128xf32, #tpu.memory_space<hbm>> -> memref<16x128xf32, #tpu.memory_space<hbm>>
        %dma_wait3A_44 = arith.constant 0 : i32
        %dma_wait3A_45 = tpu.memref_slice %arg11[%multiple_of3A_36, %dma_wait3A_44] : memref<80x128xf32, #tpu.memory_space<vmem_shared>> -> memref<16x128xf32, #tpu.memory_space<vmem_shared>>
        tpu.wait_dma2 semaphore(%run_scoped3A_37 : memref<!tpu.dma_semaphore, #tpu.memory_space<semaphore_mem>>) src(%dma_wait3A_45 : memref<16x128xf32, #tpu.memory_space<vmem_shared>>) dst(%dma_wait3A_43 : memref<16x128xf32, #tpu.memory_space<hbm>>)
        tpu.yield
      }) : () -> ()
    } else {
    }
    return
  }
}

module attributes {stable_mosaic.version = 14 : i64} {
  func.func @_tc_prep_body(%arg0: i32, %arg1: memref<1000x2xf32, #tpu.memory_space<vmem>>, %arg2: memref<1000x128xf32, #tpu.memory_space<vmem>>, %arg3: memref<1000x128xf32, #tpu.memory_space<vmem>>, %arg4: memref<1000x128xf32, #tpu.memory_space<vmem>>) attributes {dimension_semantics = [#tpu.dimension_semantics<arbitrary>], iteration_bounds = array<i64: 10>, scalar_prefetch = 0 : i64, scratch_operands = 0 : i64, tpu.core_type = #tpu.core_type<tc>, window_params = [{transform_indices = @transform_0, window_bounds = array<i64: 1000, 2>}, {transform_indices = @transform_1, window_bounds = array<i64: 1000, 128>}, {transform_indices = @transform_2, window_bounds = array<i64: 1000, 128>}, {transform_indices = @transform_3, window_bounds = array<i64: 1000, 128>}]} {
    %get3A = arith.constant 0 : index
    %get3A_0 = arith.constant 0 : index
    %get3A_1 = vector.load %arg1[%get3A, %get3A_0] : memref<1000x2xf32, #tpu.memory_space<vmem>>, vector<1000x1xf32>
    %get3A_2 = arith.constant 0 : index
    %get3A_3 = arith.constant 1 : index
    %get3A_4 = vector.load %arg1[%get3A_2, %get3A_3] : memref<1000x2xf32, #tpu.memory_space<vmem>>, vector<1000x1xf32>
    %add3A = arith.addf %get3A_1, %get3A_4 : vector<1000x1xf32>
    %add3A_5 = arith.constant 1.000000e+00 : f32
    %add3A_6 = vector.broadcast %add3A_5 : f32 to vector<1000x1xf32>
    %add3A_7 = arith.addf %add3A, %add3A_6 : vector<1000x1xf32>
    %rsqrt3A = math.rsqrt %add3A_7 : vector<1000x1xf32>
    %get3A_8 = arith.constant 0 : index
    %get3A_9 = arith.constant 0 : index
    %get3A_10 = vector.load %arg2[%get3A_8, %get3A_9] : memref<1000x128xf32, #tpu.memory_space<vmem>>, vector<1000x128xf32>
    %mul3A = vector.broadcast %rsqrt3A : vector<1000x1xf32> to vector<1000x128xf32>
    %mul3A_11 = arith.mulf %get3A_10, %mul3A : vector<1000x128xf32>
    %swap3A = arith.constant 0 : index
    %swap3A_12 = arith.constant 0 : index
    %swap3A_13 = vector.load %arg3[%swap3A, %swap3A_12] : memref<1000x128xf32, #tpu.memory_space<vmem>>, vector<1000x128xf32>
    tpu.vector_store %arg3[%swap3A, %swap3A_12], %mul3A_11 {strides = array<i32>} : memref<1000x128xf32, #tpu.memory_space<vmem>>, vector<1000x128xf32>,
    %broadcast_in_dim3A = vector.shape_cast %rsqrt3A : vector<1000x1xf32> to vector<1000x1xf32>
    %broadcast_in_dim3A_14 = vector.broadcast %broadcast_in_dim3A : vector<1000x1xf32> to vector<1000x128xf32>
    %swap3A_15 = arith.constant 0 : index
    %swap3A_16 = arith.constant 0 : index
    %swap3A_17 = vector.load %arg4[%swap3A_15, %swap3A_16] : memref<1000x128xf32, #tpu.memory_space<vmem>>, vector<1000x128xf32>
    tpu.vector_store %arg4[%swap3A_15, %swap3A_16], %broadcast_in_dim3A_14 {strides = array<i32>} : memref<1000x128xf32, #tpu.memory_space<vmem>>, vector<1000x128xf32>,
    return
  }
  func.func @transform_0(%arg0: i32) -> (i32, i32) {
    %c0_i32 = arith.constant 0 : i32
    %c0_i32_0 = arith.constant 0 : i32
    return %arg0, %c0_i32 : i32, i32
  }
  func.func @transform_1(%arg0: i32) -> (i32, i32) {
    %c0_i32 = arith.constant 0 : i32
    %c0_i32_0 = arith.constant 0 : i32
    return %arg0, %c0_i32 : i32, i32
  }
  func.func @transform_2(%arg0: i32) -> (i32, i32) {
    %c0_i32 = arith.constant 0 : i32
    %c0_i32_0 = arith.constant 0 : i32
    return %arg0, %c0_i32 : i32, i32
  }
  func.func @transform_3(%arg0: i32) -> (i32, i32) {
    %c0_i32 = arith.constant 0 : i32
    %c0_i32_0 = arith.constant 0 : i32
    return %arg0, %c0_i32 : i32, i32
  }
}

module attributes {stable_mosaic.version = 14 : i64} {
  func.func @_tc_l1_body(%arg0: i32, %arg1: memref<1000x128xf32, #tpu.memory_space<vmem>>, %arg2: memref<1000x128xf32, #tpu.memory_space<vmem>>, %arg3: memref<1000x128xf32, #tpu.memory_space<vmem>>, %arg4: memref<1000x128xf32, #tpu.memory_space<vmem>>, %arg5: memref<128x256xf32, #tpu.memory_space<vmem>>, %arg6: memref<1x256xf32, #tpu.memory_space<vmem>>, %arg7: memref<1000x128xf32, #tpu.memory_space<vmem>>, %arg8: memref<1000x128xf32, #tpu.memory_space<vmem>>) attributes {dimension_semantics = [#tpu.dimension_semantics<arbitrary>], iteration_bounds = array<i64: 10>, scalar_prefetch = 0 : i64, scratch_operands = 0 : i64, tpu.core_type = #tpu.core_type<tc>, window_params = [{transform_indices = @transform_0, window_bounds = array<i64: 1000, 128>}, {transform_indices = @transform_1, window_bounds = array<i64: 1000, 128>}, {transform_indices = @transform_2, window_bounds = array<i64: 1000, 128>}, {transform_indices = @transform_3, window_bounds = array<i64: 1000, 128>}, {pipeline_mode = #tpu.pipeline_mode<synchronous>, transform_indices = @transform_4, window_bounds = array<i64: 128, 256>}, {pipeline_mode = #tpu.pipeline_mode<synchronous>, transform_indices = @transform_5, window_bounds = array<i64: 1, 256>}, {transform_indices = @transform_6, window_bounds = array<i64: 1000, 128>}, {transform_indices = @transform_7, window_bounds = array<i64: 1000, 128>}]} {
    %get3A = arith.constant 0 : index
    %get3A_0 = arith.constant 0 : index
    %get3A_1 = vector.load %arg4[%get3A, %get3A_0] : memref<1000x128xf32, #tpu.memory_space<vmem>>, vector<1000x128xf32>
    %get3A_2 = arith.constant 0 : index
    %get3A_3 = arith.constant 0 : index
    %get3A_4 = vector.load %arg1[%get3A_2, %get3A_3] : memref<1000x128xf32, #tpu.memory_space<vmem>>, vector<1000x128xf32>
    %get3A_5 = arith.constant 0 : index
    %get3A_6 = arith.constant 0 : index
    %get3A_7 = vector.load %arg2[%get3A_5, %get3A_6] : memref<1000x128xf32, #tpu.memory_space<vmem>>, vector<1000x128xf32>
    %add3A = arith.addf %get3A_4, %get3A_7 : vector<1000x128xf32>
    %get3A_8 = arith.constant 0 : index
    %get3A_9 = arith.constant 0 : index
    %get3A_10 = vector.load %arg3[%get3A_8, %get3A_9] : memref<1000x128xf32, #tpu.memory_space<vmem>>, vector<1000x128xf32>
    %add3A_11 = arith.addf %add3A, %get3A_10 : vector<1000x128xf32>
    %mul3A = arith.mulf %get3A_1, %add3A_11 : vector<1000x128xf32>
    %get3A_12 = arith.constant 0 : index
    %get3A_13 = arith.constant 0 : index
    %get3A_14 = vector.load %arg5[%get3A_12, %get3A_13] : memref<128x256xf32, #tpu.memory_space<vmem>>, vector<128x256xf32>
    %dot_general3A = arith.constant dense<0.000000e+00> : vector<1000x256xf32>
    %dot_general3A_15 = tpu.matmul %mul3A, %get3A_14, %dot_general3A {dimension_numbers = #tpu.dot_dimension_numbers<[1], [0], [0], [1], [0, 0, 1, 1], [], []>, transpose_lhs_hint = false} : vector<1000x128xf32>, vector<128x256xf32>, vector<1000x256xf32> -> vector<1000x256xf32>
    %get3A_16 = arith.constant 0 : index
    %get3A_17 = arith.constant 0 : index
    %get3A_18 = vector.load %arg6[%get3A_16, %get3A_17] : memref<1x256xf32, #tpu.memory_space<vmem>>, vector<1x256xf32>
    %add3A_19 = vector.broadcast %get3A_18 : vector<1x256xf32> to vector<1000x256xf32>
    %add3A_20 = arith.addf %dot_general3A_15, %add3A_19 : vector<1000x256xf32>
    %max3A = arith.constant 0.000000e+00 : f32
    %max3A_21 = vector.broadcast %max3A : f32 to vector<1000x256xf32>
    %max3A_22 = arith.maximumf %add3A_20, %max3A_21 : vector<1000x256xf32>
    %slice3A = vector.extract_strided_slice %max3A_22 {offsets = [0, 0], sizes = [1000, 128], strides = [1, 1]} : vector<1000x256xf32> to vector<1000x128xf32>
    %mul3A_23 = arith.mulf %get3A_1, %slice3A : vector<1000x128xf32>
    %swap3A = arith.constant 0 : index
    %swap3A_24 = arith.constant 0 : index
    %swap3A_25 = vector.load %arg7[%swap3A, %swap3A_24] : memref<1000x128xf32, #tpu.memory_space<vmem>>, vector<1000x128xf32>
    tpu.vector_store %arg7[%swap3A, %swap3A_24], %mul3A_23 {strides = array<i32>} : memref<1000x128xf32, #tpu.memory_space<vmem>>, vector<1000x128xf32>,
    %slice3A_26 = vector.extract_strided_slice %max3A_22 {offsets = [0, 128], sizes = [1000, 128], strides = [1, 1]} : vector<1000x256xf32> to vector<1000x128xf32>
    %mul3A_27 = arith.mulf %get3A_1, %slice3A_26 : vector<1000x128xf32>
    %swap3A_28 = arith.constant 0 : index
    %swap3A_29 = arith.constant 0 : index
    %swap3A_30 = vector.load %arg8[%swap3A_28, %swap3A_29] : memref<1000x128xf32, #tpu.memory_space<vmem>>, vector<1000x128xf32>
    tpu.vector_store %arg8[%swap3A_28, %swap3A_29], %mul3A_27 {strides = array<i32>} : memref<1000x128xf32, #tpu.memory_space<vmem>>, vector<1000x128xf32>,
    return
  }
  func.func @transform_0(%arg0: i32) -> (i32, i32) {
    %c0_i32 = arith.constant 0 : i32
    %c0_i32_0 = arith.constant 0 : i32
    return %arg0, %c0_i32 : i32, i32
  }
  func.func @transform_1(%arg0: i32) -> (i32, i32) {
    %c0_i32 = arith.constant 0 : i32
    %c0_i32_0 = arith.constant 0 : i32
    return %arg0, %c0_i32 : i32, i32
  }
  func.func @transform_2(%arg0: i32) -> (i32, i32) {
    %c0_i32 = arith.constant 0 : i32
    %c0_i32_0 = arith.constant 0 : i32
    return %arg0, %c0_i32 : i32, i32
  }
  func.func @transform_3(%arg0: i32) -> (i32, i32) {
    %c0_i32 = arith.constant 0 : i32
    %c0_i32_0 = arith.constant 0 : i32
    return %arg0, %c0_i32 : i32, i32
  }
  func.func @transform_4(%arg0: i32) -> (i32, i32) {
    %c0_i32 = arith.constant 0 : i32
    %c0_i32_0 = arith.constant 0 : i32
    %c0_i32_1 = arith.constant 0 : i32
    return %c0_i32, %c0_i32_0 : i32, i32
  }
  func.func @transform_5(%arg0: i32) -> (i32, i32) {
    %c0_i32 = arith.constant 0 : i32
    %c0_i32_0 = arith.constant 0 : i32
    %c0_i32_1 = arith.constant 0 : i32
    return %c0_i32, %c0_i32_0 : i32, i32
  }
  func.func @transform_6(%arg0: i32) -> (i32, i32) {
    %c0_i32 = arith.constant 0 : i32
    %c0_i32_0 = arith.constant 0 : i32
    return %arg0, %c0_i32 : i32, i32
  }
  func.func @transform_7(%arg0: i32) -> (i32, i32) {
    %c0_i32 = arith.constant 0 : i32
    %c0_i32_0 = arith.constant 0 : i32
    return %arg0, %c0_i32 : i32, i32
  }
}

module attributes {stable_mosaic.version = 14 : i64} {
  func.func @_tc_l2_body(%arg0: i32, %arg1: memref<1000x128xf32, #tpu.memory_space<vmem>>, %arg2: memref<1000x128xf32, #tpu.memory_space<vmem>>, %arg3: memref<1000x128xf32, #tpu.memory_space<vmem>>, %arg4: memref<1000x128xf32, #tpu.memory_space<vmem>>, %arg5: memref<1000x128xf32, #tpu.memory_space<vmem>>, %arg6: memref<256x256xf32, #tpu.memory_space<vmem>>, %arg7: memref<1x256xf32, #tpu.memory_space<vmem>>, %arg8: memref<256x128xf32, #tpu.memory_space<vmem>>, %arg9: memref<1000x128xf32, #tpu.memory_space<vmem>>) attributes {dimension_semantics = [#tpu.dimension_semantics<arbitrary>], iteration_bounds = array<i64: 10>, scalar_prefetch = 0 : i64, scratch_operands = 0 : i64, tpu.core_type = #tpu.core_type<tc>, window_params = [{transform_indices = @transform_0, window_bounds = array<i64: 1000, 128>}, {transform_indices = @transform_1, window_bounds = array<i64: 1000, 128>}, {transform_indices = @transform_2, window_bounds = array<i64: 1000, 128>}, {transform_indices = @transform_3, window_bounds = array<i64: 1000, 128>}, {transform_indices = @transform_4, window_bounds = array<i64: 1000, 128>}, {pipeline_mode = #tpu.pipeline_mode<synchronous>, transform_indices = @transform_5, window_bounds = array<i64: 256, 256>}, {pipeline_mode = #tpu.pipeline_mode<synchronous>, transform_indices = @transform_6, window_bounds = array<i64: 1, 256>}, {pipeline_mode = #tpu.pipeline_mode<synchronous>, transform_indices = @transform_7, window_bounds = array<i64: 256, 128>}, {transform_indices = @transform_8, window_bounds = array<i64: 1000, 128>}]} {
    %get3A = arith.constant 0 : index
    %get3A_0 = arith.constant 0 : index
    %get3A_1 = vector.load %arg5[%get3A, %get3A_0] : memref<1000x128xf32, #tpu.memory_space<vmem>>, vector<1000x128xf32>
    %get3A_2 = arith.constant 0 : index
    %get3A_3 = arith.constant 0 : index
    %get3A_4 = vector.load %arg1[%get3A_2, %get3A_3] : memref<1000x128xf32, #tpu.memory_space<vmem>>, vector<1000x128xf32>
    %get3A_5 = arith.constant 0 : index
    %get3A_6 = arith.constant 0 : index
    %get3A_7 = vector.load %arg3[%get3A_5, %get3A_6] : memref<1000x128xf32, #tpu.memory_space<vmem>>, vector<1000x128xf32>
    %add3A = arith.addf %get3A_4, %get3A_7 : vector<1000x128xf32>
    %mul3A = arith.mulf %get3A_1, %add3A : vector<1000x128xf32>
    %get3A_8 = arith.constant 0 : index
    %get3A_9 = arith.constant 0 : index
    %get3A_10 = vector.load %arg2[%get3A_8, %get3A_9] : memref<1000x128xf32, #tpu.memory_space<vmem>>, vector<1000x128xf32>
    %get3A_11 = arith.constant 0 : index
    %get3A_12 = arith.constant 0 : index
    %get3A_13 = vector.load %arg4[%get3A_11, %get3A_12] : memref<1000x128xf32, #tpu.memory_space<vmem>>, vector<1000x128xf32>
    %add3A_14 = arith.addf %get3A_10, %get3A_13 : vector<1000x128xf32>
    %mul3A_15 = arith.mulf %get3A_1, %add3A_14 : vector<1000x128xf32>
    %get3A_16 = arith.constant 0 : index
    %get3A_17 = arith.constant 0 : index
    %get3A_18 = vector.load %arg6[%get3A_16, %get3A_17] : memref<256x256xf32, #tpu.memory_space<vmem>>, vector<128x256xf32>
    %dot_general3A = arith.constant dense<0.000000e+00> : vector<1000x256xf32>
    %dot_general3A_19 = tpu.matmul %mul3A, %get3A_18, %dot_general3A {dimension_numbers = #tpu.dot_dimension_numbers<[1], [0], [0], [1], [0, 0, 1, 1], [], []>, transpose_lhs_hint = false} : vector<1000x128xf32>, vector<128x256xf32>, vector<1000x256xf32> -> vector<1000x256xf32>
    %get3A_20 = arith.constant 128 : index
    %get3A_21 = arith.constant 0 : index
    %get3A_22 = vector.load %arg6[%get3A_20, %get3A_21] : memref<256x256xf32, #tpu.memory_space<vmem>>, vector<128x256xf32>
    %dot_general3A_23 = arith.constant dense<0.000000e+00> : vector<1000x256xf32>
    %dot_general3A_24 = tpu.matmul %mul3A_15, %get3A_22, %dot_general3A_23 {dimension_numbers = #tpu.dot_dimension_numbers<[1], [0], [0], [1], [0, 0, 1, 1], [], []>, transpose_lhs_hint = false} : vector<1000x128xf32>, vector<128x256xf32>, vector<1000x256xf32> -> vector<1000x256xf32>
    %add3A_25 = arith.addf %dot_general3A_19, %dot_general3A_24 : vector<1000x256xf32>
    %get3A_26 = arith.constant 0 : index
    %get3A_27 = arith.constant 0 : index
    %get3A_28 = vector.load %arg7[%get3A_26, %get3A_27] : memref<1x256xf32, #tpu.memory_space<vmem>>, vector<1x256xf32>
    %add3A_29 = vector.broadcast %get3A_28 : vector<1x256xf32> to vector<1000x256xf32>
    %add3A_30 = arith.addf %add3A_25, %add3A_29 : vector<1000x256xf32>
    %max3A = arith.constant 0.000000e+00 : f32
    %max3A_31 = vector.broadcast %max3A : f32 to vector<1000x256xf32>
    %max3A_32 = arith.maximumf %add3A_30, %max3A_31 : vector<1000x256xf32>
    %get3A_33 = arith.constant 0 : index
    %get3A_34 = arith.constant 0 : index
    %get3A_35 = vector.load %arg8[%get3A_33, %get3A_34] : memref<256x128xf32, #tpu.memory_space<vmem>>, vector<256x128xf32>
    %dot_general3A_36 = arith.constant dense<0.000000e+00> : vector<1000x128xf32>
    %dot_general3A_37 = tpu.matmul %max3A_32, %get3A_35, %dot_general3A_36 {dimension_numbers = #tpu.dot_dimension_numbers<[1], [0], [0], [1], [0, 0, 1, 1], [], []>, transpose_lhs_hint = false} : vector<1000x256xf32>, vector<256x128xf32>, vector<1000x128xf32> -> vector<1000x128xf32>
    %mul3A_38 = arith.mulf %get3A_1, %dot_general3A_37 : vector<1000x128xf32>
    %swap3A = arith.constant 0 : index
    %swap3A_39 = arith.constant 0 : index
    %swap3A_40 = vector.load %arg9[%swap3A, %swap3A_39] : memref<1000x128xf32, #tpu.memory_space<vmem>>, vector<1000x128xf32>
    tpu.vector_store %arg9[%swap3A, %swap3A_39], %mul3A_38 {strides = array<i32>} : memref<1000x128xf32, #tpu.memory_space<vmem>>, vector<1000x128xf32>,
    return
  }
  func.func @transform_0(%arg0: i32) -> (i32, i32) {
    %c0_i32 = arith.constant 0 : i32
    %c0_i32_0 = arith.constant 0 : i32
    return %arg0, %c0_i32 : i32, i32
  }
  func.func @transform_1(%arg0: i32) -> (i32, i32) {
    %c0_i32 = arith.constant 0 : i32
    %c0_i32_0 = arith.constant 0 : i32
    return %arg0, %c0_i32 : i32, i32
  }
  func.func @transform_2(%arg0: i32) -> (i32, i32) {
    %c0_i32 = arith.constant 0 : i32
    %c0_i32_0 = arith.constant 0 : i32
    return %arg0, %c0_i32 : i32, i32
  }
  func.func @transform_3(%arg0: i32) -> (i32, i32) {
    %c0_i32 = arith.constant 0 : i32
    %c0_i32_0 = arith.constant 0 : i32
    return %arg0, %c0_i32 : i32, i32
  }
  func.func @transform_4(%arg0: i32) -> (i32, i32) {
    %c0_i32 = arith.constant 0 : i32
    %c0_i32_0 = arith.constant 0 : i32
    return %arg0, %c0_i32 : i32, i32
  }
  func.func @transform_5(%arg0: i32) -> (i32, i32) {
    %c0_i32 = arith.constant 0 : i32
    %c0_i32_0 = arith.constant 0 : i32
    %c0_i32_1 = arith.constant 0 : i32
    return %c0_i32, %c0_i32_0 : i32, i32
  }
  func.func @transform_6(%arg0: i32) -> (i32, i32) {
    %c0_i32 = arith.constant 0 : i32
    %c0_i32_0 = arith.constant 0 : i32
    %c0_i32_1 = arith.constant 0 : i32
    return %c0_i32, %c0_i32_0 : i32, i32
  }
  func.func @transform_7(%arg0: i32) -> (i32, i32) {
    %c0_i32 = arith.constant 0 : i32
    %c0_i32_0 = arith.constant 0 : i32
    %c0_i32_1 = arith.constant 0 : i32
    return %c0_i32, %c0_i32_0 : i32, i32
  }
  func.func @transform_8(%arg0: i32) -> (i32, i32) {
    %c0_i32 = arith.constant 0 : i32
    %c0_i32_0 = arith.constant 0 : i32
    return %arg0, %c0_i32 : i32, i32
  }
}

module attributes {stable_mosaic.version = 14 : i64} {
  func.func @_tc_fin_body(%arg0: i32, %arg1: memref<2x10000xf32, #tpu.memory_space<vmem>>, %arg2: memref<2x10000xf32, #tpu.memory_space<vmem>>, %arg3: memref<1x10000xf32, #tpu.memory_space<vmem>>, %arg4: memref<1x1xf32, #tpu.memory_space<vmem>>, %arg5: memref<1x10000xf32, #tpu.memory_space<vmem>>) attributes {dimension_semantics = [#tpu.dimension_semantics<arbitrary>], iteration_bounds = array<i64: 1>, scalar_prefetch = 0 : i64, scratch_operands = 0 : i64, tpu.core_type = #tpu.core_type<tc>, window_params = [{pipeline_mode = #tpu.pipeline_mode<synchronous>, transform_indices = @transform_0, window_bounds = array<i64: 2, 10000>}, {pipeline_mode = #tpu.pipeline_mode<synchronous>, transform_indices = @transform_1, window_bounds = array<i64: 2, 10000>}, {pipeline_mode = #tpu.pipeline_mode<synchronous>, transform_indices = @transform_2, window_bounds = array<i64: 1, 10000>}, {pipeline_mode = #tpu.pipeline_mode<synchronous>, transform_indices = @transform_3, window_bounds = array<i64: 1, 1>}, {pipeline_mode = #tpu.pipeline_mode<synchronous>, transform_indices = @transform_4, window_bounds = array<i64: 1, 10000>}]} {
    %get3A = arith.constant 0 : index
    %get3A_0 = arith.constant 0 : index
    %get3A_1 = vector.load %arg1[%get3A, %get3A_0] : memref<2x10000xf32, #tpu.memory_space<vmem>>, vector<1x10000xf32>
    %get3A_2 = arith.constant 1 : index
    %get3A_3 = arith.constant 0 : index
    %get3A_4 = vector.load %arg1[%get3A_2, %get3A_3] : memref<2x10000xf32, #tpu.memory_space<vmem>>, vector<1x10000xf32>
    %add3A = arith.addf %get3A_1, %get3A_4 : vector<1x10000xf32>
    %add3A_5 = arith.constant 1.000000e+00 : f32
    %add3A_6 = vector.broadcast %add3A_5 : f32 to vector<1x10000xf32>
    %add3A_7 = arith.addf %add3A, %add3A_6 : vector<1x10000xf32>
    %rsqrt3A = math.rsqrt %add3A_7 : vector<1x10000xf32>
    %get3A_8 = arith.constant 0 : index
    %get3A_9 = arith.constant 0 : index
    %get3A_10 = vector.load %arg2[%get3A_8, %get3A_9] : memref<2x10000xf32, #tpu.memory_space<vmem>>, vector<1x10000xf32>
    %get3A_11 = arith.constant 1 : index
    %get3A_12 = arith.constant 0 : index
    %get3A_13 = vector.load %arg2[%get3A_11, %get3A_12] : memref<2x10000xf32, #tpu.memory_space<vmem>>, vector<1x10000xf32>
    %add3A_14 = arith.addf %get3A_10, %get3A_13 : vector<1x10000xf32>
    %get3A_15 = arith.constant 0 : index
    %get3A_16 = arith.constant 0 : index
    %get3A_17 = vector.load %arg3[%get3A_15, %get3A_16] : memref<1x10000xf32, #tpu.memory_space<vmem>>, vector<1x10000xf32>
    %add3A_18 = arith.addf %add3A_14, %get3A_17 : vector<1x10000xf32>
    %mul3A = arith.mulf %rsqrt3A, %add3A_18 : vector<1x10000xf32>
    %get3A_19 = arith.constant 0 : index
    %get3A_20 = arith.constant 0 : index
    %get3A_21 = vector.load %arg4[%get3A_19, %get3A_20] : memref<1x1xf32, #tpu.memory_space<vmem>>, vector<1x1xf32>
    %get3A_22 = vector.extract %get3A_21[0, 0] : f32 from vector<1x1xf32>
    %add3A_23 = vector.broadcast %get3A_22 : f32 to vector<1x10000xf32>
    %add3A_24 = arith.addf %mul3A, %add3A_23 : vector<1x10000xf32>
    %neg3A = arith.constant 0.000000e+00 : f32
    %neg3A_25 = vector.broadcast %neg3A : f32 to vector<1x10000xf32>
    %neg3A_26 = arith.subf %neg3A_25, %add3A_24 : vector<1x10000xf32>
    %exp3A = math.exp %neg3A_26 : vector<1x10000xf32>
    %add3A_27 = arith.constant 1.000000e+00 : f32
    %add3A_28 = vector.broadcast %add3A_27 : f32 to vector<1x10000xf32>
    %add3A_29 = arith.addf %add3A_28, %exp3A : vector<1x10000xf32>
    %div3A = arith.constant 1.000000e+00 : f32
    %div3A_30 = vector.broadcast %div3A : f32 to vector<1x10000xf32>
    %div3A_31 = arith.divf %div3A_30, %add3A_29 : vector<1x10000xf32>
    %swap3A = arith.constant 0 : index
    %swap3A_32 = arith.constant 0 : index
    %swap3A_33 = vector.load %arg5[%swap3A, %swap3A_32] : memref<1x10000xf32, #tpu.memory_space<vmem>>, vector<1x10000xf32>
    tpu.vector_store %arg5[%swap3A, %swap3A_32], %div3A_31 {strides = array<i32>} : memref<1x10000xf32, #tpu.memory_space<vmem>>, vector<1x10000xf32>,
    return
  }
  func.func @transform_0(%arg0: i32) -> (i32, i32) {
    %c0_i32 = arith.constant 0 : i32
    %c0_i32_0 = arith.constant 0 : i32
    %c0_i32_1 = arith.constant 0 : i32
    return %c0_i32, %c0_i32_0 : i32, i32
  }
  func.func @transform_1(%arg0: i32) -> (i32, i32) {
    %c0_i32 = arith.constant 0 : i32
    %c0_i32_0 = arith.constant 0 : i32
    %c0_i32_1 = arith.constant 0 : i32
    return %c0_i32, %c0_i32_0 : i32, i32
  }
  func.func @transform_2(%arg0: i32) -> (i32, i32) {
    %c0_i32 = arith.constant 0 : i32
    %c0_i32_0 = arith.constant 0 : i32
    %c0_i32_1 = arith.constant 0 : i32
    return %c0_i32, %c0_i32_0 : i32, i32
  }
  func.func @transform_3(%arg0: i32) -> (i32, i32) {
    %c0_i32 = arith.constant 0 : i32
    %c0_i32_0 = arith.constant 0 : i32
    %c0_i32_1 = arith.constant 0 : i32
    return %c0_i32, %c0_i32_0 : i32, i32
  }
  func.func @transform_4(%arg0: i32) -> (i32, i32) {
    %c0_i32 = arith.constant 0 : i32
    %c0_i32_0 = arith.constant 0 : i32
    %c0_i32_1 = arith.constant 0 : i32
    return %c0_i32, %c0_i32_0 : i32, i32
  }
}

</mosaic_0001>

<sc_bundles>
// kernel: kernel.10.cloned.1.call-start
scs
__scs_entry_jumppad:
0x0: {  	(pc) =	sbr.rel $0x88, $3  }
0x1: {  	(tag) =	ssettag $0x0;
	lr =	simm.s32 $0x1  }
0x2: {  	[smem:$0x3F99] =	sst lr;
	_ =	strace $0xD0000000  }
0x3: {  	_ = 	snop  }
0x4: {  	_ = 	snop  }
0x5: {  	_ = 	snop  }
0x6: {  	_ = 	snop  }
0x7: {  	_ = 	snop  }
__scs_overlays_trampoline_lowered:
0x8: {  	[smem:$0x3FA8] =	sst s0  }
0x9: {  	[smem:$0x3FA9] =	sst s1  }
0xa: {  	[smem:$0x3FAA] =	sst s2  }
0xb: {  	[smem:$0x3FAB] =	sst s3  }
0xc: {  	[smem:$0x3FAC] =	sst s4  }
0xd: {  	[smem:$0x3FAD] =	sst s5  }
0xe: {  	[smem:$0x3FAE] =	sst s6  }
0xf: {  	[smem:$0x3FAF] =	sst s7  }
0x10: {  	[smem:$0x3FB0] =	sst s8  }
0x11: {  	[smem:$0x3FB1] =	sst s9;
	s0 =	simm.s32 @!p0 $0x0  }
0x12: {  	s1 =	sld [smem:$0x3F97];
	s0 =	simm.s32 @p0 $0x1  }
0x13: {  	[smem:$0x3FB2] =	sst s0;
	s0 =	simm.s32 @!p1 $0x0  }
0x14: {  	s2 =	sld [smem:$0x3F96];
	s0 =	simm.s32 @p1 $0x1  }
0x15: {  	[smem:$0x3FB3] =	sst s0;
	s0 =	simm.s32 @!p2 $0x0  }
0x16: {  	s3 =	sld [smem:$0x3FDB];
	s0 =	simm.s32 @p2 $0x1  }
0x17: {  	s4 =	simm.s32 $0x1BF5;
	[smem:$0x3FB5] =	sst s0  }
0x18: {  	s0 =	sld [smem:$0x3F98];
	_ =	swait.ge [sflag:s4], $0x0  }
0x19: {  	s7 =	sld [smem:$0x3F99]  }
0x1a: {  	s8 =	sadd.s32 $0xFFFFE003, lr  }
0x1b: {  	s9 =	sadd.s32 $0xFFFFFEF7, lr;
	s5 =	simm.s32 $0xFFFFFFFF;
	p2 =	slt.u32 s8, $0xFFFFF086  }
0x1c: {  	p1 =	slt.u32 s9, $0xF7A;
	s5 =	simm.s32 @!p2 $0x0  }
0x1d: {  	s5 =	simm.s32 @p1 $0x1;
	p0 =	seq.s32 s7, s2  }
0x1e: {  	s7 =	smul.u32 @!p0 $0xF7A, s2;
	p2 =	seq.s32 @!p0 s5, $0x0  }
0x1f: {  	s9 =	smul.u32 $0xF7A, s1;
	s8 =	simm.s32 @!p0 $0x1BF5;
	p2 =	por !p2, p0  }
0x20: {  	[sflag:s8] =	ssyncset.s32 @!p0 $0xFFFFF086;
	s6 =	sadd.s32 @!p0 s3, s7;
	s7 =	simm.s32 @!p0 $0x108  }
0x21: {  	s3 =	sadd.s32 s3, s9;
	s6 =	sadd.s32 @!p0 $0x88, s6;
	s7 =	simm.s32 @p2 $0x1082  }
0x22: {  	[simem:s7], [sflag:s8] =	dma.local @!p0 [hbm:s6], $0xF7A  }
0x23: {  	s9 =	sor.u32 $0xD0000000, s2;
	s6 =	simm.s32 $0x108;
	_ =	swait.ge @!p0 [sflag:s8], $0x0  }
0x24: {  	s3 =	sadd.s32 $0x88, s3;
	s6 =	simm.s32 @!p1 $0x1082;
	[sflag:s4] =	ssyncset.s32 $0xFFFFF086  }
0x25: {  	[simem:s6], [sflag:s4] =	dma.local [hbm:s3], $0xF7A  }
0x26: {  	[smem:$0x3F99] =	sst s1;
	(tag) =	ssettag s2;
	_ =	strace s9  }
0x27: {  	s1 =	sld [smem:$0x3FA9]  }
0x28: {  	s2 =	sld [smem:$0x3FAA]  }
0x29: {  	s4 =	sld [smem:$0x3FAC]  }
0x2a: {  	p0 =	seq.s32 s5, $0x0;
	s5 =	sld [smem:$0x3FAD]  }
0x2b: {  	s6 =	sld [smem:$0x3FAE]  }
0x2c: {  	s7 =	sld [smem:$0x3FAF]  }
0x2d: {  	s3 =	simm.s32 $0x108;
	s8 =	sld [smem:$0x3FB0]  }
0x2e: {  	s3 =	simm.s32 @!p0 $0x1082;
	s9 =	sld [smem:$0x3FB1]  }
0x2f: {  	lr =	sadd.s32 s0, s3;
	s0 =	sld [smem:$0x3FA8]  }
0x30: {  	s3 =	sld [smem:$0x3FAB]  }
0x31: {  	[smem:$0x3FB4] =	sst s10  }
0x32: {  	s10 =	sld [smem:$0x3FB2];
	_ =	sdelay $0x3  }
0x33: {  	p0 =	seq.s32 s10, $0x1;
	s10 =	sld [smem:$0x3FB4];
	_ =	sdelay $0x3  }
0x34: {  	[smem:$0x3FB4] =	sst s10  }
0x35: {  	s10 =	sld [smem:$0x3FB3];
	_ =	sdelay $0x3  }
0x36: {  	p1 =	seq.s32 s10, $0x1;
	s10 =	sld [smem:$0x3FB4];
	_ =	sdelay $0x3  }
0x37: {  	[smem:$0x3FB4] =	sst s10  }
0x38: {  	s10 =	sld [smem:$0x3FB5]  }
0x39: {  	_ = 	snop;
	(pc) =	sbr.ind lr, $3  }
0x3a: {  	_ = 	snop  }
0x3b: {  	_ = 	snop  }
0x3c: {  	p2 =	seq.s32 s10, $0x1;
	s10 =	sld [smem:$0x3FB4]  }
0x3d: {  	_ =	shalt  }
0x3e: {  	_ =	shalt  }
0x3f: {  	_ =	shalt  }
0x40: {  	_ =	shalt  }
0x41: {  	_ =	shalt  }
0x42: {  	_ =	shalt  }
0x43: {  	_ =	shalt  }
0x44: {  	_ =	shalt  }
0x45: {  	_ =	shalt  }
0x46: {  	_ =	shalt  }
0x47: {  	_ =	shalt  }
0x48: {  	_ =	shalt  }
0x49: {  	_ =	shalt  }
0x4a: {  	_ =	shalt  }
0x4b: {  	_ =	shalt  }
0x4c: {  	_ =	shalt  }
0x4d: {  	_ =	shalt  }
0x4e: {  	_ =	shalt  }
0x4f: {  	_ =	shalt  }
0x50: {  	_ =	shalt  }
0x51: {  	_ =	shalt  }
0x52: {  	_ =	shalt  }
0x53: {  	_ =	shalt  }
0x54: {  	_ =	shalt  }
0x55: {  	_ =	shalt  }
0x56: {  	_ =	shalt  }
0x57: {  	_ =	shalt  }
0x58: {  	_ =	shalt  }
0x59: {  	_ =	shalt  }
0x5a: {  	_ =	shalt  }
0x5b: {  	_ =	shalt  }
0x5c: {  	_ =	shalt  }
0x5d: {  	_ =	shalt  }
0x5e: {  	_ =	shalt  }
0x5f: {  	_ =	shalt  }
0x60: {  	_ =	shalt  }
0x61: {  	_ =	shalt  }
0x62: {  	_ =	shalt  }
0x63: {  	_ =	shalt  }
0x64: {  	_ =	shalt  }
0x65: {  	_ =	shalt  }
0x66: {  	_ =	shalt  }
0x67: {  	_ =	shalt  }
0x68: {  	_ =	shalt  }
0x69: {  	_ =	shalt  }
0x6a: {  	_ =	shalt  }
0x6b: {  	_ =	shalt  }
0x6c: {  	_ =	shalt  }
0x6d: {  	_ =	shalt  }
0x6e: {  	_ =	shalt  }
0x6f: {  	_ =	shalt  }
0x70: {  	_ =	shalt  }
0x71: {  	_ =	shalt  }
0x72: {  	_ =	shalt  }
0x73: {  	_ =	shalt  }
0x74: {  	_ =	shalt  }
0x75: {  	_ =	shalt  }
0x76: {  	_ =	shalt  }
0x77: {  	_ =	shalt  }
0x78: {  	_ =	shalt  }
0x79: {  	_ =	shalt  }
0x7a: {  	_ =	shalt  }
0x7b: {  	_ =	shalt  }
0x7c: {  	_ =	shalt  }
0x7d: {  	_ =	shalt  }
0x7e: {  	_ =	shalt  }
0x7f: {  	_ =	shalt  }
0x80: {  	_ =	shalt  }
0x81: {  	_ =	shalt  }
0x82: {  	_ =	shalt  }
0x83: {  	_ =	shalt  }
0x84: {  	_ =	shalt  }
0x85: {  	_ =	shalt  }
0x86: {  	_ =	shalt  }
0x87: {  	_ =	shalt  }
.Lfunc_end0:
.L_simem_size_0:
called_computation_lowered:
.L_overlay_start_0:
0x88: {  	s2 =	sld [smem:$0x3FD9]  }
0x89: {  	s3 =	sld [smem:$0x3FFE];
	_ =	sdelay $0x1  }
0x8a: {  	s1 =	srdreg.scid  }
0x8b: {  	s0 =	sand.u32 $0x1, s1  }
0x8c: {  	s16 =	sshll.u32 s0, $0xA;
	s2 =	sadd.s32 s3, s2  }
0x8d: {  	s2 =	sadd.s32 s2, s16  }
0x8e: {  	[smem:$0x3FC0] =	sst s2  }
0x8f: {  	_ = 	snop  }
0x90: {  	(tm) =	ssettm $0x1  }
0x91: {  	s17 =	sld [smem:$0x3FFB];
	_ =	sdelay $0x3  }
0x92: {  	_ =	strace s17  }
0x93: {  	s2 =	sld [smem:$0x3FFC];
	_ =	sdelay $0x3  }
0x94: {  	_ =	strace s2  }
0x95: {  	s2 =	sld [smem:$0x3FFD];
	_ =	sdelay $0x3  }
0x96: {  	_ =	strace s2  }
0x97: {  	_ =	strace $0x8FFFFFFF  }
0x98: {  	s18 =	sld [smem:$0x3FDB];
	_ =	sdelay $0x1  }
0x99: {  	s19 =	simm.s32 $_scs_section_size  }
0x9a: {  	s4 =	simm.s32 $_size__tile_overlayer_lowered;
	s5 =	simm.s32 $_tile_overlayer_lowered  }
0x9b: {  	s22 =	simm.s32 $0x1BFF;
	s21 =	sshll.u32 s5, $0x1;
	s2 =	sadd.s32 s19, s18  }
0x9c: {  	s6 =	simm.s32 $0x0;
	s20 =	sshll.u32 s4, $0x1;
	s4 =	sadd.s32 s21, s2  }
0x9d: {  	[timem:s6], [sflag:s22] =	dma.local [hbm:s4], s20  }
0x9e: {  	_ =	swait.ge [sflag:s22], s20  }
0x9f: {  	s3 =	ssub.s32 $0x0, s20;
	[sflag:s22] =	ssyncset.done $0x0  }
0xa0: {  	[sflag:s22] =	ssyncadd.s32 s3;
	_ =	sdelay $0x1  }
0xa1: {  	s23 =	simm.s32 $0x1B8B  }
0xa2: {  	_ =	swait.ge [sflag:s23], $0x1  }
0xa3: {  	[sflag:s23] =	ssyncset.done $0x0  }
0xa4: {  	s25 =	simm.s32 $0x1B8E;
	s24 =	sld [smem:$0x3FFE];
	[sflag:s23] =	ssyncadd.s32 $0xFFFFFFFF  }
0xa5: {  	s26 =	simm.s32 $execute0_lowered;
	[smem:$0x3FD2] =	sst s25  }
0xa6: {  	s4 =	sshll.u32 s26, $0x1;
	_ =	strace $0x80000046;
	[dreg:$0x1] =	wrdreg $0xFFFFFFFF  }
0xa7: {  	s28 =	simm.s32 $_size_execute0_lowered;
	s2 =	sadd.s32 s2, s4;
	[dreg:$0x0] =	wrdreg $0x0  }
0xa8: {  	s4 =	sshll.u32 s28, $0x1;
	[dreg:$0x2] =	wrdreg s2  }
0xa9: {  	[dreg:$0x3] =	wrdreg s4  }
0xaa: {  	[dreg:$0x4] =	wrdreg $0xC0  }
0xab: {  	_ =	task [dreg:s6], $0x5FFFF  }
0xac: {  	[dreg:$0x1] =	wrdreg $0xFFFFFFFF  }
0xad: {  	[dreg:$0x0] =	wrdreg $0x60  }
0xae: {  	[dreg:$0x2] =	wrdreg s24  }
0xaf: {  	[dreg:$0x3] =	wrdreg $0x50800  }
0xb0: {  	[dreg:$0x4] =	wrdreg $0x9  }
0xb1: {  	_ =	task.clear_ibuf [dreg:s6], $0x5FFFF;
	_ =	strace $0x90000046  }
0xb2: {  	s29 =	simm.s32 $0x9;
	_ =	strace $0x80000048  }
0xb3: {  	_ =	swait.ge [sflag:s29], $0x1  }
0xb4: {  	[sflag:s29] =	ssyncadd.s32 $0xFFFFFFFF  }
0xb5: {  	_ =	strace $0x90000048  }
0xb6: {  	_ =	sfence  }
0xb7: {  	s30 =	sld [smem:$0x0];
	_ =	sdelay $0x2  }
0xb8: {  	s31 =	sshll.u32 s1, $0xD;
	s1 =	sshrl.u32 s1, $0x2  }
0xb9: {  	s3 =	sand.u32 $0x4000, s31;
	s1 =	sadd.s32 s1, s30  }
0xba: {  	s0 =	sor.u32 s3, s0;
	s1 =	sshll.u32 s1, $0x11  }
0xbb: {  	s0 =	sor.u32 s1, s0  }
0xbc: {  	s0 =	sadd.s32 $0x8F2B, s0  }
0xbd: {  	[sflag:s0] =	ssyncadd.remote.s32 $0x1  }
0xbe: {  	_ =	sfence.sel $0xFFFF  }
0xbf: {  	[dreg:$0x0] =	wrdreg $0xFFFFFFFF;
	(pc) =	sbr.abs _section_cstart, $3  }
0xc0: {  	[dreg:$0x1] =	wrdreg $0xFFFFFFFF  }
0xc1: {  	_ =	task.clear_ibuf [dreg:s6], $0x2FFFF;
	_ =	strace $0x9FFFFFFF  }
0xc2: {  	(tm) =	ssettm $0x7FFFFFFF  }
0xc3: {  	_ =	shalt  }
tec
execute0_lowered:
.L_overlay_start_1:
0x0: {  	(tag) =	ssettag $0x1  }
0x1: {  	s3 =	rddreg [dreg:$0x0]  }
0x2: {  	s1 =	rddreg [dreg:$0x1];
	s2 =	srdreg.scid  }
0x3: {  	s0 =	rddreg [dreg:$0x2];
	s10 =	stileid.u32  }
0x4: {  	s9 =	simm.s32 $0x5000;
	s12 =	simm.s32 $0x0;
	s4 =	sand.u32 $0x1, s2  }
0x5: {  	s2 =	simm.s32 $0x0;
	s7 =	sshll.u32 s10, $0xB;
	p0 =	sne.s32 s10, $0x0  }
0x6: {  	p1 =	sgt.u32 s10, $0x4;
	s5 =	sshll.u32 s4, $0x4;
	s6 =	smul.u32 $0x2800, s4  }
0x7: {  	[smem:$0x7FF] =	sst s2;
	s4 =	ssub.s32 $0x2, s4;
	s11 =	sadd.s32 s7, s1  }
0x8: {  	s5 =	sor.u32 s10, s5;
	_ =	strace $0x80000047;
	s31 =	sshrl.u32 s4, $0x1  }
0x9: {  	s10 =	sshll.u32 @!p1 s10, $0x6;
	s5 =	smul.u32 $0x500, s5;
	s6 =	sadd.s32 s7, s6  }
0xa: {  	s11 =	sshrl.u32 @!p1 s11, $0x3;
	s8 =	ssub.s32 s4, s31;
	s6 =	sshrl.u32 s6, $0x3  }
0xb: {  	v0 =	vlaneseq.u32;
	s7 =	simm.s32 $0x2800;
	s5 =	sadd.s32 s5, s3;
	s6 =	sadd.s32 s6, s3  }
0xc: {  	v1 =	vimm.f32 $0.0e+00;
	v6 =	vimm.f32 $1.000000000e+00;
	v2 =	vor.u32 $0x10, v0;
	s10 =	sor.u32 @!p1 $0x1C01, s10;
	s3 =	sadd.s32 $0x3000, s5;
	s4 =	sadd.s32 $0x17000, s6  }
0xd: {  	v3 =	vor.u32 $0x20, v0;
	v4 =	vor.u32 $0x30, v0;
	v5 =	vor.u32 $0x40, v0;
	s5 =	smax.u32 s8, $0x1;
	s6 =	simm.s32 $0x1;
	s8 =	simm.s32 $0x50  }
.LBB2_1:
0xe: {  	[tilespmem:s2], [sflag:$0x1] =	stream.linear.gather [hbm4b:s3+s2], $0x2800, $0x38;
	[tilespmem:$0x5300] =	vst v63  }
0xf: {  	s13 =	sand.u32 $0xFE00, s2;
	s14 =	sand.u32 $0x70, s2;
	_ =	swait.ge [sflag:s6], $0x2800  }
0x10: {  	s15 =	sshrl.u32 s13, $0x2;
	s13 =	simm.s32 $0x40;
	[sflag:s6] =	ssyncset.done $0x0  }
0x11: {  	s15 =	sor.u32 s14, s15;
	s14 =	simm.s32 $0x0;
	[sflag:s6] =	ssyncadd.s32 $0xFFFFD800  }
.LBB2_2:
0x12: {  	p2 =	sne.s32 s13, $0x9FC0  }
0x13: {  	[tilespmem:s15+$0x2800] =	vst v1;
	s14 =	sadd.s32 $0x10, s14;
	s15 =	smov.u32 s13;
	s13 =	sadd.s32 $0x40, s13  }
.Ltmp0:
0x14: {  	(pc) =	sbr.rel @p2 .LBB2_2-.Ltmp0, $4  }
0x15: {  	_ = 	snop  }
0x16: {  	s15 =	sand.u32 $0xFE00, s15  }
0x17: {  	s16 =	sand.u32 $0x70, s14;
	s15 =	sshrl.u32 s15, $0x2  }
0x18: {  	s15 =	sor.u32 s16, s15  }
0x19: {  	[tilespmem:s15+$0x2800] =	vst v1  }
0x1a: {  	[tilespmem:$0x5000] =	vst v0  }
0x1b: {  	[tilespmem:$0x5010] =	vst v2  }
0x1c: {  	[tilespmem:$0x5020] =	vst v3  }
0x1d: {  	[tilespmem:$0x5030] =	vst v4  }
0x1e: {  	s13 =	simm.s32 @!p0 $0x2800;
	[tilespmem:$0x5040] =	vst v5  }
0x1f: {  	[spmem:s1] =	stream.linear.scatter @!p0 [tilespmem:s13], [sflag:$0x1], $0x2800, $0x38;
	[tilespmem:$0x5300] =	vst v63  }
0x20: {  	s13 =	simm.s32 @!p0 $0x1  }
0x21: {  	s14 =	simm.s32 $0x0;
	_ =	swait.ge @!p0 [sflag:s13], $0x2800  }
0x22: {  	s28 =	sand.u32 $0xFE00, s14;
	[sflag:s13] =	ssyncset.done @!p0 $0x0  }
0x23: {  	s29 =	sand.u32 $0x70, s14;
	s30 =	sshrl.u32 s28, $0x2;
	[sflag:s13] =	ssyncadd.s32 @!p0 $0xFFFFD800  }
0x24: {  	s13 =	sor.u32 s29, s30;
	[bflag:$0x0] =	sbarrier.arrive $0xFFFF  }
0x25: {  	v7 =	vld [tilespmem:s13+$0x0];
	_ =	sdelay $0x4  }
0x26: {  	s31 =	simm.s32 $0x40  }
0x27: {  	s15 =	sand.u32 $0xFE00, s31;
	s14 =	simm.s32 $0x80;
	s13 =	simm.s32 $0x10  }
.LBB2_4:
0x28: {  	p2 =	sne.s32 s14, $0x9FC0;
	s16 =	sand.u32 $0x70, s13;
	s15 =	sshrl.u32 s15, $0x2  }
0x29: {  	s15 =	sor.u32 s16, s15;
	[tilespmem:v7+s7+$0x0] =	vst.idx.add.f32.msk $0xffff, v6  }
0x2a: {  	v7 =	vld [tilespmem:s15+$0x0];
	_ =	sdelay $0x1  }
.Ltmp1:
0x2b: {  	(pc) =	sbr.rel @p2 .LBB2_4-.Ltmp1, $2  }
0x2c: {  	_ =	sdelay $0x2  }
0x2d: {  	s13 =	sadd.s32 $0x10, s13;
	s15 =	sand.u32 $0xFE00, s14;
	s14 =	sadd.s32 $0x40, s14  }
0x2e: {  	_ =	sdelay $0x2  }
0x2f: {  	s13 =	sand.u32 $0x70, s13;
	s14 =	sshrl.u32 s15, $0x2  }
0x30: {  	[tilespmem:v7+s7+$0x0] =	vst.idx.add.f32.msk $0xffff, v6;
	s13 =	sor.u32 s13, s14  }
0x31: {  	v7 =	vld [tilespmem:s13+$0x0];
	_ =	sdelay $0x7  }
0x32: {  	[tilespmem:v7+s7+$0x0] =	vst.idx.add.f32.msk $0xffff, v6  }
0x33: {  	[spmem:s1] =	stream.indirect.scatter.add.f32 [tilespmem:s7], [sflag:$0x1], $0x80, s9, s8, $0xb8;
	[tilespmem:$0x5300] =	vst v63  }
0x34: {  	_ =	swait.ge [sflag:s6], $0x2800  }
0x35: {  	s12 =	sadd.s32 $0x1, s12;
	[sflag:s6] =	ssyncset.done $0x0  }
0x36: {  	p2 =	sne.s32 s12, s5;
	[sflag:s6] =	ssyncadd.s32 $0xFFFFD800  }
.Ltmp2:
0x37: {  	s13 =	simm.s32 @!p1 $0x1;
	[bflag:$0x0] =	sbarrier.arrive $0xFFFF;
	(pc) =	sbr.rel @p2 .LBB2_1-.Ltmp2, $4  }
0x38: {  	[hbm:s4], [sflag:s10] =	dma.local @!p1 [spmem:s11], $0x100  }
0x39: {  	_ =	swait.ge @!p1 [sflag:s13], $0x100  }
0x3a: {  	[sflag:s13] =	ssyncset.done @!p1 $0x0  }
0x3b: {  	[sflag:s13] =	ssyncadd.s32 @!p1 $0xFFFFFF00  }
0x3c: {  	_ =	sfence.sel $0x180000  }
0x3d: {  	[bflag:$0x0] =	sbarrier.arrive $0xFFFF  }
0x3e: {  	_ =	strace $0x90000047  }
0x3f: {  	s0 =	sadd.s32 @!p0 $0x100000, s0;
	[bflag:$0x2] =	sbarrier.arrive $0xFFFF  }
0x40: {  	[sflag:s0] =	ssyncadd.tile.s32 @!p0 $0x1;
	_ =	shalt  }
.Lfunc_end2:
_tile_overlayer_lowered:
.L_overlay_start_2:
0x41: {  	(tag) =	ssettag $0x2  }
0x42: {  	s0 =	rddreg [dreg:$0x0];
	s2 =	stileid.u32  }
0x43: {  	s1 =	rddreg [dreg:$0x1];
	p0 =	sne.s32 s2, $0x0  }
0x44: {  	s3 =	rddreg [dreg:$0x2];
	[bflag:$0x3] =	sbarrier.arrive $0xFFFF;
	s2 =	simm.s32 @!p0 $0x1C01  }
0x45: {  	[timem:s3], [sflag:s2] =	dma.local @!p0 [hbm:s0], s1  }
0x46: {  	s0 =	simm.s32 @!p0 $0x1  }
0x47: {  	_ =	swait.ge @!p0 [sflag:s0], s1  }
0x48: {  	s1 =	ssub.s32 @!p0 $0x0, s1;
	[sflag:s0] =	ssyncset.done @!p0 $0x0  }
0x49: {  	[sflag:s0] =	ssyncadd.s32 @!p0 s1  }
0x4a: {  	[bflag:$0x3] =	sbarrier.arrive $0xFFFF  }
0x4b: {  	_ =	shalt  }

// kernel: kernel.13.cloned.1.call-start
scs
__scs_entry_jumppad:
0x0: {  	(pc) =	sbr.rel $0x88, $3  }
0x1: {  	(tag) =	ssettag $0x0;
	lr =	simm.s32 $0x1  }
0x2: {  	[smem:$0x3F99] =	sst lr;
	_ =	strace $0xD0000000  }
0x3: {  	_ = 	snop  }
0x4: {  	_ = 	snop  }
0x5: {  	_ = 	snop  }
0x6: {  	_ = 	snop  }
0x7: {  	_ = 	snop  }
__scs_overlays_trampoline_lowered:
0x8: {  	[smem:$0x3FA8] =	sst s0  }
0x9: {  	[smem:$0x3FA9] =	sst s1  }
0xa: {  	[smem:$0x3FAA] =	sst s2  }
0xb: {  	[smem:$0x3FAB] =	sst s3  }
0xc: {  	[smem:$0x3FAC] =	sst s4  }
0xd: {  	[smem:$0x3FAD] =	sst s5  }
0xe: {  	[smem:$0x3FAE] =	sst s6  }
0xf: {  	[smem:$0x3FAF] =	sst s7  }
0x10: {  	[smem:$0x3FB0] =	sst s8  }
0x11: {  	[smem:$0x3FB1] =	sst s9;
	s0 =	simm.s32 @!p0 $0x0  }
0x12: {  	s1 =	sld [smem:$0x3F97];
	s0 =	simm.s32 @p0 $0x1  }
0x13: {  	[smem:$0x3FB2] =	sst s0;
	s0 =	simm.s32 @!p1 $0x0  }
0x14: {  	s2 =	sld [smem:$0x3F96];
	s0 =	simm.s32 @p1 $0x1  }
0x15: {  	[smem:$0x3FB3] =	sst s0;
	s0 =	simm.s32 @!p2 $0x0  }
0x16: {  	s3 =	sld [smem:$0x3FDB];
	s0 =	simm.s32 @p2 $0x1  }
0x17: {  	s4 =	simm.s32 $0x1BF5;
	[smem:$0x3FB5] =	sst s0  }
0x18: {  	s0 =	sld [smem:$0x3F98];
	_ =	swait.ge [sflag:s4], $0x0  }
0x19: {  	s7 =	sld [smem:$0x3F99]  }
0x1a: {  	s8 =	sadd.s32 $0xFFFFE003, lr  }
0x1b: {  	s9 =	sadd.s32 $0xFFFFFEF7, lr;
	s5 =	simm.s32 $0xFFFFFFFF;
	p2 =	slt.u32 s8, $0xFFFFF086  }
0x1c: {  	p1 =	slt.u32 s9, $0xF7A;
	s5 =	simm.s32 @!p2 $0x0  }
0x1d: {  	s5 =	simm.s32 @p1 $0x1;
	p0 =	seq.s32 s7, s2  }
0x1e: {  	s7 =	smul.u32 @!p0 $0xF7A, s2;
	p2 =	seq.s32 @!p0 s5, $0x0  }
0x1f: {  	s9 =	smul.u32 $0xF7A, s1;
	s8 =	simm.s32 @!p0 $0x1BF5;
	p2 =	por !p2, p0  }
0x20: {  	[sflag:s8] =	ssyncset.s32 @!p0 $0xFFFFF086;
	s6 =	sadd.s32 @!p0 s3, s7;
	s7 =	simm.s32 @!p0 $0x108  }
0x21: {  	s3 =	sadd.s32 s3, s9;
	s6 =	sadd.s32 @!p0 $0x88, s6;
	s7 =	simm.s32 @p2 $0x1082  }
0x22: {  	[simem:s7], [sflag:s8] =	dma.local @!p0 [hbm:s6], $0xF7A  }
0x23: {  	s9 =	sor.u32 $0xD0000000, s2;
	s6 =	simm.s32 $0x108;
	_ =	swait.ge @!p0 [sflag:s8], $0x0  }
0x24: {  	s3 =	sadd.s32 $0x88, s3;
	s6 =	simm.s32 @!p1 $0x1082;
	[sflag:s4] =	ssyncset.s32 $0xFFFFF086  }
0x25: {  	[simem:s6], [sflag:s4] =	dma.local [hbm:s3], $0xF7A  }
0x26: {  	[smem:$0x3F99] =	sst s1;
	(tag) =	ssettag s2;
	_ =	strace s9  }
0x27: {  	s1 =	sld [smem:$0x3FA9]  }
0x28: {  	s2 =	sld [smem:$0x3FAA]  }
0x29: {  	s4 =	sld [smem:$0x3FAC]  }
0x2a: {  	p0 =	seq.s32 s5, $0x0;
	s5 =	sld [smem:$0x3FAD]  }
0x2b: {  	s6 =	sld [smem:$0x3FAE]  }
0x2c: {  	s7 =	sld [smem:$0x3FAF]  }
0x2d: {  	s3 =	simm.s32 $0x108;
	s8 =	sld [smem:$0x3FB0]  }
0x2e: {  	s3 =	simm.s32 @!p0 $0x1082;
	s9 =	sld [smem:$0x3FB1]  }
0x2f: {  	lr =	sadd.s32 s0, s3;
	s0 =	sld [smem:$0x3FA8]  }
0x30: {  	s3 =	sld [smem:$0x3FAB]  }
0x31: {  	[smem:$0x3FB4] =	sst s10  }
0x32: {  	s10 =	sld [smem:$0x3FB2];
	_ =	sdelay $0x3  }
0x33: {  	p0 =	seq.s32 s10, $0x1;
	s10 =	sld [smem:$0x3FB4];
	_ =	sdelay $0x3  }
0x34: {  	[smem:$0x3FB4] =	sst s10  }
0x35: {  	s10 =	sld [smem:$0x3FB3];
	_ =	sdelay $0x3  }
0x36: {  	p1 =	seq.s32 s10, $0x1;
	s10 =	sld [smem:$0x3FB4];
	_ =	sdelay $0x3  }
0x37: {  	[smem:$0x3FB4] =	sst s10  }
0x38: {  	s10 =	sld [smem:$0x3FB5]  }
0x39: {  	_ = 	snop;
	(pc) =	sbr.ind lr, $3  }
0x3a: {  	_ = 	snop  }
0x3b: {  	_ = 	snop  }
0x3c: {  	p2 =	seq.s32 s10, $0x1;
	s10 =	sld [smem:$0x3FB4]  }
0x3d: {  	_ =	shalt  }
0x3e: {  	_ =	shalt  }
0x3f: {  	_ =	shalt  }
0x40: {  	_ =	shalt  }
0x41: {  	_ =	shalt  }
0x42: {  	_ =	shalt  }
0x43: {  	_ =	shalt  }
0x44: {  	_ =	shalt  }
0x45: {  	_ =	shalt  }
0x46: {  	_ =	shalt  }
0x47: {  	_ =	shalt  }
0x48: {  	_ =	shalt  }
0x49: {  	_ =	shalt  }
0x4a: {  	_ =	shalt  }
0x4b: {  	_ =	shalt  }
0x4c: {  	_ =	shalt  }
0x4d: {  	_ =	shalt  }
0x4e: {  	_ =	shalt  }
0x4f: {  	_ =	shalt  }
0x50: {  	_ =	shalt  }
0x51: {  	_ =	shalt  }
0x52: {  	_ =	shalt  }
0x53: {  	_ =	shalt  }
0x54: {  	_ =	shalt  }
0x55: {  	_ =	shalt  }
0x56: {  	_ =	shalt  }
0x57: {  	_ =	shalt  }
0x58: {  	_ =	shalt  }
0x59: {  	_ =	shalt  }
0x5a: {  	_ =	shalt  }
0x5b: {  	_ =	shalt  }
0x5c: {  	_ =	shalt  }
0x5d: {  	_ =	shalt  }
0x5e: {  	_ =	shalt  }
0x5f: {  	_ =	shalt  }
0x60: {  	_ =	shalt  }
0x61: {  	_ =	shalt  }
0x62: {  	_ =	shalt  }
0x63: {  	_ =	shalt  }
0x64: {  	_ =	shalt  }
0x65: {  	_ =	shalt  }
0x66: {  	_ =	shalt  }
0x67: {  	_ =	shalt  }
0x68: {  	_ =	shalt  }
0x69: {  	_ =	shalt  }
0x6a: {  	_ =	shalt  }
0x6b: {  	_ =	shalt  }
0x6c: {  	_ =	shalt  }
0x6d: {  	_ =	shalt  }
0x6e: {  	_ =	shalt  }
0x6f: {  	_ =	shalt  }
0x70: {  	_ =	shalt  }
0x71: {  	_ =	shalt  }
0x72: {  	_ =	shalt  }
0x73: {  	_ =	shalt  }
0x74: {  	_ =	shalt  }
0x75: {  	_ =	shalt  }
0x76: {  	_ =	shalt  }
0x77: {  	_ =	shalt  }
0x78: {  	_ =	shalt  }
0x79: {  	_ =	shalt  }
0x7a: {  	_ =	shalt  }
0x7b: {  	_ =	shalt  }
0x7c: {  	_ =	shalt  }
0x7d: {  	_ =	shalt  }
0x7e: {  	_ =	shalt  }
0x7f: {  	_ =	shalt  }
0x80: {  	_ =	shalt  }
0x81: {  	_ =	shalt  }
0x82: {  	_ =	shalt  }
0x83: {  	_ =	shalt  }
0x84: {  	_ =	shalt  }
0x85: {  	_ =	shalt  }
0x86: {  	_ =	shalt  }
0x87: {  	_ =	shalt  }
.Lfunc_end0:
.L_simem_size_0:
called_computation.1_lowered:
.L_overlay_start_0:
0x88: {  	s2 =	sld [smem:$0x3FD9]  }
0x89: {  	s3 =	sld [smem:$0x3FFE];
	_ =	sdelay $0x1  }
0x8a: {  	s1 =	srdreg.scid  }
0x8b: {  	s0 =	sand.u32 $0x1, s1  }
0x8c: {  	s16 =	sshll.u32 s0, $0xA;
	s2 =	sadd.s32 s3, s2  }
0x8d: {  	s2 =	sadd.s32 s2, s16  }
0x8e: {  	[smem:$0x3FC0] =	sst s2  }
0x8f: {  	_ = 	snop  }
0x90: {  	(tm) =	ssettm $0x1  }
0x91: {  	s17 =	sld [smem:$0x3FFB];
	_ =	sdelay $0x3  }
0x92: {  	_ =	strace s17  }
0x93: {  	s2 =	sld [smem:$0x3FFC];
	_ =	sdelay $0x3  }
0x94: {  	_ =	strace s2  }
0x95: {  	s2 =	sld [smem:$0x3FFD];
	_ =	sdelay $0x3  }
0x96: {  	_ =	strace s2  }
0x97: {  	_ =	strace $0x8FFFFFFF  }
0x98: {  	s18 =	sld [smem:$0x3FDB];
	_ =	sdelay $0x1  }
0x99: {  	s19 =	simm.s32 $_scs_section_size  }
0x9a: {  	s4 =	simm.s32 $_size__tile_overlayer_lowered;
	s5 =	simm.s32 $_tile_overlayer_lowered  }
0x9b: {  	s22 =	simm.s32 $0x1BFF;
	s21 =	sshll.u32 s5, $0x1;
	s2 =	sadd.s32 s19, s18  }
0x9c: {  	s6 =	simm.s32 $0x0;
	s20 =	sshll.u32 s4, $0x1;
	s4 =	sadd.s32 s21, s2  }
0x9d: {  	[timem:s6], [sflag:s22] =	dma.local [hbm:s4], s20  }
0x9e: {  	_ =	swait.ge [sflag:s22], s20  }
0x9f: {  	s3 =	ssub.s32 $0x0, s20;
	[sflag:s22] =	ssyncset.done $0x0  }
0xa0: {  	[sflag:s22] =	ssyncadd.s32 s3;
	_ =	sdelay $0x1  }
0xa1: {  	s23 =	simm.s32 $0x1B8B  }
0xa2: {  	_ =	swait.ge [sflag:s23], $0x1  }
0xa3: {  	[sflag:s23] =	ssyncset.done $0x0  }
0xa4: {  	s25 =	simm.s32 $0x1B8E;
	s24 =	sld [smem:$0x3FFE];
	[sflag:s23] =	ssyncadd.s32 $0xFFFFFFFF  }
0xa5: {  	s26 =	simm.s32 $execute0_lowered;
	[smem:$0x3FD2] =	sst s25  }
0xa6: {  	s4 =	sshll.u32 s26, $0x1;
	_ =	strace $0x80000049;
	[dreg:$0x1] =	wrdreg $0xFFFFFFFF  }
0xa7: {  	s28 =	simm.s32 $_size_execute0_lowered;
	s2 =	sadd.s32 s2, s4;
	[dreg:$0x0] =	wrdreg $0x0  }
0xa8: {  	s4 =	sshll.u32 s28, $0x1;
	[dreg:$0x2] =	wrdreg s2  }
0xa9: {  	[dreg:$0x3] =	wrdreg s4  }
0xaa: {  	[dreg:$0x4] =	wrdreg $0xC0  }
0xab: {  	_ =	task [dreg:s6], $0x5FFFF  }
0xac: {  	[dreg:$0x1] =	wrdreg $0xFFFFFFFF  }
0xad: {  	[dreg:$0x0] =	wrdreg $0x60  }
0xae: {  	[dreg:$0x2] =	wrdreg s24  }
0xaf: {  	[dreg:$0x3] =	wrdreg $0xA8000  }
0xb0: {  	[dreg:$0x4] =	wrdreg $0x9  }
0xb1: {  	_ =	task.clear_ibuf [dreg:s6], $0x5FFFF;
	_ =	strace $0x90000049  }
0xb2: {  	s29 =	simm.s32 $0x9;
	_ =	strace $0x8000004E  }
0xb3: {  	_ =	swait.ge [sflag:s29], $0x1  }
0xb4: {  	[sflag:s29] =	ssyncadd.s32 $0xFFFFFFFF  }
0xb5: {  	_ =	strace $0x9000004E  }
0xb6: {  	_ =	sfence  }
0xb7: {  	s30 =	sld [smem:$0x0];
	_ =	sdelay $0x2  }
0xb8: {  	s31 =	sshll.u32 s1, $0xD;
	s1 =	sshrl.u32 s1, $0x2  }
0xb9: {  	s3 =	sand.u32 $0x4000, s31;
	s1 =	sadd.s32 s1, s30  }
0xba: {  	s0 =	sor.u32 s3, s0;
	s1 =	sshll.u32 s1, $0x11  }
0xbb: {  	s0 =	sor.u32 s1, s0  }
0xbc: {  	s0 =	sadd.s32 $0x8F2B, s0  }
0xbd: {  	[sflag:s0] =	ssyncadd.remote.s32 $0x1  }
0xbe: {  	_ =	sfence.sel $0xFFFF  }
0xbf: {  	[dreg:$0x0] =	wrdreg $0xFFFFFFFF;
	(pc) =	sbr.abs _section_cstart, $3  }
0xc0: {  	[dreg:$0x1] =	wrdreg $0xFFFFFFFF  }
0xc1: {  	_ =	task.clear_ibuf [dreg:s6], $0x2FFFF;
	_ =	strace $0x9FFFFFFF  }
0xc2: {  	(tm) =	ssettm $0x7FFFFFFF  }
0xc3: {  	_ =	shalt  }
tec
execute0_lowered:
.L_overlay_start_1:
0x0: {  	(tag) =	ssettag $0x1  }
0x1: {  	s5 =	rddreg [dreg:$0x0]  }
0x2: {  	s1 =	rddreg [dreg:$0x1];
	s3 =	simm.s32 $0x0  }
0x3: {  	s2 =	srdreg.scid;
	s16 =	simm.s32 $0x2800;
	s17 =	simm.s32 $0x5  }
0x4: {  	s18 =	simm.s32 $0x1400;
	s19 =	simm.s32 $0x80;
	s20 =	simm.s32 $0x1  }
0x5: {  	s21 =	simm.s32 $0x6800;
	s22 =	simm.s32 $0x2;
	s23 =	simm.s32 $0x3  }
0x6: {  	s28 =	simm.s32 $0x0;
	[smem:$0x7FF] =	sst s3;
	s6 =	sand.u32 $0x1, s2  }
0x7: {  	s2 =	stileid.u32;
	s8 =	sadd.s32 $0xD000, s5;
	s7 =	smul.u32 $0x140000, s6  }
0x8: {  	s10 =	sadd.s32 $0x3000, s5;
	s9 =	smul.u32 $0x14000, s2;
	s11 =	sshll.u32 s6, $0x4  }
0x9: {  	s4 =	sadd.s32 $0x17000, s5;
	s24 =	smul.u32 $0x50000, s2;
	s11 =	sor.u32 s2, s11  }
0xa: {  	_ =	strace $0x8000004A;
	s6 =	ssub.s32 $0x2, s6;
	s12 =	smul.u32 $0x2800, s11  }
0xb: {  	s25 =	sshrl.u32 s6, $0x1;
	s7 =	sadd.s32 s9, s7;
	s26 =	smul.u32 $0x500, s11  }
0xc: {  	s29 =	ssub.s32 s6, s25;
	s30 =	sshrl.u32 s24, $0x2;
	s24 =	simm.s32 $0x100  }
0xd: {  	s25 =	simm.s32 $0x1480;
	s7 =	sshrl.u32 s7, $0x3;
	s11 =	smax.u32 s29, $0x1  }
.Ltmp0:
0xe: {  	s13 =	sadd.s32 s7, s5;
	s31 =	sshrl.u32 s12, $0x3;
	(pc) =	sbr.rel .LBB2_1-.Ltmp0, $4  }
0xf: {  	s5 =	sadd.s32 s30, s1;
	s6 =	sadd.s32 s8, s26;
	s7 =	sadd.s32 s10, s26  }
0x10: {  	s26 =	simm.s32 $0x4;
	s9 =	sadd.s32 $0x280, s31;
	s12 =	sadd.s32 $0x4000, s5  }
0x11: {  	s14 =	sadd.s32 $0xC000, s5;
	s15 =	sadd.s32 $0x10000, s5;
	s8 =	sadd.s32 s8, s9  }
0x12: {  	v0 =	vimm.f32 $0.0e+00;
	s9 =	sadd.s32 s10, s9;
	s10 =	sadd.s32 $0x65400, s13;
	s13 =	sadd.s32 $0x8000, s5  }
.LBB2_9:
0x13: {  	[spmem:s1] =	stream.indirect.scatter.add.f32 [tilespmem:s21], [sflag:$0x4], $0x80, s31, s19, $0x2000b8;
	[tilespmem:$0x1E800] =	vst v63  }
0x14: {  	_ =	swait.ge [sflag:s26], $0x4000  }
0x15: {  	[sflag:s26] =	ssyncset.done $0x0  }
0x16: {  	[sflag:s26] =	ssyncadd.s32 $0xFFFFC000  }
0x17: {  	s0 =	sshll.u32 s2, $0x6;
	_ =	strace $0x9000004C  }
0x18: {  	s29 =	sshrl.u32 s5, $0x3;
	s28 =	sadd.s32 $0x1, s28;
	_ =	strace $0x8000004D  }
0x19: {  	s0 =	sor.u32 $0x1C05, s0;
	p0 =	sne.s32 s28, s11;
	[bflag:$0x0] =	sbarrier.arrive $0xFFFF  }
0x1a: {  	[hbm:s10], [sflag:s0] =	dma.local [spmem:s29], $0x2800  }
.Ltmp1:
0x1b: {  	_ = 	snop;
	(pc) =	sbr.rel @!p0 .LBB2_10-.Ltmp1, $4  }
0x1c: {  	_ =	swait.ge [sflag:s17], $0x2800  }
0x1d: {  	[sflag:s17] =	ssyncset.done $0x0  }
0x1e: {  	[sflag:s17] =	ssyncadd.s32 $0xFFFFD800  }
0x1f: {  	_ =	strace $0x9000004D  }
.LBB2_1:
0x20: {  	s29 =	sand.u32 $0xFE00, s3  }
0x21: {  	_ =	strace $0x8000004B;
	s30 =	sand.u32 $0x70, s3;
	s31 =	sshrl.u32 s29, $0x2  }
0x22: {  	s29 =	simm.s32 $0x40;
	s31 =	sor.u32 s30, s31;
	s30 =	simm.s32 $0x0  }
.LBB2_2:
0x23: {  	p0 =	sne.s32 s29, $0xFFC0  }
0x24: {  	[tilespmem:s31+$0x2800] =	vst v0;
	s30 =	sadd.s32 $0x10, s30;
	s31 =	smov.u32 s29;
	s29 =	sadd.s32 $0x40, s29  }
.Ltmp2:
0x25: {  	(pc) =	sbr.rel @p0 .LBB2_2-.Ltmp2, $4  }
0x26: {  	_ = 	snop  }
0x27: {  	s31 =	sand.u32 $0xFE00, s31  }
0x28: {  	s0 =	sand.u32 $0x70, s30;
	s31 =	sshrl.u32 s31, $0x2  }
0x29: {  	s31 =	sor.u32 s0, s31  }
0x2a: {  	[tilespmem:s31+$0x2800] =	vst v0  }
0x2b: {  	[spmem:s5] =	stream.linear.scatter [tilespmem:s16], [sflag:$0x5], $0x4000, $0x200038;
	[tilespmem:$0x1E800] =	vst v63  }
0x2c: {  	_ =	swait.ge [sflag:s17], $0x4000  }
0x2d: {  	[sflag:s17] =	ssyncset.done $0x0  }
0x2e: {  	[sflag:s17] =	ssyncadd.s32 $0xFFFFC000  }
0x2f: {  	[spmem:s12] =	stream.linear.scatter [tilespmem:s16], [sflag:$0x5], $0x4000, $0x200038;
	[tilespmem:$0x1E800] =	vst v63  }
0x30: {  	_ =	swait.ge [sflag:s17], $0x4000  }
0x31: {  	[sflag:s17] =	ssyncset.done $0x0  }
0x32: {  	[sflag:s17] =	ssyncadd.s32 $0xFFFFC000  }
0x33: {  	[spmem:s13] =	stream.linear.scatter [tilespmem:s16], [sflag:$0x5], $0x4000, $0x200038;
	[tilespmem:$0x1E800] =	vst v63  }
0x34: {  	_ =	swait.ge [sflag:s17], $0x4000  }
0x35: {  	[sflag:s17] =	ssyncset.done $0x0  }
0x36: {  	[sflag:s17] =	ssyncadd.s32 $0xFFFFC000  }
0x37: {  	[spmem:s14] =	stream.linear.scatter [tilespmem:s16], [sflag:$0x5], $0x4000, $0x200038;
	[tilespmem:$0x1E800] =	vst v63  }
0x38: {  	_ =	swait.ge [sflag:s17], $0x4000  }
0x39: {  	[sflag:s17] =	ssyncset.done $0x0  }
0x3a: {  	[sflag:s17] =	ssyncadd.s32 $0xFFFFC000  }
0x3b: {  	[spmem:s15] =	stream.linear.scatter [tilespmem:s16], [sflag:$0x5], $0x4000, $0x200038;
	[tilespmem:$0x1E800] =	vst v63  }
0x3c: {  	_ =	swait.ge [sflag:s17], $0x4000  }
0x3d: {  	[sflag:s17] =	ssyncset.done $0x0  }
0x3e: {  	[sflag:s17] =	ssyncadd.s32 $0xFFFFC000  }
0x3f: {  	[bflag:$0x0] =	sbarrier.arrive $0xFFFF  }
0x40: {  	_ =	strace $0x9000004B  }
0x41: {  	_ =	strace $0x8000004C  }
0x42: {  	[tilespmem:s3], [sflag:$0x5] =	stream.linear.gather [hbm4b:s6+s3], $0x1400, $0x200038;
	[tilespmem:$0x1E800] =	vst v63  }
0x43: {  	_ =	swait.ge [sflag:s17], $0x1400  }
0x44: {  	[sflag:s17] =	ssyncset.done $0x0  }
0x45: {  	[sflag:s17] =	ssyncadd.s32 $0xFFFFEC00  }
0x46: {  	[tilespmem:s18], [sflag:$0x5] =	stream.linear.gather [hbm4b:s7+s3], $0x1400, $0x200038;
	[tilespmem:$0x1E800] =	vst v63  }
0x47: {  	_ =	swait.ge [sflag:s17], $0x1400  }
0x48: {  	[sflag:s17] =	ssyncset.done $0x0  }
0x49: {  	[sflag:s17] =	ssyncadd.s32 $0xFFFFEC00  }
0x4a: {  	[tilespmem:s16], [sflag:$0x1] =	stream.indirect.gather [hbm4b:s4+s19], $0x80, s3, s19, $0x2000b8;
	[tilespmem:$0x1E800] =	vst v63  }
0x4b: {  	_ =	swait.ge [sflag:s20], $0x4000  }
0x4c: {  	[sflag:s20] =	ssyncset.done $0x0  }
0x4d: {  	[sflag:s20] =	ssyncadd.s32 $0xFFFFC000  }
0x4e: {  	[tilespmem:s21], [sflag:$0x2] =	stream.indirect.gather [hbm4b:s4+s19], $0x80, s19, s19, $0x2000b8;
	[tilespmem:$0x1E800] =	vst v63  }
0x4f: {  	_ = 	snop  }
0x50: {  	[spmem:s1] =	stream.indirect.scatter.add.f32 [tilespmem:s16], [sflag:$0x3], $0x80, s18, s19, $0x2000b8;
	[tilespmem:$0x1E800] =	vst v63  }
0x51: {  	_ =	swait.ge [sflag:s22], $0x4000  }
0x52: {  	[sflag:s22] =	ssyncset.done $0x0  }
0x53: {  	[sflag:s22] =	ssyncadd.s32 $0xFFFFC000  }
0x54: {  	_ =	swait.ge [sflag:s23], $0x4000  }
0x55: {  	[sflag:s23] =	ssyncset.done $0x0  }
0x56: {  	[sflag:s23] =	ssyncadd.s32 $0xFFFFC000  }
0x57: {  	[tilespmem:s16], [sflag:$0x1] =	stream.indirect.gather [hbm4b:s4+s19], $0x80, s24, s19, $0x2000b8;
	[tilespmem:$0x1E800] =	vst v63  }
0x58: {  	s29 =	simm.s32 $0xFFFFB800  }
0x59: {  	[spmem:s1] =	stream.indirect.scatter.add.f32 [tilespmem:s21], [sflag:$0x4], $0x80, s25, s19, $0x2000b8;
	[tilespmem:$0x1E800] =	vst v63  }
.LBB2_4:
0x5a: {  	_ =	swait.ge [sflag:s20], $0x4000  }
0x5b: {  	[sflag:s20] =	ssyncset.done $0x0  }
0x5c: {  	[sflag:s20] =	ssyncadd.s32 $0xFFFFC000  }
0x5d: {  	_ =	swait.ge [sflag:s26], $0x4000  }
0x5e: {  	s30 =	sshra.s32 s29, $0x2;
	[sflag:s26] =	ssyncset.done $0x0  }
0x5f: {  	s0 =	sadd.s32 $0x1380, s30;
	[sflag:s26] =	ssyncadd.s32 $0xFFFFC000  }
0x60: {  	[tilespmem:s21], [sflag:$0x2] =	stream.indirect.gather [hbm4b:s4+s19], $0x80, s0, s19, $0x2000b8;
	[tilespmem:$0x1E800] =	vst v63  }
0x61: {  	s0 =	sadd.s32 $0x2700, s30  }
0x62: {  	[spmem:s1] =	stream.indirect.scatter.add.f32 [tilespmem:s16], [sflag:$0x3], $0x80, s0, s19, $0x2000b8;
	[tilespmem:$0x1E800] =	vst v63  }
0x63: {  	p0 =	seq.s32 s29, $0x0;
	_ =	swait.ge [sflag:s22], $0x4000  }
.Ltmp3:
0x64: {  	[sflag:s22] =	ssyncset.done $0x0;
	(pc) =	sbr.rel @p0 .LBB2_6-.Ltmp3, $4  }
0x65: {  	[sflag:s22] =	ssyncadd.s32 $0xFFFFC000  }
0x66: {  	_ =	swait.ge [sflag:s23], $0x4000  }
0x67: {  	[sflag:s23] =	ssyncset.done $0x0  }
0x68: {  	s31 =	sadd.s32 $0x2780, s30;
	[sflag:s23] =	ssyncadd.s32 $0xFFFFC000  }
.Ltmp4:
0x69: {  	(pc) =	sbr.rel .LBB2_4-.Ltmp4, $4  }
0x6a: {  	s0 =	sadd.s32 $0x1400, s30  }
0x6b: {  	[tilespmem:s16], [sflag:$0x1] =	stream.indirect.gather [hbm4b:s4+s19], $0x80, s0, s19, $0x2000b8;
	[tilespmem:$0x1E800] =	vst v63  }
0x6c: {  	s29 =	sadd.s32 $0x400, s29  }
0x6d: {  	[spmem:s1] =	stream.indirect.scatter.add.f32 [tilespmem:s21], [sflag:$0x4], $0x80, s31, s19, $0x2000b8;
	[tilespmem:$0x1E800] =	vst v63  }
.LBB2_6:
0x6e: {  	[spmem:s1] =	stream.indirect.scatter.add.f32 [tilespmem:s21], [sflag:$0x4], $0x80, s31, s19, $0x2000b8;
	[tilespmem:$0x1E800] =	vst v63  }
0x6f: {  	_ =	swait.ge [sflag:s26], $0x4000  }
0x70: {  	[sflag:s26] =	ssyncset.done $0x0  }
0x71: {  	[sflag:s26] =	ssyncadd.s32 $0xFFFFC000  }
0x72: {  	[tilespmem:s3], [sflag:$0x5] =	stream.linear.gather [hbm4b:s8+s3], $0x1400, $0x200038;
	[tilespmem:$0x1E800] =	vst v63  }
0x73: {  	_ =	swait.ge [sflag:s17], $0x1400  }
0x74: {  	[sflag:s17] =	ssyncset.done $0x0  }
0x75: {  	[sflag:s17] =	ssyncadd.s32 $0xFFFFEC00  }
0x76: {  	[tilespmem:s18], [sflag:$0x5] =	stream.linear.gather [hbm4b:s9+s3], $0x1400, $0x200038;
	[tilespmem:$0x1E800] =	vst v63  }
0x77: {  	_ =	swait.ge [sflag:s17], $0x1400  }
0x78: {  	[sflag:s17] =	ssyncset.done $0x0  }
0x79: {  	[sflag:s17] =	ssyncadd.s32 $0xFFFFEC00  }
0x7a: {  	[tilespmem:s16], [sflag:$0x1] =	stream.indirect.gather [hbm4b:s4+s19], $0x80, s3, s19, $0x2000b8;
	[tilespmem:$0x1E800] =	vst v63  }
0x7b: {  	_ =	swait.ge [sflag:s20], $0x4000  }
0x7c: {  	[sflag:s20] =	ssyncset.done $0x0  }
0x7d: {  	[sflag:s20] =	ssyncadd.s32 $0xFFFFC000  }
0x7e: {  	[tilespmem:s21], [sflag:$0x2] =	stream.indirect.gather [hbm4b:s4+s19], $0x80, s19, s19, $0x2000b8;
	[tilespmem:$0x1E800] =	vst v63  }
0x7f: {  	_ = 	snop  }
0x80: {  	[spmem:s1] =	stream.indirect.scatter.add.f32 [tilespmem:s16], [sflag:$0x3], $0x80, s18, s19, $0x2000b8;
	[tilespmem:$0x1E800] =	vst v63  }
0x81: {  	_ =	swait.ge [sflag:s22], $0x4000  }
0x82: {  	[sflag:s22] =	ssyncset.done $0x0  }
0x83: {  	[sflag:s22] =	ssyncadd.s32 $0xFFFFC000  }
0x84: {  	_ =	swait.ge [sflag:s23], $0x4000  }
0x85: {  	[sflag:s23] =	ssyncset.done $0x0  }
0x86: {  	[sflag:s23] =	ssyncadd.s32 $0xFFFFC000  }
0x87: {  	[tilespmem:s16], [sflag:$0x1] =	stream.indirect.gather [hbm4b:s4+s19], $0x80, s24, s19, $0x2000b8;
	[tilespmem:$0x1E800] =	vst v63  }
0x88: {  	s29 =	simm.s32 $0xFFFFB800  }
0x89: {  	[spmem:s1] =	stream.indirect.scatter.add.f32 [tilespmem:s21], [sflag:$0x4], $0x80, s25, s19, $0x2000b8;
	[tilespmem:$0x1E800] =	vst v63  }
.LBB2_7:
0x8a: {  	_ =	swait.ge [sflag:s20], $0x4000  }
0x8b: {  	[sflag:s20] =	ssyncset.done $0x0  }
0x8c: {  	[sflag:s20] =	ssyncadd.s32 $0xFFFFC000  }
0x8d: {  	_ =	swait.ge [sflag:s26], $0x4000  }
0x8e: {  	s30 =	sshra.s32 s29, $0x2;
	[sflag:s26] =	ssyncset.done $0x0  }
0x8f: {  	s0 =	sadd.s32 $0x1380, s30;
	[sflag:s26] =	ssyncadd.s32 $0xFFFFC000  }
0x90: {  	[tilespmem:s21], [sflag:$0x2] =	stream.indirect.gather [hbm4b:s4+s19], $0x80, s0, s19, $0x2000b8;
	[tilespmem:$0x1E800] =	vst v63  }
0x91: {  	s0 =	sadd.s32 $0x2700, s30  }
0x92: {  	[spmem:s1] =	stream.indirect.scatter.add.f32 [tilespmem:s16], [sflag:$0x3], $0x80, s0, s19, $0x2000b8;
	[tilespmem:$0x1E800] =	vst v63  }
0x93: {  	p0 =	seq.s32 s29, $0x0;
	_ =	swait.ge [sflag:s22], $0x4000  }
.Ltmp5:
0x94: {  	[sflag:s22] =	ssyncset.done $0x0;
	(pc) =	sbr.rel @p0 .LBB2_9-.Ltmp5, $4  }
0x95: {  	[sflag:s22] =	ssyncadd.s32 $0xFFFFC000  }
0x96: {  	_ =	swait.ge [sflag:s23], $0x4000  }
0x97: {  	[sflag:s23] =	ssyncset.done $0x0  }
0x98: {  	s31 =	sadd.s32 $0x2780, s30;
	[sflag:s23] =	ssyncadd.s32 $0xFFFFC000  }
.Ltmp6:
0x99: {  	(pc) =	sbr.rel .LBB2_7-.Ltmp6, $4  }
0x9a: {  	s0 =	sadd.s32 $0x1400, s30  }
0x9b: {  	[tilespmem:s16], [sflag:$0x1] =	stream.indirect.gather [hbm4b:s4+s19], $0x80, s0, s19, $0x2000b8;
	[tilespmem:$0x1E800] =	vst v63  }
0x9c: {  	s29 =	sadd.s32 $0x400, s29  }
0x9d: {  	[spmem:s1] =	stream.indirect.scatter.add.f32 [tilespmem:s21], [sflag:$0x4], $0x80, s31, s19, $0x2000b8;
	[tilespmem:$0x1E800] =	vst v63  }
.LBB2_10:
0x9e: {  	_ =	sfence.sel $0x180000  }
0x9f: {  	[bflag:$0x0] =	sbarrier.arrive $0xFFFF  }
0xa0: {  	_ =	strace $0x9000004A  }
0xa1: {  	[bflag:$0x2] =	sbarrier.arrive $0xFFFF  }
0xa2: {  	p0 =	sne.s32 s2, $0x0;
	s0 =	rddreg [dreg:$0x2]  }
0xa3: {  	s0 =	sadd.s32 @!p0 $0x100000, s0  }
0xa4: {  	[sflag:s0] =	ssyncadd.tile.s32 @!p0 $0x1;
	_ =	shalt  }
.Lfunc_end2:
_tile_overlayer_lowered:
.L_overlay_start_2:
0xa5: {  	(tag) =	ssettag $0x2  }
0xa6: {  	s0 =	rddreg [dreg:$0x0];
	s2 =	stileid.u32  }
0xa7: {  	s1 =	rddreg [dreg:$0x1];
	p0 =	sne.s32 s2, $0x0  }
0xa8: {  	s3 =	rddreg [dreg:$0x2];
	[bflag:$0x3] =	sbarrier.arrive $0xFFFF;
	s2 =	simm.s32 @!p0 $0x1C05  }
0xa9: {  	[timem:s3], [sflag:s2] =	dma.local @!p0 [hbm:s0], s1  }
0xaa: {  	s0 =	simm.s32 @!p0 $0x5  }
0xab: {  	_ =	swait.ge @!p0 [sflag:s0], s1  }
0xac: {  	s1 =	ssub.s32 @!p0 $0x0, s1;
	[sflag:s0] =	ssyncset.done @!p0 $0x0  }
0xad: {  	[sflag:s0] =	ssyncadd.s32 @!p0 s1  }
0xae: {  	[bflag:$0x3] =	sbarrier.arrive $0xFFFF  }
0xaf: {  	_ =	shalt  }

// kernel: kernel.16.cloned.1.call-start
scs
__scs_entry_jumppad:
0x0: {  	(pc) =	sbr.rel $0x88, $3  }
0x1: {  	(tag) =	ssettag $0x0;
	lr =	simm.s32 $0x1  }
0x2: {  	[smem:$0x3F99] =	sst lr;
	_ =	strace $0xD0000000  }
0x3: {  	_ = 	snop  }
0x4: {  	_ = 	snop  }
0x5: {  	_ = 	snop  }
0x6: {  	_ = 	snop  }
0x7: {  	_ = 	snop  }
__scs_overlays_trampoline_lowered:
0x8: {  	[smem:$0x3FA8] =	sst s0  }
0x9: {  	[smem:$0x3FA9] =	sst s1  }
0xa: {  	[smem:$0x3FAA] =	sst s2  }
0xb: {  	[smem:$0x3FAB] =	sst s3  }
0xc: {  	[smem:$0x3FAC] =	sst s4  }
0xd: {  	[smem:$0x3FAD] =	sst s5  }
0xe: {  	[smem:$0x3FAE] =	sst s6  }
0xf: {  	[smem:$0x3FAF] =	sst s7  }
0x10: {  	[smem:$0x3FB0] =	sst s8  }
0x11: {  	[smem:$0x3FB1] =	sst s9;
	s0 =	simm.s32 @!p0 $0x0  }
0x12: {  	s1 =	sld [smem:$0x3F97];
	s0 =	simm.s32 @p0 $0x1  }
0x13: {  	[smem:$0x3FB2] =	sst s0;
	s0 =	simm.s32 @!p1 $0x0  }
0x14: {  	s2 =	sld [smem:$0x3F96];
	s0 =	simm.s32 @p1 $0x1  }
0x15: {  	[smem:$0x3FB3] =	sst s0;
	s0 =	simm.s32 @!p2 $0x0  }
0x16: {  	s3 =	sld [smem:$0x3FDB];
	s0 =	simm.s32 @p2 $0x1  }
0x17: {  	s4 =	simm.s32 $0x1BF5;
	[smem:$0x3FB5] =	sst s0  }
0x18: {  	s0 =	sld [smem:$0x3F98];
	_ =	swait.ge [sflag:s4], $0x0  }
0x19: {  	s7 =	sld [smem:$0x3F99]  }
0x1a: {  	s8 =	sadd.s32 $0xFFFFE003, lr  }
0x1b: {  	s9 =	sadd.s32 $0xFFFFFEF7, lr;
	s5 =	simm.s32 $0xFFFFFFFF;
	p2 =	slt.u32 s8, $0xFFFFF086  }
0x1c: {  	p1 =	slt.u32 s9, $0xF7A;
	s5 =	simm.s32 @!p2 $0x0  }
0x1d: {  	s5 =	simm.s32 @p1 $0x1;
	p0 =	seq.s32 s7, s2  }
0x1e: {  	s7 =	smul.u32 @!p0 $0xF7A, s2;
	p2 =	seq.s32 @!p0 s5, $0x0  }
0x1f: {  	s9 =	smul.u32 $0xF7A, s1;
	s8 =	simm.s32 @!p0 $0x1BF5;
	p2 =	por !p2, p0  }
0x20: {  	[sflag:s8] =	ssyncset.s32 @!p0 $0xFFFFF086;
	s6 =	sadd.s32 @!p0 s3, s7;
	s7 =	simm.s32 @!p0 $0x108  }
0x21: {  	s3 =	sadd.s32 s3, s9;
	s6 =	sadd.s32 @!p0 $0x88, s6;
	s7 =	simm.s32 @p2 $0x1082  }
0x22: {  	[simem:s7], [sflag:s8] =	dma.local @!p0 [hbm:s6], $0xF7A  }
0x23: {  	s9 =	sor.u32 $0xD0000000, s2;
	s6 =	simm.s32 $0x108;
	_ =	swait.ge @!p0 [sflag:s8], $0x0  }
0x24: {  	s3 =	sadd.s32 $0x88, s3;
	s6 =	simm.s32 @!p1 $0x1082;
	[sflag:s4] =	ssyncset.s32 $0xFFFFF086  }
0x25: {  	[simem:s6], [sflag:s4] =	dma.local [hbm:s3], $0xF7A  }
0x26: {  	[smem:$0x3F99] =	sst s1;
	(tag) =	ssettag s2;
	_ =	strace s9  }
0x27: {  	s1 =	sld [smem:$0x3FA9]  }
0x28: {  	s2 =	sld [smem:$0x3FAA]  }
0x29: {  	s4 =	sld [smem:$0x3FAC]  }
0x2a: {  	p0 =	seq.s32 s5, $0x0;
	s5 =	sld [smem:$0x3FAD]  }
0x2b: {  	s6 =	sld [smem:$0x3FAE]  }
0x2c: {  	s7 =	sld [smem:$0x3FAF]  }
0x2d: {  	s3 =	simm.s32 $0x108;
	s8 =	sld [smem:$0x3FB0]  }
0x2e: {  	s3 =	simm.s32 @!p0 $0x1082;
	s9 =	sld [smem:$0x3FB1]  }
0x2f: {  	lr =	sadd.s32 s0, s3;
	s0 =	sld [smem:$0x3FA8]  }
0x30: {  	s3 =	sld [smem:$0x3FAB]  }
0x31: {  	[smem:$0x3FB4] =	sst s10  }
0x32: {  	s10 =	sld [smem:$0x3FB2];
	_ =	sdelay $0x3  }
0x33: {  	p0 =	seq.s32 s10, $0x1;
	s10 =	sld [smem:$0x3FB4];
	_ =	sdelay $0x3  }
0x34: {  	[smem:$0x3FB4] =	sst s10  }
0x35: {  	s10 =	sld [smem:$0x3FB3];
	_ =	sdelay $0x3  }
0x36: {  	p1 =	seq.s32 s10, $0x1;
	s10 =	sld [smem:$0x3FB4];
	_ =	sdelay $0x3  }
0x37: {  	[smem:$0x3FB4] =	sst s10  }
0x38: {  	s10 =	sld [smem:$0x3FB5]  }
0x39: {  	_ = 	snop;
	(pc) =	sbr.ind lr, $3  }
0x3a: {  	_ = 	snop  }
0x3b: {  	_ = 	snop  }
0x3c: {  	p2 =	seq.s32 s10, $0x1;
	s10 =	sld [smem:$0x3FB4]  }
0x3d: {  	_ =	shalt  }
0x3e: {  	_ =	shalt  }
0x3f: {  	_ =	shalt  }
0x40: {  	_ =	shalt  }
0x41: {  	_ =	shalt  }
0x42: {  	_ =	shalt  }
0x43: {  	_ =	shalt  }
0x44: {  	_ =	shalt  }
0x45: {  	_ =	shalt  }
0x46: {  	_ =	shalt  }
0x47: {  	_ =	shalt  }
0x48: {  	_ =	shalt  }
0x49: {  	_ =	shalt  }
0x4a: {  	_ =	shalt  }
0x4b: {  	_ =	shalt  }
0x4c: {  	_ =	shalt  }
0x4d: {  	_ =	shalt  }
0x4e: {  	_ =	shalt  }
0x4f: {  	_ =	shalt  }
0x50: {  	_ =	shalt  }
0x51: {  	_ =	shalt  }
0x52: {  	_ =	shalt  }
0x53: {  	_ =	shalt  }
0x54: {  	_ =	shalt  }
0x55: {  	_ =	shalt  }
0x56: {  	_ =	shalt  }
0x57: {  	_ =	shalt  }
0x58: {  	_ =	shalt  }
0x59: {  	_ =	shalt  }
0x5a: {  	_ =	shalt  }
0x5b: {  	_ =	shalt  }
0x5c: {  	_ =	shalt  }
0x5d: {  	_ =	shalt  }
0x5e: {  	_ =	shalt  }
0x5f: {  	_ =	shalt  }
0x60: {  	_ =	shalt  }
0x61: {  	_ =	shalt  }
0x62: {  	_ =	shalt  }
0x63: {  	_ =	shalt  }
0x64: {  	_ =	shalt  }
0x65: {  	_ =	shalt  }
0x66: {  	_ =	shalt  }
0x67: {  	_ =	shalt  }
0x68: {  	_ =	shalt  }
0x69: {  	_ =	shalt  }
0x6a: {  	_ =	shalt  }
0x6b: {  	_ =	shalt  }
0x6c: {  	_ =	shalt  }
0x6d: {  	_ =	shalt  }
0x6e: {  	_ =	shalt  }
0x6f: {  	_ =	shalt  }
0x70: {  	_ =	shalt  }
0x71: {  	_ =	shalt  }
0x72: {  	_ =	shalt  }
0x73: {  	_ =	shalt  }
0x74: {  	_ =	shalt  }
0x75: {  	_ =	shalt  }
0x76: {  	_ =	shalt  }
0x77: {  	_ =	shalt  }
0x78: {  	_ =	shalt  }
0x79: {  	_ =	shalt  }
0x7a: {  	_ =	shalt  }
0x7b: {  	_ =	shalt  }
0x7c: {  	_ =	shalt  }
0x7d: {  	_ =	shalt  }
0x7e: {  	_ =	shalt  }
0x7f: {  	_ =	shalt  }
0x80: {  	_ =	shalt  }
0x81: {  	_ =	shalt  }
0x82: {  	_ =	shalt  }
0x83: {  	_ =	shalt  }
0x84: {  	_ =	shalt  }
0x85: {  	_ =	shalt  }
0x86: {  	_ =	shalt  }
0x87: {  	_ =	shalt  }
.Lfunc_end0:
.L_simem_size_0:
called_computation.2_lowered:
.L_overlay_start_0:
0x88: {  	s2 =	sld [smem:$0x3FD9]  }
0x89: {  	s3 =	sld [smem:$0x3FFE];
	_ =	sdelay $0x1  }
0x8a: {  	s1 =	srdreg.scid  }
0x8b: {  	s0 =	sand.u32 $0x1, s1  }
0x8c: {  	s16 =	sshll.u32 s0, $0xA;
	s2 =	sadd.s32 s3, s2  }
0x8d: {  	s2 =	sadd.s32 s2, s16  }
0x8e: {  	[smem:$0x3FC0] =	sst s2  }
0x8f: {  	_ = 	snop  }
0x90: {  	(tm) =	ssettm $0x1  }
0x91: {  	s17 =	sld [smem:$0x3FFB];
	_ =	sdelay $0x3  }
0x92: {  	_ =	strace s17  }
0x93: {  	s2 =	sld [smem:$0x3FFC];
	_ =	sdelay $0x3  }
0x94: {  	_ =	strace s2  }
0x95: {  	s2 =	sld [smem:$0x3FFD];
	_ =	sdelay $0x3  }
0x96: {  	_ =	strace s2  }
0x97: {  	_ =	strace $0x8FFFFFFF  }
0x98: {  	s18 =	sld [smem:$0x3FDB];
	_ =	sdelay $0x1  }
0x99: {  	s19 =	simm.s32 $_scs_section_size  }
0x9a: {  	s4 =	simm.s32 $_size__tile_overlayer_lowered;
	s5 =	simm.s32 $_tile_overlayer_lowered  }
0x9b: {  	s22 =	simm.s32 $0x1BFF;
	s21 =	sshll.u32 s5, $0x1;
	s2 =	sadd.s32 s19, s18  }
0x9c: {  	s6 =	simm.s32 $0x0;
	s20 =	sshll.u32 s4, $0x1;
	s4 =	sadd.s32 s21, s2  }
0x9d: {  	[timem:s6], [sflag:s22] =	dma.local [hbm:s4], s20  }
0x9e: {  	_ =	swait.ge [sflag:s22], s20  }
0x9f: {  	s3 =	ssub.s32 $0x0, s20;
	[sflag:s22] =	ssyncset.done $0x0  }
0xa0: {  	[sflag:s22] =	ssyncadd.s32 s3;
	_ =	sdelay $0x1  }
0xa1: {  	s23 =	simm.s32 $0x1B8B  }
0xa2: {  	_ =	swait.ge [sflag:s23], $0x1  }
0xa3: {  	[sflag:s23] =	ssyncset.done $0x0  }
0xa4: {  	s25 =	simm.s32 $0x1B8E;
	s24 =	sld [smem:$0x3FFE];
	[sflag:s23] =	ssyncadd.s32 $0xFFFFFFFF  }
0xa5: {  	s26 =	simm.s32 $execute0_lowered;
	[smem:$0x3FD2] =	sst s25  }
0xa6: {  	s4 =	sshll.u32 s26, $0x1;
	_ =	strace $0x8000004F;
	[dreg:$0x1] =	wrdreg $0xFFFFFFFF  }
0xa7: {  	s28 =	simm.s32 $_size_execute0_lowered;
	s2 =	sadd.s32 s2, s4;
	[dreg:$0x0] =	wrdreg $0x0  }
0xa8: {  	s4 =	sshll.u32 s28, $0x1;
	[dreg:$0x2] =	wrdreg s2  }
0xa9: {  	[dreg:$0x3] =	wrdreg s4  }
0xaa: {  	[dreg:$0x4] =	wrdreg $0xC0  }
0xab: {  	_ =	task [dreg:s6], $0x5FFFF  }
0xac: {  	[dreg:$0x1] =	wrdreg $0xFFFFFFFF  }
0xad: {  	[dreg:$0x0] =	wrdreg $0x60  }
0xae: {  	[dreg:$0x2] =	wrdreg s24  }
0xaf: {  	[dreg:$0x3] =	wrdreg $0xA8000  }
0xb0: {  	[dreg:$0x4] =	wrdreg $0x9  }
0xb1: {  	_ =	task.clear_ibuf [dreg:s6], $0x5FFFF;
	_ =	strace $0x9000004F  }
0xb2: {  	s29 =	simm.s32 $0x9;
	_ =	strace $0x80000054  }
0xb3: {  	_ =	swait.ge [sflag:s29], $0x1  }
0xb4: {  	[sflag:s29] =	ssyncadd.s32 $0xFFFFFFFF  }
0xb5: {  	_ =	strace $0x90000054  }
0xb6: {  	_ =	sfence  }
0xb7: {  	s30 =	sld [smem:$0x0];
	_ =	sdelay $0x2  }
0xb8: {  	s31 =	sshll.u32 s1, $0xD;
	s1 =	sshrl.u32 s1, $0x2  }
0xb9: {  	s3 =	sand.u32 $0x4000, s31;
	s1 =	sadd.s32 s1, s30  }
0xba: {  	s0 =	sor.u32 s3, s0;
	s1 =	sshll.u32 s1, $0x11  }
0xbb: {  	s0 =	sor.u32 s1, s0  }
0xbc: {  	s0 =	sadd.s32 $0x8F2B, s0  }
0xbd: {  	[sflag:s0] =	ssyncadd.remote.s32 $0x1  }
0xbe: {  	_ =	sfence.sel $0xFFFF  }
0xbf: {  	[dreg:$0x0] =	wrdreg $0xFFFFFFFF;
	(pc) =	sbr.abs _section_cstart, $3  }
0xc0: {  	[dreg:$0x1] =	wrdreg $0xFFFFFFFF  }
0xc1: {  	_ =	task.clear_ibuf [dreg:s6], $0x2FFFF;
	_ =	strace $0x9FFFFFFF  }
0xc2: {  	(tm) =	ssettm $0x7FFFFFFF  }
0xc3: {  	_ =	shalt  }
tec
execute0_lowered:
.L_overlay_start_1:
0x0: {  	(tag) =	ssettag $0x1  }
0x1: {  	s0 =	rddreg [dreg:$0x0]  }
0x2: {  	s1 =	rddreg [dreg:$0x1];
	s2 =	srdreg.scid;
	s3 =	simm.s32 $0x0  }
0x3: {  	s12 =	stileid.u32;
	s28 =	simm.s32 $0x2;
	s29 =	simm.s32 $0x3  }
0x4: {  	s30 =	simm.s32 $0x100;
	s31 =	simm.s32 $0x1480;
	s7 =	smul.u32 $0x14000, s12  }
0x5: {  	s2 =	sand.u32 $0x1, s2;
	[smem:$0x7FF] =	sst s3;
	s10 =	smul.u32 $0x50000, s12  }
0x6: {  	s8 =	sadd.s32 $0xD000, s0;
	s9 =	sadd.s32 $0x3000, s0;
	s11 =	smul.u32 $0x5000, s12  }
0x7: {  	s4 =	sadd.s32 $0x17000, s0;
	s5 =	sadd.s32 $0x65400, s0;
	s21 =	smul.u32 $0xA00, s12  }
0x8: {  	s6 =	smul.u32 $0x140000, s2;
	_ =	strace $0x80000050;
	s18 =	ssub.s32 $0x2, s2  }
0x9: {  	p0 =	seq.s32 s2, $0x1;
	s19 =	sshrl.u32 s18, $0x1;
	s20 =	sshrl.u32 s10, $0x2  }
0xa: {  	s22 =	sshrl.u32 s11, $0x3;
	s23 =	sadd.s32 s8, s21;
	s10 =	sadd.s32 s9, s21  }
0xb: {  	s21 =	simm.s32 $0x2800;
	s6 =	sadd.s32 s7, s6;
	[dreg:$0x3] =	wrdreg s23  }
0xc: {  	s7 =	ssub.s32 s18, s19;
	[dreg:$0x4] =	wrdreg s10;
	s24 =	sadd.s32 $0x280, s22  }
0xd: {  	s26 =	sadd.s32 $0x500, s22;
	s2 =	sadd.s32 $0x780, s22;
	s22 =	simm.s32 $0x5  }
0xe: {  	s23 =	simm.s32 $0x1400;
	s6 =	sshrl.u32 s6, $0x3;
	s25 =	sadd.s32 s8, s24  }
0xf: {  	s10 =	sadd.s32 s9, s24;
	s11 =	sadd.s32 s8, s26;
	s12 =	sadd.s32 s9, s26  }
0x10: {  	s13 =	sadd.s32 s8, s2;
	s14 =	sadd.s32 s9, s2;
	s16 =	smax.u32 s7, $0x1  }
.Ltmp0:
0x11: {  	s24 =	simm.s32 $0x80;
	s26 =	simm.s32 $0x6800;
	(pc) =	sbr.rel .LBB2_1-.Ltmp0, $4  }
0x12: {  	s2 =	simm.s32 $0x0;
	s0 =	sadd.s32 s6, s0;
	[dreg:$0x5] =	wrdreg s25  }
0x13: {  	s6 =	sadd.s32 s20, s1;
	[dreg:$0x6] =	wrdreg s10;
	s25 =	simm.s32 $0x1  }
0x14: {  	s15 =	sadd.s32 $0x8C600, s0;
	s17 =	sadd.s32 $0x4000, s6;
	s18 =	sadd.s32 $0x8000, s6  }
0x15: {  	v0 =	vimm.f32 $0.0e+00;
	s19 =	sadd.s32 $0xC000, s6;
	s20 =	sadd.s32 $0x10000, s6;
	s0 =	simm.s32 $0x4  }
.LBB2_28:
0x16: {  	s7 =	simm.s32 $0x2780  }
0x17: {  	[spmem:s1] =	stream.indirect.scatter.add.f32 [tilespmem:s26], [sflag:$0x4], $0x80, s7, s24, $0x2000b8;
	[tilespmem:$0x1E800] =	vst v63  }
0x18: {  	_ =	swait.ge [sflag:s0], $0x4000  }
0x19: {  	[sflag:s0] =	ssyncset.done $0x0  }
0x1a: {  	[sflag:s0] =	ssyncadd.s32 $0xFFFFC000  }
0x1b: {  	s10 =	stileid.u32;
	s8 =	sshrl.u32 s6, $0x3;
	_ =	strace $0x90000052  }
0x1c: {  	s2 =	sadd.s32 $0x1, s2;
	s7 =	sshll.u32 s10, $0x6;
	_ =	strace $0x80000053  }
0x1d: {  	p1 =	sne.s32 s2, s16;
	s7 =	sor.u32 $0x1C05, s7;
	[bflag:$0x0] =	sbarrier.arrive $0xFFFF  }
0x1e: {  	[hbm:s15], [sflag:s7] =	dma.local [spmem:s8], $0x2800  }
.Ltmp1:
0x1f: {  	_ = 	snop;
	(pc) =	sbr.rel @!p1 .LBB2_29-.Ltmp1, $4  }
0x20: {  	_ =	swait.ge [sflag:s22], $0x2800  }
0x21: {  	[sflag:s22] =	ssyncset.done $0x0  }
0x22: {  	[sflag:s22] =	ssyncadd.s32 $0xFFFFD800  }
0x23: {  	_ =	strace $0x90000053  }
.LBB2_1:
0x24: {  	s7 =	sand.u32 $0xFE00, s3  }
0x25: {  	_ =	strace $0x80000051;
	s8 =	sand.u32 $0x70, s3;
	s9 =	sshrl.u32 s7, $0x2  }
0x26: {  	s7 =	simm.s32 $0x40;
	s9 =	sor.u32 s8, s9;
	s8 =	simm.s32 $0x0  }
.LBB2_2:
0x27: {  	p1 =	seq.s32 s7, $0xFFC0  }
0x28: {  	[tilespmem:s9+$0x2800] =	vst v0;
	s8 =	sadd.s32 $0x10, s8;
	s9 =	smov.u32 s7;
	s7 =	sadd.s32 $0x40, s7  }
.Ltmp2:
0x29: {  	(pc) =	sbr.rel @!p1 .LBB2_2-.Ltmp2, $4  }
0x2a: {  	_ = 	snop  }
0x2b: {  	s9 =	sand.u32 $0xFE00, s9  }
0x2c: {  	s10 =	sand.u32 $0x70, s8;
	s9 =	sshrl.u32 s9, $0x2  }
0x2d: {  	s9 =	sor.u32 s10, s9  }
0x2e: {  	[tilespmem:s9+$0x2800] =	vst v0  }
0x2f: {  	[spmem:s6] =	stream.linear.scatter [tilespmem:s21], [sflag:$0x5], $0x4000, $0x200038;
	[tilespmem:$0x1E800] =	vst v63  }
0x30: {  	_ =	swait.ge [sflag:s22], $0x4000  }
0x31: {  	[sflag:s22] =	ssyncset.done $0x0  }
0x32: {  	[sflag:s22] =	ssyncadd.s32 $0xFFFFC000  }
0x33: {  	[spmem:s17] =	stream.linear.scatter [tilespmem:s21], [sflag:$0x5], $0x4000, $0x200038;
	[tilespmem:$0x1E800] =	vst v63  }
0x34: {  	_ =	swait.ge [sflag:s22], $0x4000  }
0x35: {  	[sflag:s22] =	ssyncset.done $0x0  }
0x36: {  	[sflag:s22] =	ssyncadd.s32 $0xFFFFC000  }
0x37: {  	[spmem:s18] =	stream.linear.scatter [tilespmem:s21], [sflag:$0x5], $0x4000, $0x200038;
	[tilespmem:$0x1E800] =	vst v63  }
0x38: {  	_ =	swait.ge [sflag:s22], $0x4000  }
0x39: {  	[sflag:s22] =	ssyncset.done $0x0  }
0x3a: {  	[sflag:s22] =	ssyncadd.s32 $0xFFFFC000  }
0x3b: {  	[spmem:s19] =	stream.linear.scatter [tilespmem:s21], [sflag:$0x5], $0x4000, $0x200038;
	[tilespmem:$0x1E800] =	vst v63  }
0x3c: {  	_ =	swait.ge [sflag:s22], $0x4000  }
0x3d: {  	[sflag:s22] =	ssyncset.done $0x0  }
0x3e: {  	[sflag:s22] =	ssyncadd.s32 $0xFFFFC000  }
0x3f: {  	[spmem:s20] =	stream.linear.scatter [tilespmem:s21], [sflag:$0x5], $0x4000, $0x200038;
	[tilespmem:$0x1E800] =	vst v63  }
0x40: {  	_ =	swait.ge [sflag:s22], $0x4000  }
0x41: {  	[sflag:s22] =	ssyncset.done $0x0  }
0x42: {  	[sflag:s22] =	ssyncadd.s32 $0xFFFFC000  }
0x43: {  	[bflag:$0x0] =	sbarrier.arrive $0xFFFF  }
0x44: {  	_ =	strace $0x90000051  }
0x45: {  	_ =	strace $0x80000052  }
0x46: {  	s7 =	rddreg [dreg:$0x3]  }
0x47: {  	[tilespmem:s3], [sflag:$0x5] =	stream.linear.gather [hbm4b:s7+s3], $0x1400, $0x200038;
	[tilespmem:$0x1E800] =	vst v63  }
0x48: {  	_ =	swait.ge [sflag:s22], $0x1400  }
0x49: {  	[sflag:s22] =	ssyncset.done $0x0  }
.Ltmp3:
0x4a: {  	s10 =	rddreg [dreg:$0x4];
	[sflag:s22] =	ssyncadd.s32 $0xFFFFEC00;
	(pc) =	sbr.rel @!p0 .LBB2_4-.Ltmp3, $4  }
0x4b: {  	[tilespmem:s23], [sflag:$0x5] =	stream.linear.gather [hbm4b:s10+s3], $0x1400, $0x200038;
	[tilespmem:$0x1E800] =	vst v63  }
0x4c: {  	_ =	swait.ge [sflag:s22], $0x1400  }
0x4d: {  	[sflag:s22] =	ssyncset.done $0x0  }
0x4e: {  	[sflag:s22] =	ssyncadd.s32 $0xFFFFEC00  }
0x4f: {  	[tilespmem:s21], [sflag:$0x1] =	stream.indirect.gather [hbm4b:s5+s24], $0x80, s3, s24, $0x2000b8;
	[tilespmem:$0x1E800] =	vst v63  }
0x50: {  	_ =	swait.ge [sflag:s25], $0x4000  }
0x51: {  	[sflag:s25] =	ssyncset.done $0x0  }
0x52: {  	[sflag:s25] =	ssyncadd.s32 $0xFFFFC000  }
0x53: {  	[tilespmem:s26], [sflag:$0x2] =	stream.indirect.gather [hbm4b:s5+s24], $0x80, s24, s24, $0x2000b8;
	[tilespmem:$0x1E800] =	vst v63  }
0x54: {  	_ = 	snop  }
0x55: {  	[spmem:s1] =	stream.indirect.scatter.add.f32 [tilespmem:s21], [sflag:$0x3], $0x80, s23, s24, $0x2000b8;
	[tilespmem:$0x1E800] =	vst v63  }
0x56: {  	_ =	swait.ge [sflag:s28], $0x4000  }
0x57: {  	[sflag:s28] =	ssyncset.done $0x0  }
0x58: {  	[sflag:s28] =	ssyncadd.s32 $0xFFFFC000  }
0x59: {  	_ =	swait.ge [sflag:s29], $0x4000  }
0x5a: {  	[sflag:s29] =	ssyncset.done $0x0  }
0x5b: {  	[sflag:s29] =	ssyncadd.s32 $0xFFFFC000  }
0x5c: {  	[tilespmem:s21], [sflag:$0x1] =	stream.indirect.gather [hbm4b:s5+s24], $0x80, s30, s24, $0x2000b8;
	[tilespmem:$0x1E800] =	vst v63  }
0x5d: {  	s7 =	simm.s32 $0xFFFFB800  }
0x5e: {  	[spmem:s1] =	stream.indirect.scatter.add.f32 [tilespmem:s26], [sflag:$0x4], $0x80, s31, s24, $0x2000b8;
	[tilespmem:$0x1E800] =	vst v63  }
.LBB2_17:
0x5f: {  	_ =	swait.ge [sflag:s25], $0x4000  }
0x60: {  	[sflag:s25] =	ssyncset.done $0x0  }
0x61: {  	[sflag:s25] =	ssyncadd.s32 $0xFFFFC000  }
0x62: {  	_ =	swait.ge [sflag:s0], $0x4000  }
0x63: {  	s8 =	sshra.s32 s7, $0x2;
	[sflag:s0] =	ssyncset.done $0x0  }
0x64: {  	s9 =	sadd.s32 $0x1380, s8;
	[sflag:s0] =	ssyncadd.s32 $0xFFFFC000  }
0x65: {  	[tilespmem:s26], [sflag:$0x2] =	stream.indirect.gather [hbm4b:s5+s24], $0x80, s9, s24, $0x2000b8;
	[tilespmem:$0x1E800] =	vst v63  }
0x66: {  	s10 =	sadd.s32 $0x2700, s8  }
0x67: {  	[spmem:s1] =	stream.indirect.scatter.add.f32 [tilespmem:s21], [sflag:$0x3], $0x80, s10, s24, $0x2000b8;
	[tilespmem:$0x1E800] =	vst v63  }
0x68: {  	p1 =	seq.s32 s7, $0x0;
	_ =	swait.ge [sflag:s28], $0x4000  }
.Ltmp4:
0x69: {  	[sflag:s28] =	ssyncset.done $0x0;
	(pc) =	sbr.rel @p1 .LBB2_19-.Ltmp4, $4  }
0x6a: {  	[sflag:s28] =	ssyncadd.s32 $0xFFFFC000  }
0x6b: {  	_ =	swait.ge [sflag:s29], $0x4000  }
0x6c: {  	[sflag:s29] =	ssyncset.done $0x0  }
0x6d: {  	s9 =	sadd.s32 $0x2780, s8;
	[sflag:s29] =	ssyncadd.s32 $0xFFFFC000  }
.Ltmp5:
0x6e: {  	(pc) =	sbr.rel .LBB2_17-.Ltmp5, $4  }
0x6f: {  	s8 =	sadd.s32 $0x1400, s8  }
0x70: {  	[tilespmem:s21], [sflag:$0x1] =	stream.indirect.gather [hbm4b:s5+s24], $0x80, s8, s24, $0x2000b8;
	[tilespmem:$0x1E800] =	vst v63  }
0x71: {  	s7 =	sadd.s32 $0x400, s7  }
0x72: {  	[spmem:s1] =	stream.indirect.scatter.add.f32 [tilespmem:s26], [sflag:$0x4], $0x80, s9, s24, $0x2000b8;
	[tilespmem:$0x1E800] =	vst v63  }
.LBB2_4:
0x73: {  	[tilespmem:s21], [sflag:$0x1] =	stream.indirect.gather [hbm4b:s4+s24], $0x80, s3, s24, $0x2000b8;
	[tilespmem:$0x1E800] =	vst v63  }
0x74: {  	_ =	swait.ge [sflag:s25], $0x4000  }
0x75: {  	[sflag:s25] =	ssyncset.done $0x0  }
0x76: {  	[sflag:s25] =	ssyncadd.s32 $0xFFFFC000  }
0x77: {  	[tilespmem:s26], [sflag:$0x2] =	stream.indirect.gather [hbm4b:s4+s24], $0x80, s24, s24, $0x2000b8;
	[tilespmem:$0x1E800] =	vst v63  }
0x78: {  	_ = 	snop  }
0x79: {  	[spmem:s1] =	stream.indirect.scatter.add.f32 [tilespmem:s21], [sflag:$0x3], $0x80, s23, s24, $0x2000b8;
	[tilespmem:$0x1E800] =	vst v63  }
0x7a: {  	_ =	swait.ge [sflag:s28], $0x4000  }
0x7b: {  	[sflag:s28] =	ssyncset.done $0x0  }
0x7c: {  	[sflag:s28] =	ssyncadd.s32 $0xFFFFC000  }
0x7d: {  	_ =	swait.ge [sflag:s29], $0x4000  }
0x7e: {  	[sflag:s29] =	ssyncset.done $0x0  }
0x7f: {  	[sflag:s29] =	ssyncadd.s32 $0xFFFFC000  }
0x80: {  	[tilespmem:s21], [sflag:$0x1] =	stream.indirect.gather [hbm4b:s4+s24], $0x80, s30, s24, $0x2000b8;
	[tilespmem:$0x1E800] =	vst v63  }
0x81: {  	s7 =	simm.s32 $0xFFFFB800  }
0x82: {  	[spmem:s1] =	stream.indirect.scatter.add.f32 [tilespmem:s26], [sflag:$0x4], $0x80, s31, s24, $0x2000b8;
	[tilespmem:$0x1E800] =	vst v63  }
.LBB2_5:
0x83: {  	_ =	swait.ge [sflag:s25], $0x4000  }
0x84: {  	[sflag:s25] =	ssyncset.done $0x0  }
0x85: {  	[sflag:s25] =	ssyncadd.s32 $0xFFFFC000  }
0x86: {  	_ =	swait.ge [sflag:s0], $0x4000  }
0x87: {  	s8 =	sshra.s32 s7, $0x2;
	[sflag:s0] =	ssyncset.done $0x0  }
0x88: {  	s9 =	sadd.s32 $0x1380, s8;
	[sflag:s0] =	ssyncadd.s32 $0xFFFFC000  }
0x89: {  	[tilespmem:s26], [sflag:$0x2] =	stream.indirect.gather [hbm4b:s4+s24], $0x80, s9, s24, $0x2000b8;
	[tilespmem:$0x1E800] =	vst v63  }
0x8a: {  	s10 =	sadd.s32 $0x2700, s8  }
0x8b: {  	[spmem:s1] =	stream.indirect.scatter.add.f32 [tilespmem:s21], [sflag:$0x3], $0x80, s10, s24, $0x2000b8;
	[tilespmem:$0x1E800] =	vst v63  }
0x8c: {  	p1 =	seq.s32 s7, $0x0;
	_ =	swait.ge [sflag:s28], $0x4000  }
.Ltmp6:
0x8d: {  	[sflag:s28] =	ssyncset.done $0x0;
	(pc) =	sbr.rel @p1 .LBB2_7-.Ltmp6, $4  }
0x8e: {  	[sflag:s28] =	ssyncadd.s32 $0xFFFFC000  }
0x8f: {  	_ =	swait.ge [sflag:s29], $0x4000  }
0x90: {  	[sflag:s29] =	ssyncset.done $0x0  }
0x91: {  	s9 =	sadd.s32 $0x2780, s8;
	[sflag:s29] =	ssyncadd.s32 $0xFFFFC000  }
.Ltmp7:
0x92: {  	(pc) =	sbr.rel .LBB2_5-.Ltmp7, $4  }
0x93: {  	s8 =	sadd.s32 $0x1400, s8  }
0x94: {  	[tilespmem:s21], [sflag:$0x1] =	stream.indirect.gather [hbm4b:s4+s24], $0x80, s8, s24, $0x2000b8;
	[tilespmem:$0x1E800] =	vst v63  }
0x95: {  	s7 =	sadd.s32 $0x400, s7  }
0x96: {  	[spmem:s1] =	stream.indirect.scatter.add.f32 [tilespmem:s26], [sflag:$0x4], $0x80, s9, s24, $0x2000b8;
	[tilespmem:$0x1E800] =	vst v63  }
.LBB2_19:
0x97: {  	[spmem:s1] =	stream.indirect.scatter.add.f32 [tilespmem:s26], [sflag:$0x4], $0x80, s9, s24, $0x2000b8;
	[tilespmem:$0x1E800] =	vst v63  }
0x98: {  	_ =	swait.ge [sflag:s0], $0x4000  }
0x99: {  	[sflag:s0] =	ssyncset.done $0x0  }
0x9a: {  	s7 =	rddreg [dreg:$0x5];
	[sflag:s0] =	ssyncadd.s32 $0xFFFFC000  }
0x9b: {  	[tilespmem:s3], [sflag:$0x5] =	stream.linear.gather [hbm4b:s7+s3], $0x1400, $0x200038;
	[tilespmem:$0x1E800] =	vst v63  }
0x9c: {  	_ =	swait.ge [sflag:s22], $0x1400  }
0x9d: {  	[sflag:s22] =	ssyncset.done $0x0  }
0x9e: {  	s10 =	rddreg [dreg:$0x6];
	[sflag:s22] =	ssyncadd.s32 $0xFFFFEC00  }
0x9f: {  	[tilespmem:s23], [sflag:$0x5] =	stream.linear.gather [hbm4b:s10+s3], $0x1400, $0x200038;
	[tilespmem:$0x1E800] =	vst v63  }
0xa0: {  	_ =	swait.ge [sflag:s22], $0x1400  }
0xa1: {  	[sflag:s22] =	ssyncset.done $0x0  }
0xa2: {  	[sflag:s22] =	ssyncadd.s32 $0xFFFFEC00  }
0xa3: {  	[tilespmem:s21], [sflag:$0x1] =	stream.indirect.gather [hbm4b:s5+s24], $0x80, s3, s24, $0x2000b8;
	[tilespmem:$0x1E800] =	vst v63  }
0xa4: {  	_ =	swait.ge [sflag:s25], $0x4000  }
0xa5: {  	[sflag:s25] =	ssyncset.done $0x0  }
0xa6: {  	[sflag:s25] =	ssyncadd.s32 $0xFFFFC000  }
0xa7: {  	[tilespmem:s26], [sflag:$0x2] =	stream.indirect.gather [hbm4b:s5+s24], $0x80, s24, s24, $0x2000b8;
	[tilespmem:$0x1E800] =	vst v63  }
0xa8: {  	_ = 	snop  }
0xa9: {  	[spmem:s1] =	stream.indirect.scatter.add.f32 [tilespmem:s21], [sflag:$0x3], $0x80, s23, s24, $0x2000b8;
	[tilespmem:$0x1E800] =	vst v63  }
0xaa: {  	_ =	swait.ge [sflag:s28], $0x4000  }
0xab: {  	[sflag:s28] =	ssyncset.done $0x0  }
0xac: {  	[sflag:s28] =	ssyncadd.s32 $0xFFFFC000  }
0xad: {  	_ =	swait.ge [sflag:s29], $0x4000  }
0xae: {  	[sflag:s29] =	ssyncset.done $0x0  }
0xaf: {  	[sflag:s29] =	ssyncadd.s32 $0xFFFFC000  }
0xb0: {  	[tilespmem:s21], [sflag:$0x1] =	stream.indirect.gather [hbm4b:s5+s24], $0x80, s30, s24, $0x2000b8;
	[tilespmem:$0x1E800] =	vst v63  }
0xb1: {  	s7 =	simm.s32 $0xFFFFB800  }
0xb2: {  	[spmem:s1] =	stream.indirect.scatter.add.f32 [tilespmem:s26], [sflag:$0x4], $0x80, s31, s24, $0x2000b8;
	[tilespmem:$0x1E800] =	vst v63  }
.LBB2_20:
0xb3: {  	_ =	swait.ge [sflag:s25], $0x4000  }
0xb4: {  	[sflag:s25] =	ssyncset.done $0x0  }
0xb5: {  	[sflag:s25] =	ssyncadd.s32 $0xFFFFC000  }
0xb6: {  	_ =	swait.ge [sflag:s0], $0x4000  }
0xb7: {  	s8 =	sshra.s32 s7, $0x2;
	[sflag:s0] =	ssyncset.done $0x0  }
0xb8: {  	s9 =	sadd.s32 $0x1380, s8;
	[sflag:s0] =	ssyncadd.s32 $0xFFFFC000  }
0xb9: {  	[tilespmem:s26], [sflag:$0x2] =	stream.indirect.gather [hbm4b:s5+s24], $0x80, s9, s24, $0x2000b8;
	[tilespmem:$0x1E800] =	vst v63  }
0xba: {  	s10 =	sadd.s32 $0x2700, s8  }
0xbb: {  	[spmem:s1] =	stream.indirect.scatter.add.f32 [tilespmem:s21], [sflag:$0x3], $0x80, s10, s24, $0x2000b8;
	[tilespmem:$0x1E800] =	vst v63  }
0xbc: {  	p1 =	seq.s32 s7, $0x0;
	_ =	swait.ge [sflag:s28], $0x4000  }
.Ltmp8:
0xbd: {  	[sflag:s28] =	ssyncset.done $0x0;
	(pc) =	sbr.rel @p1 .LBB2_22-.Ltmp8, $4  }
0xbe: {  	[sflag:s28] =	ssyncadd.s32 $0xFFFFC000  }
0xbf: {  	_ =	swait.ge [sflag:s29], $0x4000  }
0xc0: {  	[sflag:s29] =	ssyncset.done $0x0  }
0xc1: {  	s9 =	sadd.s32 $0x2780, s8;
	[sflag:s29] =	ssyncadd.s32 $0xFFFFC000  }
.Ltmp9:
0xc2: {  	(pc) =	sbr.rel .LBB2_20-.Ltmp9, $4  }
0xc3: {  	s8 =	sadd.s32 $0x1400, s8  }
0xc4: {  	[tilespmem:s21], [sflag:$0x1] =	stream.indirect.gather [hbm4b:s5+s24], $0x80, s8, s24, $0x2000b8;
	[tilespmem:$0x1E800] =	vst v63  }
0xc5: {  	s7 =	sadd.s32 $0x400, s7  }
0xc6: {  	[spmem:s1] =	stream.indirect.scatter.add.f32 [tilespmem:s26], [sflag:$0x4], $0x80, s9, s24, $0x2000b8;
	[tilespmem:$0x1E800] =	vst v63  }
.LBB2_7:
0xc7: {  	[spmem:s1] =	stream.indirect.scatter.add.f32 [tilespmem:s26], [sflag:$0x4], $0x80, s9, s24, $0x2000b8;
	[tilespmem:$0x1E800] =	vst v63  }
0xc8: {  	_ =	swait.ge [sflag:s0], $0x4000  }
0xc9: {  	[sflag:s0] =	ssyncset.done $0x0  }
0xca: {  	s7 =	rddreg [dreg:$0x5];
	[sflag:s0] =	ssyncadd.s32 $0xFFFFC000  }
0xcb: {  	[tilespmem:s3], [sflag:$0x5] =	stream.linear.gather [hbm4b:s7+s3], $0x1400, $0x200038;
	[tilespmem:$0x1E800] =	vst v63  }
0xcc: {  	_ =	swait.ge [sflag:s22], $0x1400  }
0xcd: {  	[sflag:s22] =	ssyncset.done $0x0  }
0xce: {  	s10 =	rddreg [dreg:$0x6];
	[sflag:s22] =	ssyncadd.s32 $0xFFFFEC00  }
0xcf: {  	[tilespmem:s23], [sflag:$0x5] =	stream.linear.gather [hbm4b:s10+s3], $0x1400, $0x200038;
	[tilespmem:$0x1E800] =	vst v63  }
0xd0: {  	_ =	swait.ge [sflag:s22], $0x1400  }
0xd1: {  	[sflag:s22] =	ssyncset.done $0x0  }
0xd2: {  	[sflag:s22] =	ssyncadd.s32 $0xFFFFEC00  }
0xd3: {  	[tilespmem:s21], [sflag:$0x1] =	stream.indirect.gather [hbm4b:s4+s24], $0x80, s3, s24, $0x2000b8;
	[tilespmem:$0x1E800] =	vst v63  }
0xd4: {  	_ =	swait.ge [sflag:s25], $0x4000  }
0xd5: {  	[sflag:s25] =	ssyncset.done $0x0  }
0xd6: {  	[sflag:s25] =	ssyncadd.s32 $0xFFFFC000  }
0xd7: {  	[tilespmem:s26], [sflag:$0x2] =	stream.indirect.gather [hbm4b:s4+s24], $0x80, s24, s24, $0x2000b8;
	[tilespmem:$0x1E800] =	vst v63  }
0xd8: {  	_ = 	snop  }
0xd9: {  	[spmem:s1] =	stream.indirect.scatter.add.f32 [tilespmem:s21], [sflag:$0x3], $0x80, s23, s24, $0x2000b8;
	[tilespmem:$0x1E800] =	vst v63  }
0xda: {  	_ =	swait.ge [sflag:s28], $0x4000  }
0xdb: {  	[sflag:s28] =	ssyncset.done $0x0  }
0xdc: {  	[sflag:s28] =	ssyncadd.s32 $0xFFFFC000  }
0xdd: {  	_ =	swait.ge [sflag:s29], $0x4000  }
0xde: {  	[sflag:s29] =	ssyncset.done $0x0  }
0xdf: {  	[sflag:s29] =	ssyncadd.s32 $0xFFFFC000  }
0xe0: {  	[tilespmem:s21], [sflag:$0x1] =	stream.indirect.gather [hbm4b:s4+s24], $0x80, s30, s24, $0x2000b8;
	[tilespmem:$0x1E800] =	vst v63  }
0xe1: {  	s7 =	simm.s32 $0xFFFFB800  }
0xe2: {  	[spmem:s1] =	stream.indirect.scatter.add.f32 [tilespmem:s26], [sflag:$0x4], $0x80, s31, s24, $0x2000b8;
	[tilespmem:$0x1E800] =	vst v63  }
.LBB2_8:
0xe3: {  	_ =	swait.ge [sflag:s25], $0x4000  }
0xe4: {  	[sflag:s25] =	ssyncset.done $0x0  }
0xe5: {  	[sflag:s25] =	ssyncadd.s32 $0xFFFFC000  }
0xe6: {  	_ =	swait.ge [sflag:s0], $0x4000  }
0xe7: {  	s8 =	sshra.s32 s7, $0x2;
	[sflag:s0] =	ssyncset.done $0x0  }
0xe8: {  	s9 =	sadd.s32 $0x1380, s8;
	[sflag:s0] =	ssyncadd.s32 $0xFFFFC000  }
0xe9: {  	[tilespmem:s26], [sflag:$0x2] =	stream.indirect.gather [hbm4b:s4+s24], $0x80, s9, s24, $0x2000b8;
	[tilespmem:$0x1E800] =	vst v63  }
0xea: {  	s10 =	sadd.s32 $0x2700, s8  }
0xeb: {  	[spmem:s1] =	stream.indirect.scatter.add.f32 [tilespmem:s21], [sflag:$0x3], $0x80, s10, s24, $0x2000b8;
	[tilespmem:$0x1E800] =	vst v63  }
0xec: {  	p1 =	seq.s32 s7, $0x0;
	_ =	swait.ge [sflag:s28], $0x4000  }
.Ltmp10:
0xed: {  	[sflag:s28] =	ssyncset.done $0x0;
	(pc) =	sbr.rel @p1 .LBB2_10-.Ltmp10, $4  }
0xee: {  	[sflag:s28] =	ssyncadd.s32 $0xFFFFC000  }
0xef: {  	_ =	swait.ge [sflag:s29], $0x4000  }
0xf0: {  	[sflag:s29] =	ssyncset.done $0x0  }
0xf1: {  	s9 =	sadd.s32 $0x2780, s8;
	[sflag:s29] =	ssyncadd.s32 $0xFFFFC000  }
.Ltmp11:
0xf2: {  	(pc) =	sbr.rel .LBB2_8-.Ltmp11, $4  }
0xf3: {  	s8 =	sadd.s32 $0x1400, s8  }
0xf4: {  	[tilespmem:s21], [sflag:$0x1] =	stream.indirect.gather [hbm4b:s4+s24], $0x80, s8, s24, $0x2000b8;
	[tilespmem:$0x1E800] =	vst v63  }
0xf5: {  	s7 =	sadd.s32 $0x400, s7  }
0xf6: {  	[spmem:s1] =	stream.indirect.scatter.add.f32 [tilespmem:s26], [sflag:$0x4], $0x80, s9, s24, $0x2000b8;
	[tilespmem:$0x1E800] =	vst v63  }
.LBB2_22:
0xf7: {  	[spmem:s1] =	stream.indirect.scatter.add.f32 [tilespmem:s26], [sflag:$0x4], $0x80, s9, s24, $0x2000b8;
	[tilespmem:$0x1E800] =	vst v63  }
0xf8: {  	_ =	swait.ge [sflag:s0], $0x4000  }
0xf9: {  	[sflag:s0] =	ssyncset.done $0x0  }
0xfa: {  	[sflag:s0] =	ssyncadd.s32 $0xFFFFC000  }
0xfb: {  	[tilespmem:s3], [sflag:$0x5] =	stream.linear.gather [hbm4b:s11+s3], $0x1400, $0x200038;
	[tilespmem:$0x1E800] =	vst v63  }
0xfc: {  	_ =	swait.ge [sflag:s22], $0x1400  }
0xfd: {  	[sflag:s22] =	ssyncset.done $0x0  }
0xfe: {  	[sflag:s22] =	ssyncadd.s32 $0xFFFFEC00  }
0xff: {  	[tilespmem:s23], [sflag:$0x5] =	stream.linear.gather [hbm4b:s12+s3], $0x1400, $0x200038;
	[tilespmem:$0x1E800] =	vst v63  }
0x100: {  	_ =	swait.ge [sflag:s22], $0x1400  }
0x101: {  	[sflag:s22] =	ssyncset.done $0x0  }
0x102: {  	[sflag:s22] =	ssyncadd.s32 $0xFFFFEC00  }
0x103: {  	[tilespmem:s21], [sflag:$0x1] =	stream.indirect.gather [hbm4b:s5+s24], $0x80, s3, s24, $0x2000b8;
	[tilespmem:$0x1E800] =	vst v63  }
0x104: {  	_ =	swait.ge [sflag:s25], $0x4000  }
0x105: {  	[sflag:s25] =	ssyncset.done $0x0  }
0x106: {  	[sflag:s25] =	ssyncadd.s32 $0xFFFFC000  }
0x107: {  	[tilespmem:s26], [sflag:$0x2] =	stream.indirect.gather [hbm4b:s5+s24], $0x80, s24, s24, $0x2000b8;
	[tilespmem:$0x1E800] =	vst v63  }
0x108: {  	_ = 	snop  }
0x109: {  	[spmem:s1] =	stream.indirect.scatter.add.f32 [tilespmem:s21], [sflag:$0x3], $0x80, s23, s24, $0x2000b8;
	[tilespmem:$0x1E800] =	vst v63  }
0x10a: {  	_ =	swait.ge [sflag:s28], $0x4000  }
0x10b: {  	[sflag:s28] =	ssyncset.done $0x0  }
0x10c: {  	[sflag:s28] =	ssyncadd.s32 $0xFFFFC000  }
0x10d: {  	_ =	swait.ge [sflag:s29], $0x4000  }
0x10e: {  	[sflag:s29] =	ssyncset.done $0x0  }
0x10f: {  	[sflag:s29] =	ssyncadd.s32 $0xFFFFC000  }
0x110: {  	[tilespmem:s21], [sflag:$0x1] =	stream.indirect.gather [hbm4b:s5+s24], $0x80, s30, s24, $0x2000b8;
	[tilespmem:$0x1E800] =	vst v63  }
0x111: {  	s7 =	simm.s32 $0xFFFFB800  }
0x112: {  	[spmem:s1] =	stream.indirect.scatter.add.f32 [tilespmem:s26], [sflag:$0x4], $0x80, s31, s24, $0x2000b8;
	[tilespmem:$0x1E800] =	vst v63  }
.LBB2_23:
0x113: {  	_ =	swait.ge [sflag:s25], $0x4000  }
0x114: {  	[sflag:s25] =	ssyncset.done $0x0  }
0x115: {  	[sflag:s25] =	ssyncadd.s32 $0xFFFFC000  }
0x116: {  	_ =	swait.ge [sflag:s0], $0x4000  }
0x117: {  	s8 =	sshra.s32 s7, $0x2;
	[sflag:s0] =	ssyncset.done $0x0  }
0x118: {  	s9 =	sadd.s32 $0x1380, s8;
	[sflag:s0] =	ssyncadd.s32 $0xFFFFC000  }
0x119: {  	[tilespmem:s26], [sflag:$0x2] =	stream.indirect.gather [hbm4b:s5+s24], $0x80, s9, s24, $0x2000b8;
	[tilespmem:$0x1E800] =	vst v63  }
0x11a: {  	s10 =	sadd.s32 $0x2700, s8  }
0x11b: {  	[spmem:s1] =	stream.indirect.scatter.add.f32 [tilespmem:s21], [sflag:$0x3], $0x80, s10, s24, $0x2000b8;
	[tilespmem:$0x1E800] =	vst v63  }
0x11c: {  	p1 =	seq.s32 s7, $0x0;
	_ =	swait.ge [sflag:s28], $0x4000  }
.Ltmp12:
0x11d: {  	[sflag:s28] =	ssyncset.done $0x0;
	(pc) =	sbr.rel @p1 .LBB2_25-.Ltmp12, $4  }
0x11e: {  	[sflag:s28] =	ssyncadd.s32 $0xFFFFC000  }
0x11f: {  	_ =	swait.ge [sflag:s29], $0x4000  }
0x120: {  	[sflag:s29] =	ssyncset.done $0x0  }
0x121: {  	s9 =	sadd.s32 $0x2780, s8;
	[sflag:s29] =	ssyncadd.s32 $0xFFFFC000  }
.Ltmp13:
0x122: {  	(pc) =	sbr.rel .LBB2_23-.Ltmp13, $4  }
0x123: {  	s8 =	sadd.s32 $0x1400, s8  }
0x124: {  	[tilespmem:s21], [sflag:$0x1] =	stream.indirect.gather [hbm4b:s5+s24], $0x80, s8, s24, $0x2000b8;
	[tilespmem:$0x1E800] =	vst v63  }
0x125: {  	s7 =	sadd.s32 $0x400, s7  }
0x126: {  	[spmem:s1] =	stream.indirect.scatter.add.f32 [tilespmem:s26], [sflag:$0x4], $0x80, s9, s24, $0x2000b8;
	[tilespmem:$0x1E800] =	vst v63  }
.LBB2_10:
0x127: {  	[spmem:s1] =	stream.indirect.scatter.add.f32 [tilespmem:s26], [sflag:$0x4], $0x80, s9, s24, $0x2000b8;
	[tilespmem:$0x1E800] =	vst v63  }
0x128: {  	_ =	swait.ge [sflag:s0], $0x4000  }
0x129: {  	[sflag:s0] =	ssyncset.done $0x0  }
0x12a: {  	[sflag:s0] =	ssyncadd.s32 $0xFFFFC000  }
0x12b: {  	[tilespmem:s3], [sflag:$0x5] =	stream.linear.gather [hbm4b:s11+s3], $0x1400, $0x200038;
	[tilespmem:$0x1E800] =	vst v63  }
0x12c: {  	_ =	swait.ge [sflag:s22], $0x1400  }
0x12d: {  	[sflag:s22] =	ssyncset.done $0x0  }
0x12e: {  	[sflag:s22] =	ssyncadd.s32 $0xFFFFEC00  }
0x12f: {  	[tilespmem:s23], [sflag:$0x5] =	stream.linear.gather [hbm4b:s12+s3], $0x1400, $0x200038;
	[tilespmem:$0x1E800] =	vst v63  }
0x130: {  	_ =	swait.ge [sflag:s22], $0x1400  }
0x131: {  	[sflag:s22] =	ssyncset.done $0x0  }
0x132: {  	[sflag:s22] =	ssyncadd.s32 $0xFFFFEC00  }
0x133: {  	[tilespmem:s21], [sflag:$0x1] =	stream.indirect.gather [hbm4b:s4+s24], $0x80, s3, s24, $0x2000b8;
	[tilespmem:$0x1E800] =	vst v63  }
0x134: {  	_ =	swait.ge [sflag:s25], $0x4000  }
0x135: {  	[sflag:s25] =	ssyncset.done $0x0  }
0x136: {  	[sflag:s25] =	ssyncadd.s32 $0xFFFFC000  }
0x137: {  	[tilespmem:s26], [sflag:$0x2] =	stream.indirect.gather [hbm4b:s4+s24], $0x80, s24, s24, $0x2000b8;
	[tilespmem:$0x1E800] =	vst v63  }
0x138: {  	_ = 	snop  }
0x139: {  	[spmem:s1] =	stream.indirect.scatter.add.f32 [tilespmem:s21], [sflag:$0x3], $0x80, s23, s24, $0x2000b8;
	[tilespmem:$0x1E800] =	vst v63  }
0x13a: {  	_ =	swait.ge [sflag:s28], $0x4000  }
0x13b: {  	[sflag:s28] =	ssyncset.done $0x0  }
0x13c: {  	[sflag:s28] =	ssyncadd.s32 $0xFFFFC000  }
0x13d: {  	_ =	swait.ge [sflag:s29], $0x4000  }
0x13e: {  	[sflag:s29] =	ssyncset.done $0x0  }
0x13f: {  	[sflag:s29] =	ssyncadd.s32 $0xFFFFC000  }
0x140: {  	[tilespmem:s21], [sflag:$0x1] =	stream.indirect.gather [hbm4b:s4+s24], $0x80, s30, s24, $0x2000b8;
	[tilespmem:$0x1E800] =	vst v63  }
0x141: {  	s7 =	simm.s32 $0xFFFFB800  }
0x142: {  	[spmem:s1] =	stream.indirect.scatter.add.f32 [tilespmem:s26], [sflag:$0x4], $0x80, s31, s24, $0x2000b8;
	[tilespmem:$0x1E800] =	vst v63  }
.LBB2_11:
0x143: {  	_ =	swait.ge [sflag:s25], $0x4000  }
0x144: {  	[sflag:s25] =	ssyncset.done $0x0  }
0x145: {  	[sflag:s25] =	ssyncadd.s32 $0xFFFFC000  }
0x146: {  	_ =	swait.ge [sflag:s0], $0x4000  }
0x147: {  	s8 =	sshra.s32 s7, $0x2;
	[sflag:s0] =	ssyncset.done $0x0  }
0x148: {  	s9 =	sadd.s32 $0x1380, s8;
	[sflag:s0] =	ssyncadd.s32 $0xFFFFC000  }
0x149: {  	[tilespmem:s26], [sflag:$0x2] =	stream.indirect.gather [hbm4b:s4+s24], $0x80, s9, s24, $0x2000b8;
	[tilespmem:$0x1E800] =	vst v63  }
0x14a: {  	s10 =	sadd.s32 $0x2700, s8  }
0x14b: {  	[spmem:s1] =	stream.indirect.scatter.add.f32 [tilespmem:s21], [sflag:$0x3], $0x80, s10, s24, $0x2000b8;
	[tilespmem:$0x1E800] =	vst v63  }
0x14c: {  	p1 =	seq.s32 s7, $0x0;
	_ =	swait.ge [sflag:s28], $0x4000  }
.Ltmp14:
0x14d: {  	[sflag:s28] =	ssyncset.done $0x0;
	(pc) =	sbr.rel @p1 .LBB2_13-.Ltmp14, $4  }
0x14e: {  	[sflag:s28] =	ssyncadd.s32 $0xFFFFC000  }
0x14f: {  	_ =	swait.ge [sflag:s29], $0x4000  }
0x150: {  	[sflag:s29] =	ssyncset.done $0x0  }
0x151: {  	s9 =	sadd.s32 $0x2780, s8;
	[sflag:s29] =	ssyncadd.s32 $0xFFFFC000  }
.Ltmp15:
0x152: {  	(pc) =	sbr.rel .LBB2_11-.Ltmp15, $4  }
0x153: {  	s8 =	sadd.s32 $0x1400, s8  }
0x154: {  	[tilespmem:s21], [sflag:$0x1] =	stream.indirect.gather [hbm4b:s4+s24], $0x80, s8, s24, $0x2000b8;
	[tilespmem:$0x1E800] =	vst v63  }
0x155: {  	s7 =	sadd.s32 $0x400, s7  }
0x156: {  	[spmem:s1] =	stream.indirect.scatter.add.f32 [tilespmem:s26], [sflag:$0x4], $0x80, s9, s24, $0x2000b8;
	[tilespmem:$0x1E800] =	vst v63  }
.LBB2_25:
0x157: {  	[spmem:s1] =	stream.indirect.scatter.add.f32 [tilespmem:s26], [sflag:$0x4], $0x80, s9, s24, $0x2000b8;
	[tilespmem:$0x1E800] =	vst v63  }
0x158: {  	_ =	swait.ge [sflag:s0], $0x4000  }
0x159: {  	[sflag:s0] =	ssyncset.done $0x0  }
0x15a: {  	s7 =	simm.s32 $0x0;
	[sflag:s0] =	ssyncadd.s32 $0xFFFFC000  }
0x15b: {  	[tilespmem:s7], [sflag:$0x5] =	stream.linear.gather [hbm4b:s13+s7], $0x1400, $0x200038;
	[tilespmem:$0x1E800] =	vst v63  }
0x15c: {  	_ =	swait.ge [sflag:s22], $0x1400  }
0x15d: {  	[sflag:s22] =	ssyncset.done $0x0  }
0x15e: {  	[sflag:s22] =	ssyncadd.s32 $0xFFFFEC00  }
0x15f: {  	[tilespmem:s23], [sflag:$0x5] =	stream.linear.gather [hbm4b:s14+s7], $0x1400, $0x200038;
	[tilespmem:$0x1E800] =	vst v63  }
0x160: {  	_ =	swait.ge [sflag:s22], $0x1400  }
0x161: {  	[sflag:s22] =	ssyncset.done $0x0  }
0x162: {  	[sflag:s22] =	ssyncadd.s32 $0xFFFFEC00  }
0x163: {  	[tilespmem:s21], [sflag:$0x1] =	stream.indirect.gather [hbm4b:s5+s24], $0x80, s7, s24, $0x2000b8;
	[tilespmem:$0x1E800] =	vst v63  }
0x164: {  	_ =	swait.ge [sflag:s25], $0x4000  }
0x165: {  	[sflag:s25] =	ssyncset.done $0x0  }
0x166: {  	[sflag:s25] =	ssyncadd.s32 $0xFFFFC000  }
0x167: {  	[tilespmem:s26], [sflag:$0x2] =	stream.indirect.gather [hbm4b:s5+s24], $0x80, s24, s24, $0x2000b8;
	[tilespmem:$0x1E800] =	vst v63  }
0x168: {  	_ = 	snop  }
0x169: {  	[spmem:s1] =	stream.indirect.scatter.add.f32 [tilespmem:s21], [sflag:$0x3], $0x80, s23, s24, $0x2000b8;
	[tilespmem:$0x1E800] =	vst v63  }
0x16a: {  	_ =	swait.ge [sflag:s28], $0x4000  }
0x16b: {  	[sflag:s28] =	ssyncset.done $0x0  }
0x16c: {  	[sflag:s28] =	ssyncadd.s32 $0xFFFFC000  }
0x16d: {  	_ =	swait.ge [sflag:s29], $0x4000  }
0x16e: {  	[sflag:s29] =	ssyncset.done $0x0  }
0x16f: {  	[sflag:s29] =	ssyncadd.s32 $0xFFFFC000  }
0x170: {  	[tilespmem:s21], [sflag:$0x1] =	stream.indirect.gather [hbm4b:s5+s24], $0x80, s30, s24, $0x2000b8;
	[tilespmem:$0x1E800] =	vst v63  }
0x171: {  	_ = 	snop  }
0x172: {  	[spmem:s1] =	stream.indirect.scatter.add.f32 [tilespmem:s26], [sflag:$0x4], $0x80, s31, s24, $0x2000b8;
	[tilespmem:$0x1E800] =	vst v63  }
.LBB2_26:
0x173: {  	_ =	swait.ge [sflag:s25], $0x4000  }
0x174: {  	[sflag:s25] =	ssyncset.done $0x0  }
0x175: {  	[sflag:s25] =	ssyncadd.s32 $0xFFFFC000  }
0x176: {  	_ =	swait.ge [sflag:s0], $0x4000  }
0x177: {  	s8 =	sshra.s32 s7, $0x2;
	[sflag:s0] =	ssyncset.done $0x0  }
0x178: {  	s9 =	sadd.s32 $0x180, s8;
	[sflag:s0] =	ssyncadd.s32 $0xFFFFC000  }
0x179: {  	[tilespmem:s26], [sflag:$0x2] =	stream.indirect.gather [hbm4b:s5+s24], $0x80, s9, s24, $0x2000b8;
	[tilespmem:$0x1E800] =	vst v63  }
0x17a: {  	s10 =	sadd.s32 $0x1500, s8  }
0x17b: {  	[spmem:s1] =	stream.indirect.scatter.add.f32 [tilespmem:s21], [sflag:$0x3], $0x80, s10, s24, $0x2000b8;
	[tilespmem:$0x1E800] =	vst v63  }
0x17c: {  	p1 =	seq.s32 s7, $0x4800;
	_ =	swait.ge [sflag:s28], $0x4000  }
.Ltmp16:
0x17d: {  	[sflag:s28] =	ssyncset.done $0x0;
	(pc) =	sbr.rel @p1 .LBB2_28-.Ltmp16, $4  }
0x17e: {  	[sflag:s28] =	ssyncadd.s32 $0xFFFFC000  }
0x17f: {  	_ =	swait.ge [sflag:s29], $0x4000  }
0x180: {  	[sflag:s29] =	ssyncset.done $0x0  }
0x181: {  	[sflag:s29] =	ssyncadd.s32 $0xFFFFC000  }
.Ltmp17:
0x182: {  	(pc) =	sbr.rel .LBB2_26-.Ltmp17, $4  }
0x183: {  	s9 =	sadd.s32 $0x200, s8  }
0x184: {  	[tilespmem:s21], [sflag:$0x1] =	stream.indirect.gather [hbm4b:s5+s24], $0x80, s9, s24, $0x2000b8;
	[tilespmem:$0x1E800] =	vst v63  }
0x185: {  	s10 =	sadd.s32 $0x1580, s8;
	s7 =	sadd.s32 $0x400, s7  }
0x186: {  	[spmem:s1] =	stream.indirect.scatter.add.f32 [tilespmem:s26], [sflag:$0x4], $0x80, s10, s24, $0x2000b8;
	[tilespmem:$0x1E800] =	vst v63  }
.LBB2_13:
0x187: {  	[spmem:s1] =	stream.indirect.scatter.add.f32 [tilespmem:s26], [sflag:$0x4], $0x80, s9, s24, $0x2000b8;
	[tilespmem:$0x1E800] =	vst v63  }
0x188: {  	_ =	swait.ge [sflag:s0], $0x4000  }
0x189: {  	[sflag:s0] =	ssyncset.done $0x0  }
0x18a: {  	s7 =	simm.s32 $0x0;
	[sflag:s0] =	ssyncadd.s32 $0xFFFFC000  }
0x18b: {  	[tilespmem:s7], [sflag:$0x5] =	stream.linear.gather [hbm4b:s13+s7], $0x1400, $0x200038;
	[tilespmem:$0x1E800] =	vst v63  }
0x18c: {  	_ =	swait.ge [sflag:s22], $0x1400  }
0x18d: {  	[sflag:s22] =	ssyncset.done $0x0  }
0x18e: {  	[sflag:s22] =	ssyncadd.s32 $0xFFFFEC00  }
0x18f: {  	[tilespmem:s23], [sflag:$0x5] =	stream.linear.gather [hbm4b:s14+s7], $0x1400, $0x200038;
	[tilespmem:$0x1E800] =	vst v63  }
0x190: {  	_ =	swait.ge [sflag:s22], $0x1400  }
0x191: {  	[sflag:s22] =	ssyncset.done $0x0  }
0x192: {  	[sflag:s22] =	ssyncadd.s32 $0xFFFFEC00  }
0x193: {  	[tilespmem:s21], [sflag:$0x1] =	stream.indirect.gather [hbm4b:s4+s24], $0x80, s7, s24, $0x2000b8;
	[tilespmem:$0x1E800] =	vst v63  }
0x194: {  	_ =	swait.ge [sflag:s25], $0x4000  }
0x195: {  	[sflag:s25] =	ssyncset.done $0x0  }
0x196: {  	[sflag:s25] =	ssyncadd.s32 $0xFFFFC000  }
0x197: {  	[tilespmem:s26], [sflag:$0x2] =	stream.indirect.gather [hbm4b:s4+s24], $0x80, s24, s24, $0x2000b8;
	[tilespmem:$0x1E800] =	vst v63  }
0x198: {  	_ = 	snop  }
0x199: {  	[spmem:s1] =	stream.indirect.scatter.add.f32 [tilespmem:s21], [sflag:$0x3], $0x80, s23, s24, $0x2000b8;
	[tilespmem:$0x1E800] =	vst v63  }
0x19a: {  	_ =	swait.ge [sflag:s28], $0x4000  }
0x19b: {  	[sflag:s28] =	ssyncset.done $0x0  }
0x19c: {  	[sflag:s28] =	ssyncadd.s32 $0xFFFFC000  }
0x19d: {  	_ =	swait.ge [sflag:s29], $0x4000  }
0x19e: {  	[sflag:s29] =	ssyncset.done $0x0  }
0x19f: {  	[sflag:s29] =	ssyncadd.s32 $0xFFFFC000  }
0x1a0: {  	[tilespmem:s21], [sflag:$0x1] =	stream.indirect.gather [hbm4b:s4+s24], $0x80, s30, s24, $0x2000b8;
	[tilespmem:$0x1E800] =	vst v63  }
0x1a1: {  	_ = 	snop  }
0x1a2: {  	[spmem:s1] =	stream.indirect.scatter.add.f32 [tilespmem:s26], [sflag:$0x4], $0x80, s31, s24, $0x2000b8;
	[tilespmem:$0x1E800] =	vst v63  }
.LBB2_14:
0x1a3: {  	_ =	swait.ge [sflag:s25], $0x4000  }
0x1a4: {  	[sflag:s25] =	ssyncset.done $0x0  }
0x1a5: {  	[sflag:s25] =	ssyncadd.s32 $0xFFFFC000  }
0x1a6: {  	_ =	swait.ge [sflag:s0], $0x4000  }
0x1a7: {  	s8 =	sshra.s32 s7, $0x2;
	[sflag:s0] =	ssyncset.done $0x0  }
0x1a8: {  	s9 =	sadd.s32 $0x180, s8;
	[sflag:s0] =	ssyncadd.s32 $0xFFFFC000  }
0x1a9: {  	[tilespmem:s26], [sflag:$0x2] =	stream.indirect.gather [hbm4b:s4+s24], $0x80, s9, s24, $0x2000b8;
	[tilespmem:$0x1E800] =	vst v63  }
0x1aa: {  	s10 =	sadd.s32 $0x1500, s8  }
0x1ab: {  	[spmem:s1] =	stream.indirect.scatter.add.f32 [tilespmem:s21], [sflag:$0x3], $0x80, s10, s24, $0x2000b8;
	[tilespmem:$0x1E800] =	vst v63  }
0x1ac: {  	p1 =	seq.s32 s7, $0x4800;
	_ =	swait.ge [sflag:s28], $0x4000  }
.Ltmp18:
0x1ad: {  	[sflag:s28] =	ssyncset.done $0x0;
	(pc) =	sbr.rel @p1 .LBB2_28-.Ltmp18, $4  }
0x1ae: {  	[sflag:s28] =	ssyncadd.s32 $0xFFFFC000  }
0x1af: {  	_ =	swait.ge [sflag:s29], $0x4000  }
0x1b0: {  	[sflag:s29] =	ssyncset.done $0x0  }
0x1b1: {  	[sflag:s29] =	ssyncadd.s32 $0xFFFFC000  }
.Ltmp19:
0x1b2: {  	(pc) =	sbr.rel .LBB2_14-.Ltmp19, $4  }
0x1b3: {  	s9 =	sadd.s32 $0x200, s8  }
0x1b4: {  	[tilespmem:s21], [sflag:$0x1] =	stream.indirect.gather [hbm4b:s4+s24], $0x80, s9, s24, $0x2000b8;
	[tilespmem:$0x1E800] =	vst v63  }
0x1b5: {  	s10 =	sadd.s32 $0x1580, s8;
	s7 =	sadd.s32 $0x400, s7  }
0x1b6: {  	[spmem:s1] =	stream.indirect.scatter.add.f32 [tilespmem:s26], [sflag:$0x4], $0x80, s10, s24, $0x2000b8;
	[tilespmem:$0x1E800] =	vst v63  }
.LBB2_29:
0x1b7: {  	_ =	sfence.sel $0x180000  }
0x1b8: {  	[bflag:$0x0] =	sbarrier.arrive $0xFFFF  }
0x1b9: {  	_ =	strace $0x90000050  }
0x1ba: {  	s0 =	stileid.u32;
	[bflag:$0x2] =	sbarrier.arrive $0xFFFF  }
0x1bb: {  	p0 =	sne.s32 s0, $0x0;
	s0 =	rddreg [dreg:$0x2]  }
0x1bc: {  	s0 =	sadd.s32 @!p0 $0x100000, s0  }
0x1bd: {  	[sflag:s0] =	ssyncadd.tile.s32 @!p0 $0x1;
	_ =	shalt  }
.Lfunc_end2:
_tile_overlayer_lowered:
.L_overlay_start_2:
0x1be: {  	(tag) =	ssettag $0x2  }
0x1bf: {  	s0 =	rddreg [dreg:$0x0];
	s2 =	stileid.u32  }
0x1c0: {  	s1 =	rddreg [dreg:$0x1];
	p0 =	sne.s32 s2, $0x0  }
0x1c1: {  	s3 =	rddreg [dreg:$0x2];
	[bflag:$0x3] =	sbarrier.arrive $0xFFFF;
	s2 =	simm.s32 @!p0 $0x1C05  }
0x1c2: {  	[timem:s3], [sflag:s2] =	dma.local @!p0 [hbm:s0], s1  }
0x1c3: {  	s0 =	simm.s32 @!p0 $0x5  }
0x1c4: {  	_ =	swait.ge @!p0 [sflag:s0], s1  }
0x1c5: {  	s1 =	ssub.s32 @!p0 $0x0, s1;
	[sflag:s0] =	ssyncset.done @!p0 $0x0  }
0x1c6: {  	[sflag:s0] =	ssyncadd.s32 @!p0 s1  }
0x1c7: {  	[bflag:$0x3] =	sbarrier.arrive $0xFFFF  }
0x1c8: {  	_ =	shalt  }

// kernel: kernel.19.cloned.1.call-start
scs
__scs_entry_jumppad:
0x0: {  	(pc) =	sbr.rel $0x88, $3  }
0x1: {  	(tag) =	ssettag $0x0;
	lr =	simm.s32 $0x1  }
0x2: {  	[smem:$0x3F99] =	sst lr;
	_ =	strace $0xD0000000  }
0x3: {  	_ = 	snop  }
0x4: {  	_ = 	snop  }
0x5: {  	_ = 	snop  }
0x6: {  	_ = 	snop  }
0x7: {  	_ = 	snop  }
__scs_overlays_trampoline_lowered:
0x8: {  	[smem:$0x3FA8] =	sst s0  }
0x9: {  	[smem:$0x3FA9] =	sst s1  }
0xa: {  	[smem:$0x3FAA] =	sst s2  }
0xb: {  	[smem:$0x3FAB] =	sst s3  }
0xc: {  	[smem:$0x3FAC] =	sst s4  }
0xd: {  	[smem:$0x3FAD] =	sst s5  }
0xe: {  	[smem:$0x3FAE] =	sst s6  }
0xf: {  	[smem:$0x3FAF] =	sst s7  }
0x10: {  	[smem:$0x3FB0] =	sst s8  }
0x11: {  	[smem:$0x3FB1] =	sst s9;
	s0 =	simm.s32 @!p0 $0x0  }
0x12: {  	s1 =	sld [smem:$0x3F97];
	s0 =	simm.s32 @p0 $0x1  }
0x13: {  	[smem:$0x3FB2] =	sst s0;
	s0 =	simm.s32 @!p1 $0x0  }
0x14: {  	s2 =	sld [smem:$0x3F96];
	s0 =	simm.s32 @p1 $0x1  }
0x15: {  	[smem:$0x3FB3] =	sst s0;
	s0 =	simm.s32 @!p2 $0x0  }
0x16: {  	s3 =	sld [smem:$0x3FDB];
	s0 =	simm.s32 @p2 $0x1  }
0x17: {  	s4 =	simm.s32 $0x1BF5;
	[smem:$0x3FB5] =	sst s0  }
0x18: {  	s0 =	sld [smem:$0x3F98];
	_ =	swait.ge [sflag:s4], $0x0  }
0x19: {  	s7 =	sld [smem:$0x3F99]  }
0x1a: {  	s8 =	sadd.s32 $0xFFFFE003, lr  }
0x1b: {  	s9 =	sadd.s32 $0xFFFFFEF7, lr;
	s5 =	simm.s32 $0xFFFFFFFF;
	p2 =	slt.u32 s8, $0xFFFFF086  }
0x1c: {  	p1 =	slt.u32 s9, $0xF7A;
	s5 =	simm.s32 @!p2 $0x0  }
0x1d: {  	s5 =	simm.s32 @p1 $0x1;
	p0 =	seq.s32 s7, s2  }
0x1e: {  	s7 =	smul.u32 @!p0 $0xF7A, s2;
	p2 =	seq.s32 @!p0 s5, $0x0  }
0x1f: {  	s9 =	smul.u32 $0xF7A, s1;
	s8 =	simm.s32 @!p0 $0x1BF5;
	p2 =	por !p2, p0  }
0x20: {  	[sflag:s8] =	ssyncset.s32 @!p0 $0xFFFFF086;
	s6 =	sadd.s32 @!p0 s3, s7;
	s7 =	simm.s32 @!p0 $0x108  }
0x21: {  	s3 =	sadd.s32 s3, s9;
	s6 =	sadd.s32 @!p0 $0x88, s6;
	s7 =	simm.s32 @p2 $0x1082  }
0x22: {  	[simem:s7], [sflag:s8] =	dma.local @!p0 [hbm:s6], $0xF7A  }
0x23: {  	s9 =	sor.u32 $0xD0000000, s2;
	s6 =	simm.s32 $0x108;
	_ =	swait.ge @!p0 [sflag:s8], $0x0  }
0x24: {  	s3 =	sadd.s32 $0x88, s3;
	s6 =	simm.s32 @!p1 $0x1082;
	[sflag:s4] =	ssyncset.s32 $0xFFFFF086  }
0x25: {  	[simem:s6], [sflag:s4] =	dma.local [hbm:s3], $0xF7A  }
0x26: {  	[smem:$0x3F99] =	sst s1;
	(tag) =	ssettag s2;
	_ =	strace s9  }
0x27: {  	s1 =	sld [smem:$0x3FA9]  }
0x28: {  	s2 =	sld [smem:$0x3FAA]  }
0x29: {  	s4 =	sld [smem:$0x3FAC]  }
0x2a: {  	p0 =	seq.s32 s5, $0x0;
	s5 =	sld [smem:$0x3FAD]  }
0x2b: {  	s6 =	sld [smem:$0x3FAE]  }
0x2c: {  	s7 =	sld [smem:$0x3FAF]  }
0x2d: {  	s3 =	simm.s32 $0x108;
	s8 =	sld [smem:$0x3FB0]  }
0x2e: {  	s3 =	simm.s32 @!p0 $0x1082;
	s9 =	sld [smem:$0x3FB1]  }
0x2f: {  	lr =	sadd.s32 s0, s3;
	s0 =	sld [smem:$0x3FA8]  }
0x30: {  	s3 =	sld [smem:$0x3FAB]  }
0x31: {  	[smem:$0x3FB4] =	sst s10  }
0x32: {  	s10 =	sld [smem:$0x3FB2];
	_ =	sdelay $0x3  }
0x33: {  	p0 =	seq.s32 s10, $0x1;
	s10 =	sld [smem:$0x3FB4];
	_ =	sdelay $0x3  }
0x34: {  	[smem:$0x3FB4] =	sst s10  }
0x35: {  	s10 =	sld [smem:$0x3FB3];
	_ =	sdelay $0x3  }
0x36: {  	p1 =	seq.s32 s10, $0x1;
	s10 =	sld [smem:$0x3FB4];
	_ =	sdelay $0x3  }
0x37: {  	[smem:$0x3FB4] =	sst s10  }
0x38: {  	s10 =	sld [smem:$0x3FB5]  }
0x39: {  	_ = 	snop;
	(pc) =	sbr.ind lr, $3  }
0x3a: {  	_ = 	snop  }
0x3b: {  	_ = 	snop  }
0x3c: {  	p2 =	seq.s32 s10, $0x1;
	s10 =	sld [smem:$0x3FB4]  }
0x3d: {  	_ =	shalt  }
0x3e: {  	_ =	shalt  }
0x3f: {  	_ =	shalt  }
0x40: {  	_ =	shalt  }
0x41: {  	_ =	shalt  }
0x42: {  	_ =	shalt  }
0x43: {  	_ =	shalt  }
0x44: {  	_ =	shalt  }
0x45: {  	_ =	shalt  }
0x46: {  	_ =	shalt  }
0x47: {  	_ =	shalt  }
0x48: {  	_ =	shalt  }
0x49: {  	_ =	shalt  }
0x4a: {  	_ =	shalt  }
0x4b: {  	_ =	shalt  }
0x4c: {  	_ =	shalt  }
0x4d: {  	_ =	shalt  }
0x4e: {  	_ =	shalt  }
0x4f: {  	_ =	shalt  }
0x50: {  	_ =	shalt  }
0x51: {  	_ =	shalt  }
0x52: {  	_ =	shalt  }
0x53: {  	_ =	shalt  }
0x54: {  	_ =	shalt  }
0x55: {  	_ =	shalt  }
0x56: {  	_ =	shalt  }
0x57: {  	_ =	shalt  }
0x58: {  	_ =	shalt  }
0x59: {  	_ =	shalt  }
0x5a: {  	_ =	shalt  }
0x5b: {  	_ =	shalt  }
0x5c: {  	_ =	shalt  }
0x5d: {  	_ =	shalt  }
0x5e: {  	_ =	shalt  }
0x5f: {  	_ =	shalt  }
0x60: {  	_ =	shalt  }
0x61: {  	_ =	shalt  }
0x62: {  	_ =	shalt  }
0x63: {  	_ =	shalt  }
0x64: {  	_ =	shalt  }
0x65: {  	_ =	shalt  }
0x66: {  	_ =	shalt  }
0x67: {  	_ =	shalt  }
0x68: {  	_ =	shalt  }
0x69: {  	_ =	shalt  }
0x6a: {  	_ =	shalt  }
0x6b: {  	_ =	shalt  }
0x6c: {  	_ =	shalt  }
0x6d: {  	_ =	shalt  }
0x6e: {  	_ =	shalt  }
0x6f: {  	_ =	shalt  }
0x70: {  	_ =	shalt  }
0x71: {  	_ =	shalt  }
0x72: {  	_ =	shalt  }
0x73: {  	_ =	shalt  }
0x74: {  	_ =	shalt  }
0x75: {  	_ =	shalt  }
0x76: {  	_ =	shalt  }
0x77: {  	_ =	shalt  }
0x78: {  	_ =	shalt  }
0x79: {  	_ =	shalt  }
0x7a: {  	_ =	shalt  }
0x7b: {  	_ =	shalt  }
0x7c: {  	_ =	shalt  }
0x7d: {  	_ =	shalt  }
0x7e: {  	_ =	shalt  }
0x7f: {  	_ =	shalt  }
0x80: {  	_ =	shalt  }
0x81: {  	_ =	shalt  }
0x82: {  	_ =	shalt  }
0x83: {  	_ =	shalt  }
0x84: {  	_ =	shalt  }
0x85: {  	_ =	shalt  }
0x86: {  	_ =	shalt  }
0x87: {  	_ =	shalt  }
.Lfunc_end0:
.L_simem_size_0:
called_computation.3_lowered:
.L_overlay_start_0:
0x88: {  	s2 =	sld [smem:$0x3FD9]  }
0x89: {  	s3 =	sld [smem:$0x3FFE];
	_ =	sdelay $0x1  }
0x8a: {  	s1 =	srdreg.scid  }
0x8b: {  	s0 =	sand.u32 $0x1, s1  }
0x8c: {  	s16 =	sshll.u32 s0, $0xA;
	s2 =	sadd.s32 s3, s2  }
0x8d: {  	s2 =	sadd.s32 s2, s16  }
0x8e: {  	[smem:$0x3FC0] =	sst s2  }
0x8f: {  	_ = 	snop  }
0x90: {  	(tm) =	ssettm $0x1  }
0x91: {  	s17 =	sld [smem:$0x3FFB];
	_ =	sdelay $0x3  }
0x92: {  	_ =	strace s17  }
0x93: {  	s2 =	sld [smem:$0x3FFC];
	_ =	sdelay $0x3  }
0x94: {  	_ =	strace s2  }
0x95: {  	s2 =	sld [smem:$0x3FFD];
	_ =	sdelay $0x3  }
0x96: {  	_ =	strace s2  }
0x97: {  	_ =	strace $0x8FFFFFFF  }
0x98: {  	s18 =	sld [smem:$0x3FDB];
	_ =	sdelay $0x1  }
0x99: {  	s19 =	simm.s32 $_scs_section_size  }
0x9a: {  	s4 =	simm.s32 $_size__tile_overlayer_lowered;
	s5 =	simm.s32 $_tile_overlayer_lowered  }
0x9b: {  	s22 =	simm.s32 $0x1BFF;
	s21 =	sshll.u32 s5, $0x1;
	s2 =	sadd.s32 s19, s18  }
0x9c: {  	s6 =	simm.s32 $0x0;
	s20 =	sshll.u32 s4, $0x1;
	s4 =	sadd.s32 s21, s2  }
0x9d: {  	[timem:s6], [sflag:s22] =	dma.local [hbm:s4], s20  }
0x9e: {  	_ =	swait.ge [sflag:s22], s20  }
0x9f: {  	s3 =	ssub.s32 $0x0, s20;
	[sflag:s22] =	ssyncset.done $0x0  }
0xa0: {  	[sflag:s22] =	ssyncadd.s32 s3;
	_ =	sdelay $0x1  }
0xa1: {  	s23 =	simm.s32 $0x1B8B  }
0xa2: {  	_ =	swait.ge [sflag:s23], $0x1  }
0xa3: {  	[sflag:s23] =	ssyncset.done $0x0  }
0xa4: {  	s25 =	simm.s32 $0x1B8E;
	s24 =	sld [smem:$0x3FFE];
	[sflag:s23] =	ssyncadd.s32 $0xFFFFFFFF  }
0xa5: {  	s26 =	simm.s32 $execute0_lowered;
	[smem:$0x3FD2] =	sst s25  }
0xa6: {  	s4 =	sshll.u32 s26, $0x1;
	_ =	strace $0x80000055;
	[dreg:$0x1] =	wrdreg $0xFFFFFFFF  }
0xa7: {  	s28 =	simm.s32 $_size_execute0_lowered;
	s2 =	sadd.s32 s2, s4;
	[dreg:$0x0] =	wrdreg $0x0  }
0xa8: {  	s4 =	sshll.u32 s28, $0x1;
	[dreg:$0x2] =	wrdreg s2  }
0xa9: {  	[dreg:$0x3] =	wrdreg s4  }
0xaa: {  	[dreg:$0x4] =	wrdreg $0xC0  }
0xab: {  	_ =	task [dreg:s6], $0x5FFFF  }
0xac: {  	[dreg:$0x1] =	wrdreg $0xFFFFFFFF  }
0xad: {  	[dreg:$0x0] =	wrdreg $0x60  }
0xae: {  	[dreg:$0x2] =	wrdreg s24  }
0xaf: {  	[dreg:$0x3] =	wrdreg $0xA0800  }
0xb0: {  	[dreg:$0x4] =	wrdreg $0x9  }
0xb1: {  	_ =	task.clear_ibuf [dreg:s6], $0x5FFFF;
	_ =	strace $0x90000055  }
0xb2: {  	s29 =	simm.s32 $0x9;
	_ =	strace $0x80000057  }
0xb3: {  	_ =	swait.ge [sflag:s29], $0x1  }
0xb4: {  	[sflag:s29] =	ssyncadd.s32 $0xFFFFFFFF  }
0xb5: {  	_ =	strace $0x90000057  }
0xb6: {  	_ =	sfence  }
0xb7: {  	s30 =	sld [smem:$0x0];
	_ =	sdelay $0x2  }
0xb8: {  	s31 =	sshll.u32 s1, $0xD;
	s1 =	sshrl.u32 s1, $0x2  }
0xb9: {  	s3 =	sand.u32 $0x4000, s31;
	s1 =	sadd.s32 s1, s30  }
0xba: {  	s0 =	sor.u32 s3, s0;
	s1 =	sshll.u32 s1, $0x11  }
0xbb: {  	s0 =	sor.u32 s1, s0  }
0xbc: {  	s0 =	sadd.s32 $0x8F2B, s0  }
0xbd: {  	[sflag:s0] =	ssyncadd.remote.s32 $0x1  }
0xbe: {  	_ =	sfence.sel $0xFFFF  }
0xbf: {  	[dreg:$0x0] =	wrdreg $0xFFFFFFFF;
	(pc) =	sbr.abs _section_cstart, $3  }
0xc0: {  	[dreg:$0x1] =	wrdreg $0xFFFFFFFF  }
0xc1: {  	_ =	task.clear_ibuf [dreg:s6], $0x2FFFF;
	_ =	strace $0x9FFFFFFF  }
0xc2: {  	(tm) =	ssettm $0x7FFFFFFF  }
0xc3: {  	_ =	shalt  }
tec
execute0_lowered:
.L_overlay_start_1:
0x0: {  	(tag) =	ssettag $0x1  }
0x1: {  	s4 =	rddreg [dreg:$0x0]  }
0x2: {  	s0 =	srdreg.scid;
	s1 =	rddreg [dreg:$0x1]  }
0x3: {  	s14 =	stileid.u32;
	s2 =	simm.s32 $0x0;
	s9 =	simm.s32 $0x2800  }
0x4: {  	s10 =	simm.s32 $0x5000;
	s11 =	simm.s32 $0x7800;
	s12 =	simm.s32 $0x50  }
0x5: {  	s13 =	simm.s32 $0xA000;
	s3 =	sand.u32 $0x1, s0;
	s0 =	rddreg [dreg:$0x2]  }
0x6: {  	s16 =	simm.s32 $0x0;
	[smem:$0x7FF] =	sst s2;
	s7 =	sshll.u32 s14, $0xB  }
0x7: {  	p0 =	sne.s32 s14, $0x0;
	p1 =	sgt.u32 s14, $0x4;
	s5 =	sshll.u32 s3, $0x4  }
0x8: {  	s6 =	smul.u32 $0x2800, s3;
	_ =	strace $0x80000056;
	s8 =	ssub.s32 $0x2, s3  }
0x9: {  	s3 =	sadd.s32 $0x17000, s4;
	s15 =	sadd.s32 s7, s1;
	s5 =	sor.u32 s14, s5  }
0xa: {  	s31 =	sshrl.u32 s8, $0x1;
	s14 =	sshll.u32 @!p1 s14, $0x6;
	s15 =	sshrl.u32 @!p1 s15, $0x3  }
0xb: {  	s5 =	smul.u32 $0x500, s5;
	s6 =	sadd.s32 s7, s6;
	s8 =	ssub.s32 s8, s31  }
0xc: {  	v0 =	vlaneseq.u32;
	s14 =	sor.u32 @!p1 $0x1C01, s14;
	s6 =	sshrl.u32 s6, $0x3;
	s7 =	smax.u32 s8, $0x1  }
0xd: {  	v1 =	vimm.f32 $0.0e+00;
	v2 =	vor.u32 $0x10, v0;
	s8 =	simm.s32 $0x1;
	s5 =	sadd.s32 s5, s4;
	s6 =	sadd.s32 s6, s4  }
0xe: {  	v3 =	vor.u32 $0x20, v0;
	v4 =	vor.u32 $0x30, v0;
	v5 =	vor.u32 $0x40, v0;
	s4 =	sadd.s32 $0xD000, s5;
	s5 =	sadd.s32 $0x3000, s5;
	s6 =	sadd.s32 $0x17600, s6  }
.LBB2_1:
0xf: {  	[tilespmem:s2], [sflag:$0x1] =	stream.linear.gather [hbm4b:s4+s2], $0x2800, $0x38;
	[tilespmem:$0xA300] =	vst v63  }
0x10: {  	_ =	swait.ge [sflag:s8], $0x2800  }
0x11: {  	[sflag:s8] =	ssyncset.done $0x0  }
0x12: {  	[sflag:s8] =	ssyncadd.s32 $0xFFFFD800  }
0x13: {  	[tilespmem:s9], [sflag:$0x1] =	stream.linear.gather [hbm4b:s5+s2], $0x2800, $0x38;
	[tilespmem:$0xA300] =	vst v63  }
0x14: {  	_ =	swait.ge [sflag:s8], $0x2800  }
0x15: {  	[sflag:s8] =	ssyncset.done $0x0  }
0x16: {  	[sflag:s8] =	ssyncadd.s32 $0xFFFFD800  }
0x17: {  	[tilespmem:s10], [sflag:$0x1] =	stream.linear.gather [hbm4b:s3+s2], $0x2800, $0x38;
	[tilespmem:$0xA300] =	vst v63  }
0x18: {  	s17 =	sand.u32 $0xFE00, s2;
	s18 =	sand.u32 $0x70, s2;
	_ =	swait.ge [sflag:s8], $0x2800  }
0x19: {  	s19 =	sshrl.u32 s17, $0x2;
	s17 =	simm.s32 $0x40;
	[sflag:s8] =	ssyncset.done $0x0  }
0x1a: {  	s19 =	sor.u32 s18, s19;
	s18 =	simm.s32 $0x0;
	[sflag:s8] =	ssyncadd.s32 $0xFFFFD800  }
.LBB2_2:
0x1b: {  	p2 =	sne.s32 s17, $0x9FC0  }
0x1c: {  	[tilespmem:s19+$0x7800] =	vst v1;
	s18 =	sadd.s32 $0x10, s18;
	s19 =	smov.u32 s17;
	s17 =	sadd.s32 $0x40, s17  }
.Ltmp0:
0x1d: {  	(pc) =	sbr.rel @p2 .LBB2_2-.Ltmp0, $4  }
0x1e: {  	_ = 	snop  }
0x1f: {  	s19 =	sand.u32 $0xFE00, s19  }
0x20: {  	s20 =	sand.u32 $0x70, s18;
	s19 =	sshrl.u32 s19, $0x2  }
0x21: {  	s19 =	sor.u32 s20, s19  }
0x22: {  	[tilespmem:s19+$0x7800] =	vst v1  }
0x23: {  	[tilespmem:$0xA000] =	vst v0  }
0x24: {  	[tilespmem:$0xA010] =	vst v2  }
0x25: {  	[tilespmem:$0xA020] =	vst v3  }
0x26: {  	[tilespmem:$0xA030] =	vst v4  }
0x27: {  	s17 =	simm.s32 @!p0 $0x7800;
	[tilespmem:$0xA040] =	vst v5  }
0x28: {  	[spmem:s1] =	stream.linear.scatter @!p0 [tilespmem:s17], [sflag:$0x1], $0x2800, $0x38;
	[tilespmem:$0xA300] =	vst v63  }
0x29: {  	s17 =	simm.s32 @!p0 $0x1  }
0x2a: {  	_ =	swait.ge @!p0 [sflag:s17], $0x2800  }
0x2b: {  	[sflag:s17] =	ssyncset.done @!p0 $0x0  }
0x2c: {  	[sflag:s17] =	ssyncadd.s32 @!p0 $0xFFFFD800  }
0x2d: {  	s18 =	simm.s32 $0x0;
	s17 =	simm.s32 $0x40;
	[bflag:$0x0] =	sbarrier.arrive $0xFFFF  }
.LBB2_4:
0x2e: {  	p2 =	sne.s32 s17, $0x9FC0;
	v6 =	vld [tilespmem:s18+$0x0];
	_ =	sdelay $0x5  }
0x2f: {  	v7 =	vld [tilespmem:s18+$0x2800];
	_ =	sdelay $0x1  }
0x30: {  	v6 =	vld.idx.msk [tilespmem:v6+s10+$0x0], $0xffff;
	_ =	sdelay $0x1  }
.Ltmp1:
0x31: {  	(pc) =	sbr.rel @p2 .LBB2_4-.Ltmp1, $2  }
0x32: {  	_ =	sdelay $0x2  }
0x33: {  	s18 =	sshra.s32 s17, $0x2;
	s17 =	sadd.s32 $0x40, s17;
	[tilespmem:v7+s11+$0x0] =	vst.idx.add.f32.msk $0xffff, v6  }
0x34: {  	v6 =	vld [tilespmem:s18+$0x0];
	_ =	sdelay $0x4  }
0x35: {  	v7 =	vld [tilespmem:s18+$0x2800];
	_ =	sdelay $0x2  }
0x36: {  	v6 =	vld.idx.msk [tilespmem:v6+s10+$0x0], $0xffff;
	_ =	sdelay $0x4  }
0x37: {  	[tilespmem:v7+s11+$0x0] =	vst.idx.add.f32.msk $0xffff, v6  }
0x38: {  	[spmem:s1] =	stream.indirect.scatter.add.f32 [tilespmem:s11], [sflag:$0x1], $0x80, s13, s12, $0xb8;
	[tilespmem:$0xA300] =	vst v63  }
0x39: {  	_ =	swait.ge [sflag:s8], $0x2800  }
0x3a: {  	s16 =	sadd.s32 $0x1, s16;
	[sflag:s8] =	ssyncset.done $0x0  }
0x3b: {  	p2 =	sne.s32 s16, s7;
	[sflag:s8] =	ssyncadd.s32 $0xFFFFD800  }
.Ltmp2:
0x3c: {  	s17 =	simm.s32 @!p1 $0x1;
	[bflag:$0x0] =	sbarrier.arrive $0xFFFF;
	(pc) =	sbr.rel @p2 .LBB2_1-.Ltmp2, $4  }
0x3d: {  	[hbm:s6], [sflag:s14] =	dma.local @!p1 [spmem:s15], $0x100  }
0x3e: {  	_ =	swait.ge @!p1 [sflag:s17], $0x100  }
0x3f: {  	[sflag:s17] =	ssyncset.done @!p1 $0x0  }
0x40: {  	[sflag:s17] =	ssyncadd.s32 @!p1 $0xFFFFFF00  }
0x41: {  	_ =	sfence.sel $0x180000  }
0x42: {  	[bflag:$0x0] =	sbarrier.arrive $0xFFFF  }
0x43: {  	_ =	strace $0x90000056  }
0x44: {  	s0 =	sadd.s32 @!p0 $0x100000, s0;
	[bflag:$0x2] =	sbarrier.arrive $0xFFFF  }
0x45: {  	[sflag:s0] =	ssyncadd.tile.s32 @!p0 $0x1;
	_ =	shalt  }
.Lfunc_end2:
_tile_overlayer_lowered:
.L_overlay_start_2:
0x46: {  	(tag) =	ssettag $0x2  }
0x47: {  	s0 =	rddreg [dreg:$0x0];
	s2 =	stileid.u32  }
0x48: {  	s1 =	rddreg [dreg:$0x1];
	p0 =	sne.s32 s2, $0x0  }
0x49: {  	s3 =	rddreg [dreg:$0x2];
	[bflag:$0x3] =	sbarrier.arrive $0xFFFF;
	s2 =	simm.s32 @!p0 $0x1C01  }
0x4a: {  	[timem:s3], [sflag:s2] =	dma.local @!p0 [hbm:s0], s1  }
0x4b: {  	s0 =	simm.s32 @!p0 $0x1  }
0x4c: {  	_ =	swait.ge @!p0 [sflag:s0], s1  }
0x4d: {  	s1 =	ssub.s32 @!p0 $0x0, s1;
	[sflag:s0] =	ssyncset.done @!p0 $0x0  }
0x4e: {  	[sflag:s0] =	ssyncadd.s32 @!p0 s1  }
0x4f: {  	[bflag:$0x3] =	sbarrier.arrive $0xFFFF  }
0x50: {  	_ =	shalt  }

</sc_bundles>
